<compile_context>
chip_gen: v7x
topology: tpu7x:2x2x1
jax: 0.10.2.dev20260603
libtpu: 0.0.44.dev20260713+nightly
codegen_flags: <defaults>
</compile_context>

<pallas_src>
import functools

import jax
import jax.numpy as jnp
from jax import lax
from jax.experimental import pallas as pl
from jax.experimental.pallas import tpu as pltpu
from jax.experimental.pallas import tpu_sc as plsc

N = 10000
NP = 10240
E = 320000
G = 64
NC = 2
NS = 16
NWORK = NC * NS
CH_C = 80
TPW_C = E // (NS * CH_C)
TPW_E = TPW_C // 2
ROWS_T = NP // NS
HW = 64
R = NP // 8
RING = 5
SLOTS = RING
F32 = jnp.float32


def _ring_loop(tbl, src_v, dst_v, rows_v, acc_sh, gsem, ssem, tpw,
               cnt=None, cnt_lo=0, cnt_hi=0):
    if cnt is not None:
        ones_v, cnt_sh, csem = cnt
    for b in range(RING):
        pltpu.async_copy(tbl.at[src_v.at[b]], rows_v.at[b], gsem.at[b])

    @pl.loop(0, tpw // RING)
    def _grp(grp):
        for b in range(RING):
            j = grp * RING + b
            pltpu.make_async_copy(tbl.at[src_v.at[j]], rows_v.at[b],
                                  gsem.at[b]).wait()
            pltpu.async_copy(rows_v.at[b], acc_sh.at[dst_v.at[j]],
                             ssem.at[b], add=True)
            if cnt is not None:
                @pl.when(jnp.logical_and(j >= cnt_lo, j < cnt_hi))
                def _():
                    pltpu.async_copy(ones_v, cnt_sh.at[dst_v.at[j]],
                                     csem.at[b], add=True)
                    pltpu.make_async_copy(ones_v, cnt_sh.at[dst_v.at[j]],
                                          csem.at[b]).wait()
            pltpu.make_async_copy(rows_v.at[b], acc_sh.at[dst_v.at[j]],
                                  ssem.at[b]).wait()

            @pl.when(j + RING < tpw)
            def _():
                pltpu.async_copy(tbl.at[src_v.at[j + RING]], rows_v.at[b],
                                 gsem.at[b])



def _sc_seg128_body(with_cnt, *refs):
    if with_cnt:
        (tbl, srch, dsth, zacc, zcnt, onesh, acc_out, cnt_out,
         src_v, dst_v, rows_v, ones_v, acc_sh, cnt_sh,
         gsem, ssem, csem) = refs
    else:
        (tbl, srch, dsth, zacc, acc_out,
         src_v, dst_v, rows_v, acc_sh, gsem, ssem) = refs
    c = lax.axis_index("c")
    s = lax.axis_index("s")

    pltpu.sync_copy(srch.at[s], src_v)
    pltpu.sync_copy(dsth.at[s], dst_v)
    pltpu.sync_copy(zacc, acc_sh.at[pl.ds(s * ROWS_T, ROWS_T)])
    if with_cnt:
        pltpu.sync_copy(zcnt, cnt_sh.at[pl.ds(s * ROWS_T, ROWS_T)])
        pltpu.sync_copy(onesh, ones_v)

    plsc.subcore_barrier()

    tbl_c = tbl.at[pl.ds(c, 2 * NP - 1)]
    cnt0 = (ones_v, cnt_sh, csem) if with_cnt else None
    half = TPW_C // 2
    _ring_loop(tbl_c, src_v, dst_v, rows_v, acc_sh, gsem, ssem, TPW_C,
               cnt=cnt0, cnt_lo=c * half, cnt_hi=c * half + half)

    plsc.subcore_barrier()
    pltpu.sync_copy(acc_sh.at[pl.ds(s * ROWS_T, ROWS_T)],
                    acc_out.at[c, pl.ds(s * ROWS_T, ROWS_T), pl.ds(0, HW)])
    if with_cnt:
        pltpu.sync_copy(cnt_sh.at[pl.ds(s * ROWS_T, ROWS_T)],
                        cnt_out.at[c, pl.ds(s * ROWS_T, ROWS_T), pl.ds(0, 16)])


def _make_sc_seg128(with_cnt):
    mesh = plsc.VectorSubcoreMesh(core_axis_name="c", subcore_axis_name="s")
    out_type = [jax.ShapeDtypeStruct((NC, NP, 128), F32)]
    scratch = [
        pltpu.VMEM((TPW_C, CH_C), jnp.int32),
        pltpu.VMEM((TPW_C, CH_C), jnp.int32),
        pltpu.VMEM((SLOTS, CH_C, HW), F32),
    ]
    if with_cnt:
        out_type.append(jax.ShapeDtypeStruct((NC, NP, 128), F32))
        scratch.append(pltpu.VMEM((CH_C, 16), F32))
    scratch.append(pltpu.VMEM_SHARED((NP, HW), F32))
    if with_cnt:
        scratch.append(pltpu.VMEM_SHARED((NP, 16), F32))
    scratch.append(pltpu.SemaphoreType.DMA((SLOTS,)))
    scratch.append(pltpu.SemaphoreType.DMA((SLOTS,)))
    if with_cnt:
        scratch.append(pltpu.SemaphoreType.DMA((SLOTS,)))
    return pl.kernel(
        functools.partial(_sc_seg128_body, with_cnt),
        out_type=out_type,
        mesh=mesh,
        scratch_types=scratch,
        compiler_params=pltpu.CompilerParams(use_tc_tiling_on_sc=False),
    )



def _sc_seg16_body(tbl, srch, dsth, zacc, acc_out,
                   src_v, dst_v, rows_v, acc_sh, gsem, ssem):
    c = lax.axis_index("c")
    s = lax.axis_index("s")

    pltpu.sync_copy(srch.at[s, pl.ds(c * TPW_E, TPW_E)], src_v)
    pltpu.sync_copy(dsth.at[s, pl.ds(c * TPW_E, TPW_E)], dst_v)
    pltpu.sync_copy(zacc, acc_sh.at[pl.ds(s * ROWS_T, ROWS_T)])
    plsc.subcore_barrier()

    _ring_loop(tbl, src_v, dst_v, rows_v, acc_sh, gsem, ssem, TPW_E)

    plsc.subcore_barrier()
    pltpu.sync_copy(acc_sh.at[pl.ds(s * ROWS_T, ROWS_T)],
                    acc_out.at[c, pl.ds(s * ROWS_T, ROWS_T), pl.ds(0, 16)])


def _make_sc_seg16():
    mesh = plsc.VectorSubcoreMesh(core_axis_name="c", subcore_axis_name="s")
    return pl.kernel(
        _sc_seg16_body,
        out_type=[jax.ShapeDtypeStruct((NC, NP, 128), F32)],
        mesh=mesh,
        scratch_types=[
            pltpu.VMEM((TPW_E, CH_C), jnp.int32),
            pltpu.VMEM((TPW_E, CH_C), jnp.int32),
            pltpu.VMEM((SLOTS, CH_C, 16), F32),
            pltpu.VMEM_SHARED((NP, 16), F32),
            pltpu.SemaphoreType.DMA((SLOTS,)),
            pltpu.SemaphoreType.DMA((SLOTS,)),
        ],
        compiler_params=pltpu.CompilerParams(use_tc_tiling_on_sc=False),
    )



def _tc_pre_body(x_ref, wn_ref, ws_ref, b_ref, p_ref, xs_ref):
    xv = x_ref[...]
    p_ref[...] = jnp.dot(xv, wn_ref[...], preferred_element_type=F32)
    xs_ref[...] = jnp.dot(xv, ws_ref[...], preferred_element_type=F32) + b_ref[...]


def _tc_pre(xp, wn, ws, b):
    return pl.pallas_call(
        _tc_pre_body,
        grid=(NP // R,),
        in_specs=[
            pl.BlockSpec((R, 128), lambda i: (i, 0)),
            pl.BlockSpec((128, 128), lambda i: (0, 0)),
            pl.BlockSpec((128, 128), lambda i: (0, 0)),
            pl.BlockSpec((1, 128), lambda i: (0, 0)),
        ],
        out_specs=[
            pl.BlockSpec((R, 128), lambda i: (i, 0)),
            pl.BlockSpec((R, 128), lambda i: (i, 0)),
        ],
        out_shape=[
            jax.ShapeDtypeStruct((NP, 128), F32),
            jax.ShapeDtypeStruct((NP, 128), F32),
        ],
    )(xp, wn, ws, b)


def _tc_mid_body(xs_ref, a_ref, c_ref, wn_ref, ws_ref, b_ref, p_ref, xs2_ref):
    recip = 1.0 / jnp.maximum(c_ref[0, :, :1] + c_ref[1, :, :1], 1.0)
    a = jnp.concatenate([a_ref[0, :, :HW], a_ref[1, :, :HW]], axis=1) * recip
    h = jnp.maximum(xs_ref[...] + a, 0.0)
    p_ref[...] = jnp.dot(h, wn_ref[...], preferred_element_type=F32)
    xs2_ref[...] = jnp.dot(h, ws_ref[...], preferred_element_type=F32) + b_ref[...]


def _tc_mid(xs, acc, cnt, wn, ws, b, w_out):
    out_specs = [pl.BlockSpec((R, w_out), lambda i: (i, 0)),
                 pl.BlockSpec((R, w_out), lambda i: (i, 0))]
    out_shape = [jax.ShapeDtypeStruct((NP, w_out), F32),
                 jax.ShapeDtypeStruct((NP, w_out), F32)]
    return pl.pallas_call(
        _tc_mid_body,
        grid=(NP // R,),
        in_specs=[
            pl.BlockSpec((R, 128), lambda i: (i, 0)),
            pl.BlockSpec((NC, R, 128), lambda i: (0, i, 0)),
            pl.BlockSpec((NC, R, 128), lambda i: (0, i, 0)),
            pl.BlockSpec((128, w_out), lambda i: (0, 0)),
            pl.BlockSpec((128, w_out), lambda i: (0, 0)),
            pl.BlockSpec((1, w_out), lambda i: (0, 0)),
        ],
        out_specs=out_specs,
        out_shape=out_shape,
    )(xs, acc, cnt, wn, ws, b)


def _tc_fin_body(xs_ref, a_ref, c_ref, b_ref, out_ref, pool_ref):
    i = pl.program_id(0)
    recip = 1.0 / jnp.maximum(c_ref[0, :, :1] + c_ref[1, :, :1], 1.0)
    h3 = xs_ref[...] + (a_ref[0, :, :16] + a_ref[1, :, :16]) * recip
    bvals = b_ref[...].reshape(R, 1)
    mask = (bvals == lax.broadcasted_iota(jnp.int32, (R, G), 1)).astype(F32)
    aug = jnp.concatenate([h3, jnp.ones((R, 16), F32)], axis=1)
    contrib = lax.dot_general(mask, aug, (((0,), (0,)), ((), ())),
                              preferred_element_type=F32)

    @pl.when(i == 0)
    def _():
        pool_ref[...] = contrib

    @pl.when(i > 0)
    def _():
        pool_ref[...] = pool_ref[...] + contrib

    @pl.when(i == NP // R - 1)
    def _():
        pool = pool_ref[...]
        cnt = pool[:, 16:17]
        out_ref[...] = pool / jnp.maximum(cnt, 1.0)


def _tc_fin(xs3, acc3, cnt, batch3):
    return pl.pallas_call(
        _tc_fin_body,
        grid=(NP // R,),
        in_specs=[
            pl.BlockSpec((R, 16), lambda i: (i, 0)),
            pl.BlockSpec((NC, R, 128), lambda i: (0, i, 0)),
            pl.BlockSpec((NC, R, 128), lambda i: (0, i, 0)),
            pl.BlockSpec((1, 1, R), lambda i: (i, 0, 0)),
        ],
        out_specs=pl.BlockSpec((G, 32), lambda i: (0, 0)),
        out_shape=jax.ShapeDtypeStruct((G, 32), F32),
        scratch_shapes=[pltpu.VMEM((G, 32), F32)],
    )(xs3, acc3, cnt, batch3)



def kernel(x, edge_index, batch, w_self1, w_neigh1, b1, w_self2, w_neigh2,
           b2, w_self3, w_neigh3, b3):
    src_c = edge_index[0].reshape(NS, TPW_C, CH_C)
    src2_c = (edge_index[0] * 2).reshape(NS, TPW_C, CH_C)
    dst_c = edge_index[1].reshape(NS, TPW_C, CH_C)
    xp = jnp.pad(x, ((0, NP - N), (0, 0)))
    batch3 = jnp.pad(batch, (0, NP - N), constant_values=G).reshape(
        NP // R, 1, R)
    wn3 = jnp.pad(w_neigh3, ((0, 0), (0, 6)))
    ws3 = jnp.pad(w_self3, ((0, 0), (0, 6)))
    b3p = jnp.pad(b3, (0, 6))
    zacc64 = jnp.zeros((ROWS_T, HW), F32)
    zacc16 = jnp.zeros((ROWS_T, 16), F32)
    zcnt = jnp.zeros((ROWS_T, 16), F32)
    ones_ch = jnp.ones((CH_C, 16), F32)

    sc1 = _make_sc_seg128(True)
    sc2 = _make_sc_seg128(False)
    sc3 = _make_sc_seg16()

    p1, xs1 = _tc_pre(xp, w_neigh1, w_self1, b1.reshape(1, 128))
    acc1, cnt = sc1(p1.reshape(2 * NP, HW), src2_c, dst_c, zacc64, zcnt,
                    ones_ch)
    p2, xs2 = _tc_mid(xs1, acc1, cnt, w_neigh2, w_self2,
                      b2.reshape(1, 128), 128)
    (acc2,) = sc2(p2.reshape(2 * NP, HW), src2_c, dst_c, zacc64)
    p3, xs3 = _tc_mid(xs2, acc2, cnt, wn3, ws3, b3p.reshape(1, 16), 16)
    (acc3,) = sc3(p3, src_c, dst_c, zacc16)
    out = _tc_fin(xs3, acc3, cnt, batch3)
    return out[:, :10]

# --- scband reference (transcript-rebuilt; emitter-appended) ---
"""Pipeline reference for scband-graph-sage-gc-1219770712268 (READ-ONLY COPY).

The authoritative reference and input builder live on the scoring server;
editing this copy changes nothing except your own understanding.
"""

import jax, jax.numpy as jnp
import numpy as np

N = 10000
E = 320000
D_IN = 128
H = 128
C = 10
G = 64


def _sage_conv(x, src, dst, w_self, w_neigh, b, n_nodes):
    # mean aggregation of source-node messages at destination nodes
    msg = jnp.take(x, src, axis=0)
    s = jax.ops.segment_sum(msg, dst, num_segments=n_nodes)
    cnt = jax.ops.segment_sum(jnp.ones((src.shape[0],), jnp.float32), dst, num_segments=n_nodes)
    neigh = s / jnp.maximum(cnt, 1.0)[:, None]
    return x @ w_self + neigh @ w_neigh + b


def setup_inputs(seed: int = 0):
    key = jax.random.key(seed)
    ks = jax.random.split(key, 12)

    def lin(k, fan_in, shape):
        bound = 1.0 / np.sqrt(fan_in)
        return jax.random.uniform(k, shape, jnp.float32, -bound, bound)

    inp = {}
    inp["x"] = jax.random.normal(ks[0], (N, D_IN), jnp.float32)
    inp["edge_index"] = jax.random.randint(ks[1], (2, E), 0, N, jnp.int32)
    inp["batch"] = jnp.sort(jax.random.randint(ks[2], (N,), 0, G, jnp.int32))
    inp["w_self1"] = lin(ks[3], D_IN, (D_IN, H))
    inp["w_neigh1"] = lin(ks[4], D_IN, (D_IN, H))
    inp["b1"] = jnp.zeros((H,), jnp.float32)
    inp["w_self2"] = lin(ks[5], H, (H, H))
    inp["w_neigh2"] = lin(ks[6], H, (H, H))
    inp["b2"] = jnp.zeros((H,), jnp.float32)
    inp["w_self3"] = lin(ks[7], H, (H, C))
    inp["w_neigh3"] = lin(ks[8], H, (H, C))
    inp["b3"] = jnp.zeros((C,), jnp.float32)
    return inp


def reference(x, edge_index, batch, w_self1, w_neigh1, b1, w_self2, w_neigh2, b2, w_self3, w_neigh3, b3):
    src = edge_index[0]
    dst = edge_index[1]
    # layer 1 (dropout p=0.0 -> identity in eval), then relu
    h = jax.nn.relu(_sage_conv(x, src, dst, w_self1, w_neigh1, b1, N))
    # layer 2
    h = jax.nn.relu(_sage_conv(h, src, dst, w_self2, w_neigh2, b2, N))
    # output layer (no relu)
    h = _sage_conv(h, src, dst, w_self3, w_neigh3, b3, N)
    # global mean pool over graphs in the batch
    s = jax.ops.segment_sum(h, batch, num_segments=G)
    cnt = jax.ops.segment_sum(jnp.ones((N,), jnp.float32), batch, num_segments=G)
    return s / jnp.maximum(cnt, 1.0)[:, None]

if __name__ == "__main__":
    import jax
    _d = setup_inputs()
    print(jax.jit(kernel)(*tuple(_d.values())))

</pallas_src>

<mosaic_0001>
#map = affine_map<(d0, d1) -> (0, 0)>
#map1 = affine_map<(d0, d1) -> (0, 0, 0)>
module attributes {stable_mosaic.version = 14 : i64} {
  func.func @_sc_seg128_body(%arg0: i32, %arg1: i32, %arg2: memref<20480x64xf32, #tpu.memory_space<hbm>>, %arg3: memref<16x250x80xi32, #tpu.memory_space<hbm>>, %arg4: memref<16x250x80xi32, #tpu.memory_space<hbm>>, %arg5: memref<640x64xf32, #tpu.memory_space<hbm>>, %arg6: memref<2x10240x128xf32, #tpu.memory_space<hbm>>, %arg7: memref<250x80xi32, #tpu.memory_space<vmem>>, %arg8: memref<250x80xi32, #tpu.memory_space<vmem>>, %arg9: memref<5x80x64xf32, #tpu.memory_space<vmem>>, %arg10: memref<10240x64xf32, #tpu.memory_space<vmem_shared>>, %arg11: memref<5x!tpu.dma_semaphore, #tpu.memory_space<semaphore_mem>>, %arg12: memref<5x!tpu.dma_semaphore, #tpu.memory_space<semaphore_mem>>) attributes {dimension_semantics = [#tpu.dimension_semantics<core_parallel>, #tpu.dimension_semantics<subcore_parallel>], iteration_bounds = array<i64: 2, 16>, scalar_prefetch = 0 : i64, scratch_operands = 6 : i64, tpu.core_type = #tpu.core_type<sc_vector_subcore>, window_params = [{transform_indices = #map}, {transform_indices = #map1}, {transform_indices = #map1}, {transform_indices = #map}, {transform_indices = #map1}]} {
    "tpu.region"() ({
      %run_scoped3A = tpu.sem_alloc : memref<!tpu.dma_semaphore, #tpu.memory_space<semaphore_mem>>
      %dma_start3A_99 = arith.constant 0 : i32
      %dma_start3A_100 = arith.constant 0 : i32
      %dma_start3A_101 = tpu.memref_slice %arg3[%arg1, %dma_start3A_99, %dma_start3A_100] : memref<16x250x80xi32, #tpu.memory_space<hbm>> -> memref<1x250x80xi32, #tpu.memory_space<hbm>>
      %dma_start3A_102 = tpu.memref_squeeze %dma_start3A_101 : memref<1x250x80xi32, #tpu.memory_space<hbm>> -> memref<250x80xi32, #tpu.memory_space<hbm>>
      %dma_start3A_103 = arith.constant 0 : i32
      %dma_start3A_104 = arith.constant 0 : i32
      %dma_start3A_105 = tpu.memref_slice %arg3[%arg1, %dma_start3A_103, %dma_start3A_104] : memref<16x250x80xi32, #tpu.memory_space<hbm>> -> memref<1x250x80xi32, #tpu.memory_space<hbm>>
      %dma_start3A_106 = tpu.memref_squeeze %dma_start3A_105 : memref<1x250x80xi32, #tpu.memory_space<hbm>> -> memref<250x80xi32, #tpu.memory_space<hbm>>
      tpu.enqueue_dma source(%dma_start3A_106 : memref<250x80xi32, #tpu.memory_space<hbm>>) target(%arg7 : memref<250x80xi32, #tpu.memory_space<vmem>>) target_semaphore(%run_scoped3A : memref<!tpu.dma_semaphore, #tpu.memory_space<semaphore_mem>>)
      %dma_wait3A = arith.constant 0 : i32
      %dma_wait3A_107 = arith.constant 0 : i32
      %dma_wait3A_108 = tpu.memref_slice %arg3[%arg1, %dma_wait3A, %dma_wait3A_107] : memref<16x250x80xi32, #tpu.memory_space<hbm>> -> memref<1x250x80xi32, #tpu.memory_space<hbm>>
      %dma_wait3A_109 = tpu.memref_squeeze %dma_wait3A_108 : memref<1x250x80xi32, #tpu.memory_space<hbm>> -> memref<250x80xi32, #tpu.memory_space<hbm>>
      %dma_wait3A_110 = arith.constant 0 : i32
      %dma_wait3A_111 = arith.constant 0 : i32
      %dma_wait3A_112 = tpu.memref_slice %arg3[%arg1, %dma_wait3A_110, %dma_wait3A_111] : memref<16x250x80xi32, #tpu.memory_space<hbm>> -> memref<1x250x80xi32, #tpu.memory_space<hbm>>
      %dma_wait3A_113 = tpu.memref_squeeze %dma_wait3A_112 : memref<1x250x80xi32, #tpu.memory_space<hbm>> -> memref<250x80xi32, #tpu.memory_space<hbm>>
      tpu.wait_dma2 semaphore(%run_scoped3A : memref<!tpu.dma_semaphore, #tpu.memory_space<semaphore_mem>>) src(%dma_wait3A_113 : memref<250x80xi32, #tpu.memory_space<hbm>>) dst(%arg7 : memref<250x80xi32, #tpu.memory_space<vmem>>)
      tpu.yield
    }) : () -> ()
    "tpu.region"() ({
      %run_scoped3A = tpu.sem_alloc : memref<!tpu.dma_semaphore, #tpu.memory_space<semaphore_mem>>
      %dma_start3A_99 = arith.constant 0 : i32
      %dma_start3A_100 = arith.constant 0 : i32
      %dma_start3A_101 = tpu.memref_slice %arg4[%arg1, %dma_start3A_99, %dma_start3A_100] : memref<16x250x80xi32, #tpu.memory_space<hbm>> -> memref<1x250x80xi32, #tpu.memory_space<hbm>>
      %dma_start3A_102 = tpu.memref_squeeze %dma_start3A_101 : memref<1x250x80xi32, #tpu.memory_space<hbm>> -> memref<250x80xi32, #tpu.memory_space<hbm>>
      %dma_start3A_103 = arith.constant 0 : i32
      %dma_start3A_104 = arith.constant 0 : i32
      %dma_start3A_105 = tpu.memref_slice %arg4[%arg1, %dma_start3A_103, %dma_start3A_104] : memref<16x250x80xi32, #tpu.memory_space<hbm>> -> memref<1x250x80xi32, #tpu.memory_space<hbm>>
      %dma_start3A_106 = tpu.memref_squeeze %dma_start3A_105 : memref<1x250x80xi32, #tpu.memory_space<hbm>> -> memref<250x80xi32, #tpu.memory_space<hbm>>
      tpu.enqueue_dma source(%dma_start3A_106 : memref<250x80xi32, #tpu.memory_space<hbm>>) target(%arg8 : memref<250x80xi32, #tpu.memory_space<vmem>>) target_semaphore(%run_scoped3A : memref<!tpu.dma_semaphore, #tpu.memory_space<semaphore_mem>>)
      %dma_wait3A = arith.constant 0 : i32
      %dma_wait3A_107 = arith.constant 0 : i32
      %dma_wait3A_108 = tpu.memref_slice %arg4[%arg1, %dma_wait3A, %dma_wait3A_107] : memref<16x250x80xi32, #tpu.memory_space<hbm>> -> memref<1x250x80xi32, #tpu.memory_space<hbm>>
      %dma_wait3A_109 = tpu.memref_squeeze %dma_wait3A_108 : memref<1x250x80xi32, #tpu.memory_space<hbm>> -> memref<250x80xi32, #tpu.memory_space<hbm>>
      %dma_wait3A_110 = arith.constant 0 : i32
      %dma_wait3A_111 = arith.constant 0 : i32
      %dma_wait3A_112 = tpu.memref_slice %arg4[%arg1, %dma_wait3A_110, %dma_wait3A_111] : memref<16x250x80xi32, #tpu.memory_space<hbm>> -> memref<1x250x80xi32, #tpu.memory_space<hbm>>
      %dma_wait3A_113 = tpu.memref_squeeze %dma_wait3A_112 : memref<1x250x80xi32, #tpu.memory_space<hbm>> -> memref<250x80xi32, #tpu.memory_space<hbm>>
      tpu.wait_dma2 semaphore(%run_scoped3A : memref<!tpu.dma_semaphore, #tpu.memory_space<semaphore_mem>>) src(%dma_wait3A_113 : memref<250x80xi32, #tpu.memory_space<hbm>>) dst(%arg8 : memref<250x80xi32, #tpu.memory_space<vmem>>)
      tpu.yield
    }) : () -> ()
    %mul3A = arith.constant 640 : i32
    %mul3A_0 = arith.muli %arg1, %mul3A : i32
    "tpu.region"() ({
      %run_scoped3A = tpu.sem_alloc : memref<!tpu.dma_semaphore, #tpu.memory_space<semaphore_mem>>
      %dma_start3A_99 = arith.constant 0 : i32
      %dma_start3A_100 = tpu.memref_slice %arg10[%mul3A_0, %dma_start3A_99] : memref<10240x64xf32, #tpu.memory_space<vmem_shared>> -> memref<640x64xf32, #tpu.memory_space<vmem_shared>>
      tpu.enqueue_dma source(%arg5 : memref<640x64xf32, #tpu.memory_space<hbm>>) target(%dma_start3A_100 : memref<640x64xf32, #tpu.memory_space<vmem_shared>>) target_semaphore(%run_scoped3A : memref<!tpu.dma_semaphore, #tpu.memory_space<semaphore_mem>>)
      %dma_wait3A = arith.constant 0 : i32
      %dma_wait3A_101 = tpu.memref_slice %arg10[%mul3A_0, %dma_wait3A] : memref<10240x64xf32, #tpu.memory_space<vmem_shared>> -> memref<640x64xf32, #tpu.memory_space<vmem_shared>>
      tpu.wait_dma2 semaphore(%run_scoped3A : memref<!tpu.dma_semaphore, #tpu.memory_space<semaphore_mem>>) src(%arg5 : memref<640x64xf32, #tpu.memory_space<hbm>>) dst(%dma_wait3A_101 : memref<640x64xf32, #tpu.memory_space<vmem_shared>>)
      tpu.yield
    }) : () -> ()
    %barrier3A = arith.constant 0 : index
    tpu.barrier barrier_id(%barrier3A)
    %mul3A_1 = arith.constant 125 : i32
    %mul3A_2 = arith.muli %arg0, %mul3A_1 : i32
    %mul3A_3 = arith.constant 125 : i32
    %mul3A_4 = arith.muli %arg0, %mul3A_3 : i32
    %add3A = arith.constant 125 : i32
    %add3A_5 = arith.addi %mul3A_4, %add3A : i32
    %dma_start3A = arith.constant 0 : i32
    %dma_start3A_6 = arith.constant 0 : i32
    %dma_start3A_7 = arith.constant 0 : i32
    %dma_start3A_8 = arith.constant 0 : i32
    %dma_start3A_9 = arith.constant 0 : i32
    %dma_start3A_10 = tpu.memref_slice %arg9[%dma_start3A_6, %dma_start3A_8, %dma_start3A_9] : memref<5x80x64xf32, #tpu.memory_space<vmem>> -> memref<1x80x64xf32, #tpu.memory_space<vmem>>
    %dma_start3A_11 = tpu.memref_squeeze %dma_start3A_10 : memref<1x80x64xf32, #tpu.memory_space<vmem>> -> memref<80x64xf32, #tpu.memory_space<vmem>>
    %dma_start3A_12 = arith.constant 0 : i32
    %dma_start3A_13 = tpu.memref_slice %arg7[%dma_start3A, %dma_start3A_12] : memref<250x80xi32, #tpu.memory_space<vmem>> -> memref<1x80xi32, #tpu.memory_space<vmem>>
    %dma_start3A_14 = tpu.memref_squeeze %dma_start3A_13 : memref<1x80xi32, #tpu.memory_space<vmem>> -> memref<80xi32, #tpu.memory_space<vmem>>
    %dma_start3A_15 = arith.constant 0 : i32
    %dma_start3A_16 = tpu.memref_slice %arg2[%arg0, %dma_start3A_15] : memref<20480x64xf32, #tpu.memory_space<hbm>> -> memref<20479x64xf32, #tpu.memory_space<hbm>>
    %dma_start3A_17 = arith.constant 0 : i32
    %dma_start3A_18 = arith.constant 0 : i32
    %dma_start3A_19 = tpu.memref_slice %dma_start3A_16[%dma_start3A_17, %dma_start3A_18] : memref<20479x64xf32, #tpu.memory_space<hbm>> -> memref<20479x64xf32, #tpu.memory_space<hbm>>
    %dma_start3A_20 = tpu.memref_slice %arg11[%dma_start3A_7] : memref<5x!tpu.dma_semaphore, #tpu.memory_space<semaphore_mem>> -> memref<1x!tpu.dma_semaphore, #tpu.memory_space<semaphore_mem>>
    %dma_start3A_21 = tpu.memref_squeeze %dma_start3A_20 : memref<1x!tpu.dma_semaphore, #tpu.memory_space<semaphore_mem>> -> memref<!tpu.dma_semaphore, #tpu.memory_space<semaphore_mem>>
    tpu.enqueue_indirect_dma source(%dma_start3A_19 : memref<20479x64xf32, #tpu.memory_space<hbm>>) target(%dma_start3A_11 : memref<80x64xf32, #tpu.memory_space<vmem>>) offsets(%dma_start3A_14 : memref<80xi32, #tpu.memory_space<vmem>>) semaphore(%dma_start3A_21 : memref<!tpu.dma_semaphore, #tpu.memory_space<semaphore_mem>>)
    %dma_start3A_22 = arith.constant 1 : i32
    %dma_start3A_23 = arith.constant 1 : i32
    %dma_start3A_24 = arith.constant 1 : i32
    %dma_start3A_25 = arith.constant 0 : i32
    %dma_start3A_26 = arith.constant 0 : i32
    %dma_start3A_27 = tpu.memref_slice %arg9[%dma_start3A_23, %dma_start3A_25, %dma_start3A_26] : memref<5x80x64xf32, #tpu.memory_space<vmem>> -> memref<1x80x64xf32, #tpu.memory_space<vmem>>
    %dma_start3A_28 = tpu.memref_squeeze %dma_start3A_27 : memref<1x80x64xf32, #tpu.memory_space<vmem>> -> memref<80x64xf32, #tpu.memory_space<vmem>>
    %dma_start3A_29 = arith.constant 0 : i32
    %dma_start3A_30 = tpu.memref_slice %arg7[%dma_start3A_22, %dma_start3A_29] : memref<250x80xi32, #tpu.memory_space<vmem>> -> memref<1x80xi32, #tpu.memory_space<vmem>>
    %dma_start3A_31 = tpu.memref_squeeze %dma_start3A_30 : memref<1x80xi32, #tpu.memory_space<vmem>> -> memref<80xi32, #tpu.memory_space<vmem>>
    %dma_start3A_32 = arith.constant 0 : i32
    %dma_start3A_33 = tpu.memref_slice %arg2[%arg0, %dma_start3A_32] : memref<20480x64xf32, #tpu.memory_space<hbm>> -> memref<20479x64xf32, #tpu.memory_space<hbm>>
    %dma_start3A_34 = arith.constant 0 : i32
    %dma_start3A_35 = arith.constant 0 : i32
    %dma_start3A_36 = tpu.memref_slice %dma_start3A_33[%dma_start3A_34, %dma_start3A_35] : memref<20479x64xf32, #tpu.memory_space<hbm>> -> memref<20479x64xf32, #tpu.memory_space<hbm>>
    %dma_start3A_37 = tpu.memref_slice %arg11[%dma_start3A_24] : memref<5x!tpu.dma_semaphore, #tpu.memory_space<semaphore_mem>> -> memref<1x!tpu.dma_semaphore, #tpu.memory_space<semaphore_mem>>
    %dma_start3A_38 = tpu.memref_squeeze %dma_start3A_37 : memref<1x!tpu.dma_semaphore, #tpu.memory_space<semaphore_mem>> -> memref<!tpu.dma_semaphore, #tpu.memory_space<semaphore_mem>>
    tpu.enqueue_indirect_dma source(%dma_start3A_36 : memref<20479x64xf32, #tpu.memory_space<hbm>>) target(%dma_start3A_28 : memref<80x64xf32, #tpu.memory_space<vmem>>) offsets(%dma_start3A_31 : memref<80xi32, #tpu.memory_space<vmem>>) semaphore(%dma_start3A_38 : memref<!tpu.dma_semaphore, #tpu.memory_space<semaphore_mem>>)
    %dma_start3A_39 = arith.constant 2 : i32
    %dma_start3A_40 = arith.constant 2 : i32
    %dma_start3A_41 = arith.constant 2 : i32
    %dma_start3A_42 = arith.constant 0 : i32
    %dma_start3A_43 = arith.constant 0 : i32
    %dma_start3A_44 = tpu.memref_slice %arg9[%dma_start3A_40, %dma_start3A_42, %dma_start3A_43] : memref<5x80x64xf32, #tpu.memory_space<vmem>> -> memref<1x80x64xf32, #tpu.memory_space<vmem>>
    %dma_start3A_45 = tpu.memref_squeeze %dma_start3A_44 : memref<1x80x64xf32, #tpu.memory_space<vmem>> -> memref<80x64xf32, #tpu.memory_space<vmem>>
    %dma_start3A_46 = arith.constant 0 : i32
    %dma_start3A_47 = tpu.memref_slice %arg7[%dma_start3A_39, %dma_start3A_46] : memref<250x80xi32, #tpu.memory_space<vmem>> -> memref<1x80xi32, #tpu.memory_space<vmem>>
    %dma_start3A_48 = tpu.memref_squeeze %dma_start3A_47 : memref<1x80xi32, #tpu.memory_space<vmem>> -> memref<80xi32, #tpu.memory_space<vmem>>
    %dma_start3A_49 = arith.constant 0 : i32
    %dma_start3A_50 = tpu.memref_slice %arg2[%arg0, %dma_start3A_49] : memref<20480x64xf32, #tpu.memory_space<hbm>> -> memref<20479x64xf32, #tpu.memory_space<hbm>>
    %dma_start3A_51 = arith.constant 0 : i32
    %dma_start3A_52 = arith.constant 0 : i32
    %dma_start3A_53 = tpu.memref_slice %dma_start3A_50[%dma_start3A_51, %dma_start3A_52] : memref<20479x64xf32, #tpu.memory_space<hbm>> -> memref<20479x64xf32, #tpu.memory_space<hbm>>
    %dma_start3A_54 = tpu.memref_slice %arg11[%dma_start3A_41] : memref<5x!tpu.dma_semaphore, #tpu.memory_space<semaphore_mem>> -> memref<1x!tpu.dma_semaphore, #tpu.memory_space<semaphore_mem>>
    %dma_start3A_55 = tpu.memref_squeeze %dma_start3A_54 : memref<1x!tpu.dma_semaphore, #tpu.memory_space<semaphore_mem>> -> memref<!tpu.dma_semaphore, #tpu.memory_space<semaphore_mem>>
    tpu.enqueue_indirect_dma source(%dma_start3A_53 : memref<20479x64xf32, #tpu.memory_space<hbm>>) target(%dma_start3A_45 : memref<80x64xf32, #tpu.memory_space<vmem>>) offsets(%dma_start3A_48 : memref<80xi32, #tpu.memory_space<vmem>>) semaphore(%dma_start3A_55 : memref<!tpu.dma_semaphore, #tpu.memory_space<semaphore_mem>>)
    %dma_start3A_56 = arith.constant 3 : i32
    %dma_start3A_57 = arith.constant 3 : i32
    %dma_start3A_58 = arith.constant 3 : i32
    %dma_start3A_59 = arith.constant 0 : i32
    %dma_start3A_60 = arith.constant 0 : i32
    %dma_start3A_61 = tpu.memref_slice %arg9[%dma_start3A_57, %dma_start3A_59, %dma_start3A_60] : memref<5x80x64xf32, #tpu.memory_space<vmem>> -> memref<1x80x64xf32, #tpu.memory_space<vmem>>
    %dma_start3A_62 = tpu.memref_squeeze %dma_start3A_61 : memref<1x80x64xf32, #tpu.memory_space<vmem>> -> memref<80x64xf32, #tpu.memory_space<vmem>>
    %dma_start3A_63 = arith.constant 0 : i32
    %dma_start3A_64 = tpu.memref_slice %arg7[%dma_start3A_56, %dma_start3A_63] : memref<250x80xi32, #tpu.memory_space<vmem>> -> memref<1x80xi32, #tpu.memory_space<vmem>>
    %dma_start3A_65 = tpu.memref_squeeze %dma_start3A_64 : memref<1x80xi32, #tpu.memory_space<vmem>> -> memref<80xi32, #tpu.memory_space<vmem>>
    %dma_start3A_66 = arith.constant 0 : i32
    %dma_start3A_67 = tpu.memref_slice %arg2[%arg0, %dma_start3A_66] : memref<20480x64xf32, #tpu.memory_space<hbm>> -> memref<20479x64xf32, #tpu.memory_space<hbm>>
    %dma_start3A_68 = arith.constant 0 : i32
    %dma_start3A_69 = arith.constant 0 : i32
    %dma_start3A_70 = tpu.memref_slice %dma_start3A_67[%dma_start3A_68, %dma_start3A_69] : memref<20479x64xf32, #tpu.memory_space<hbm>> -> memref<20479x64xf32, #tpu.memory_space<hbm>>
    %dma_start3A_71 = tpu.memref_slice %arg11[%dma_start3A_58] : memref<5x!tpu.dma_semaphore, #tpu.memory_space<semaphore_mem>> -> memref<1x!tpu.dma_semaphore, #tpu.memory_space<semaphore_mem>>
    %dma_start3A_72 = tpu.memref_squeeze %dma_start3A_71 : memref<1x!tpu.dma_semaphore, #tpu.memory_space<semaphore_mem>> -> memref<!tpu.dma_semaphore, #tpu.memory_space<semaphore_mem>>
    tpu.enqueue_indirect_dma source(%dma_start3A_70 : memref<20479x64xf32, #tpu.memory_space<hbm>>) target(%dma_start3A_62 : memref<80x64xf32, #tpu.memory_space<vmem>>) offsets(%dma_start3A_65 : memref<80xi32, #tpu.memory_space<vmem>>) semaphore(%dma_start3A_72 : memref<!tpu.dma_semaphore, #tpu.memory_space<semaphore_mem>>)
    %dma_start3A_73 = arith.constant 4 : i32
    %dma_start3A_74 = arith.constant 4 : i32
    %dma_start3A_75 = arith.constant 4 : i32
    %dma_start3A_76 = arith.constant 0 : i32
    %dma_start3A_77 = arith.constant 0 : i32
    %dma_start3A_78 = tpu.memref_slice %arg9[%dma_start3A_74, %dma_start3A_76, %dma_start3A_77] : memref<5x80x64xf32, #tpu.memory_space<vmem>> -> memref<1x80x64xf32, #tpu.memory_space<vmem>>
    %dma_start3A_79 = tpu.memref_squeeze %dma_start3A_78 : memref<1x80x64xf32, #tpu.memory_space<vmem>> -> memref<80x64xf32, #tpu.memory_space<vmem>>
    %dma_start3A_80 = arith.constant 0 : i32
    %dma_start3A_81 = tpu.memref_slice %arg7[%dma_start3A_73, %dma_start3A_80] : memref<250x80xi32, #tpu.memory_space<vmem>> -> memref<1x80xi32, #tpu.memory_space<vmem>>
    %dma_start3A_82 = tpu.memref_squeeze %dma_start3A_81 : memref<1x80xi32, #tpu.memory_space<vmem>> -> memref<80xi32, #tpu.memory_space<vmem>>
    %dma_start3A_83 = arith.constant 0 : i32
    %dma_start3A_84 = tpu.memref_slice %arg2[%arg0, %dma_start3A_83] : memref<20480x64xf32, #tpu.memory_space<hbm>> -> memref<20479x64xf32, #tpu.memory_space<hbm>>
    %dma_start3A_85 = arith.constant 0 : i32
    %dma_start3A_86 = arith.constant 0 : i32
    %dma_start3A_87 = tpu.memref_slice %dma_start3A_84[%dma_start3A_85, %dma_start3A_86] : memref<20479x64xf32, #tpu.memory_space<hbm>> -> memref<20479x64xf32, #tpu.memory_space<hbm>>
    %dma_start3A_88 = tpu.memref_slice %arg11[%dma_start3A_75] : memref<5x!tpu.dma_semaphore, #tpu.memory_space<semaphore_mem>> -> memref<1x!tpu.dma_semaphore, #tpu.memory_space<semaphore_mem>>
    %dma_start3A_89 = tpu.memref_squeeze %dma_start3A_88 : memref<1x!tpu.dma_semaphore, #tpu.memory_space<semaphore_mem>> -> memref<!tpu.dma_semaphore, #tpu.memory_space<semaphore_mem>>
    tpu.enqueue_indirect_dma source(%dma_start3A_87 : memref<20479x64xf32, #tpu.memory_space<hbm>>) target(%dma_start3A_79 : memref<80x64xf32, #tpu.memory_space<vmem>>) offsets(%dma_start3A_82 : memref<80xi32, #tpu.memory_space<vmem>>) semaphore(%dma_start3A_89 : memref<!tpu.dma_semaphore, #tpu.memory_space<semaphore_mem>>)
    %scan3A = arith.constant 0 : i32
    %scan3A_90 = arith.constant 50 : i32
    %scan3A_91 = arith.addi %scan3A, %scan3A_90 : i32
    %scan3A_92 = arith.constant 1 : i32
    scf.for %scan3A_99 = %scan3A to %scan3A_91 step %scan3A_92  : i32 {
      %mul3A_100 = arith.constant 1 : i32
      %mul3A_101 = arith.muli %scan3A_99, %mul3A_100 : i32
      %add3A_102 = arith.constant 0 : i32
      %add3A_103 = arith.addi %add3A_102, %mul3A_101 : i32
      %mul3A_104 = arith.constant 5 : i32
      %mul3A_105 = arith.muli %add3A_103, %mul3A_104 : i32
      %add3A_106 = arith.constant 0 : i32
      %add3A_107 = arith.addi %mul3A_105, %add3A_106 : i32
      %dma_wait3A = arith.constant 0 : i32
      %dma_wait3A_108 = arith.constant 0 : i32
      %dma_wait3A_109 = arith.constant 0 : i32
      %dma_wait3A_110 = arith.constant 0 : i32
      %dma_wait3A_111 = tpu.memref_slice %arg9[%dma_wait3A, %dma_wait3A_109, %dma_wait3A_110] : memref<5x80x64xf32, #tpu.memory_space<vmem>> -> memref<1x80x64xf32, #tpu.memory_space<vmem>>
      %dma_wait3A_112 = tpu.memref_squeeze %dma_wait3A_111 : memref<1x80x64xf32, #tpu.memory_space<vmem>> -> memref<80x64xf32, #tpu.memory_space<vmem>>
      %dma_wait3A_113 = arith.constant 0 : i32
      %dma_wait3A_114 = tpu.memref_slice %arg7[%add3A_107, %dma_wait3A_113] : memref<250x80xi32, #tpu.memory_space<vmem>> -> memref<1x80xi32, #tpu.memory_space<vmem>>
      %dma_wait3A_115 = tpu.memref_squeeze %dma_wait3A_114 : memref<1x80xi32, #tpu.memory_space<vmem>> -> memref<80xi32, #tpu.memory_space<vmem>>
      %dma_wait3A_116 = arith.constant 0 : i32
      %dma_wait3A_117 = tpu.memref_slice %arg2[%arg0, %dma_wait3A_116] : memref<20480x64xf32, #tpu.memory_space<hbm>> -> memref<20479x64xf32, #tpu.memory_space<hbm>>
      %dma_wait3A_118 = arith.constant 0 : i32
      %dma_wait3A_119 = arith.constant 0 : i32
      %dma_wait3A_120 = tpu.memref_slice %dma_wait3A_117[%dma_wait3A_118, %dma_wait3A_119] : memref<20479x64xf32, #tpu.memory_space<hbm>> -> memref<20479x64xf32, #tpu.memory_space<hbm>>
      %dma_wait3A_121 = tpu.memref_slice %arg11[%dma_wait3A_108] : memref<5x!tpu.dma_semaphore, #tpu.memory_space<semaphore_mem>> -> memref<1x!tpu.dma_semaphore, #tpu.memory_space<semaphore_mem>>
      %dma_wait3A_122 = tpu.memref_squeeze %dma_wait3A_121 : memref<1x!tpu.dma_semaphore, #tpu.memory_space<semaphore_mem>> -> memref<!tpu.dma_semaphore, #tpu.memory_space<semaphore_mem>>
      tpu.wait_indirect_dma semaphore(%dma_wait3A_122 : memref<!tpu.dma_semaphore, #tpu.memory_space<semaphore_mem>>) src(%dma_wait3A_120 : memref<20479x64xf32, #tpu.memory_space<hbm>>) dst(%dma_wait3A_112 : memref<80x64xf32, #tpu.memory_space<vmem>>)
      %dma_start3A_123 = arith.constant 0 : i32
      %dma_start3A_124 = arith.constant 0 : i32
      %dma_start3A_125 = arith.constant 0 : i32
      %dma_start3A_126 = arith.constant 0 : i32
      %dma_start3A_127 = tpu.memref_slice %arg9[%dma_start3A_123, %dma_start3A_125, %dma_start3A_126] : memref<5x80x64xf32, #tpu.memory_space<vmem>> -> memref<1x80x64xf32, #tpu.memory_space<vmem>>
      %dma_start3A_128 = tpu.memref_squeeze %dma_start3A_127 : memref<1x80x64xf32, #tpu.memory_space<vmem>> -> memref<80x64xf32, #tpu.memory_space<vmem>>
      %dma_start3A_129 = arith.constant 0 : i32
      %dma_start3A_130 = tpu.memref_slice %arg8[%add3A_107, %dma_start3A_129] : memref<250x80xi32, #tpu.memory_space<vmem>> -> memref<1x80xi32, #tpu.memory_space<vmem>>
      %dma_start3A_131 = tpu.memref_squeeze %dma_start3A_130 : memref<1x80xi32, #tpu.memory_space<vmem>> -> memref<80xi32, #tpu.memory_space<vmem>>
      %dma_start3A_132 = arith.constant 0 : i32
      %dma_start3A_133 = arith.constant 0 : i32
      %dma_start3A_134 = tpu.memref_slice %arg10[%dma_start3A_132, %dma_start3A_133] : memref<10240x64xf32, #tpu.memory_space<vmem_shared>> -> memref<10240x64xf32, #tpu.memory_space<vmem_shared>>
      %dma_start3A_135 = tpu.memref_slice %arg12[%dma_start3A_124] : memref<5x!tpu.dma_semaphore, #tpu.memory_space<semaphore_mem>> -> memref<1x!tpu.dma_semaphore, #tpu.memory_space<semaphore_mem>>
      %dma_start3A_136 = tpu.memref_squeeze %dma_start3A_135 : memref<1x!tpu.dma_semaphore, #tpu.memory_space<semaphore_mem>> -> memref<!tpu.dma_semaphore, #tpu.memory_space<semaphore_mem>>
      tpu.enqueue_indirect_dma source(%dma_start3A_128 : memref<80x64xf32, #tpu.memory_space<vmem>>) target(%dma_start3A_134 : memref<10240x64xf32, #tpu.memory_space<vmem_shared>>) offsets(%dma_start3A_131 : memref<80xi32, #tpu.memory_space<vmem>>) semaphore(%dma_start3A_136 : memref<!tpu.dma_semaphore, #tpu.memory_space<semaphore_mem>>) {add = true}
      %dma_wait3A_137 = arith.constant 0 : i32
      %dma_wait3A_138 = arith.constant 0 : i32
      %dma_wait3A_139 = arith.constant 0 : i32
      %dma_wait3A_140 = arith.constant 0 : i32
      %dma_wait3A_141 = tpu.memref_slice %arg9[%dma_wait3A_137, %dma_wait3A_139, %dma_wait3A_140] : memref<5x80x64xf32, #tpu.memory_space<vmem>> -> memref<1x80x64xf32, #tpu.memory_space<vmem>>
      %dma_wait3A_142 = tpu.memref_squeeze %dma_wait3A_141 : memref<1x80x64xf32, #tpu.memory_space<vmem>> -> memref<80x64xf32, #tpu.memory_space<vmem>>
      %dma_wait3A_143 = arith.constant 0 : i32
      %dma_wait3A_144 = tpu.memref_slice %arg8[%add3A_107, %dma_wait3A_143] : memref<250x80xi32, #tpu.memory_space<vmem>> -> memref<1x80xi32, #tpu.memory_space<vmem>>
      %dma_wait3A_145 = tpu.memref_squeeze %dma_wait3A_144 : memref<1x80xi32, #tpu.memory_space<vmem>> -> memref<80xi32, #tpu.memory_space<vmem>>
      %dma_wait3A_146 = arith.constant 0 : i32
      %dma_wait3A_147 = arith.constant 0 : i32
      %dma_wait3A_148 = tpu.memref_slice %arg10[%dma_wait3A_146, %dma_wait3A_147] : memref<10240x64xf32, #tpu.memory_space<vmem_shared>> -> memref<10240x64xf32, #tpu.memory_space<vmem_shared>>
      %dma_wait3A_149 = tpu.memref_slice %arg12[%dma_wait3A_138] : memref<5x!tpu.dma_semaphore, #tpu.memory_space<semaphore_mem>> -> memref<1x!tpu.dma_semaphore, #tpu.memory_space<semaphore_mem>>
      %dma_wait3A_150 = tpu.memref_squeeze %dma_wait3A_149 : memref<1x!tpu.dma_semaphore, #tpu.memory_space<semaphore_mem>> -> memref<!tpu.dma_semaphore, #tpu.memory_space<semaphore_mem>>
      tpu.wait_indirect_dma semaphore(%dma_wait3A_150 : memref<!tpu.dma_semaphore, #tpu.memory_space<semaphore_mem>>) src(%dma_wait3A_142 : memref<80x64xf32, #tpu.memory_space<vmem>>) dst(%dma_wait3A_148 : memref<10240x64xf32, #tpu.memory_space<vmem_shared>>)
      %add3A_151 = arith.constant 5 : i32
      %add3A_152 = arith.addi %add3A_107, %add3A_151 : i32
      %lt3A = arith.constant 250 : i32
      %lt3A_153 = arith.cmpi slt, %add3A_152, %lt3A : i32
      %convert_element_type3A = arith.extui %lt3A_153 : i1 to i32
      %cond3A = arith.constant 0 : i32
      %cond3A_154 = arith.cmpi ne, %convert_element_type3A, %cond3A : i32
      scf.if %cond3A_154 {
        %add3A_375 = arith.constant 5 : i32
        %add3A_376 = arith.addi %add3A_107, %add3A_375 : i32
        %dma_start3A_377 = arith.constant 0 : i32
        %dma_start3A_378 = arith.constant 0 : i32
        %dma_start3A_379 = arith.constant 0 : i32
        %dma_start3A_380 = arith.constant 0 : i32
        %dma_start3A_381 = tpu.memref_slice %arg9[%dma_start3A_377, %dma_start3A_379, %dma_start3A_380] : memref<5x80x64xf32, #tpu.memory_space<vmem>> -> memref<1x80x64xf32, #tpu.memory_space<vmem>>
        %dma_start3A_382 = tpu.memref_squeeze %dma_start3A_381 : memref<1x80x64xf32, #tpu.memory_space<vmem>> -> memref<80x64xf32, #tpu.memory_space<vmem>>
        %dma_start3A_383 = arith.constant 0 : i32
        %dma_start3A_384 = tpu.memref_slice %arg7[%add3A_376, %dma_start3A_383] : memref<250x80xi32, #tpu.memory_space<vmem>> -> memref<1x80xi32, #tpu.memory_space<vmem>>
        %dma_start3A_385 = tpu.memref_squeeze %dma_start3A_384 : memref<1x80xi32, #tpu.memory_space<vmem>> -> memref<80xi32, #tpu.memory_space<vmem>>
        %dma_start3A_386 = arith.constant 0 : i32
        %dma_start3A_387 = tpu.memref_slice %arg2[%arg0, %dma_start3A_386] : memref<20480x64xf32, #tpu.memory_space<hbm>> -> memref<20479x64xf32, #tpu.memory_space<hbm>>
        %dma_start3A_388 = arith.constant 0 : i32
        %dma_start3A_389 = arith.constant 0 : i32
        %dma_start3A_390 = tpu.memref_slice %dma_start3A_387[%dma_start3A_388, %dma_start3A_389] : memref<20479x64xf32, #tpu.memory_space<hbm>> -> memref<20479x64xf32, #tpu.memory_space<hbm>>
        %dma_start3A_391 = tpu.memref_slice %arg11[%dma_start3A_378] : memref<5x!tpu.dma_semaphore, #tpu.memory_space<semaphore_mem>> -> memref<1x!tpu.dma_semaphore, #tpu.memory_space<semaphore_mem>>
        %dma_start3A_392 = tpu.memref_squeeze %dma_start3A_391 : memref<1x!tpu.dma_semaphore, #tpu.memory_space<semaphore_mem>> -> memref<!tpu.dma_semaphore, #tpu.memory_space<semaphore_mem>>
        tpu.enqueue_indirect_dma source(%dma_start3A_390 : memref<20479x64xf32, #tpu.memory_space<hbm>>) target(%dma_start3A_382 : memref<80x64xf32, #tpu.memory_space<vmem>>) offsets(%dma_start3A_385 : memref<80xi32, #tpu.memory_space<vmem>>) semaphore(%dma_start3A_392 : memref<!tpu.dma_semaphore, #tpu.memory_space<semaphore_mem>>)
      } else {
      }
      %mul3A_155 = arith.constant 5 : i32
      %mul3A_156 = arith.muli %add3A_103, %mul3A_155 : i32
      %add3A_157 = arith.constant 1 : i32
      %add3A_158 = arith.addi %mul3A_156, %add3A_157 : i32
      %dma_wait3A_159 = arith.constant 1 : i32
      %dma_wait3A_160 = arith.constant 1 : i32
      %dma_wait3A_161 = arith.constant 0 : i32
      %dma_wait3A_162 = arith.constant 0 : i32
      %dma_wait3A_163 = tpu.memref_slice %arg9[%dma_wait3A_159, %dma_wait3A_161, %dma_wait3A_162] : memref<5x80x64xf32, #tpu.memory_space<vmem>> -> memref<1x80x64xf32, #tpu.memory_space<vmem>>
      %dma_wait3A_164 = tpu.memref_squeeze %dma_wait3A_163 : memref<1x80x64xf32, #tpu.memory_space<vmem>> -> memref<80x64xf32, #tpu.memory_space<vmem>>
      %dma_wait3A_165 = arith.constant 0 : i32
      %dma_wait3A_166 = tpu.memref_slice %arg7[%add3A_158, %dma_wait3A_165] : memref<250x80xi32, #tpu.memory_space<vmem>> -> memref<1x80xi32, #tpu.memory_space<vmem>>
      %dma_wait3A_167 = tpu.memref_squeeze %dma_wait3A_166 : memref<1x80xi32, #tpu.memory_space<vmem>> -> memref<80xi32, #tpu.memory_space<vmem>>
      %dma_wait3A_168 = arith.constant 0 : i32
      %dma_wait3A_169 = tpu.memref_slice %arg2[%arg0, %dma_wait3A_168] : memref<20480x64xf32, #tpu.memory_space<hbm>> -> memref<20479x64xf32, #tpu.memory_space<hbm>>
      %dma_wait3A_170 = arith.constant 0 : i32
      %dma_wait3A_171 = arith.constant 0 : i32
      %dma_wait3A_172 = tpu.memref_slice %dma_wait3A_169[%dma_wait3A_170, %dma_wait3A_171] : memref<20479x64xf32, #tpu.memory_space<hbm>> -> memref<20479x64xf32, #tpu.memory_space<hbm>>
      %dma_wait3A_173 = tpu.memref_slice %arg11[%dma_wait3A_160] : memref<5x!tpu.dma_semaphore, #tpu.memory_space<semaphore_mem>> -> memref<1x!tpu.dma_semaphore, #tpu.memory_space<semaphore_mem>>
      %dma_wait3A_174 = tpu.memref_squeeze %dma_wait3A_173 : memref<1x!tpu.dma_semaphore, #tpu.memory_space<semaphore_mem>> -> memref<!tpu.dma_semaphore, #tpu.memory_space<semaphore_mem>>
      tpu.wait_indirect_dma semaphore(%dma_wait3A_174 : memref<!tpu.dma_semaphore, #tpu.memory_space<semaphore_mem>>) src(%dma_wait3A_172 : memref<20479x64xf32, #tpu.memory_space<hbm>>) dst(%dma_wait3A_164 : memref<80x64xf32, #tpu.memory_space<vmem>>)
      %dma_start3A_175 = arith.constant 1 : i32
      %dma_start3A_176 = arith.constant 1 : i32
      %dma_start3A_177 = arith.constant 0 : i32
      %dma_start3A_178 = arith.constant 0 : i32
      %dma_start3A_179 = tpu.memref_slice %arg9[%dma_start3A_175, %dma_start3A_177, %dma_start3A_178] : memref<5x80x64xf32, #tpu.memory_space<vmem>> -> memref<1x80x64xf32, #tpu.memory_space<vmem>>
      %dma_start3A_180 = tpu.memref_squeeze %dma_start3A_179 : memref<1x80x64xf32, #tpu.memory_space<vmem>> -> memref<80x64xf32, #tpu.memory_space<vmem>>
      %dma_start3A_181 = arith.constant 0 : i32
      %dma_start3A_182 = tpu.memref_slice %arg8[%add3A_158, %dma_start3A_181] : memref<250x80xi32, #tpu.memory_space<vmem>> -> memref<1x80xi32, #tpu.memory_space<vmem>>
      %dma_start3A_183 = tpu.memref_squeeze %dma_start3A_182 : memref<1x80xi32, #tpu.memory_space<vmem>> -> memref<80xi32, #tpu.memory_space<vmem>>
      %dma_start3A_184 = arith.constant 0 : i32
      %dma_start3A_185 = arith.constant 0 : i32
      %dma_start3A_186 = tpu.memref_slice %arg10[%dma_start3A_184, %dma_start3A_185] : memref<10240x64xf32, #tpu.memory_space<vmem_shared>> -> memref<10240x64xf32, #tpu.memory_space<vmem_shared>>
      %dma_start3A_187 = tpu.memref_slice %arg12[%dma_start3A_176] : memref<5x!tpu.dma_semaphore, #tpu.memory_space<semaphore_mem>> -> memref<1x!tpu.dma_semaphore, #tpu.memory_space<semaphore_mem>>
      %dma_start3A_188 = tpu.memref_squeeze %dma_start3A_187 : memref<1x!tpu.dma_semaphore, #tpu.memory_space<semaphore_mem>> -> memref<!tpu.dma_semaphore, #tpu.memory_space<semaphore_mem>>
      tpu.enqueue_indirect_dma source(%dma_start3A_180 : memref<80x64xf32, #tpu.memory_space<vmem>>) target(%dma_start3A_186 : memref<10240x64xf32, #tpu.memory_space<vmem_shared>>) offsets(%dma_start3A_183 : memref<80xi32, #tpu.memory_space<vmem>>) semaphore(%dma_start3A_188 : memref<!tpu.dma_semaphore, #tpu.memory_space<semaphore_mem>>) {add = true}
      %dma_wait3A_189 = arith.constant 1 : i32
      %dma_wait3A_190 = arith.constant 1 : i32
      %dma_wait3A_191 = arith.constant 0 : i32
      %dma_wait3A_192 = arith.constant 0 : i32
      %dma_wait3A_193 = tpu.memref_slice %arg9[%dma_wait3A_189, %dma_wait3A_191, %dma_wait3A_192] : memref<5x80x64xf32, #tpu.memory_space<vmem>> -> memref<1x80x64xf32, #tpu.memory_space<vmem>>
      %dma_wait3A_194 = tpu.memref_squeeze %dma_wait3A_193 : memref<1x80x64xf32, #tpu.memory_space<vmem>> -> memref<80x64xf32, #tpu.memory_space<vmem>>
      %dma_wait3A_195 = arith.constant 0 : i32
      %dma_wait3A_196 = tpu.memref_slice %arg8[%add3A_158, %dma_wait3A_195] : memref<250x80xi32, #tpu.memory_space<vmem>> -> memref<1x80xi32, #tpu.memory_space<vmem>>
      %dma_wait3A_197 = tpu.memref_squeeze %dma_wait3A_196 : memref<1x80xi32, #tpu.memory_space<vmem>> -> memref<80xi32, #tpu.memory_space<vmem>>
      %dma_wait3A_198 = arith.constant 0 : i32
      %dma_wait3A_199 = arith.constant 0 : i32
      %dma_wait3A_200 = tpu.memref_slice %arg10[%dma_wait3A_198, %dma_wait3A_199] : memref<10240x64xf32, #tpu.memory_space<vmem_shared>> -> memref<10240x64xf32, #tpu.memory_space<vmem_shared>>
      %dma_wait3A_201 = tpu.memref_slice %arg12[%dma_wait3A_190] : memref<5x!tpu.dma_semaphore, #tpu.memory_space<semaphore_mem>> -> memref<1x!tpu.dma_semaphore, #tpu.memory_space<semaphore_mem>>
      %dma_wait3A_202 = tpu.memref_squeeze %dma_wait3A_201 : memref<1x!tpu.dma_semaphore, #tpu.memory_space<semaphore_mem>> -> memref<!tpu.dma_semaphore, #tpu.memory_space<semaphore_mem>>
      tpu.wait_indirect_dma semaphore(%dma_wait3A_202 : memref<!tpu.dma_semaphore, #tpu.memory_space<semaphore_mem>>) src(%dma_wait3A_194 : memref<80x64xf32, #tpu.memory_space<vmem>>) dst(%dma_wait3A_200 : memref<10240x64xf32, #tpu.memory_space<vmem_shared>>)
      %add3A_203 = arith.constant 5 : i32
      %add3A_204 = arith.addi %add3A_158, %add3A_203 : i32
      %lt3A_205 = arith.constant 250 : i32
      %lt3A_206 = arith.cmpi slt, %add3A_204, %lt3A_205 : i32
      %convert_element_type3A_207 = arith.extui %lt3A_206 : i1 to i32
      %cond3A_208 = arith.constant 0 : i32
      %cond3A_209 = arith.cmpi ne, %convert_element_type3A_207, %cond3A_208 : i32
      scf.if %cond3A_209 {
        %add3A_375 = arith.constant 5 : i32
        %add3A_376 = arith.addi %add3A_158, %add3A_375 : i32
        %dma_start3A_377 = arith.constant 1 : i32
        %dma_start3A_378 = arith.constant 1 : i32
        %dma_start3A_379 = arith.constant 0 : i32
        %dma_start3A_380 = arith.constant 0 : i32
        %dma_start3A_381 = tpu.memref_slice %arg9[%dma_start3A_377, %dma_start3A_379, %dma_start3A_380] : memref<5x80x64xf32, #tpu.memory_space<vmem>> -> memref<1x80x64xf32, #tpu.memory_space<vmem>>
        %dma_start3A_382 = tpu.memref_squeeze %dma_start3A_381 : memref<1x80x64xf32, #tpu.memory_space<vmem>> -> memref<80x64xf32, #tpu.memory_space<vmem>>
        %dma_start3A_383 = arith.constant 0 : i32
        %dma_start3A_384 = tpu.memref_slice %arg7[%add3A_376, %dma_start3A_383] : memref<250x80xi32, #tpu.memory_space<vmem>> -> memref<1x80xi32, #tpu.memory_space<vmem>>
        %dma_start3A_385 = tpu.memref_squeeze %dma_start3A_384 : memref<1x80xi32, #tpu.memory_space<vmem>> -> memref<80xi32, #tpu.memory_space<vmem>>
        %dma_start3A_386 = arith.constant 0 : i32
        %dma_start3A_387 = tpu.memref_slice %arg2[%arg0, %dma_start3A_386] : memref<20480x64xf32, #tpu.memory_space<hbm>> -> memref<20479x64xf32, #tpu.memory_space<hbm>>
        %dma_start3A_388 = arith.constant 0 : i32
        %dma_start3A_389 = arith.constant 0 : i32
        %dma_start3A_390 = tpu.memref_slice %dma_start3A_387[%dma_start3A_388, %dma_start3A_389] : memref<20479x64xf32, #tpu.memory_space<hbm>> -> memref<20479x64xf32, #tpu.memory_space<hbm>>
        %dma_start3A_391 = tpu.memref_slice %arg11[%dma_start3A_378] : memref<5x!tpu.dma_semaphore, #tpu.memory_space<semaphore_mem>> -> memref<1x!tpu.dma_semaphore, #tpu.memory_space<semaphore_mem>>
        %dma_start3A_392 = tpu.memref_squeeze %dma_start3A_391 : memref<1x!tpu.dma_semaphore, #tpu.memory_space<semaphore_mem>> -> memref<!tpu.dma_semaphore, #tpu.memory_space<semaphore_mem>>
        tpu.enqueue_indirect_dma source(%dma_start3A_390 : memref<20479x64xf32, #tpu.memory_space<hbm>>) target(%dma_start3A_382 : memref<80x64xf32, #tpu.memory_space<vmem>>) offsets(%dma_start3A_385 : memref<80xi32, #tpu.memory_space<vmem>>) semaphore(%dma_start3A_392 : memref<!tpu.dma_semaphore, #tpu.memory_space<semaphore_mem>>)
      } else {
      }
      %mul3A_210 = arith.constant 5 : i32
      %mul3A_211 = arith.muli %add3A_103, %mul3A_210 : i32
      %add3A_212 = arith.constant 2 : i32
      %add3A_213 = arith.addi %mul3A_211, %add3A_212 : i32
      %dma_wait3A_214 = arith.constant 2 : i32
      %dma_wait3A_215 = arith.constant 2 : i32
      %dma_wait3A_216 = arith.constant 0 : i32
      %dma_wait3A_217 = arith.constant 0 : i32
      %dma_wait3A_218 = tpu.memref_slice %arg9[%dma_wait3A_214, %dma_wait3A_216, %dma_wait3A_217] : memref<5x80x64xf32, #tpu.memory_space<vmem>> -> memref<1x80x64xf32, #tpu.memory_space<vmem>>
      %dma_wait3A_219 = tpu.memref_squeeze %dma_wait3A_218 : memref<1x80x64xf32, #tpu.memory_space<vmem>> -> memref<80x64xf32, #tpu.memory_space<vmem>>
      %dma_wait3A_220 = arith.constant 0 : i32
      %dma_wait3A_221 = tpu.memref_slice %arg7[%add3A_213, %dma_wait3A_220] : memref<250x80xi32, #tpu.memory_space<vmem>> -> memref<1x80xi32, #tpu.memory_space<vmem>>
      %dma_wait3A_222 = tpu.memref_squeeze %dma_wait3A_221 : memref<1x80xi32, #tpu.memory_space<vmem>> -> memref<80xi32, #tpu.memory_space<vmem>>
      %dma_wait3A_223 = arith.constant 0 : i32
      %dma_wait3A_224 = tpu.memref_slice %arg2[%arg0, %dma_wait3A_223] : memref<20480x64xf32, #tpu.memory_space<hbm>> -> memref<20479x64xf32, #tpu.memory_space<hbm>>
      %dma_wait3A_225 = arith.constant 0 : i32
      %dma_wait3A_226 = arith.constant 0 : i32
      %dma_wait3A_227 = tpu.memref_slice %dma_wait3A_224[%dma_wait3A_225, %dma_wait3A_226] : memref<20479x64xf32, #tpu.memory_space<hbm>> -> memref<20479x64xf32, #tpu.memory_space<hbm>>
      %dma_wait3A_228 = tpu.memref_slice %arg11[%dma_wait3A_215] : memref<5x!tpu.dma_semaphore, #tpu.memory_space<semaphore_mem>> -> memref<1x!tpu.dma_semaphore, #tpu.memory_space<semaphore_mem>>
      %dma_wait3A_229 = tpu.memref_squeeze %dma_wait3A_228 : memref<1x!tpu.dma_semaphore, #tpu.memory_space<semaphore_mem>> -> memref<!tpu.dma_semaphore, #tpu.memory_space<semaphore_mem>>
      tpu.wait_indirect_dma semaphore(%dma_wait3A_229 : memref<!tpu.dma_semaphore, #tpu.memory_space<semaphore_mem>>) src(%dma_wait3A_227 : memref<20479x64xf32, #tpu.memory_space<hbm>>) dst(%dma_wait3A_219 : memref<80x64xf32, #tpu.memory_space<vmem>>)
      %dma_start3A_230 = arith.constant 2 : i32
      %dma_start3A_231 = arith.constant 2 : i32
      %dma_start3A_232 = arith.constant 0 : i32
      %dma_start3A_233 = arith.constant 0 : i32
      %dma_start3A_234 = tpu.memref_slice %arg9[%dma_start3A_230, %dma_start3A_232, %dma_start3A_233] : memref<5x80x64xf32, #tpu.memory_space<vmem>> -> memref<1x80x64xf32, #tpu.memory_space<vmem>>
      %dma_start3A_235 = tpu.memref_squeeze %dma_start3A_234 : memref<1x80x64xf32, #tpu.memory_space<vmem>> -> memref<80x64xf32, #tpu.memory_space<vmem>>
      %dma_start3A_236 = arith.constant 0 : i32
      %dma_start3A_237 = tpu.memref_slice %arg8[%add3A_213, %dma_start3A_236] : memref<250x80xi32, #tpu.memory_space<vmem>> -> memref<1x80xi32, #tpu.memory_space<vmem>>
      %dma_start3A_238 = tpu.memref_squeeze %dma_start3A_237 : memref<1x80xi32, #tpu.memory_space<vmem>> -> memref<80xi32, #tpu.memory_space<vmem>>
      %dma_start3A_239 = arith.constant 0 : i32
      %dma_start3A_240 = arith.constant 0 : i32
      %dma_start3A_241 = tpu.memref_slice %arg10[%dma_start3A_239, %dma_start3A_240] : memref<10240x64xf32, #tpu.memory_space<vmem_shared>> -> memref<10240x64xf32, #tpu.memory_space<vmem_shared>>
      %dma_start3A_242 = tpu.memref_slice %arg12[%dma_start3A_231] : memref<5x!tpu.dma_semaphore, #tpu.memory_space<semaphore_mem>> -> memref<1x!tpu.dma_semaphore, #tpu.memory_space<semaphore_mem>>
      %dma_start3A_243 = tpu.memref_squeeze %dma_start3A_242 : memref<1x!tpu.dma_semaphore, #tpu.memory_space<semaphore_mem>> -> memref<!tpu.dma_semaphore, #tpu.memory_space<semaphore_mem>>
      tpu.enqueue_indirect_dma source(%dma_start3A_235 : memref<80x64xf32, #tpu.memory_space<vmem>>) target(%dma_start3A_241 : memref<10240x64xf32, #tpu.memory_space<vmem_shared>>) offsets(%dma_start3A_238 : memref<80xi32, #tpu.memory_space<vmem>>) semaphore(%dma_start3A_243 : memref<!tpu.dma_semaphore, #tpu.memory_space<semaphore_mem>>) {add = true}
      %dma_wait3A_244 = arith.constant 2 : i32
      %dma_wait3A_245 = arith.constant 2 : i32
      %dma_wait3A_246 = arith.constant 0 : i32
      %dma_wait3A_247 = arith.constant 0 : i32
      %dma_wait3A_248 = tpu.memref_slice %arg9[%dma_wait3A_244, %dma_wait3A_246, %dma_wait3A_247] : memref<5x80x64xf32, #tpu.memory_space<vmem>> -> memref<1x80x64xf32, #tpu.memory_space<vmem>>
      %dma_wait3A_249 = tpu.memref_squeeze %dma_wait3A_248 : memref<1x80x64xf32, #tpu.memory_space<vmem>> -> memref<80x64xf32, #tpu.memory_space<vmem>>
      %dma_wait3A_250 = arith.constant 0 : i32
      %dma_wait3A_251 = tpu.memref_slice %arg8[%add3A_213, %dma_wait3A_250] : memref<250x80xi32, #tpu.memory_space<vmem>> -> memref<1x80xi32, #tpu.memory_space<vmem>>
      %dma_wait3A_252 = tpu.memref_squeeze %dma_wait3A_251 : memref<1x80xi32, #tpu.memory_space<vmem>> -> memref<80xi32, #tpu.memory_space<vmem>>
      %dma_wait3A_253 = arith.constant 0 : i32
      %dma_wait3A_254 = arith.constant 0 : i32
      %dma_wait3A_255 = tpu.memref_slice %arg10[%dma_wait3A_253, %dma_wait3A_254] : memref<10240x64xf32, #tpu.memory_space<vmem_shared>> -> memref<10240x64xf32, #tpu.memory_space<vmem_shared>>
      %dma_wait3A_256 = tpu.memref_slice %arg12[%dma_wait3A_245] : memref<5x!tpu.dma_semaphore, #tpu.memory_space<semaphore_mem>> -> memref<1x!tpu.dma_semaphore, #tpu.memory_space<semaphore_mem>>
      %dma_wait3A_257 = tpu.memref_squeeze %dma_wait3A_256 : memref<1x!tpu.dma_semaphore, #tpu.memory_space<semaphore_mem>> -> memref<!tpu.dma_semaphore, #tpu.memory_space<semaphore_mem>>
      tpu.wait_indirect_dma semaphore(%dma_wait3A_257 : memref<!tpu.dma_semaphore, #tpu.memory_space<semaphore_mem>>) src(%dma_wait3A_249 : memref<80x64xf32, #tpu.memory_space<vmem>>) dst(%dma_wait3A_255 : memref<10240x64xf32, #tpu.memory_space<vmem_shared>>)
      %add3A_258 = arith.constant 5 : i32
      %add3A_259 = arith.addi %add3A_213, %add3A_258 : i32
      %lt3A_260 = arith.constant 250 : i32
      %lt3A_261 = arith.cmpi slt, %add3A_259, %lt3A_260 : i32
      %convert_element_type3A_262 = arith.extui %lt3A_261 : i1 to i32
      %cond3A_263 = arith.constant 0 : i32
      %cond3A_264 = arith.cmpi ne, %convert_element_type3A_262, %cond3A_263 : i32
      scf.if %cond3A_264 {
        %add3A_375 = arith.constant 5 : i32
        %add3A_376 = arith.addi %add3A_213, %add3A_375 : i32
        %dma_start3A_377 = arith.constant 2 : i32
        %dma_start3A_378 = arith.constant 2 : i32
        %dma_start3A_379 = arith.constant 0 : i32
        %dma_start3A_380 = arith.constant 0 : i32
        %dma_start3A_381 = tpu.memref_slice %arg9[%dma_start3A_377, %dma_start3A_379, %dma_start3A_380] : memref<5x80x64xf32, #tpu.memory_space<vmem>> -> memref<1x80x64xf32, #tpu.memory_space<vmem>>
        %dma_start3A_382 = tpu.memref_squeeze %dma_start3A_381 : memref<1x80x64xf32, #tpu.memory_space<vmem>> -> memref<80x64xf32, #tpu.memory_space<vmem>>
        %dma_start3A_383 = arith.constant 0 : i32
        %dma_start3A_384 = tpu.memref_slice %arg7[%add3A_376, %dma_start3A_383] : memref<250x80xi32, #tpu.memory_space<vmem>> -> memref<1x80xi32, #tpu.memory_space<vmem>>
        %dma_start3A_385 = tpu.memref_squeeze %dma_start3A_384 : memref<1x80xi32, #tpu.memory_space<vmem>> -> memref<80xi32, #tpu.memory_space<vmem>>
        %dma_start3A_386 = arith.constant 0 : i32
        %dma_start3A_387 = tpu.memref_slice %arg2[%arg0, %dma_start3A_386] : memref<20480x64xf32, #tpu.memory_space<hbm>> -> memref<20479x64xf32, #tpu.memory_space<hbm>>
        %dma_start3A_388 = arith.constant 0 : i32
        %dma_start3A_389 = arith.constant 0 : i32
        %dma_start3A_390 = tpu.memref_slice %dma_start3A_387[%dma_start3A_388, %dma_start3A_389] : memref<20479x64xf32, #tpu.memory_space<hbm>> -> memref<20479x64xf32, #tpu.memory_space<hbm>>
        %dma_start3A_391 = tpu.memref_slice %arg11[%dma_start3A_378] : memref<5x!tpu.dma_semaphore, #tpu.memory_space<semaphore_mem>> -> memref<1x!tpu.dma_semaphore, #tpu.memory_space<semaphore_mem>>
        %dma_start3A_392 = tpu.memref_squeeze %dma_start3A_391 : memref<1x!tpu.dma_semaphore, #tpu.memory_space<semaphore_mem>> -> memref<!tpu.dma_semaphore, #tpu.memory_space<semaphore_mem>>
        tpu.enqueue_indirect_dma source(%dma_start3A_390 : memref<20479x64xf32, #tpu.memory_space<hbm>>) target(%dma_start3A_382 : memref<80x64xf32, #tpu.memory_space<vmem>>) offsets(%dma_start3A_385 : memref<80xi32, #tpu.memory_space<vmem>>) semaphore(%dma_start3A_392 : memref<!tpu.dma_semaphore, #tpu.memory_space<semaphore_mem>>)
      } else {
      }
      %mul3A_265 = arith.constant 5 : i32
      %mul3A_266 = arith.muli %add3A_103, %mul3A_265 : i32
      %add3A_267 = arith.constant 3 : i32
      %add3A_268 = arith.addi %mul3A_266, %add3A_267 : i32
      %dma_wait3A_269 = arith.constant 3 : i32
      %dma_wait3A_270 = arith.constant 3 : i32
      %dma_wait3A_271 = arith.constant 0 : i32
      %dma_wait3A_272 = arith.constant 0 : i32
      %dma_wait3A_273 = tpu.memref_slice %arg9[%dma_wait3A_269, %dma_wait3A_271, %dma_wait3A_272] : memref<5x80x64xf32, #tpu.memory_space<vmem>> -> memref<1x80x64xf32, #tpu.memory_space<vmem>>
      %dma_wait3A_274 = tpu.memref_squeeze %dma_wait3A_273 : memref<1x80x64xf32, #tpu.memory_space<vmem>> -> memref<80x64xf32, #tpu.memory_space<vmem>>
      %dma_wait3A_275 = arith.constant 0 : i32
      %dma_wait3A_276 = tpu.memref_slice %arg7[%add3A_268, %dma_wait3A_275] : memref<250x80xi32, #tpu.memory_space<vmem>> -> memref<1x80xi32, #tpu.memory_space<vmem>>
      %dma_wait3A_277 = tpu.memref_squeeze %dma_wait3A_276 : memref<1x80xi32, #tpu.memory_space<vmem>> -> memref<80xi32, #tpu.memory_space<vmem>>
      %dma_wait3A_278 = arith.constant 0 : i32
      %dma_wait3A_279 = tpu.memref_slice %arg2[%arg0, %dma_wait3A_278] : memref<20480x64xf32, #tpu.memory_space<hbm>> -> memref<20479x64xf32, #tpu.memory_space<hbm>>
      %dma_wait3A_280 = arith.constant 0 : i32
      %dma_wait3A_281 = arith.constant 0 : i32
      %dma_wait3A_282 = tpu.memref_slice %dma_wait3A_279[%dma_wait3A_280, %dma_wait3A_281] : memref<20479x64xf32, #tpu.memory_space<hbm>> -> memref<20479x64xf32, #tpu.memory_space<hbm>>
      %dma_wait3A_283 = tpu.memref_slice %arg11[%dma_wait3A_270] : memref<5x!tpu.dma_semaphore, #tpu.memory_space<semaphore_mem>> -> memref<1x!tpu.dma_semaphore, #tpu.memory_space<semaphore_mem>>
      %dma_wait3A_284 = tpu.memref_squeeze %dma_wait3A_283 : memref<1x!tpu.dma_semaphore, #tpu.memory_space<semaphore_mem>> -> memref<!tpu.dma_semaphore, #tpu.memory_space<semaphore_mem>>
      tpu.wait_indirect_dma semaphore(%dma_wait3A_284 : memref<!tpu.dma_semaphore, #tpu.memory_space<semaphore_mem>>) src(%dma_wait3A_282 : memref<20479x64xf32, #tpu.memory_space<hbm>>) dst(%dma_wait3A_274 : memref<80x64xf32, #tpu.memory_space<vmem>>)
      %dma_start3A_285 = arith.constant 3 : i32
      %dma_start3A_286 = arith.constant 3 : i32
      %dma_start3A_287 = arith.constant 0 : i32
      %dma_start3A_288 = arith.constant 0 : i32
      %dma_start3A_289 = tpu.memref_slice %arg9[%dma_start3A_285, %dma_start3A_287, %dma_start3A_288] : memref<5x80x64xf32, #tpu.memory_space<vmem>> -> memref<1x80x64xf32, #tpu.memory_space<vmem>>
      %dma_start3A_290 = tpu.memref_squeeze %dma_start3A_289 : memref<1x80x64xf32, #tpu.memory_space<vmem>> -> memref<80x64xf32, #tpu.memory_space<vmem>>
      %dma_start3A_291 = arith.constant 0 : i32
      %dma_start3A_292 = tpu.memref_slice %arg8[%add3A_268, %dma_start3A_291] : memref<250x80xi32, #tpu.memory_space<vmem>> -> memref<1x80xi32, #tpu.memory_space<vmem>>
      %dma_start3A_293 = tpu.memref_squeeze %dma_start3A_292 : memref<1x80xi32, #tpu.memory_space<vmem>> -> memref<80xi32, #tpu.memory_space<vmem>>
      %dma_start3A_294 = arith.constant 0 : i32
      %dma_start3A_295 = arith.constant 0 : i32
      %dma_start3A_296 = tpu.memref_slice %arg10[%dma_start3A_294, %dma_start3A_295] : memref<10240x64xf32, #tpu.memory_space<vmem_shared>> -> memref<10240x64xf32, #tpu.memory_space<vmem_shared>>
      %dma_start3A_297 = tpu.memref_slice %arg12[%dma_start3A_286] : memref<5x!tpu.dma_semaphore, #tpu.memory_space<semaphore_mem>> -> memref<1x!tpu.dma_semaphore, #tpu.memory_space<semaphore_mem>>
      %dma_start3A_298 = tpu.memref_squeeze %dma_start3A_297 : memref<1x!tpu.dma_semaphore, #tpu.memory_space<semaphore_mem>> -> memref<!tpu.dma_semaphore, #tpu.memory_space<semaphore_mem>>
      tpu.enqueue_indirect_dma source(%dma_start3A_290 : memref<80x64xf32, #tpu.memory_space<vmem>>) target(%dma_start3A_296 : memref<10240x64xf32, #tpu.memory_space<vmem_shared>>) offsets(%dma_start3A_293 : memref<80xi32, #tpu.memory_space<vmem>>) semaphore(%dma_start3A_298 : memref<!tpu.dma_semaphore, #tpu.memory_space<semaphore_mem>>) {add = true}
      %dma_wait3A_299 = arith.constant 3 : i32
      %dma_wait3A_300 = arith.constant 3 : i32
      %dma_wait3A_301 = arith.constant 0 : i32
      %dma_wait3A_302 = arith.constant 0 : i32
      %dma_wait3A_303 = tpu.memref_slice %arg9[%dma_wait3A_299, %dma_wait3A_301, %dma_wait3A_302] : memref<5x80x64xf32, #tpu.memory_space<vmem>> -> memref<1x80x64xf32, #tpu.memory_space<vmem>>
      %dma_wait3A_304 = tpu.memref_squeeze %dma_wait3A_303 : memref<1x80x64xf32, #tpu.memory_space<vmem>> -> memref<80x64xf32, #tpu.memory_space<vmem>>
      %dma_wait3A_305 = arith.constant 0 : i32
      %dma_wait3A_306 = tpu.memref_slice %arg8[%add3A_268, %dma_wait3A_305] : memref<250x80xi32, #tpu.memory_space<vmem>> -> memref<1x80xi32, #tpu.memory_space<vmem>>
      %dma_wait3A_307 = tpu.memref_squeeze %dma_wait3A_306 : memref<1x80xi32, #tpu.memory_space<vmem>> -> memref<80xi32, #tpu.memory_space<vmem>>
      %dma_wait3A_308 = arith.constant 0 : i32
      %dma_wait3A_309 = arith.constant 0 : i32
      %dma_wait3A_310 = tpu.memref_slice %arg10[%dma_wait3A_308, %dma_wait3A_309] : memref<10240x64xf32, #tpu.memory_space<vmem_shared>> -> memref<10240x64xf32, #tpu.memory_space<vmem_shared>>
      %dma_wait3A_311 = tpu.memref_slice %arg12[%dma_wait3A_300] : memref<5x!tpu.dma_semaphore, #tpu.memory_space<semaphore_mem>> -> memref<1x!tpu.dma_semaphore, #tpu.memory_space<semaphore_mem>>
      %dma_wait3A_312 = tpu.memref_squeeze %dma_wait3A_311 : memref<1x!tpu.dma_semaphore, #tpu.memory_space<semaphore_mem>> -> memref<!tpu.dma_semaphore, #tpu.memory_space<semaphore_mem>>
      tpu.wait_indirect_dma semaphore(%dma_wait3A_312 : memref<!tpu.dma_semaphore, #tpu.memory_space<semaphore_mem>>) src(%dma_wait3A_304 : memref<80x64xf32, #tpu.memory_space<vmem>>) dst(%dma_wait3A_310 : memref<10240x64xf32, #tpu.memory_space<vmem_shared>>)
      %add3A_313 = arith.constant 5 : i32
      %add3A_314 = arith.addi %add3A_268, %add3A_313 : i32
      %lt3A_315 = arith.constant 250 : i32
      %lt3A_316 = arith.cmpi slt, %add3A_314, %lt3A_315 : i32
      %convert_element_type3A_317 = arith.extui %lt3A_316 : i1 to i32
      %cond3A_318 = arith.constant 0 : i32
      %cond3A_319 = arith.cmpi ne, %convert_element_type3A_317, %cond3A_318 : i32
      scf.if %cond3A_319 {
        %add3A_375 = arith.constant 5 : i32
        %add3A_376 = arith.addi %add3A_268, %add3A_375 : i32
        %dma_start3A_377 = arith.constant 3 : i32
        %dma_start3A_378 = arith.constant 3 : i32
        %dma_start3A_379 = arith.constant 0 : i32
        %dma_start3A_380 = arith.constant 0 : i32
        %dma_start3A_381 = tpu.memref_slice %arg9[%dma_start3A_377, %dma_start3A_379, %dma_start3A_380] : memref<5x80x64xf32, #tpu.memory_space<vmem>> -> memref<1x80x64xf32, #tpu.memory_space<vmem>>
        %dma_start3A_382 = tpu.memref_squeeze %dma_start3A_381 : memref<1x80x64xf32, #tpu.memory_space<vmem>> -> memref<80x64xf32, #tpu.memory_space<vmem>>
        %dma_start3A_383 = arith.constant 0 : i32
        %dma_start3A_384 = tpu.memref_slice %arg7[%add3A_376, %dma_start3A_383] : memref<250x80xi32, #tpu.memory_space<vmem>> -> memref<1x80xi32, #tpu.memory_space<vmem>>
        %dma_start3A_385 = tpu.memref_squeeze %dma_start3A_384 : memref<1x80xi32, #tpu.memory_space<vmem>> -> memref<80xi32, #tpu.memory_space<vmem>>
        %dma_start3A_386 = arith.constant 0 : i32
        %dma_start3A_387 = tpu.memref_slice %arg2[%arg0, %dma_start3A_386] : memref<20480x64xf32, #tpu.memory_space<hbm>> -> memref<20479x64xf32, #tpu.memory_space<hbm>>
        %dma_start3A_388 = arith.constant 0 : i32
        %dma_start3A_389 = arith.constant 0 : i32
        %dma_start3A_390 = tpu.memref_slice %dma_start3A_387[%dma_start3A_388, %dma_start3A_389] : memref<20479x64xf32, #tpu.memory_space<hbm>> -> memref<20479x64xf32, #tpu.memory_space<hbm>>
        %dma_start3A_391 = tpu.memref_slice %arg11[%dma_start3A_378] : memref<5x!tpu.dma_semaphore, #tpu.memory_space<semaphore_mem>> -> memref<1x!tpu.dma_semaphore, #tpu.memory_space<semaphore_mem>>
        %dma_start3A_392 = tpu.memref_squeeze %dma_start3A_391 : memref<1x!tpu.dma_semaphore, #tpu.memory_space<semaphore_mem>> -> memref<!tpu.dma_semaphore, #tpu.memory_space<semaphore_mem>>
        tpu.enqueue_indirect_dma source(%dma_start3A_390 : memref<20479x64xf32, #tpu.memory_space<hbm>>) target(%dma_start3A_382 : memref<80x64xf32, #tpu.memory_space<vmem>>) offsets(%dma_start3A_385 : memref<80xi32, #tpu.memory_space<vmem>>) semaphore(%dma_start3A_392 : memref<!tpu.dma_semaphore, #tpu.memory_space<semaphore_mem>>)
      } else {
      }
      %mul3A_320 = arith.constant 5 : i32
      %mul3A_321 = arith.muli %add3A_103, %mul3A_320 : i32
      %add3A_322 = arith.constant 4 : i32
      %add3A_323 = arith.addi %mul3A_321, %add3A_322 : i32
      %dma_wait3A_324 = arith.constant 4 : i32
      %dma_wait3A_325 = arith.constant 4 : i32
      %dma_wait3A_326 = arith.constant 0 : i32
      %dma_wait3A_327 = arith.constant 0 : i32
      %dma_wait3A_328 = tpu.memref_slice %arg9[%dma_wait3A_324, %dma_wait3A_326, %dma_wait3A_327] : memref<5x80x64xf32, #tpu.memory_space<vmem>> -> memref<1x80x64xf32, #tpu.memory_space<vmem>>
      %dma_wait3A_329 = tpu.memref_squeeze %dma_wait3A_328 : memref<1x80x64xf32, #tpu.memory_space<vmem>> -> memref<80x64xf32, #tpu.memory_space<vmem>>
      %dma_wait3A_330 = arith.constant 0 : i32
      %dma_wait3A_331 = tpu.memref_slice %arg7[%add3A_323, %dma_wait3A_330] : memref<250x80xi32, #tpu.memory_space<vmem>> -> memref<1x80xi32, #tpu.memory_space<vmem>>
      %dma_wait3A_332 = tpu.memref_squeeze %dma_wait3A_331 : memref<1x80xi32, #tpu.memory_space<vmem>> -> memref<80xi32, #tpu.memory_space<vmem>>
      %dma_wait3A_333 = arith.constant 0 : i32
      %dma_wait3A_334 = tpu.memref_slice %arg2[%arg0, %dma_wait3A_333] : memref<20480x64xf32, #tpu.memory_space<hbm>> -> memref<20479x64xf32, #tpu.memory_space<hbm>>
      %dma_wait3A_335 = arith.constant 0 : i32
      %dma_wait3A_336 = arith.constant 0 : i32
      %dma_wait3A_337 = tpu.memref_slice %dma_wait3A_334[%dma_wait3A_335, %dma_wait3A_336] : memref<20479x64xf32, #tpu.memory_space<hbm>> -> memref<20479x64xf32, #tpu.memory_space<hbm>>
      %dma_wait3A_338 = tpu.memref_slice %arg11[%dma_wait3A_325] : memref<5x!tpu.dma_semaphore, #tpu.memory_space<semaphore_mem>> -> memref<1x!tpu.dma_semaphore, #tpu.memory_space<semaphore_mem>>
      %dma_wait3A_339 = tpu.memref_squeeze %dma_wait3A_338 : memref<1x!tpu.dma_semaphore, #tpu.memory_space<semaphore_mem>> -> memref<!tpu.dma_semaphore, #tpu.memory_space<semaphore_mem>>
      tpu.wait_indirect_dma semaphore(%dma_wait3A_339 : memref<!tpu.dma_semaphore, #tpu.memory_space<semaphore_mem>>) src(%dma_wait3A_337 : memref<20479x64xf32, #tpu.memory_space<hbm>>) dst(%dma_wait3A_329 : memref<80x64xf32, #tpu.memory_space<vmem>>)
      %dma_start3A_340 = arith.constant 4 : i32
      %dma_start3A_341 = arith.constant 4 : i32
      %dma_start3A_342 = arith.constant 0 : i32
      %dma_start3A_343 = arith.constant 0 : i32
      %dma_start3A_344 = tpu.memref_slice %arg9[%dma_start3A_340, %dma_start3A_342, %dma_start3A_343] : memref<5x80x64xf32, #tpu.memory_space<vmem>> -> memref<1x80x64xf32, #tpu.memory_space<vmem>>
      %dma_start3A_345 = tpu.memref_squeeze %dma_start3A_344 : memref<1x80x64xf32, #tpu.memory_space<vmem>> -> memref<80x64xf32, #tpu.memory_space<vmem>>
      %dma_start3A_346 = arith.constant 0 : i32
      %dma_start3A_347 = tpu.memref_slice %arg8[%add3A_323, %dma_start3A_346] : memref<250x80xi32, #tpu.memory_space<vmem>> -> memref<1x80xi32, #tpu.memory_space<vmem>>
      %dma_start3A_348 = tpu.memref_squeeze %dma_start3A_347 : memref<1x80xi32, #tpu.memory_space<vmem>> -> memref<80xi32, #tpu.memory_space<vmem>>
      %dma_start3A_349 = arith.constant 0 : i32
      %dma_start3A_350 = arith.constant 0 : i32
      %dma_start3A_351 = tpu.memref_slice %arg10[%dma_start3A_349, %dma_start3A_350] : memref<10240x64xf32, #tpu.memory_space<vmem_shared>> -> memref<10240x64xf32, #tpu.memory_space<vmem_shared>>
      %dma_start3A_352 = tpu.memref_slice %arg12[%dma_start3A_341] : memref<5x!tpu.dma_semaphore, #tpu.memory_space<semaphore_mem>> -> memref<1x!tpu.dma_semaphore, #tpu.memory_space<semaphore_mem>>
      %dma_start3A_353 = tpu.memref_squeeze %dma_start3A_352 : memref<1x!tpu.dma_semaphore, #tpu.memory_space<semaphore_mem>> -> memref<!tpu.dma_semaphore, #tpu.memory_space<semaphore_mem>>
      tpu.enqueue_indirect_dma source(%dma_start3A_345 : memref<80x64xf32, #tpu.memory_space<vmem>>) target(%dma_start3A_351 : memref<10240x64xf32, #tpu.memory_space<vmem_shared>>) offsets(%dma_start3A_348 : memref<80xi32, #tpu.memory_space<vmem>>) semaphore(%dma_start3A_353 : memref<!tpu.dma_semaphore, #tpu.memory_space<semaphore_mem>>) {add = true}
      %dma_wait3A_354 = arith.constant 4 : i32
      %dma_wait3A_355 = arith.constant 4 : i32
      %dma_wait3A_356 = arith.constant 0 : i32
      %dma_wait3A_357 = arith.constant 0 : i32
      %dma_wait3A_358 = tpu.memref_slice %arg9[%dma_wait3A_354, %dma_wait3A_356, %dma_wait3A_357] : memref<5x80x64xf32, #tpu.memory_space<vmem>> -> memref<1x80x64xf32, #tpu.memory_space<vmem>>
      %dma_wait3A_359 = tpu.memref_squeeze %dma_wait3A_358 : memref<1x80x64xf32, #tpu.memory_space<vmem>> -> memref<80x64xf32, #tpu.memory_space<vmem>>
      %dma_wait3A_360 = arith.constant 0 : i32
      %dma_wait3A_361 = tpu.memref_slice %arg8[%add3A_323, %dma_wait3A_360] : memref<250x80xi32, #tpu.memory_space<vmem>> -> memref<1x80xi32, #tpu.memory_space<vmem>>
      %dma_wait3A_362 = tpu.memref_squeeze %dma_wait3A_361 : memref<1x80xi32, #tpu.memory_space<vmem>> -> memref<80xi32, #tpu.memory_space<vmem>>
      %dma_wait3A_363 = arith.constant 0 : i32
      %dma_wait3A_364 = arith.constant 0 : i32
      %dma_wait3A_365 = tpu.memref_slice %arg10[%dma_wait3A_363, %dma_wait3A_364] : memref<10240x64xf32, #tpu.memory_space<vmem_shared>> -> memref<10240x64xf32, #tpu.memory_space<vmem_shared>>
      %dma_wait3A_366 = tpu.memref_slice %arg12[%dma_wait3A_355] : memref<5x!tpu.dma_semaphore, #tpu.memory_space<semaphore_mem>> -> memref<1x!tpu.dma_semaphore, #tpu.memory_space<semaphore_mem>>
      %dma_wait3A_367 = tpu.memref_squeeze %dma_wait3A_366 : memref<1x!tpu.dma_semaphore, #tpu.memory_space<semaphore_mem>> -> memref<!tpu.dma_semaphore, #tpu.memory_space<semaphore_mem>>
      tpu.wait_indirect_dma semaphore(%dma_wait3A_367 : memref<!tpu.dma_semaphore, #tpu.memory_space<semaphore_mem>>) src(%dma_wait3A_359 : memref<80x64xf32, #tpu.memory_space<vmem>>) dst(%dma_wait3A_365 : memref<10240x64xf32, #tpu.memory_space<vmem_shared>>)
      %add3A_368 = arith.constant 5 : i32
      %add3A_369 = arith.addi %add3A_323, %add3A_368 : i32
      %lt3A_370 = arith.constant 250 : i32
      %lt3A_371 = arith.cmpi slt, %add3A_369, %lt3A_370 : i32
      %convert_element_type3A_372 = arith.extui %lt3A_371 : i1 to i32
      %cond3A_373 = arith.constant 0 : i32
      %cond3A_374 = arith.cmpi ne, %convert_element_type3A_372, %cond3A_373 : i32
      scf.if %cond3A_374 {
        %add3A_375 = arith.constant 5 : i32
        %add3A_376 = arith.addi %add3A_323, %add3A_375 : i32
        %dma_start3A_377 = arith.constant 4 : i32
        %dma_start3A_378 = arith.constant 4 : i32
        %dma_start3A_379 = arith.constant 0 : i32
        %dma_start3A_380 = arith.constant 0 : i32
        %dma_start3A_381 = tpu.memref_slice %arg9[%dma_start3A_377, %dma_start3A_379, %dma_start3A_380] : memref<5x80x64xf32, #tpu.memory_space<vmem>> -> memref<1x80x64xf32, #tpu.memory_space<vmem>>
        %dma_start3A_382 = tpu.memref_squeeze %dma_start3A_381 : memref<1x80x64xf32, #tpu.memory_space<vmem>> -> memref<80x64xf32, #tpu.memory_space<vmem>>
        %dma_start3A_383 = arith.constant 0 : i32
        %dma_start3A_384 = tpu.memref_slice %arg7[%add3A_376, %dma_start3A_383] : memref<250x80xi32, #tpu.memory_space<vmem>> -> memref<1x80xi32, #tpu.memory_space<vmem>>
        %dma_start3A_385 = tpu.memref_squeeze %dma_start3A_384 : memref<1x80xi32, #tpu.memory_space<vmem>> -> memref<80xi32, #tpu.memory_space<vmem>>
        %dma_start3A_386 = arith.constant 0 : i32
        %dma_start3A_387 = tpu.memref_slice %arg2[%arg0, %dma_start3A_386] : memref<20480x64xf32, #tpu.memory_space<hbm>> -> memref<20479x64xf32, #tpu.memory_space<hbm>>
        %dma_start3A_388 = arith.constant 0 : i32
        %dma_start3A_389 = arith.constant 0 : i32
        %dma_start3A_390 = tpu.memref_slice %dma_start3A_387[%dma_start3A_388, %dma_start3A_389] : memref<20479x64xf32, #tpu.memory_space<hbm>> -> memref<20479x64xf32, #tpu.memory_space<hbm>>
        %dma_start3A_391 = tpu.memref_slice %arg11[%dma_start3A_378] : memref<5x!tpu.dma_semaphore, #tpu.memory_space<semaphore_mem>> -> memref<1x!tpu.dma_semaphore, #tpu.memory_space<semaphore_mem>>
        %dma_start3A_392 = tpu.memref_squeeze %dma_start3A_391 : memref<1x!tpu.dma_semaphore, #tpu.memory_space<semaphore_mem>> -> memref<!tpu.dma_semaphore, #tpu.memory_space<semaphore_mem>>
        tpu.enqueue_indirect_dma source(%dma_start3A_390 : memref<20479x64xf32, #tpu.memory_space<hbm>>) target(%dma_start3A_382 : memref<80x64xf32, #tpu.memory_space<vmem>>) offsets(%dma_start3A_385 : memref<80xi32, #tpu.memory_space<vmem>>) semaphore(%dma_start3A_392 : memref<!tpu.dma_semaphore, #tpu.memory_space<semaphore_mem>>)
      } else {
      }
    }
    %scan3A_93 = arith.constant 50 : i32
    %barrier3A_94 = arith.constant 0 : index
    tpu.barrier barrier_id(%barrier3A_94)
    %mul3A_95 = arith.constant 640 : i32
    %mul3A_96 = arith.muli %arg1, %mul3A_95 : i32
    %mul3A_97 = arith.constant 640 : i32
    %mul3A_98 = arith.muli %arg1, %mul3A_97 : i32
    "tpu.region"() ({
      %run_scoped3A = tpu.sem_alloc : memref<!tpu.dma_semaphore, #tpu.memory_space<semaphore_mem>>
      %dma_start3A_99 = arith.constant 0 : i32
      %dma_start3A_100 = tpu.memref_slice %arg6[%arg0, %mul3A_98, %dma_start3A_99] : memref<2x10240x128xf32, #tpu.memory_space<hbm>> -> memref<1x640x64xf32, #tpu.memory_space<hbm>>
      %dma_start3A_101 = tpu.memref_squeeze %dma_start3A_100 : memref<1x640x64xf32, #tpu.memory_space<hbm>> -> memref<640x64xf32, #tpu.memory_space<hbm>>
      %dma_start3A_102 = arith.constant 0 : i32
      %dma_start3A_103 = tpu.memref_slice %arg10[%mul3A_96, %dma_start3A_102] : memref<10240x64xf32, #tpu.memory_space<vmem_shared>> -> memref<640x64xf32, #tpu.memory_space<vmem_shared>>
      tpu.enqueue_dma source(%dma_start3A_103 : memref<640x64xf32, #tpu.memory_space<vmem_shared>>) target(%dma_start3A_101 : memref<640x64xf32, #tpu.memory_space<hbm>>) target_semaphore(%run_scoped3A : memref<!tpu.dma_semaphore, #tpu.memory_space<semaphore_mem>>)
      %dma_wait3A = arith.constant 0 : i32
      %dma_wait3A_104 = tpu.memref_slice %arg6[%arg0, %mul3A_98, %dma_wait3A] : memref<2x10240x128xf32, #tpu.memory_space<hbm>> -> memref<1x640x64xf32, #tpu.memory_space<hbm>>
      %dma_wait3A_105 = tpu.memref_squeeze %dma_wait3A_104 : memref<1x640x64xf32, #tpu.memory_space<hbm>> -> memref<640x64xf32, #tpu.memory_space<hbm>>
      %dma_wait3A_106 = arith.constant 0 : i32
      %dma_wait3A_107 = tpu.memref_slice %arg10[%mul3A_96, %dma_wait3A_106] : memref<10240x64xf32, #tpu.memory_space<vmem_shared>> -> memref<640x64xf32, #tpu.memory_space<vmem_shared>>
      tpu.wait_dma2 semaphore(%run_scoped3A : memref<!tpu.dma_semaphore, #tpu.memory_space<semaphore_mem>>) src(%dma_wait3A_107 : memref<640x64xf32, #tpu.memory_space<vmem_shared>>) dst(%dma_wait3A_105 : memref<640x64xf32, #tpu.memory_space<hbm>>)
      tpu.yield
    }) : () -> ()
    return
  }
}

#map = affine_map<(d0, d1) -> (0, 0)>
#map1 = affine_map<(d0, d1) -> (0, 0, 0)>
module attributes {stable_mosaic.version = 14 : i64} {
  func.func @_sc_seg16_body(%arg0: i32, %arg1: i32, %arg2: memref<10240x16xf32, #tpu.memory_space<hbm>>, %arg3: memref<16x250x80xi32, #tpu.memory_space<hbm>>, %arg4: memref<16x250x80xi32, #tpu.memory_space<hbm>>, %arg5: memref<640x16xf32, #tpu.memory_space<hbm>>, %arg6: memref<2x10240x128xf32, #tpu.memory_space<hbm>>, %arg7: memref<125x80xi32, #tpu.memory_space<vmem>>, %arg8: memref<125x80xi32, #tpu.memory_space<vmem>>, %arg9: memref<5x80x16xf32, #tpu.memory_space<vmem>>, %arg10: memref<10240x16xf32, #tpu.memory_space<vmem_shared>>, %arg11: memref<5x!tpu.dma_semaphore, #tpu.memory_space<semaphore_mem>>, %arg12: memref<5x!tpu.dma_semaphore, #tpu.memory_space<semaphore_mem>>) attributes {dimension_semantics = [#tpu.dimension_semantics<core_parallel>, #tpu.dimension_semantics<subcore_parallel>], iteration_bounds = array<i64: 2, 16>, scalar_prefetch = 0 : i64, scratch_operands = 6 : i64, tpu.core_type = #tpu.core_type<sc_vector_subcore>, window_params = [{transform_indices = #map}, {transform_indices = #map1}, {transform_indices = #map1}, {transform_indices = #map}, {transform_indices = #map1}]} {
    %mul3A = arith.constant 125 : i32
    %mul3A_0 = arith.muli %arg0, %mul3A : i32
    "tpu.region"() ({
      %run_scoped3A = tpu.sem_alloc : memref<!tpu.dma_semaphore, #tpu.memory_space<semaphore_mem>>
      %dma_start3A_88 = arith.constant 0 : i32
      %dma_start3A_89 = tpu.memref_slice %arg3[%arg1, %mul3A_0, %dma_start3A_88] : memref<16x250x80xi32, #tpu.memory_space<hbm>> -> memref<1x125x80xi32, #tpu.memory_space<hbm>>
      %dma_start3A_90 = tpu.memref_squeeze %dma_start3A_89 : memref<1x125x80xi32, #tpu.memory_space<hbm>> -> memref<125x80xi32, #tpu.memory_space<hbm>>
      %dma_start3A_91 = arith.constant 0 : i32
      %dma_start3A_92 = tpu.memref_slice %arg3[%arg1, %mul3A_0, %dma_start3A_91] : memref<16x250x80xi32, #tpu.memory_space<hbm>> -> memref<1x125x80xi32, #tpu.memory_space<hbm>>
      %dma_start3A_93 = tpu.memref_squeeze %dma_start3A_92 : memref<1x125x80xi32, #tpu.memory_space<hbm>> -> memref<125x80xi32, #tpu.memory_space<hbm>>
      tpu.enqueue_dma source(%dma_start3A_93 : memref<125x80xi32, #tpu.memory_space<hbm>>) target(%arg7 : memref<125x80xi32, #tpu.memory_space<vmem>>) target_semaphore(%run_scoped3A : memref<!tpu.dma_semaphore, #tpu.memory_space<semaphore_mem>>)
      %dma_wait3A = arith.constant 0 : i32
      %dma_wait3A_94 = tpu.memref_slice %arg3[%arg1, %mul3A_0, %dma_wait3A] : memref<16x250x80xi32, #tpu.memory_space<hbm>> -> memref<1x125x80xi32, #tpu.memory_space<hbm>>
      %dma_wait3A_95 = tpu.memref_squeeze %dma_wait3A_94 : memref<1x125x80xi32, #tpu.memory_space<hbm>> -> memref<125x80xi32, #tpu.memory_space<hbm>>
      %dma_wait3A_96 = arith.constant 0 : i32
      %dma_wait3A_97 = tpu.memref_slice %arg3[%arg1, %mul3A_0, %dma_wait3A_96] : memref<16x250x80xi32, #tpu.memory_space<hbm>> -> memref<1x125x80xi32, #tpu.memory_space<hbm>>
      %dma_wait3A_98 = tpu.memref_squeeze %dma_wait3A_97 : memref<1x125x80xi32, #tpu.memory_space<hbm>> -> memref<125x80xi32, #tpu.memory_space<hbm>>
      tpu.wait_dma2 semaphore(%run_scoped3A : memref<!tpu.dma_semaphore, #tpu.memory_space<semaphore_mem>>) src(%dma_wait3A_98 : memref<125x80xi32, #tpu.memory_space<hbm>>) dst(%arg7 : memref<125x80xi32, #tpu.memory_space<vmem>>)
      tpu.yield
    }) : () -> ()
    %mul3A_1 = arith.constant 125 : i32
    %mul3A_2 = arith.muli %arg0, %mul3A_1 : i32
    "tpu.region"() ({
      %run_scoped3A = tpu.sem_alloc : memref<!tpu.dma_semaphore, #tpu.memory_space<semaphore_mem>>
      %dma_start3A_88 = arith.constant 0 : i32
      %dma_start3A_89 = tpu.memref_slice %arg4[%arg1, %mul3A_2, %dma_start3A_88] : memref<16x250x80xi32, #tpu.memory_space<hbm>> -> memref<1x125x80xi32, #tpu.memory_space<hbm>>
      %dma_start3A_90 = tpu.memref_squeeze %dma_start3A_89 : memref<1x125x80xi32, #tpu.memory_space<hbm>> -> memref<125x80xi32, #tpu.memory_space<hbm>>
      %dma_start3A_91 = arith.constant 0 : i32
      %dma_start3A_92 = tpu.memref_slice %arg4[%arg1, %mul3A_2, %dma_start3A_91] : memref<16x250x80xi32, #tpu.memory_space<hbm>> -> memref<1x125x80xi32, #tpu.memory_space<hbm>>
      %dma_start3A_93 = tpu.memref_squeeze %dma_start3A_92 : memref<1x125x80xi32, #tpu.memory_space<hbm>> -> memref<125x80xi32, #tpu.memory_space<hbm>>
      tpu.enqueue_dma source(%dma_start3A_93 : memref<125x80xi32, #tpu.memory_space<hbm>>) target(%arg8 : memref<125x80xi32, #tpu.memory_space<vmem>>) target_semaphore(%run_scoped3A : memref<!tpu.dma_semaphore, #tpu.memory_space<semaphore_mem>>)
      %dma_wait3A = arith.constant 0 : i32
      %dma_wait3A_94 = tpu.memref_slice %arg4[%arg1, %mul3A_2, %dma_wait3A] : memref<16x250x80xi32, #tpu.memory_space<hbm>> -> memref<1x125x80xi32, #tpu.memory_space<hbm>>
      %dma_wait3A_95 = tpu.memref_squeeze %dma_wait3A_94 : memref<1x125x80xi32, #tpu.memory_space<hbm>> -> memref<125x80xi32, #tpu.memory_space<hbm>>
      %dma_wait3A_96 = arith.constant 0 : i32
      %dma_wait3A_97 = tpu.memref_slice %arg4[%arg1, %mul3A_2, %dma_wait3A_96] : memref<16x250x80xi32, #tpu.memory_space<hbm>> -> memref<1x125x80xi32, #tpu.memory_space<hbm>>
      %dma_wait3A_98 = tpu.memref_squeeze %dma_wait3A_97 : memref<1x125x80xi32, #tpu.memory_space<hbm>> -> memref<125x80xi32, #tpu.memory_space<hbm>>
      tpu.wait_dma2 semaphore(%run_scoped3A : memref<!tpu.dma_semaphore, #tpu.memory_space<semaphore_mem>>) src(%dma_wait3A_98 : memref<125x80xi32, #tpu.memory_space<hbm>>) dst(%arg8 : memref<125x80xi32, #tpu.memory_space<vmem>>)
      tpu.yield
    }) : () -> ()
    %mul3A_3 = arith.constant 640 : i32
    %mul3A_4 = arith.muli %arg1, %mul3A_3 : i32
    "tpu.region"() ({
      %run_scoped3A = tpu.sem_alloc : memref<!tpu.dma_semaphore, #tpu.memory_space<semaphore_mem>>
      %dma_start3A_88 = arith.constant 0 : i32
      %dma_start3A_89 = tpu.memref_slice %arg10[%mul3A_4, %dma_start3A_88] : memref<10240x16xf32, #tpu.memory_space<vmem_shared>> -> memref<640x16xf32, #tpu.memory_space<vmem_shared>>
      tpu.enqueue_dma source(%arg5 : memref<640x16xf32, #tpu.memory_space<hbm>>) target(%dma_start3A_89 : memref<640x16xf32, #tpu.memory_space<vmem_shared>>) target_semaphore(%run_scoped3A : memref<!tpu.dma_semaphore, #tpu.memory_space<semaphore_mem>>)
      %dma_wait3A = arith.constant 0 : i32
      %dma_wait3A_90 = tpu.memref_slice %arg10[%mul3A_4, %dma_wait3A] : memref<10240x16xf32, #tpu.memory_space<vmem_shared>> -> memref<640x16xf32, #tpu.memory_space<vmem_shared>>
      tpu.wait_dma2 semaphore(%run_scoped3A : memref<!tpu.dma_semaphore, #tpu.memory_space<semaphore_mem>>) src(%arg5 : memref<640x16xf32, #tpu.memory_space<hbm>>) dst(%dma_wait3A_90 : memref<640x16xf32, #tpu.memory_space<vmem_shared>>)
      tpu.yield
    }) : () -> ()
    %barrier3A = arith.constant 0 : index
    tpu.barrier barrier_id(%barrier3A)
    %dma_start3A = arith.constant 0 : i32
    %dma_start3A_5 = arith.constant 0 : i32
    %dma_start3A_6 = arith.constant 0 : i32
    %dma_start3A_7 = arith.constant 0 : i32
    %dma_start3A_8 = arith.constant 0 : i32
    %dma_start3A_9 = tpu.memref_slice %arg9[%dma_start3A_5, %dma_start3A_7, %dma_start3A_8] : memref<5x80x16xf32, #tpu.memory_space<vmem>> -> memref<1x80x16xf32, #tpu.memory_space<vmem>>
    %dma_start3A_10 = tpu.memref_squeeze %dma_start3A_9 : memref<1x80x16xf32, #tpu.memory_space<vmem>> -> memref<80x16xf32, #tpu.memory_space<vmem>>
    %dma_start3A_11 = arith.constant 0 : i32
    %dma_start3A_12 = tpu.memref_slice %arg7[%dma_start3A, %dma_start3A_11] : memref<125x80xi32, #tpu.memory_space<vmem>> -> memref<1x80xi32, #tpu.memory_space<vmem>>
    %dma_start3A_13 = tpu.memref_squeeze %dma_start3A_12 : memref<1x80xi32, #tpu.memory_space<vmem>> -> memref<80xi32, #tpu.memory_space<vmem>>
    %dma_start3A_14 = arith.constant 0 : i32
    %dma_start3A_15 = arith.constant 0 : i32
    %dma_start3A_16 = tpu.memref_slice %arg2[%dma_start3A_14, %dma_start3A_15] : memref<10240x16xf32, #tpu.memory_space<hbm>> -> memref<10240x16xf32, #tpu.memory_space<hbm>>
    %dma_start3A_17 = tpu.memref_slice %arg11[%dma_start3A_6] : memref<5x!tpu.dma_semaphore, #tpu.memory_space<semaphore_mem>> -> memref<1x!tpu.dma_semaphore, #tpu.memory_space<semaphore_mem>>
    %dma_start3A_18 = tpu.memref_squeeze %dma_start3A_17 : memref<1x!tpu.dma_semaphore, #tpu.memory_space<semaphore_mem>> -> memref<!tpu.dma_semaphore, #tpu.memory_space<semaphore_mem>>
    tpu.enqueue_indirect_dma source(%dma_start3A_16 : memref<10240x16xf32, #tpu.memory_space<hbm>>) target(%dma_start3A_10 : memref<80x16xf32, #tpu.memory_space<vmem>>) offsets(%dma_start3A_13 : memref<80xi32, #tpu.memory_space<vmem>>) semaphore(%dma_start3A_18 : memref<!tpu.dma_semaphore, #tpu.memory_space<semaphore_mem>>)
    %dma_start3A_19 = arith.constant 1 : i32
    %dma_start3A_20 = arith.constant 1 : i32
    %dma_start3A_21 = arith.constant 1 : i32
    %dma_start3A_22 = arith.constant 0 : i32
    %dma_start3A_23 = arith.constant 0 : i32
    %dma_start3A_24 = tpu.memref_slice %arg9[%dma_start3A_20, %dma_start3A_22, %dma_start3A_23] : memref<5x80x16xf32, #tpu.memory_space<vmem>> -> memref<1x80x16xf32, #tpu.memory_space<vmem>>
    %dma_start3A_25 = tpu.memref_squeeze %dma_start3A_24 : memref<1x80x16xf32, #tpu.memory_space<vmem>> -> memref<80x16xf32, #tpu.memory_space<vmem>>
    %dma_start3A_26 = arith.constant 0 : i32
    %dma_start3A_27 = tpu.memref_slice %arg7[%dma_start3A_19, %dma_start3A_26] : memref<125x80xi32, #tpu.memory_space<vmem>> -> memref<1x80xi32, #tpu.memory_space<vmem>>
    %dma_start3A_28 = tpu.memref_squeeze %dma_start3A_27 : memref<1x80xi32, #tpu.memory_space<vmem>> -> memref<80xi32, #tpu.memory_space<vmem>>
    %dma_start3A_29 = arith.constant 0 : i32
    %dma_start3A_30 = arith.constant 0 : i32
    %dma_start3A_31 = tpu.memref_slice %arg2[%dma_start3A_29, %dma_start3A_30] : memref<10240x16xf32, #tpu.memory_space<hbm>> -> memref<10240x16xf32, #tpu.memory_space<hbm>>
    %dma_start3A_32 = tpu.memref_slice %arg11[%dma_start3A_21] : memref<5x!tpu.dma_semaphore, #tpu.memory_space<semaphore_mem>> -> memref<1x!tpu.dma_semaphore, #tpu.memory_space<semaphore_mem>>
    %dma_start3A_33 = tpu.memref_squeeze %dma_start3A_32 : memref<1x!tpu.dma_semaphore, #tpu.memory_space<semaphore_mem>> -> memref<!tpu.dma_semaphore, #tpu.memory_space<semaphore_mem>>
    tpu.enqueue_indirect_dma source(%dma_start3A_31 : memref<10240x16xf32, #tpu.memory_space<hbm>>) target(%dma_start3A_25 : memref<80x16xf32, #tpu.memory_space<vmem>>) offsets(%dma_start3A_28 : memref<80xi32, #tpu.memory_space<vmem>>) semaphore(%dma_start3A_33 : memref<!tpu.dma_semaphore, #tpu.memory_space<semaphore_mem>>)
    %dma_start3A_34 = arith.constant 2 : i32
    %dma_start3A_35 = arith.constant 2 : i32
    %dma_start3A_36 = arith.constant 2 : i32
    %dma_start3A_37 = arith.constant 0 : i32
    %dma_start3A_38 = arith.constant 0 : i32
    %dma_start3A_39 = tpu.memref_slice %arg9[%dma_start3A_35, %dma_start3A_37, %dma_start3A_38] : memref<5x80x16xf32, #tpu.memory_space<vmem>> -> memref<1x80x16xf32, #tpu.memory_space<vmem>>
    %dma_start3A_40 = tpu.memref_squeeze %dma_start3A_39 : memref<1x80x16xf32, #tpu.memory_space<vmem>> -> memref<80x16xf32, #tpu.memory_space<vmem>>
    %dma_start3A_41 = arith.constant 0 : i32
    %dma_start3A_42 = tpu.memref_slice %arg7[%dma_start3A_34, %dma_start3A_41] : memref<125x80xi32, #tpu.memory_space<vmem>> -> memref<1x80xi32, #tpu.memory_space<vmem>>
    %dma_start3A_43 = tpu.memref_squeeze %dma_start3A_42 : memref<1x80xi32, #tpu.memory_space<vmem>> -> memref<80xi32, #tpu.memory_space<vmem>>
    %dma_start3A_44 = arith.constant 0 : i32
    %dma_start3A_45 = arith.constant 0 : i32
    %dma_start3A_46 = tpu.memref_slice %arg2[%dma_start3A_44, %dma_start3A_45] : memref<10240x16xf32, #tpu.memory_space<hbm>> -> memref<10240x16xf32, #tpu.memory_space<hbm>>
    %dma_start3A_47 = tpu.memref_slice %arg11[%dma_start3A_36] : memref<5x!tpu.dma_semaphore, #tpu.memory_space<semaphore_mem>> -> memref<1x!tpu.dma_semaphore, #tpu.memory_space<semaphore_mem>>
    %dma_start3A_48 = tpu.memref_squeeze %dma_start3A_47 : memref<1x!tpu.dma_semaphore, #tpu.memory_space<semaphore_mem>> -> memref<!tpu.dma_semaphore, #tpu.memory_space<semaphore_mem>>
    tpu.enqueue_indirect_dma source(%dma_start3A_46 : memref<10240x16xf32, #tpu.memory_space<hbm>>) target(%dma_start3A_40 : memref<80x16xf32, #tpu.memory_space<vmem>>) offsets(%dma_start3A_43 : memref<80xi32, #tpu.memory_space<vmem>>) semaphore(%dma_start3A_48 : memref<!tpu.dma_semaphore, #tpu.memory_space<semaphore_mem>>)
    %dma_start3A_49 = arith.constant 3 : i32
    %dma_start3A_50 = arith.constant 3 : i32
    %dma_start3A_51 = arith.constant 3 : i32
    %dma_start3A_52 = arith.constant 0 : i32
    %dma_start3A_53 = arith.constant 0 : i32
    %dma_start3A_54 = tpu.memref_slice %arg9[%dma_start3A_50, %dma_start3A_52, %dma_start3A_53] : memref<5x80x16xf32, #tpu.memory_space<vmem>> -> memref<1x80x16xf32, #tpu.memory_space<vmem>>
    %dma_start3A_55 = tpu.memref_squeeze %dma_start3A_54 : memref<1x80x16xf32, #tpu.memory_space<vmem>> -> memref<80x16xf32, #tpu.memory_space<vmem>>
    %dma_start3A_56 = arith.constant 0 : i32
    %dma_start3A_57 = tpu.memref_slice %arg7[%dma_start3A_49, %dma_start3A_56] : memref<125x80xi32, #tpu.memory_space<vmem>> -> memref<1x80xi32, #tpu.memory_space<vmem>>
    %dma_start3A_58 = tpu.memref_squeeze %dma_start3A_57 : memref<1x80xi32, #tpu.memory_space<vmem>> -> memref<80xi32, #tpu.memory_space<vmem>>
    %dma_start3A_59 = arith.constant 0 : i32
    %dma_start3A_60 = arith.constant 0 : i32
    %dma_start3A_61 = tpu.memref_slice %arg2[%dma_start3A_59, %dma_start3A_60] : memref<10240x16xf32, #tpu.memory_space<hbm>> -> memref<10240x16xf32, #tpu.memory_space<hbm>>
    %dma_start3A_62 = tpu.memref_slice %arg11[%dma_start3A_51] : memref<5x!tpu.dma_semaphore, #tpu.memory_space<semaphore_mem>> -> memref<1x!tpu.dma_semaphore, #tpu.memory_space<semaphore_mem>>
    %dma_start3A_63 = tpu.memref_squeeze %dma_start3A_62 : memref<1x!tpu.dma_semaphore, #tpu.memory_space<semaphore_mem>> -> memref<!tpu.dma_semaphore, #tpu.memory_space<semaphore_mem>>
    tpu.enqueue_indirect_dma source(%dma_start3A_61 : memref<10240x16xf32, #tpu.memory_space<hbm>>) target(%dma_start3A_55 : memref<80x16xf32, #tpu.memory_space<vmem>>) offsets(%dma_start3A_58 : memref<80xi32, #tpu.memory_space<vmem>>) semaphore(%dma_start3A_63 : memref<!tpu.dma_semaphore, #tpu.memory_space<semaphore_mem>>)
    %dma_start3A_64 = arith.constant 4 : i32
    %dma_start3A_65 = arith.constant 4 : i32
    %dma_start3A_66 = arith.constant 4 : i32
    %dma_start3A_67 = arith.constant 0 : i32
    %dma_start3A_68 = arith.constant 0 : i32
    %dma_start3A_69 = tpu.memref_slice %arg9[%dma_start3A_65, %dma_start3A_67, %dma_start3A_68] : memref<5x80x16xf32, #tpu.memory_space<vmem>> -> memref<1x80x16xf32, #tpu.memory_space<vmem>>
    %dma_start3A_70 = tpu.memref_squeeze %dma_start3A_69 : memref<1x80x16xf32, #tpu.memory_space<vmem>> -> memref<80x16xf32, #tpu.memory_space<vmem>>
    %dma_start3A_71 = arith.constant 0 : i32
    %dma_start3A_72 = tpu.memref_slice %arg7[%dma_start3A_64, %dma_start3A_71] : memref<125x80xi32, #tpu.memory_space<vmem>> -> memref<1x80xi32, #tpu.memory_space<vmem>>
    %dma_start3A_73 = tpu.memref_squeeze %dma_start3A_72 : memref<1x80xi32, #tpu.memory_space<vmem>> -> memref<80xi32, #tpu.memory_space<vmem>>
    %dma_start3A_74 = arith.constant 0 : i32
    %dma_start3A_75 = arith.constant 0 : i32
    %dma_start3A_76 = tpu.memref_slice %arg2[%dma_start3A_74, %dma_start3A_75] : memref<10240x16xf32, #tpu.memory_space<hbm>> -> memref<10240x16xf32, #tpu.memory_space<hbm>>
    %dma_start3A_77 = tpu.memref_slice %arg11[%dma_start3A_66] : memref<5x!tpu.dma_semaphore, #tpu.memory_space<semaphore_mem>> -> memref<1x!tpu.dma_semaphore, #tpu.memory_space<semaphore_mem>>
    %dma_start3A_78 = tpu.memref_squeeze %dma_start3A_77 : memref<1x!tpu.dma_semaphore, #tpu.memory_space<semaphore_mem>> -> memref<!tpu.dma_semaphore, #tpu.memory_space<semaphore_mem>>
    tpu.enqueue_indirect_dma source(%dma_start3A_76 : memref<10240x16xf32, #tpu.memory_space<hbm>>) target(%dma_start3A_70 : memref<80x16xf32, #tpu.memory_space<vmem>>) offsets(%dma_start3A_73 : memref<80xi32, #tpu.memory_space<vmem>>) semaphore(%dma_start3A_78 : memref<!tpu.dma_semaphore, #tpu.memory_space<semaphore_mem>>)
    %scan3A = arith.constant 0 : i32
    %scan3A_79 = arith.constant 25 : i32
    %scan3A_80 = arith.addi %scan3A, %scan3A_79 : i32
    %scan3A_81 = arith.constant 1 : i32
    scf.for %scan3A_88 = %scan3A to %scan3A_80 step %scan3A_81  : i32 {
      %mul3A_89 = arith.constant 1 : i32
      %mul3A_90 = arith.muli %scan3A_88, %mul3A_89 : i32
      %add3A = arith.constant 0 : i32
      %add3A_91 = arith.addi %add3A, %mul3A_90 : i32
      %mul3A_92 = arith.constant 5 : i32
      %mul3A_93 = arith.muli %add3A_91, %mul3A_92 : i32
      %add3A_94 = arith.constant 0 : i32
      %add3A_95 = arith.addi %mul3A_93, %add3A_94 : i32
      %dma_wait3A = arith.constant 0 : i32
      %dma_wait3A_96 = arith.constant 0 : i32
      %dma_wait3A_97 = arith.constant 0 : i32
      %dma_wait3A_98 = arith.constant 0 : i32
      %dma_wait3A_99 = tpu.memref_slice %arg9[%dma_wait3A, %dma_wait3A_97, %dma_wait3A_98] : memref<5x80x16xf32, #tpu.memory_space<vmem>> -> memref<1x80x16xf32, #tpu.memory_space<vmem>>
      %dma_wait3A_100 = tpu.memref_squeeze %dma_wait3A_99 : memref<1x80x16xf32, #tpu.memory_space<vmem>> -> memref<80x16xf32, #tpu.memory_space<vmem>>
      %dma_wait3A_101 = arith.constant 0 : i32
      %dma_wait3A_102 = tpu.memref_slice %arg7[%add3A_95, %dma_wait3A_101] : memref<125x80xi32, #tpu.memory_space<vmem>> -> memref<1x80xi32, #tpu.memory_space<vmem>>
      %dma_wait3A_103 = tpu.memref_squeeze %dma_wait3A_102 : memref<1x80xi32, #tpu.memory_space<vmem>> -> memref<80xi32, #tpu.memory_space<vmem>>
      %dma_wait3A_104 = arith.constant 0 : i32
      %dma_wait3A_105 = arith.constant 0 : i32
      %dma_wait3A_106 = tpu.memref_slice %arg2[%dma_wait3A_104, %dma_wait3A_105] : memref<10240x16xf32, #tpu.memory_space<hbm>> -> memref<10240x16xf32, #tpu.memory_space<hbm>>
      %dma_wait3A_107 = tpu.memref_slice %arg11[%dma_wait3A_96] : memref<5x!tpu.dma_semaphore, #tpu.memory_space<semaphore_mem>> -> memref<1x!tpu.dma_semaphore, #tpu.memory_space<semaphore_mem>>
      %dma_wait3A_108 = tpu.memref_squeeze %dma_wait3A_107 : memref<1x!tpu.dma_semaphore, #tpu.memory_space<semaphore_mem>> -> memref<!tpu.dma_semaphore, #tpu.memory_space<semaphore_mem>>
      tpu.wait_indirect_dma semaphore(%dma_wait3A_108 : memref<!tpu.dma_semaphore, #tpu.memory_space<semaphore_mem>>) src(%dma_wait3A_106 : memref<10240x16xf32, #tpu.memory_space<hbm>>) dst(%dma_wait3A_100 : memref<80x16xf32, #tpu.memory_space<vmem>>)
      %dma_start3A_109 = arith.constant 0 : i32
      %dma_start3A_110 = arith.constant 0 : i32
      %dma_start3A_111 = arith.constant 0 : i32
      %dma_start3A_112 = arith.constant 0 : i32
      %dma_start3A_113 = tpu.memref_slice %arg9[%dma_start3A_109, %dma_start3A_111, %dma_start3A_112] : memref<5x80x16xf32, #tpu.memory_space<vmem>> -> memref<1x80x16xf32, #tpu.memory_space<vmem>>
      %dma_start3A_114 = tpu.memref_squeeze %dma_start3A_113 : memref<1x80x16xf32, #tpu.memory_space<vmem>> -> memref<80x16xf32, #tpu.memory_space<vmem>>
      %dma_start3A_115 = arith.constant 0 : i32
      %dma_start3A_116 = tpu.memref_slice %arg8[%add3A_95, %dma_start3A_115] : memref<125x80xi32, #tpu.memory_space<vmem>> -> memref<1x80xi32, #tpu.memory_space<vmem>>
      %dma_start3A_117 = tpu.memref_squeeze %dma_start3A_116 : memref<1x80xi32, #tpu.memory_space<vmem>> -> memref<80xi32, #tpu.memory_space<vmem>>
      %dma_start3A_118 = arith.constant 0 : i32
      %dma_start3A_119 = arith.constant 0 : i32
      %dma_start3A_120 = tpu.memref_slice %arg10[%dma_start3A_118, %dma_start3A_119] : memref<10240x16xf32, #tpu.memory_space<vmem_shared>> -> memref<10240x16xf32, #tpu.memory_space<vmem_shared>>
      %dma_start3A_121 = tpu.memref_slice %arg12[%dma_start3A_110] : memref<5x!tpu.dma_semaphore, #tpu.memory_space<semaphore_mem>> -> memref<1x!tpu.dma_semaphore, #tpu.memory_space<semaphore_mem>>
      %dma_start3A_122 = tpu.memref_squeeze %dma_start3A_121 : memref<1x!tpu.dma_semaphore, #tpu.memory_space<semaphore_mem>> -> memref<!tpu.dma_semaphore, #tpu.memory_space<semaphore_mem>>
      tpu.enqueue_indirect_dma source(%dma_start3A_114 : memref<80x16xf32, #tpu.memory_space<vmem>>) target(%dma_start3A_120 : memref<10240x16xf32, #tpu.memory_space<vmem_shared>>) offsets(%dma_start3A_117 : memref<80xi32, #tpu.memory_space<vmem>>) semaphore(%dma_start3A_122 : memref<!tpu.dma_semaphore, #tpu.memory_space<semaphore_mem>>) {add = true}
      %dma_wait3A_123 = arith.constant 0 : i32
      %dma_wait3A_124 = arith.constant 0 : i32
      %dma_wait3A_125 = arith.constant 0 : i32
      %dma_wait3A_126 = arith.constant 0 : i32
      %dma_wait3A_127 = tpu.memref_slice %arg9[%dma_wait3A_123, %dma_wait3A_125, %dma_wait3A_126] : memref<5x80x16xf32, #tpu.memory_space<vmem>> -> memref<1x80x16xf32, #tpu.memory_space<vmem>>
      %dma_wait3A_128 = tpu.memref_squeeze %dma_wait3A_127 : memref<1x80x16xf32, #tpu.memory_space<vmem>> -> memref<80x16xf32, #tpu.memory_space<vmem>>
      %dma_wait3A_129 = arith.constant 0 : i32
      %dma_wait3A_130 = tpu.memref_slice %arg8[%add3A_95, %dma_wait3A_129] : memref<125x80xi32, #tpu.memory_space<vmem>> -> memref<1x80xi32, #tpu.memory_space<vmem>>
      %dma_wait3A_131 = tpu.memref_squeeze %dma_wait3A_130 : memref<1x80xi32, #tpu.memory_space<vmem>> -> memref<80xi32, #tpu.memory_space<vmem>>
      %dma_wait3A_132 = arith.constant 0 : i32
      %dma_wait3A_133 = arith.constant 0 : i32
      %dma_wait3A_134 = tpu.memref_slice %arg10[%dma_wait3A_132, %dma_wait3A_133] : memref<10240x16xf32, #tpu.memory_space<vmem_shared>> -> memref<10240x16xf32, #tpu.memory_space<vmem_shared>>
      %dma_wait3A_135 = tpu.memref_slice %arg12[%dma_wait3A_124] : memref<5x!tpu.dma_semaphore, #tpu.memory_space<semaphore_mem>> -> memref<1x!tpu.dma_semaphore, #tpu.memory_space<semaphore_mem>>
      %dma_wait3A_136 = tpu.memref_squeeze %dma_wait3A_135 : memref<1x!tpu.dma_semaphore, #tpu.memory_space<semaphore_mem>> -> memref<!tpu.dma_semaphore, #tpu.memory_space<semaphore_mem>>
      tpu.wait_indirect_dma semaphore(%dma_wait3A_136 : memref<!tpu.dma_semaphore, #tpu.memory_space<semaphore_mem>>) src(%dma_wait3A_128 : memref<80x16xf32, #tpu.memory_space<vmem>>) dst(%dma_wait3A_134 : memref<10240x16xf32, #tpu.memory_space<vmem_shared>>)
      %add3A_137 = arith.constant 5 : i32
      %add3A_138 = arith.addi %add3A_95, %add3A_137 : i32
      %lt3A = arith.constant 125 : i32
      %lt3A_139 = arith.cmpi slt, %add3A_138, %lt3A : i32
      %convert_element_type3A = arith.extui %lt3A_139 : i1 to i32
      %cond3A = arith.constant 0 : i32
      %cond3A_140 = arith.cmpi ne, %convert_element_type3A, %cond3A : i32
      scf.if %cond3A_140 {
        %add3A_353 = arith.constant 5 : i32
        %add3A_354 = arith.addi %add3A_95, %add3A_353 : i32
        %dma_start3A_355 = arith.constant 0 : i32
        %dma_start3A_356 = arith.constant 0 : i32
        %dma_start3A_357 = arith.constant 0 : i32
        %dma_start3A_358 = arith.constant 0 : i32
        %dma_start3A_359 = tpu.memref_slice %arg9[%dma_start3A_355, %dma_start3A_357, %dma_start3A_358] : memref<5x80x16xf32, #tpu.memory_space<vmem>> -> memref<1x80x16xf32, #tpu.memory_space<vmem>>
        %dma_start3A_360 = tpu.memref_squeeze %dma_start3A_359 : memref<1x80x16xf32, #tpu.memory_space<vmem>> -> memref<80x16xf32, #tpu.memory_space<vmem>>
        %dma_start3A_361 = arith.constant 0 : i32
        %dma_start3A_362 = tpu.memref_slice %arg7[%add3A_354, %dma_start3A_361] : memref<125x80xi32, #tpu.memory_space<vmem>> -> memref<1x80xi32, #tpu.memory_space<vmem>>
        %dma_start3A_363 = tpu.memref_squeeze %dma_start3A_362 : memref<1x80xi32, #tpu.memory_space<vmem>> -> memref<80xi32, #tpu.memory_space<vmem>>
        %dma_start3A_364 = arith.constant 0 : i32
        %dma_start3A_365 = arith.constant 0 : i32
        %dma_start3A_366 = tpu.memref_slice %arg2[%dma_start3A_364, %dma_start3A_365] : memref<10240x16xf32, #tpu.memory_space<hbm>> -> memref<10240x16xf32, #tpu.memory_space<hbm>>
        %dma_start3A_367 = tpu.memref_slice %arg11[%dma_start3A_356] : memref<5x!tpu.dma_semaphore, #tpu.memory_space<semaphore_mem>> -> memref<1x!tpu.dma_semaphore, #tpu.memory_space<semaphore_mem>>
        %dma_start3A_368 = tpu.memref_squeeze %dma_start3A_367 : memref<1x!tpu.dma_semaphore, #tpu.memory_space<semaphore_mem>> -> memref<!tpu.dma_semaphore, #tpu.memory_space<semaphore_mem>>
        tpu.enqueue_indirect_dma source(%dma_start3A_366 : memref<10240x16xf32, #tpu.memory_space<hbm>>) target(%dma_start3A_360 : memref<80x16xf32, #tpu.memory_space<vmem>>) offsets(%dma_start3A_363 : memref<80xi32, #tpu.memory_space<vmem>>) semaphore(%dma_start3A_368 : memref<!tpu.dma_semaphore, #tpu.memory_space<semaphore_mem>>)
      } else {
      }
      %mul3A_141 = arith.constant 5 : i32
      %mul3A_142 = arith.muli %add3A_91, %mul3A_141 : i32
      %add3A_143 = arith.constant 1 : i32
      %add3A_144 = arith.addi %mul3A_142, %add3A_143 : i32
      %dma_wait3A_145 = arith.constant 1 : i32
      %dma_wait3A_146 = arith.constant 1 : i32
      %dma_wait3A_147 = arith.constant 0 : i32
      %dma_wait3A_148 = arith.constant 0 : i32
      %dma_wait3A_149 = tpu.memref_slice %arg9[%dma_wait3A_145, %dma_wait3A_147, %dma_wait3A_148] : memref<5x80x16xf32, #tpu.memory_space<vmem>> -> memref<1x80x16xf32, #tpu.memory_space<vmem>>
      %dma_wait3A_150 = tpu.memref_squeeze %dma_wait3A_149 : memref<1x80x16xf32, #tpu.memory_space<vmem>> -> memref<80x16xf32, #tpu.memory_space<vmem>>
      %dma_wait3A_151 = arith.constant 0 : i32
      %dma_wait3A_152 = tpu.memref_slice %arg7[%add3A_144, %dma_wait3A_151] : memref<125x80xi32, #tpu.memory_space<vmem>> -> memref<1x80xi32, #tpu.memory_space<vmem>>
      %dma_wait3A_153 = tpu.memref_squeeze %dma_wait3A_152 : memref<1x80xi32, #tpu.memory_space<vmem>> -> memref<80xi32, #tpu.memory_space<vmem>>
      %dma_wait3A_154 = arith.constant 0 : i32
      %dma_wait3A_155 = arith.constant 0 : i32
      %dma_wait3A_156 = tpu.memref_slice %arg2[%dma_wait3A_154, %dma_wait3A_155] : memref<10240x16xf32, #tpu.memory_space<hbm>> -> memref<10240x16xf32, #tpu.memory_space<hbm>>
      %dma_wait3A_157 = tpu.memref_slice %arg11[%dma_wait3A_146] : memref<5x!tpu.dma_semaphore, #tpu.memory_space<semaphore_mem>> -> memref<1x!tpu.dma_semaphore, #tpu.memory_space<semaphore_mem>>
      %dma_wait3A_158 = tpu.memref_squeeze %dma_wait3A_157 : memref<1x!tpu.dma_semaphore, #tpu.memory_space<semaphore_mem>> -> memref<!tpu.dma_semaphore, #tpu.memory_space<semaphore_mem>>
      tpu.wait_indirect_dma semaphore(%dma_wait3A_158 : memref<!tpu.dma_semaphore, #tpu.memory_space<semaphore_mem>>) src(%dma_wait3A_156 : memref<10240x16xf32, #tpu.memory_space<hbm>>) dst(%dma_wait3A_150 : memref<80x16xf32, #tpu.memory_space<vmem>>)
      %dma_start3A_159 = arith.constant 1 : i32
      %dma_start3A_160 = arith.constant 1 : i32
      %dma_start3A_161 = arith.constant 0 : i32
      %dma_start3A_162 = arith.constant 0 : i32
      %dma_start3A_163 = tpu.memref_slice %arg9[%dma_start3A_159, %dma_start3A_161, %dma_start3A_162] : memref<5x80x16xf32, #tpu.memory_space<vmem>> -> memref<1x80x16xf32, #tpu.memory_space<vmem>>
      %dma_start3A_164 = tpu.memref_squeeze %dma_start3A_163 : memref<1x80x16xf32, #tpu.memory_space<vmem>> -> memref<80x16xf32, #tpu.memory_space<vmem>>
      %dma_start3A_165 = arith.constant 0 : i32
      %dma_start3A_166 = tpu.memref_slice %arg8[%add3A_144, %dma_start3A_165] : memref<125x80xi32, #tpu.memory_space<vmem>> -> memref<1x80xi32, #tpu.memory_space<vmem>>
      %dma_start3A_167 = tpu.memref_squeeze %dma_start3A_166 : memref<1x80xi32, #tpu.memory_space<vmem>> -> memref<80xi32, #tpu.memory_space<vmem>>
      %dma_start3A_168 = arith.constant 0 : i32
      %dma_start3A_169 = arith.constant 0 : i32
      %dma_start3A_170 = tpu.memref_slice %arg10[%dma_start3A_168, %dma_start3A_169] : memref<10240x16xf32, #tpu.memory_space<vmem_shared>> -> memref<10240x16xf32, #tpu.memory_space<vmem_shared>>
      %dma_start3A_171 = tpu.memref_slice %arg12[%dma_start3A_160] : memref<5x!tpu.dma_semaphore, #tpu.memory_space<semaphore_mem>> -> memref<1x!tpu.dma_semaphore, #tpu.memory_space<semaphore_mem>>
      %dma_start3A_172 = tpu.memref_squeeze %dma_start3A_171 : memref<1x!tpu.dma_semaphore, #tpu.memory_space<semaphore_mem>> -> memref<!tpu.dma_semaphore, #tpu.memory_space<semaphore_mem>>
      tpu.enqueue_indirect_dma source(%dma_start3A_164 : memref<80x16xf32, #tpu.memory_space<vmem>>) target(%dma_start3A_170 : memref<10240x16xf32, #tpu.memory_space<vmem_shared>>) offsets(%dma_start3A_167 : memref<80xi32, #tpu.memory_space<vmem>>) semaphore(%dma_start3A_172 : memref<!tpu.dma_semaphore, #tpu.memory_space<semaphore_mem>>) {add = true}
      %dma_wait3A_173 = arith.constant 1 : i32
      %dma_wait3A_174 = arith.constant 1 : i32
      %dma_wait3A_175 = arith.constant 0 : i32
      %dma_wait3A_176 = arith.constant 0 : i32
      %dma_wait3A_177 = tpu.memref_slice %arg9[%dma_wait3A_173, %dma_wait3A_175, %dma_wait3A_176] : memref<5x80x16xf32, #tpu.memory_space<vmem>> -> memref<1x80x16xf32, #tpu.memory_space<vmem>>
      %dma_wait3A_178 = tpu.memref_squeeze %dma_wait3A_177 : memref<1x80x16xf32, #tpu.memory_space<vmem>> -> memref<80x16xf32, #tpu.memory_space<vmem>>
      %dma_wait3A_179 = arith.constant 0 : i32
      %dma_wait3A_180 = tpu.memref_slice %arg8[%add3A_144, %dma_wait3A_179] : memref<125x80xi32, #tpu.memory_space<vmem>> -> memref<1x80xi32, #tpu.memory_space<vmem>>
      %dma_wait3A_181 = tpu.memref_squeeze %dma_wait3A_180 : memref<1x80xi32, #tpu.memory_space<vmem>> -> memref<80xi32, #tpu.memory_space<vmem>>
      %dma_wait3A_182 = arith.constant 0 : i32
      %dma_wait3A_183 = arith.constant 0 : i32
      %dma_wait3A_184 = tpu.memref_slice %arg10[%dma_wait3A_182, %dma_wait3A_183] : memref<10240x16xf32, #tpu.memory_space<vmem_shared>> -> memref<10240x16xf32, #tpu.memory_space<vmem_shared>>
      %dma_wait3A_185 = tpu.memref_slice %arg12[%dma_wait3A_174] : memref<5x!tpu.dma_semaphore, #tpu.memory_space<semaphore_mem>> -> memref<1x!tpu.dma_semaphore, #tpu.memory_space<semaphore_mem>>
      %dma_wait3A_186 = tpu.memref_squeeze %dma_wait3A_185 : memref<1x!tpu.dma_semaphore, #tpu.memory_space<semaphore_mem>> -> memref<!tpu.dma_semaphore, #tpu.memory_space<semaphore_mem>>
      tpu.wait_indirect_dma semaphore(%dma_wait3A_186 : memref<!tpu.dma_semaphore, #tpu.memory_space<semaphore_mem>>) src(%dma_wait3A_178 : memref<80x16xf32, #tpu.memory_space<vmem>>) dst(%dma_wait3A_184 : memref<10240x16xf32, #tpu.memory_space<vmem_shared>>)
      %add3A_187 = arith.constant 5 : i32
      %add3A_188 = arith.addi %add3A_144, %add3A_187 : i32
      %lt3A_189 = arith.constant 125 : i32
      %lt3A_190 = arith.cmpi slt, %add3A_188, %lt3A_189 : i32
      %convert_element_type3A_191 = arith.extui %lt3A_190 : i1 to i32
      %cond3A_192 = arith.constant 0 : i32
      %cond3A_193 = arith.cmpi ne, %convert_element_type3A_191, %cond3A_192 : i32
      scf.if %cond3A_193 {
        %add3A_353 = arith.constant 5 : i32
        %add3A_354 = arith.addi %add3A_144, %add3A_353 : i32
        %dma_start3A_355 = arith.constant 1 : i32
        %dma_start3A_356 = arith.constant 1 : i32
        %dma_start3A_357 = arith.constant 0 : i32
        %dma_start3A_358 = arith.constant 0 : i32
        %dma_start3A_359 = tpu.memref_slice %arg9[%dma_start3A_355, %dma_start3A_357, %dma_start3A_358] : memref<5x80x16xf32, #tpu.memory_space<vmem>> -> memref<1x80x16xf32, #tpu.memory_space<vmem>>
        %dma_start3A_360 = tpu.memref_squeeze %dma_start3A_359 : memref<1x80x16xf32, #tpu.memory_space<vmem>> -> memref<80x16xf32, #tpu.memory_space<vmem>>
        %dma_start3A_361 = arith.constant 0 : i32
        %dma_start3A_362 = tpu.memref_slice %arg7[%add3A_354, %dma_start3A_361] : memref<125x80xi32, #tpu.memory_space<vmem>> -> memref<1x80xi32, #tpu.memory_space<vmem>>
        %dma_start3A_363 = tpu.memref_squeeze %dma_start3A_362 : memref<1x80xi32, #tpu.memory_space<vmem>> -> memref<80xi32, #tpu.memory_space<vmem>>
        %dma_start3A_364 = arith.constant 0 : i32
        %dma_start3A_365 = arith.constant 0 : i32
        %dma_start3A_366 = tpu.memref_slice %arg2[%dma_start3A_364, %dma_start3A_365] : memref<10240x16xf32, #tpu.memory_space<hbm>> -> memref<10240x16xf32, #tpu.memory_space<hbm>>
        %dma_start3A_367 = tpu.memref_slice %arg11[%dma_start3A_356] : memref<5x!tpu.dma_semaphore, #tpu.memory_space<semaphore_mem>> -> memref<1x!tpu.dma_semaphore, #tpu.memory_space<semaphore_mem>>
        %dma_start3A_368 = tpu.memref_squeeze %dma_start3A_367 : memref<1x!tpu.dma_semaphore, #tpu.memory_space<semaphore_mem>> -> memref<!tpu.dma_semaphore, #tpu.memory_space<semaphore_mem>>
        tpu.enqueue_indirect_dma source(%dma_start3A_366 : memref<10240x16xf32, #tpu.memory_space<hbm>>) target(%dma_start3A_360 : memref<80x16xf32, #tpu.memory_space<vmem>>) offsets(%dma_start3A_363 : memref<80xi32, #tpu.memory_space<vmem>>) semaphore(%dma_start3A_368 : memref<!tpu.dma_semaphore, #tpu.memory_space<semaphore_mem>>)
      } else {
      }
      %mul3A_194 = arith.constant 5 : i32
      %mul3A_195 = arith.muli %add3A_91, %mul3A_194 : i32
      %add3A_196 = arith.constant 2 : i32
      %add3A_197 = arith.addi %mul3A_195, %add3A_196 : i32
      %dma_wait3A_198 = arith.constant 2 : i32
      %dma_wait3A_199 = arith.constant 2 : i32
      %dma_wait3A_200 = arith.constant 0 : i32
      %dma_wait3A_201 = arith.constant 0 : i32
      %dma_wait3A_202 = tpu.memref_slice %arg9[%dma_wait3A_198, %dma_wait3A_200, %dma_wait3A_201] : memref<5x80x16xf32, #tpu.memory_space<vmem>> -> memref<1x80x16xf32, #tpu.memory_space<vmem>>
      %dma_wait3A_203 = tpu.memref_squeeze %dma_wait3A_202 : memref<1x80x16xf32, #tpu.memory_space<vmem>> -> memref<80x16xf32, #tpu.memory_space<vmem>>
      %dma_wait3A_204 = arith.constant 0 : i32
      %dma_wait3A_205 = tpu.memref_slice %arg7[%add3A_197, %dma_wait3A_204] : memref<125x80xi32, #tpu.memory_space<vmem>> -> memref<1x80xi32, #tpu.memory_space<vmem>>
      %dma_wait3A_206 = tpu.memref_squeeze %dma_wait3A_205 : memref<1x80xi32, #tpu.memory_space<vmem>> -> memref<80xi32, #tpu.memory_space<vmem>>
      %dma_wait3A_207 = arith.constant 0 : i32
      %dma_wait3A_208 = arith.constant 0 : i32
      %dma_wait3A_209 = tpu.memref_slice %arg2[%dma_wait3A_207, %dma_wait3A_208] : memref<10240x16xf32, #tpu.memory_space<hbm>> -> memref<10240x16xf32, #tpu.memory_space<hbm>>
      %dma_wait3A_210 = tpu.memref_slice %arg11[%dma_wait3A_199] : memref<5x!tpu.dma_semaphore, #tpu.memory_space<semaphore_mem>> -> memref<1x!tpu.dma_semaphore, #tpu.memory_space<semaphore_mem>>
      %dma_wait3A_211 = tpu.memref_squeeze %dma_wait3A_210 : memref<1x!tpu.dma_semaphore, #tpu.memory_space<semaphore_mem>> -> memref<!tpu.dma_semaphore, #tpu.memory_space<semaphore_mem>>
      tpu.wait_indirect_dma semaphore(%dma_wait3A_211 : memref<!tpu.dma_semaphore, #tpu.memory_space<semaphore_mem>>) src(%dma_wait3A_209 : memref<10240x16xf32, #tpu.memory_space<hbm>>) dst(%dma_wait3A_203 : memref<80x16xf32, #tpu.memory_space<vmem>>)
      %dma_start3A_212 = arith.constant 2 : i32
      %dma_start3A_213 = arith.constant 2 : i32
      %dma_start3A_214 = arith.constant 0 : i32
      %dma_start3A_215 = arith.constant 0 : i32
      %dma_start3A_216 = tpu.memref_slice %arg9[%dma_start3A_212, %dma_start3A_214, %dma_start3A_215] : memref<5x80x16xf32, #tpu.memory_space<vmem>> -> memref<1x80x16xf32, #tpu.memory_space<vmem>>
      %dma_start3A_217 = tpu.memref_squeeze %dma_start3A_216 : memref<1x80x16xf32, #tpu.memory_space<vmem>> -> memref<80x16xf32, #tpu.memory_space<vmem>>
      %dma_start3A_218 = arith.constant 0 : i32
      %dma_start3A_219 = tpu.memref_slice %arg8[%add3A_197, %dma_start3A_218] : memref<125x80xi32, #tpu.memory_space<vmem>> -> memref<1x80xi32, #tpu.memory_space<vmem>>
      %dma_start3A_220 = tpu.memref_squeeze %dma_start3A_219 : memref<1x80xi32, #tpu.memory_space<vmem>> -> memref<80xi32, #tpu.memory_space<vmem>>
      %dma_start3A_221 = arith.constant 0 : i32
      %dma_start3A_222 = arith.constant 0 : i32
      %dma_start3A_223 = tpu.memref_slice %arg10[%dma_start3A_221, %dma_start3A_222] : memref<10240x16xf32, #tpu.memory_space<vmem_shared>> -> memref<10240x16xf32, #tpu.memory_space<vmem_shared>>
      %dma_start3A_224 = tpu.memref_slice %arg12[%dma_start3A_213] : memref<5x!tpu.dma_semaphore, #tpu.memory_space<semaphore_mem>> -> memref<1x!tpu.dma_semaphore, #tpu.memory_space<semaphore_mem>>
      %dma_start3A_225 = tpu.memref_squeeze %dma_start3A_224 : memref<1x!tpu.dma_semaphore, #tpu.memory_space<semaphore_mem>> -> memref<!tpu.dma_semaphore, #tpu.memory_space<semaphore_mem>>
      tpu.enqueue_indirect_dma source(%dma_start3A_217 : memref<80x16xf32, #tpu.memory_space<vmem>>) target(%dma_start3A_223 : memref<10240x16xf32, #tpu.memory_space<vmem_shared>>) offsets(%dma_start3A_220 : memref<80xi32, #tpu.memory_space<vmem>>) semaphore(%dma_start3A_225 : memref<!tpu.dma_semaphore, #tpu.memory_space<semaphore_mem>>) {add = true}
      %dma_wait3A_226 = arith.constant 2 : i32
      %dma_wait3A_227 = arith.constant 2 : i32
      %dma_wait3A_228 = arith.constant 0 : i32
      %dma_wait3A_229 = arith.constant 0 : i32
      %dma_wait3A_230 = tpu.memref_slice %arg9[%dma_wait3A_226, %dma_wait3A_228, %dma_wait3A_229] : memref<5x80x16xf32, #tpu.memory_space<vmem>> -> memref<1x80x16xf32, #tpu.memory_space<vmem>>
      %dma_wait3A_231 = tpu.memref_squeeze %dma_wait3A_230 : memref<1x80x16xf32, #tpu.memory_space<vmem>> -> memref<80x16xf32, #tpu.memory_space<vmem>>
      %dma_wait3A_232 = arith.constant 0 : i32
      %dma_wait3A_233 = tpu.memref_slice %arg8[%add3A_197, %dma_wait3A_232] : memref<125x80xi32, #tpu.memory_space<vmem>> -> memref<1x80xi32, #tpu.memory_space<vmem>>
      %dma_wait3A_234 = tpu.memref_squeeze %dma_wait3A_233 : memref<1x80xi32, #tpu.memory_space<vmem>> -> memref<80xi32, #tpu.memory_space<vmem>>
      %dma_wait3A_235 = arith.constant 0 : i32
      %dma_wait3A_236 = arith.constant 0 : i32
      %dma_wait3A_237 = tpu.memref_slice %arg10[%dma_wait3A_235, %dma_wait3A_236] : memref<10240x16xf32, #tpu.memory_space<vmem_shared>> -> memref<10240x16xf32, #tpu.memory_space<vmem_shared>>
      %dma_wait3A_238 = tpu.memref_slice %arg12[%dma_wait3A_227] : memref<5x!tpu.dma_semaphore, #tpu.memory_space<semaphore_mem>> -> memref<1x!tpu.dma_semaphore, #tpu.memory_space<semaphore_mem>>
      %dma_wait3A_239 = tpu.memref_squeeze %dma_wait3A_238 : memref<1x!tpu.dma_semaphore, #tpu.memory_space<semaphore_mem>> -> memref<!tpu.dma_semaphore, #tpu.memory_space<semaphore_mem>>
      tpu.wait_indirect_dma semaphore(%dma_wait3A_239 : memref<!tpu.dma_semaphore, #tpu.memory_space<semaphore_mem>>) src(%dma_wait3A_231 : memref<80x16xf32, #tpu.memory_space<vmem>>) dst(%dma_wait3A_237 : memref<10240x16xf32, #tpu.memory_space<vmem_shared>>)
      %add3A_240 = arith.constant 5 : i32
      %add3A_241 = arith.addi %add3A_197, %add3A_240 : i32
      %lt3A_242 = arith.constant 125 : i32
      %lt3A_243 = arith.cmpi slt, %add3A_241, %lt3A_242 : i32
      %convert_element_type3A_244 = arith.extui %lt3A_243 : i1 to i32
      %cond3A_245 = arith.constant 0 : i32
      %cond3A_246 = arith.cmpi ne, %convert_element_type3A_244, %cond3A_245 : i32
      scf.if %cond3A_246 {
        %add3A_353 = arith.constant 5 : i32
        %add3A_354 = arith.addi %add3A_197, %add3A_353 : i32
        %dma_start3A_355 = arith.constant 2 : i32
        %dma_start3A_356 = arith.constant 2 : i32
        %dma_start3A_357 = arith.constant 0 : i32
        %dma_start3A_358 = arith.constant 0 : i32
        %dma_start3A_359 = tpu.memref_slice %arg9[%dma_start3A_355, %dma_start3A_357, %dma_start3A_358] : memref<5x80x16xf32, #tpu.memory_space<vmem>> -> memref<1x80x16xf32, #tpu.memory_space<vmem>>
        %dma_start3A_360 = tpu.memref_squeeze %dma_start3A_359 : memref<1x80x16xf32, #tpu.memory_space<vmem>> -> memref<80x16xf32, #tpu.memory_space<vmem>>
        %dma_start3A_361 = arith.constant 0 : i32
        %dma_start3A_362 = tpu.memref_slice %arg7[%add3A_354, %dma_start3A_361] : memref<125x80xi32, #tpu.memory_space<vmem>> -> memref<1x80xi32, #tpu.memory_space<vmem>>
        %dma_start3A_363 = tpu.memref_squeeze %dma_start3A_362 : memref<1x80xi32, #tpu.memory_space<vmem>> -> memref<80xi32, #tpu.memory_space<vmem>>
        %dma_start3A_364 = arith.constant 0 : i32
        %dma_start3A_365 = arith.constant 0 : i32
        %dma_start3A_366 = tpu.memref_slice %arg2[%dma_start3A_364, %dma_start3A_365] : memref<10240x16xf32, #tpu.memory_space<hbm>> -> memref<10240x16xf32, #tpu.memory_space<hbm>>
        %dma_start3A_367 = tpu.memref_slice %arg11[%dma_start3A_356] : memref<5x!tpu.dma_semaphore, #tpu.memory_space<semaphore_mem>> -> memref<1x!tpu.dma_semaphore, #tpu.memory_space<semaphore_mem>>
        %dma_start3A_368 = tpu.memref_squeeze %dma_start3A_367 : memref<1x!tpu.dma_semaphore, #tpu.memory_space<semaphore_mem>> -> memref<!tpu.dma_semaphore, #tpu.memory_space<semaphore_mem>>
        tpu.enqueue_indirect_dma source(%dma_start3A_366 : memref<10240x16xf32, #tpu.memory_space<hbm>>) target(%dma_start3A_360 : memref<80x16xf32, #tpu.memory_space<vmem>>) offsets(%dma_start3A_363 : memref<80xi32, #tpu.memory_space<vmem>>) semaphore(%dma_start3A_368 : memref<!tpu.dma_semaphore, #tpu.memory_space<semaphore_mem>>)
      } else {
      }
      %mul3A_247 = arith.constant 5 : i32
      %mul3A_248 = arith.muli %add3A_91, %mul3A_247 : i32
      %add3A_249 = arith.constant 3 : i32
      %add3A_250 = arith.addi %mul3A_248, %add3A_249 : i32
      %dma_wait3A_251 = arith.constant 3 : i32
      %dma_wait3A_252 = arith.constant 3 : i32
      %dma_wait3A_253 = arith.constant 0 : i32
      %dma_wait3A_254 = arith.constant 0 : i32
      %dma_wait3A_255 = tpu.memref_slice %arg9[%dma_wait3A_251, %dma_wait3A_253, %dma_wait3A_254] : memref<5x80x16xf32, #tpu.memory_space<vmem>> -> memref<1x80x16xf32, #tpu.memory_space<vmem>>
      %dma_wait3A_256 = tpu.memref_squeeze %dma_wait3A_255 : memref<1x80x16xf32, #tpu.memory_space<vmem>> -> memref<80x16xf32, #tpu.memory_space<vmem>>
      %dma_wait3A_257 = arith.constant 0 : i32
      %dma_wait3A_258 = tpu.memref_slice %arg7[%add3A_250, %dma_wait3A_257] : memref<125x80xi32, #tpu.memory_space<vmem>> -> memref<1x80xi32, #tpu.memory_space<vmem>>
      %dma_wait3A_259 = tpu.memref_squeeze %dma_wait3A_258 : memref<1x80xi32, #tpu.memory_space<vmem>> -> memref<80xi32, #tpu.memory_space<vmem>>
      %dma_wait3A_260 = arith.constant 0 : i32
      %dma_wait3A_261 = arith.constant 0 : i32
      %dma_wait3A_262 = tpu.memref_slice %arg2[%dma_wait3A_260, %dma_wait3A_261] : memref<10240x16xf32, #tpu.memory_space<hbm>> -> memref<10240x16xf32, #tpu.memory_space<hbm>>
      %dma_wait3A_263 = tpu.memref_slice %arg11[%dma_wait3A_252] : memref<5x!tpu.dma_semaphore, #tpu.memory_space<semaphore_mem>> -> memref<1x!tpu.dma_semaphore, #tpu.memory_space<semaphore_mem>>
      %dma_wait3A_264 = tpu.memref_squeeze %dma_wait3A_263 : memref<1x!tpu.dma_semaphore, #tpu.memory_space<semaphore_mem>> -> memref<!tpu.dma_semaphore, #tpu.memory_space<semaphore_mem>>
      tpu.wait_indirect_dma semaphore(%dma_wait3A_264 : memref<!tpu.dma_semaphore, #tpu.memory_space<semaphore_mem>>) src(%dma_wait3A_262 : memref<10240x16xf32, #tpu.memory_space<hbm>>) dst(%dma_wait3A_256 : memref<80x16xf32, #tpu.memory_space<vmem>>)
      %dma_start3A_265 = arith.constant 3 : i32
      %dma_start3A_266 = arith.constant 3 : i32
      %dma_start3A_267 = arith.constant 0 : i32
      %dma_start3A_268 = arith.constant 0 : i32
      %dma_start3A_269 = tpu.memref_slice %arg9[%dma_start3A_265, %dma_start3A_267, %dma_start3A_268] : memref<5x80x16xf32, #tpu.memory_space<vmem>> -> memref<1x80x16xf32, #tpu.memory_space<vmem>>
      %dma_start3A_270 = tpu.memref_squeeze %dma_start3A_269 : memref<1x80x16xf32, #tpu.memory_space<vmem>> -> memref<80x16xf32, #tpu.memory_space<vmem>>
      %dma_start3A_271 = arith.constant 0 : i32
      %dma_start3A_272 = tpu.memref_slice %arg8[%add3A_250, %dma_start3A_271] : memref<125x80xi32, #tpu.memory_space<vmem>> -> memref<1x80xi32, #tpu.memory_space<vmem>>
      %dma_start3A_273 = tpu.memref_squeeze %dma_start3A_272 : memref<1x80xi32, #tpu.memory_space<vmem>> -> memref<80xi32, #tpu.memory_space<vmem>>
      %dma_start3A_274 = arith.constant 0 : i32
      %dma_start3A_275 = arith.constant 0 : i32
      %dma_start3A_276 = tpu.memref_slice %arg10[%dma_start3A_274, %dma_start3A_275] : memref<10240x16xf32, #tpu.memory_space<vmem_shared>> -> memref<10240x16xf32, #tpu.memory_space<vmem_shared>>
      %dma_start3A_277 = tpu.memref_slice %arg12[%dma_start3A_266] : memref<5x!tpu.dma_semaphore, #tpu.memory_space<semaphore_mem>> -> memref<1x!tpu.dma_semaphore, #tpu.memory_space<semaphore_mem>>
      %dma_start3A_278 = tpu.memref_squeeze %dma_start3A_277 : memref<1x!tpu.dma_semaphore, #tpu.memory_space<semaphore_mem>> -> memref<!tpu.dma_semaphore, #tpu.memory_space<semaphore_mem>>
      tpu.enqueue_indirect_dma source(%dma_start3A_270 : memref<80x16xf32, #tpu.memory_space<vmem>>) target(%dma_start3A_276 : memref<10240x16xf32, #tpu.memory_space<vmem_shared>>) offsets(%dma_start3A_273 : memref<80xi32, #tpu.memory_space<vmem>>) semaphore(%dma_start3A_278 : memref<!tpu.dma_semaphore, #tpu.memory_space<semaphore_mem>>) {add = true}
      %dma_wait3A_279 = arith.constant 3 : i32
      %dma_wait3A_280 = arith.constant 3 : i32
      %dma_wait3A_281 = arith.constant 0 : i32
      %dma_wait3A_282 = arith.constant 0 : i32
      %dma_wait3A_283 = tpu.memref_slice %arg9[%dma_wait3A_279, %dma_wait3A_281, %dma_wait3A_282] : memref<5x80x16xf32, #tpu.memory_space<vmem>> -> memref<1x80x16xf32, #tpu.memory_space<vmem>>
      %dma_wait3A_284 = tpu.memref_squeeze %dma_wait3A_283 : memref<1x80x16xf32, #tpu.memory_space<vmem>> -> memref<80x16xf32, #tpu.memory_space<vmem>>
      %dma_wait3A_285 = arith.constant 0 : i32
      %dma_wait3A_286 = tpu.memref_slice %arg8[%add3A_250, %dma_wait3A_285] : memref<125x80xi32, #tpu.memory_space<vmem>> -> memref<1x80xi32, #tpu.memory_space<vmem>>
      %dma_wait3A_287 = tpu.memref_squeeze %dma_wait3A_286 : memref<1x80xi32, #tpu.memory_space<vmem>> -> memref<80xi32, #tpu.memory_space<vmem>>
      %dma_wait3A_288 = arith.constant 0 : i32
      %dma_wait3A_289 = arith.constant 0 : i32
      %dma_wait3A_290 = tpu.memref_slice %arg10[%dma_wait3A_288, %dma_wait3A_289] : memref<10240x16xf32, #tpu.memory_space<vmem_shared>> -> memref<10240x16xf32, #tpu.memory_space<vmem_shared>>
      %dma_wait3A_291 = tpu.memref_slice %arg12[%dma_wait3A_280] : memref<5x!tpu.dma_semaphore, #tpu.memory_space<semaphore_mem>> -> memref<1x!tpu.dma_semaphore, #tpu.memory_space<semaphore_mem>>
      %dma_wait3A_292 = tpu.memref_squeeze %dma_wait3A_291 : memref<1x!tpu.dma_semaphore, #tpu.memory_space<semaphore_mem>> -> memref<!tpu.dma_semaphore, #tpu.memory_space<semaphore_mem>>
      tpu.wait_indirect_dma semaphore(%dma_wait3A_292 : memref<!tpu.dma_semaphore, #tpu.memory_space<semaphore_mem>>) src(%dma_wait3A_284 : memref<80x16xf32, #tpu.memory_space<vmem>>) dst(%dma_wait3A_290 : memref<10240x16xf32, #tpu.memory_space<vmem_shared>>)
      %add3A_293 = arith.constant 5 : i32
      %add3A_294 = arith.addi %add3A_250, %add3A_293 : i32
      %lt3A_295 = arith.constant 125 : i32
      %lt3A_296 = arith.cmpi slt, %add3A_294, %lt3A_295 : i32
      %convert_element_type3A_297 = arith.extui %lt3A_296 : i1 to i32
      %cond3A_298 = arith.constant 0 : i32
      %cond3A_299 = arith.cmpi ne, %convert_element_type3A_297, %cond3A_298 : i32
      scf.if %cond3A_299 {
        %add3A_353 = arith.constant 5 : i32
        %add3A_354 = arith.addi %add3A_250, %add3A_353 : i32
        %dma_start3A_355 = arith.constant 3 : i32
        %dma_start3A_356 = arith.constant 3 : i32
        %dma_start3A_357 = arith.constant 0 : i32
        %dma_start3A_358 = arith.constant 0 : i32
        %dma_start3A_359 = tpu.memref_slice %arg9[%dma_start3A_355, %dma_start3A_357, %dma_start3A_358] : memref<5x80x16xf32, #tpu.memory_space<vmem>> -> memref<1x80x16xf32, #tpu.memory_space<vmem>>
        %dma_start3A_360 = tpu.memref_squeeze %dma_start3A_359 : memref<1x80x16xf32, #tpu.memory_space<vmem>> -> memref<80x16xf32, #tpu.memory_space<vmem>>
        %dma_start3A_361 = arith.constant 0 : i32
        %dma_start3A_362 = tpu.memref_slice %arg7[%add3A_354, %dma_start3A_361] : memref<125x80xi32, #tpu.memory_space<vmem>> -> memref<1x80xi32, #tpu.memory_space<vmem>>
        %dma_start3A_363 = tpu.memref_squeeze %dma_start3A_362 : memref<1x80xi32, #tpu.memory_space<vmem>> -> memref<80xi32, #tpu.memory_space<vmem>>
        %dma_start3A_364 = arith.constant 0 : i32
        %dma_start3A_365 = arith.constant 0 : i32
        %dma_start3A_366 = tpu.memref_slice %arg2[%dma_start3A_364, %dma_start3A_365] : memref<10240x16xf32, #tpu.memory_space<hbm>> -> memref<10240x16xf32, #tpu.memory_space<hbm>>
        %dma_start3A_367 = tpu.memref_slice %arg11[%dma_start3A_356] : memref<5x!tpu.dma_semaphore, #tpu.memory_space<semaphore_mem>> -> memref<1x!tpu.dma_semaphore, #tpu.memory_space<semaphore_mem>>
        %dma_start3A_368 = tpu.memref_squeeze %dma_start3A_367 : memref<1x!tpu.dma_semaphore, #tpu.memory_space<semaphore_mem>> -> memref<!tpu.dma_semaphore, #tpu.memory_space<semaphore_mem>>
        tpu.enqueue_indirect_dma source(%dma_start3A_366 : memref<10240x16xf32, #tpu.memory_space<hbm>>) target(%dma_start3A_360 : memref<80x16xf32, #tpu.memory_space<vmem>>) offsets(%dma_start3A_363 : memref<80xi32, #tpu.memory_space<vmem>>) semaphore(%dma_start3A_368 : memref<!tpu.dma_semaphore, #tpu.memory_space<semaphore_mem>>)
      } else {
      }
      %mul3A_300 = arith.constant 5 : i32
      %mul3A_301 = arith.muli %add3A_91, %mul3A_300 : i32
      %add3A_302 = arith.constant 4 : i32
      %add3A_303 = arith.addi %mul3A_301, %add3A_302 : i32
      %dma_wait3A_304 = arith.constant 4 : i32
      %dma_wait3A_305 = arith.constant 4 : i32
      %dma_wait3A_306 = arith.constant 0 : i32
      %dma_wait3A_307 = arith.constant 0 : i32
      %dma_wait3A_308 = tpu.memref_slice %arg9[%dma_wait3A_304, %dma_wait3A_306, %dma_wait3A_307] : memref<5x80x16xf32, #tpu.memory_space<vmem>> -> memref<1x80x16xf32, #tpu.memory_space<vmem>>
      %dma_wait3A_309 = tpu.memref_squeeze %dma_wait3A_308 : memref<1x80x16xf32, #tpu.memory_space<vmem>> -> memref<80x16xf32, #tpu.memory_space<vmem>>
      %dma_wait3A_310 = arith.constant 0 : i32
      %dma_wait3A_311 = tpu.memref_slice %arg7[%add3A_303, %dma_wait3A_310] : memref<125x80xi32, #tpu.memory_space<vmem>> -> memref<1x80xi32, #tpu.memory_space<vmem>>
      %dma_wait3A_312 = tpu.memref_squeeze %dma_wait3A_311 : memref<1x80xi32, #tpu.memory_space<vmem>> -> memref<80xi32, #tpu.memory_space<vmem>>
      %dma_wait3A_313 = arith.constant 0 : i32
      %dma_wait3A_314 = arith.constant 0 : i32
      %dma_wait3A_315 = tpu.memref_slice %arg2[%dma_wait3A_313, %dma_wait3A_314] : memref<10240x16xf32, #tpu.memory_space<hbm>> -> memref<10240x16xf32, #tpu.memory_space<hbm>>
      %dma_wait3A_316 = tpu.memref_slice %arg11[%dma_wait3A_305] : memref<5x!tpu.dma_semaphore, #tpu.memory_space<semaphore_mem>> -> memref<1x!tpu.dma_semaphore, #tpu.memory_space<semaphore_mem>>
      %dma_wait3A_317 = tpu.memref_squeeze %dma_wait3A_316 : memref<1x!tpu.dma_semaphore, #tpu.memory_space<semaphore_mem>> -> memref<!tpu.dma_semaphore, #tpu.memory_space<semaphore_mem>>
      tpu.wait_indirect_dma semaphore(%dma_wait3A_317 : memref<!tpu.dma_semaphore, #tpu.memory_space<semaphore_mem>>) src(%dma_wait3A_315 : memref<10240x16xf32, #tpu.memory_space<hbm>>) dst(%dma_wait3A_309 : memref<80x16xf32, #tpu.memory_space<vmem>>)
      %dma_start3A_318 = arith.constant 4 : i32
      %dma_start3A_319 = arith.constant 4 : i32
      %dma_start3A_320 = arith.constant 0 : i32
      %dma_start3A_321 = arith.constant 0 : i32
      %dma_start3A_322 = tpu.memref_slice %arg9[%dma_start3A_318, %dma_start3A_320, %dma_start3A_321] : memref<5x80x16xf32, #tpu.memory_space<vmem>> -> memref<1x80x16xf32, #tpu.memory_space<vmem>>
      %dma_start3A_323 = tpu.memref_squeeze %dma_start3A_322 : memref<1x80x16xf32, #tpu.memory_space<vmem>> -> memref<80x16xf32, #tpu.memory_space<vmem>>
      %dma_start3A_324 = arith.constant 0 : i32
      %dma_start3A_325 = tpu.memref_slice %arg8[%add3A_303, %dma_start3A_324] : memref<125x80xi32, #tpu.memory_space<vmem>> -> memref<1x80xi32, #tpu.memory_space<vmem>>
      %dma_start3A_326 = tpu.memref_squeeze %dma_start3A_325 : memref<1x80xi32, #tpu.memory_space<vmem>> -> memref<80xi32, #tpu.memory_space<vmem>>
      %dma_start3A_327 = arith.constant 0 : i32
      %dma_start3A_328 = arith.constant 0 : i32
      %dma_start3A_329 = tpu.memref_slice %arg10[%dma_start3A_327, %dma_start3A_328] : memref<10240x16xf32, #tpu.memory_space<vmem_shared>> -> memref<10240x16xf32, #tpu.memory_space<vmem_shared>>
      %dma_start3A_330 = tpu.memref_slice %arg12[%dma_start3A_319] : memref<5x!tpu.dma_semaphore, #tpu.memory_space<semaphore_mem>> -> memref<1x!tpu.dma_semaphore, #tpu.memory_space<semaphore_mem>>
      %dma_start3A_331 = tpu.memref_squeeze %dma_start3A_330 : memref<1x!tpu.dma_semaphore, #tpu.memory_space<semaphore_mem>> -> memref<!tpu.dma_semaphore, #tpu.memory_space<semaphore_mem>>
      tpu.enqueue_indirect_dma source(%dma_start3A_323 : memref<80x16xf32, #tpu.memory_space<vmem>>) target(%dma_start3A_329 : memref<10240x16xf32, #tpu.memory_space<vmem_shared>>) offsets(%dma_start3A_326 : memref<80xi32, #tpu.memory_space<vmem>>) semaphore(%dma_start3A_331 : memref<!tpu.dma_semaphore, #tpu.memory_space<semaphore_mem>>) {add = true}
      %dma_wait3A_332 = arith.constant 4 : i32
      %dma_wait3A_333 = arith.constant 4 : i32
      %dma_wait3A_334 = arith.constant 0 : i32
      %dma_wait3A_335 = arith.constant 0 : i32
      %dma_wait3A_336 = tpu.memref_slice %arg9[%dma_wait3A_332, %dma_wait3A_334, %dma_wait3A_335] : memref<5x80x16xf32, #tpu.memory_space<vmem>> -> memref<1x80x16xf32, #tpu.memory_space<vmem>>
      %dma_wait3A_337 = tpu.memref_squeeze %dma_wait3A_336 : memref<1x80x16xf32, #tpu.memory_space<vmem>> -> memref<80x16xf32, #tpu.memory_space<vmem>>
      %dma_wait3A_338 = arith.constant 0 : i32
      %dma_wait3A_339 = tpu.memref_slice %arg8[%add3A_303, %dma_wait3A_338] : memref<125x80xi32, #tpu.memory_space<vmem>> -> memref<1x80xi32, #tpu.memory_space<vmem>>
      %dma_wait3A_340 = tpu.memref_squeeze %dma_wait3A_339 : memref<1x80xi32, #tpu.memory_space<vmem>> -> memref<80xi32, #tpu.memory_space<vmem>>
      %dma_wait3A_341 = arith.constant 0 : i32
      %dma_wait3A_342 = arith.constant 0 : i32
      %dma_wait3A_343 = tpu.memref_slice %arg10[%dma_wait3A_341, %dma_wait3A_342] : memref<10240x16xf32, #tpu.memory_space<vmem_shared>> -> memref<10240x16xf32, #tpu.memory_space<vmem_shared>>
      %dma_wait3A_344 = tpu.memref_slice %arg12[%dma_wait3A_333] : memref<5x!tpu.dma_semaphore, #tpu.memory_space<semaphore_mem>> -> memref<1x!tpu.dma_semaphore, #tpu.memory_space<semaphore_mem>>
      %dma_wait3A_345 = tpu.memref_squeeze %dma_wait3A_344 : memref<1x!tpu.dma_semaphore, #tpu.memory_space<semaphore_mem>> -> memref<!tpu.dma_semaphore, #tpu.memory_space<semaphore_mem>>
      tpu.wait_indirect_dma semaphore(%dma_wait3A_345 : memref<!tpu.dma_semaphore, #tpu.memory_space<semaphore_mem>>) src(%dma_wait3A_337 : memref<80x16xf32, #tpu.memory_space<vmem>>) dst(%dma_wait3A_343 : memref<10240x16xf32, #tpu.memory_space<vmem_shared>>)
      %add3A_346 = arith.constant 5 : i32
      %add3A_347 = arith.addi %add3A_303, %add3A_346 : i32
      %lt3A_348 = arith.constant 125 : i32
      %lt3A_349 = arith.cmpi slt, %add3A_347, %lt3A_348 : i32
      %convert_element_type3A_350 = arith.extui %lt3A_349 : i1 to i32
      %cond3A_351 = arith.constant 0 : i32
      %cond3A_352 = arith.cmpi ne, %convert_element_type3A_350, %cond3A_351 : i32
      scf.if %cond3A_352 {
        %add3A_353 = arith.constant 5 : i32
        %add3A_354 = arith.addi %add3A_303, %add3A_353 : i32
        %dma_start3A_355 = arith.constant 4 : i32
        %dma_start3A_356 = arith.constant 4 : i32
        %dma_start3A_357 = arith.constant 0 : i32
        %dma_start3A_358 = arith.constant 0 : i32
        %dma_start3A_359 = tpu.memref_slice %arg9[%dma_start3A_355, %dma_start3A_357, %dma_start3A_358] : memref<5x80x16xf32, #tpu.memory_space<vmem>> -> memref<1x80x16xf32, #tpu.memory_space<vmem>>
        %dma_start3A_360 = tpu.memref_squeeze %dma_start3A_359 : memref<1x80x16xf32, #tpu.memory_space<vmem>> -> memref<80x16xf32, #tpu.memory_space<vmem>>
        %dma_start3A_361 = arith.constant 0 : i32
        %dma_start3A_362 = tpu.memref_slice %arg7[%add3A_354, %dma_start3A_361] : memref<125x80xi32, #tpu.memory_space<vmem>> -> memref<1x80xi32, #tpu.memory_space<vmem>>
        %dma_start3A_363 = tpu.memref_squeeze %dma_start3A_362 : memref<1x80xi32, #tpu.memory_space<vmem>> -> memref<80xi32, #tpu.memory_space<vmem>>
        %dma_start3A_364 = arith.constant 0 : i32
        %dma_start3A_365 = arith.constant 0 : i32
        %dma_start3A_366 = tpu.memref_slice %arg2[%dma_start3A_364, %dma_start3A_365] : memref<10240x16xf32, #tpu.memory_space<hbm>> -> memref<10240x16xf32, #tpu.memory_space<hbm>>
        %dma_start3A_367 = tpu.memref_slice %arg11[%dma_start3A_356] : memref<5x!tpu.dma_semaphore, #tpu.memory_space<semaphore_mem>> -> memref<1x!tpu.dma_semaphore, #tpu.memory_space<semaphore_mem>>
        %dma_start3A_368 = tpu.memref_squeeze %dma_start3A_367 : memref<1x!tpu.dma_semaphore, #tpu.memory_space<semaphore_mem>> -> memref<!tpu.dma_semaphore, #tpu.memory_space<semaphore_mem>>
        tpu.enqueue_indirect_dma source(%dma_start3A_366 : memref<10240x16xf32, #tpu.memory_space<hbm>>) target(%dma_start3A_360 : memref<80x16xf32, #tpu.memory_space<vmem>>) offsets(%dma_start3A_363 : memref<80xi32, #tpu.memory_space<vmem>>) semaphore(%dma_start3A_368 : memref<!tpu.dma_semaphore, #tpu.memory_space<semaphore_mem>>)
      } else {
      }
    }
    %scan3A_82 = arith.constant 25 : i32
    %barrier3A_83 = arith.constant 0 : index
    tpu.barrier barrier_id(%barrier3A_83)
    %mul3A_84 = arith.constant 640 : i32
    %mul3A_85 = arith.muli %arg1, %mul3A_84 : i32
    %mul3A_86 = arith.constant 640 : i32
    %mul3A_87 = arith.muli %arg1, %mul3A_86 : i32
    "tpu.region"() ({
      %run_scoped3A = tpu.sem_alloc : memref<!tpu.dma_semaphore, #tpu.memory_space<semaphore_mem>>
      %dma_start3A_88 = arith.constant 0 : i32
      %dma_start3A_89 = tpu.memref_slice %arg6[%arg0, %mul3A_87, %dma_start3A_88] : memref<2x10240x128xf32, #tpu.memory_space<hbm>> -> memref<1x640x16xf32, #tpu.memory_space<hbm>>
      %dma_start3A_90 = tpu.memref_squeeze %dma_start3A_89 : memref<1x640x16xf32, #tpu.memory_space<hbm>> -> memref<640x16xf32, #tpu.memory_space<hbm>>
      %dma_start3A_91 = arith.constant 0 : i32
      %dma_start3A_92 = tpu.memref_slice %arg10[%mul3A_85, %dma_start3A_91] : memref<10240x16xf32, #tpu.memory_space<vmem_shared>> -> memref<640x16xf32, #tpu.memory_space<vmem_shared>>
      tpu.enqueue_dma source(%dma_start3A_92 : memref<640x16xf32, #tpu.memory_space<vmem_shared>>) target(%dma_start3A_90 : memref<640x16xf32, #tpu.memory_space<hbm>>) target_semaphore(%run_scoped3A : memref<!tpu.dma_semaphore, #tpu.memory_space<semaphore_mem>>)
      %dma_wait3A = arith.constant 0 : i32
      %dma_wait3A_93 = tpu.memref_slice %arg6[%arg0, %mul3A_87, %dma_wait3A] : memref<2x10240x128xf32, #tpu.memory_space<hbm>> -> memref<1x640x16xf32, #tpu.memory_space<hbm>>
      %dma_wait3A_94 = tpu.memref_squeeze %dma_wait3A_93 : memref<1x640x16xf32, #tpu.memory_space<hbm>> -> memref<640x16xf32, #tpu.memory_space<hbm>>
      %dma_wait3A_95 = arith.constant 0 : i32
      %dma_wait3A_96 = tpu.memref_slice %arg10[%mul3A_85, %dma_wait3A_95] : memref<10240x16xf32, #tpu.memory_space<vmem_shared>> -> memref<640x16xf32, #tpu.memory_space<vmem_shared>>
      tpu.wait_dma2 semaphore(%run_scoped3A : memref<!tpu.dma_semaphore, #tpu.memory_space<semaphore_mem>>) src(%dma_wait3A_96 : memref<640x16xf32, #tpu.memory_space<vmem_shared>>) dst(%dma_wait3A_94 : memref<640x16xf32, #tpu.memory_space<hbm>>)
      tpu.yield
    }) : () -> ()
    return
  }
}

#map = affine_map<(d0, d1) -> (0, 0)>
#map1 = affine_map<(d0, d1) -> (0, 0, 0)>
module attributes {stable_mosaic.version = 14 : i64} {
  func.func @_sc_seg128_body(%arg0: i32, %arg1: i32, %arg2: memref<20480x64xf32, #tpu.memory_space<hbm>>, %arg3: memref<16x250x80xi32, #tpu.memory_space<hbm>>, %arg4: memref<16x250x80xi32, #tpu.memory_space<hbm>>, %arg5: memref<640x64xf32, #tpu.memory_space<hbm>>, %arg6: memref<640x16xf32, #tpu.memory_space<hbm>>, %arg7: memref<80x16xf32, #tpu.memory_space<hbm>>, %arg8: memref<2x10240x128xf32, #tpu.memory_space<hbm>>, %arg9: memref<2x10240x128xf32, #tpu.memory_space<hbm>>, %arg10: memref<250x80xi32, #tpu.memory_space<vmem>>, %arg11: memref<250x80xi32, #tpu.memory_space<vmem>>, %arg12: memref<5x80x64xf32, #tpu.memory_space<vmem>>, %arg13: memref<80x16xf32, #tpu.memory_space<vmem>>, %arg14: memref<10240x64xf32, #tpu.memory_space<vmem_shared>>, %arg15: memref<10240x16xf32, #tpu.memory_space<vmem_shared>>, %arg16: memref<5x!tpu.dma_semaphore, #tpu.memory_space<semaphore_mem>>, %arg17: memref<5x!tpu.dma_semaphore, #tpu.memory_space<semaphore_mem>>, %arg18: memref<5x!tpu.dma_semaphore, #tpu.memory_space<semaphore_mem>>) attributes {dimension_semantics = [#tpu.dimension_semantics<core_parallel>, #tpu.dimension_semantics<subcore_parallel>], iteration_bounds = array<i64: 2, 16>, scalar_prefetch = 0 : i64, scratch_operands = 9 : i64, tpu.core_type = #tpu.core_type<sc_vector_subcore>, window_params = [{transform_indices = #map}, {transform_indices = #map1}, {transform_indices = #map1}, {transform_indices = #map}, {transform_indices = #map}, {transform_indices = #map}, {transform_indices = #map1}, {transform_indices = #map1}]} {
    "tpu.region"() ({
      %run_scoped3A = tpu.sem_alloc : memref<!tpu.dma_semaphore, #tpu.memory_space<semaphore_mem>>
      %dma_start3A_105 = arith.constant 0 : i32
      %dma_start3A_106 = arith.constant 0 : i32
      %dma_start3A_107 = tpu.memref_slice %arg3[%arg1, %dma_start3A_105, %dma_start3A_106] : memref<16x250x80xi32, #tpu.memory_space<hbm>> -> memref<1x250x80xi32, #tpu.memory_space<hbm>>
      %dma_start3A_108 = tpu.memref_squeeze %dma_start3A_107 : memref<1x250x80xi32, #tpu.memory_space<hbm>> -> memref<250x80xi32, #tpu.memory_space<hbm>>
      %dma_start3A_109 = arith.constant 0 : i32
      %dma_start3A_110 = arith.constant 0 : i32
      %dma_start3A_111 = tpu.memref_slice %arg3[%arg1, %dma_start3A_109, %dma_start3A_110] : memref<16x250x80xi32, #tpu.memory_space<hbm>> -> memref<1x250x80xi32, #tpu.memory_space<hbm>>
      %dma_start3A_112 = tpu.memref_squeeze %dma_start3A_111 : memref<1x250x80xi32, #tpu.memory_space<hbm>> -> memref<250x80xi32, #tpu.memory_space<hbm>>
      tpu.enqueue_dma source(%dma_start3A_112 : memref<250x80xi32, #tpu.memory_space<hbm>>) target(%arg10 : memref<250x80xi32, #tpu.memory_space<vmem>>) target_semaphore(%run_scoped3A : memref<!tpu.dma_semaphore, #tpu.memory_space<semaphore_mem>>)
      %dma_wait3A = arith.constant 0 : i32
      %dma_wait3A_113 = arith.constant 0 : i32
      %dma_wait3A_114 = tpu.memref_slice %arg3[%arg1, %dma_wait3A, %dma_wait3A_113] : memref<16x250x80xi32, #tpu.memory_space<hbm>> -> memref<1x250x80xi32, #tpu.memory_space<hbm>>
      %dma_wait3A_115 = tpu.memref_squeeze %dma_wait3A_114 : memref<1x250x80xi32, #tpu.memory_space<hbm>> -> memref<250x80xi32, #tpu.memory_space<hbm>>
      %dma_wait3A_116 = arith.constant 0 : i32
      %dma_wait3A_117 = arith.constant 0 : i32
      %dma_wait3A_118 = tpu.memref_slice %arg3[%arg1, %dma_wait3A_116, %dma_wait3A_117] : memref<16x250x80xi32, #tpu.memory_space<hbm>> -> memref<1x250x80xi32, #tpu.memory_space<hbm>>
      %dma_wait3A_119 = tpu.memref_squeeze %dma_wait3A_118 : memref<1x250x80xi32, #tpu.memory_space<hbm>> -> memref<250x80xi32, #tpu.memory_space<hbm>>
      tpu.wait_dma2 semaphore(%run_scoped3A : memref<!tpu.dma_semaphore, #tpu.memory_space<semaphore_mem>>) src(%dma_wait3A_119 : memref<250x80xi32, #tpu.memory_space<hbm>>) dst(%arg10 : memref<250x80xi32, #tpu.memory_space<vmem>>)
      tpu.yield
    }) : () -> ()
    "tpu.region"() ({
      %run_scoped3A = tpu.sem_alloc : memref<!tpu.dma_semaphore, #tpu.memory_space<semaphore_mem>>
      %dma_start3A_105 = arith.constant 0 : i32
      %dma_start3A_106 = arith.constant 0 : i32
      %dma_start3A_107 = tpu.memref_slice %arg4[%arg1, %dma_start3A_105, %dma_start3A_106] : memref<16x250x80xi32, #tpu.memory_space<hbm>> -> memref<1x250x80xi32, #tpu.memory_space<hbm>>
      %dma_start3A_108 = tpu.memref_squeeze %dma_start3A_107 : memref<1x250x80xi32, #tpu.memory_space<hbm>> -> memref<250x80xi32, #tpu.memory_space<hbm>>
      %dma_start3A_109 = arith.constant 0 : i32
      %dma_start3A_110 = arith.constant 0 : i32
      %dma_start3A_111 = tpu.memref_slice %arg4[%arg1, %dma_start3A_109, %dma_start3A_110] : memref<16x250x80xi32, #tpu.memory_space<hbm>> -> memref<1x250x80xi32, #tpu.memory_space<hbm>>
      %dma_start3A_112 = tpu.memref_squeeze %dma_start3A_111 : memref<1x250x80xi32, #tpu.memory_space<hbm>> -> memref<250x80xi32, #tpu.memory_space<hbm>>
      tpu.enqueue_dma source(%dma_start3A_112 : memref<250x80xi32, #tpu.memory_space<hbm>>) target(%arg11 : memref<250x80xi32, #tpu.memory_space<vmem>>) target_semaphore(%run_scoped3A : memref<!tpu.dma_semaphore, #tpu.memory_space<semaphore_mem>>)
      %dma_wait3A = arith.constant 0 : i32
      %dma_wait3A_113 = arith.constant 0 : i32
      %dma_wait3A_114 = tpu.memref_slice %arg4[%arg1, %dma_wait3A, %dma_wait3A_113] : memref<16x250x80xi32, #tpu.memory_space<hbm>> -> memref<1x250x80xi32, #tpu.memory_space<hbm>>
      %dma_wait3A_115 = tpu.memref_squeeze %dma_wait3A_114 : memref<1x250x80xi32, #tpu.memory_space<hbm>> -> memref<250x80xi32, #tpu.memory_space<hbm>>
      %dma_wait3A_116 = arith.constant 0 : i32
      %dma_wait3A_117 = arith.constant 0 : i32
      %dma_wait3A_118 = tpu.memref_slice %arg4[%arg1, %dma_wait3A_116, %dma_wait3A_117] : memref<16x250x80xi32, #tpu.memory_space<hbm>> -> memref<1x250x80xi32, #tpu.memory_space<hbm>>
      %dma_wait3A_119 = tpu.memref_squeeze %dma_wait3A_118 : memref<1x250x80xi32, #tpu.memory_space<hbm>> -> memref<250x80xi32, #tpu.memory_space<hbm>>
      tpu.wait_dma2 semaphore(%run_scoped3A : memref<!tpu.dma_semaphore, #tpu.memory_space<semaphore_mem>>) src(%dma_wait3A_119 : memref<250x80xi32, #tpu.memory_space<hbm>>) dst(%arg11 : memref<250x80xi32, #tpu.memory_space<vmem>>)
      tpu.yield
    }) : () -> ()
    %mul3A = arith.constant 640 : i32
    %mul3A_0 = arith.muli %arg1, %mul3A : i32
    "tpu.region"() ({
      %run_scoped3A = tpu.sem_alloc : memref<!tpu.dma_semaphore, #tpu.memory_space<semaphore_mem>>
      %dma_start3A_105 = arith.constant 0 : i32
      %dma_start3A_106 = tpu.memref_slice %arg14[%mul3A_0, %dma_start3A_105] : memref<10240x64xf32, #tpu.memory_space<vmem_shared>> -> memref<640x64xf32, #tpu.memory_space<vmem_shared>>
      tpu.enqueue_dma source(%arg5 : memref<640x64xf32, #tpu.memory_space<hbm>>) target(%dma_start3A_106 : memref<640x64xf32, #tpu.memory_space<vmem_shared>>) target_semaphore(%run_scoped3A : memref<!tpu.dma_semaphore, #tpu.memory_space<semaphore_mem>>)
      %dma_wait3A = arith.constant 0 : i32
      %dma_wait3A_107 = tpu.memref_slice %arg14[%mul3A_0, %dma_wait3A] : memref<10240x64xf32, #tpu.memory_space<vmem_shared>> -> memref<640x64xf32, #tpu.memory_space<vmem_shared>>
      tpu.wait_dma2 semaphore(%run_scoped3A : memref<!tpu.dma_semaphore, #tpu.memory_space<semaphore_mem>>) src(%arg5 : memref<640x64xf32, #tpu.memory_space<hbm>>) dst(%dma_wait3A_107 : memref<640x64xf32, #tpu.memory_space<vmem_shared>>)
      tpu.yield
    }) : () -> ()
    %mul3A_1 = arith.constant 640 : i32
    %mul3A_2 = arith.muli %arg1, %mul3A_1 : i32
    "tpu.region"() ({
      %run_scoped3A = tpu.sem_alloc : memref<!tpu.dma_semaphore, #tpu.memory_space<semaphore_mem>>
      %dma_start3A_105 = arith.constant 0 : i32
      %dma_start3A_106 = tpu.memref_slice %arg15[%mul3A_2, %dma_start3A_105] : memref<10240x16xf32, #tpu.memory_space<vmem_shared>> -> memref<640x16xf32, #tpu.memory_space<vmem_shared>>
      tpu.enqueue_dma source(%arg6 : memref<640x16xf32, #tpu.memory_space<hbm>>) target(%dma_start3A_106 : memref<640x16xf32, #tpu.memory_space<vmem_shared>>) target_semaphore(%run_scoped3A : memref<!tpu.dma_semaphore, #tpu.memory_space<semaphore_mem>>)
      %dma_wait3A = arith.constant 0 : i32
      %dma_wait3A_107 = tpu.memref_slice %arg15[%mul3A_2, %dma_wait3A] : memref<10240x16xf32, #tpu.memory_space<vmem_shared>> -> memref<640x16xf32, #tpu.memory_space<vmem_shared>>
      tpu.wait_dma2 semaphore(%run_scoped3A : memref<!tpu.dma_semaphore, #tpu.memory_space<semaphore_mem>>) src(%arg6 : memref<640x16xf32, #tpu.memory_space<hbm>>) dst(%dma_wait3A_107 : memref<640x16xf32, #tpu.memory_space<vmem_shared>>)
      tpu.yield
    }) : () -> ()
    "tpu.region"() ({
      %run_scoped3A = tpu.sem_alloc : memref<!tpu.dma_semaphore, #tpu.memory_space<semaphore_mem>>
      tpu.enqueue_dma source(%arg7 : memref<80x16xf32, #tpu.memory_space<hbm>>) target(%arg13 : memref<80x16xf32, #tpu.memory_space<vmem>>) target_semaphore(%run_scoped3A : memref<!tpu.dma_semaphore, #tpu.memory_space<semaphore_mem>>)
      tpu.wait_dma2 semaphore(%run_scoped3A : memref<!tpu.dma_semaphore, #tpu.memory_space<semaphore_mem>>) src(%arg7 : memref<80x16xf32, #tpu.memory_space<hbm>>) dst(%arg13 : memref<80x16xf32, #tpu.memory_space<vmem>>)
      tpu.yield
    }) : () -> ()
    %barrier3A = arith.constant 0 : index
    tpu.barrier barrier_id(%barrier3A)
    %mul3A_3 = arith.constant 125 : i32
    %mul3A_4 = arith.muli %arg0, %mul3A_3 : i32
    %mul3A_5 = arith.constant 125 : i32
    %mul3A_6 = arith.muli %arg0, %mul3A_5 : i32
    %add3A = arith.constant 125 : i32
    %add3A_7 = arith.addi %mul3A_6, %add3A : i32
    %dma_start3A = arith.constant 0 : i32
    %dma_start3A_8 = arith.constant 0 : i32
    %dma_start3A_9 = arith.constant 0 : i32
    %dma_start3A_10 = arith.constant 0 : i32
    %dma_start3A_11 = arith.constant 0 : i32
    %dma_start3A_12 = tpu.memref_slice %arg12[%dma_start3A_8, %dma_start3A_10, %dma_start3A_11] : memref<5x80x64xf32, #tpu.memory_space<vmem>> -> memref<1x80x64xf32, #tpu.memory_space<vmem>>
    %dma_start3A_13 = tpu.memref_squeeze %dma_start3A_12 : memref<1x80x64xf32, #tpu.memory_space<vmem>> -> memref<80x64xf32, #tpu.memory_space<vmem>>
    %dma_start3A_14 = arith.constant 0 : i32
    %dma_start3A_15 = tpu.memref_slice %arg10[%dma_start3A, %dma_start3A_14] : memref<250x80xi32, #tpu.memory_space<vmem>> -> memref<1x80xi32, #tpu.memory_space<vmem>>
    %dma_start3A_16 = tpu.memref_squeeze %dma_start3A_15 : memref<1x80xi32, #tpu.memory_space<vmem>> -> memref<80xi32, #tpu.memory_space<vmem>>
    %dma_start3A_17 = arith.constant 0 : i32
    %dma_start3A_18 = tpu.memref_slice %arg2[%arg0, %dma_start3A_17] : memref<20480x64xf32, #tpu.memory_space<hbm>> -> memref<20479x64xf32, #tpu.memory_space<hbm>>
    %dma_start3A_19 = arith.constant 0 : i32
    %dma_start3A_20 = arith.constant 0 : i32
    %dma_start3A_21 = tpu.memref_slice %dma_start3A_18[%dma_start3A_19, %dma_start3A_20] : memref<20479x64xf32, #tpu.memory_space<hbm>> -> memref<20479x64xf32, #tpu.memory_space<hbm>>
    %dma_start3A_22 = tpu.memref_slice %arg16[%dma_start3A_9] : memref<5x!tpu.dma_semaphore, #tpu.memory_space<semaphore_mem>> -> memref<1x!tpu.dma_semaphore, #tpu.memory_space<semaphore_mem>>
    %dma_start3A_23 = tpu.memref_squeeze %dma_start3A_22 : memref<1x!tpu.dma_semaphore, #tpu.memory_space<semaphore_mem>> -> memref<!tpu.dma_semaphore, #tpu.memory_space<semaphore_mem>>
    tpu.enqueue_indirect_dma source(%dma_start3A_21 : memref<20479x64xf32, #tpu.memory_space<hbm>>) target(%dma_start3A_13 : memref<80x64xf32, #tpu.memory_space<vmem>>) offsets(%dma_start3A_16 : memref<80xi32, #tpu.memory_space<vmem>>) semaphore(%dma_start3A_23 : memref<!tpu.dma_semaphore, #tpu.memory_space<semaphore_mem>>)
    %dma_start3A_24 = arith.constant 1 : i32
    %dma_start3A_25 = arith.constant 1 : i32
    %dma_start3A_26 = arith.constant 1 : i32
    %dma_start3A_27 = arith.constant 0 : i32
    %dma_start3A_28 = arith.constant 0 : i32
    %dma_start3A_29 = tpu.memref_slice %arg12[%dma_start3A_25, %dma_start3A_27, %dma_start3A_28] : memref<5x80x64xf32, #tpu.memory_space<vmem>> -> memref<1x80x64xf32, #tpu.memory_space<vmem>>
    %dma_start3A_30 = tpu.memref_squeeze %dma_start3A_29 : memref<1x80x64xf32, #tpu.memory_space<vmem>> -> memref<80x64xf32, #tpu.memory_space<vmem>>
    %dma_start3A_31 = arith.constant 0 : i32
    %dma_start3A_32 = tpu.memref_slice %arg10[%dma_start3A_24, %dma_start3A_31] : memref<250x80xi32, #tpu.memory_space<vmem>> -> memref<1x80xi32, #tpu.memory_space<vmem>>
    %dma_start3A_33 = tpu.memref_squeeze %dma_start3A_32 : memref<1x80xi32, #tpu.memory_space<vmem>> -> memref<80xi32, #tpu.memory_space<vmem>>
    %dma_start3A_34 = arith.constant 0 : i32
    %dma_start3A_35 = tpu.memref_slice %arg2[%arg0, %dma_start3A_34] : memref<20480x64xf32, #tpu.memory_space<hbm>> -> memref<20479x64xf32, #tpu.memory_space<hbm>>
    %dma_start3A_36 = arith.constant 0 : i32
    %dma_start3A_37 = arith.constant 0 : i32
    %dma_start3A_38 = tpu.memref_slice %dma_start3A_35[%dma_start3A_36, %dma_start3A_37] : memref<20479x64xf32, #tpu.memory_space<hbm>> -> memref<20479x64xf32, #tpu.memory_space<hbm>>
    %dma_start3A_39 = tpu.memref_slice %arg16[%dma_start3A_26] : memref<5x!tpu.dma_semaphore, #tpu.memory_space<semaphore_mem>> -> memref<1x!tpu.dma_semaphore, #tpu.memory_space<semaphore_mem>>
    %dma_start3A_40 = tpu.memref_squeeze %dma_start3A_39 : memref<1x!tpu.dma_semaphore, #tpu.memory_space<semaphore_mem>> -> memref<!tpu.dma_semaphore, #tpu.memory_space<semaphore_mem>>
    tpu.enqueue_indirect_dma source(%dma_start3A_38 : memref<20479x64xf32, #tpu.memory_space<hbm>>) target(%dma_start3A_30 : memref<80x64xf32, #tpu.memory_space<vmem>>) offsets(%dma_start3A_33 : memref<80xi32, #tpu.memory_space<vmem>>) semaphore(%dma_start3A_40 : memref<!tpu.dma_semaphore, #tpu.memory_space<semaphore_mem>>)
    %dma_start3A_41 = arith.constant 2 : i32
    %dma_start3A_42 = arith.constant 2 : i32
    %dma_start3A_43 = arith.constant 2 : i32
    %dma_start3A_44 = arith.constant 0 : i32
    %dma_start3A_45 = arith.constant 0 : i32
    %dma_start3A_46 = tpu.memref_slice %arg12[%dma_start3A_42, %dma_start3A_44, %dma_start3A_45] : memref<5x80x64xf32, #tpu.memory_space<vmem>> -> memref<1x80x64xf32, #tpu.memory_space<vmem>>
    %dma_start3A_47 = tpu.memref_squeeze %dma_start3A_46 : memref<1x80x64xf32, #tpu.memory_space<vmem>> -> memref<80x64xf32, #tpu.memory_space<vmem>>
    %dma_start3A_48 = arith.constant 0 : i32
    %dma_start3A_49 = tpu.memref_slice %arg10[%dma_start3A_41, %dma_start3A_48] : memref<250x80xi32, #tpu.memory_space<vmem>> -> memref<1x80xi32, #tpu.memory_space<vmem>>
    %dma_start3A_50 = tpu.memref_squeeze %dma_start3A_49 : memref<1x80xi32, #tpu.memory_space<vmem>> -> memref<80xi32, #tpu.memory_space<vmem>>
    %dma_start3A_51 = arith.constant 0 : i32
    %dma_start3A_52 = tpu.memref_slice %arg2[%arg0, %dma_start3A_51] : memref<20480x64xf32, #tpu.memory_space<hbm>> -> memref<20479x64xf32, #tpu.memory_space<hbm>>
    %dma_start3A_53 = arith.constant 0 : i32
    %dma_start3A_54 = arith.constant 0 : i32
    %dma_start3A_55 = tpu.memref_slice %dma_start3A_52[%dma_start3A_53, %dma_start3A_54] : memref<20479x64xf32, #tpu.memory_space<hbm>> -> memref<20479x64xf32, #tpu.memory_space<hbm>>
    %dma_start3A_56 = tpu.memref_slice %arg16[%dma_start3A_43] : memref<5x!tpu.dma_semaphore, #tpu.memory_space<semaphore_mem>> -> memref<1x!tpu.dma_semaphore, #tpu.memory_space<semaphore_mem>>
    %dma_start3A_57 = tpu.memref_squeeze %dma_start3A_56 : memref<1x!tpu.dma_semaphore, #tpu.memory_space<semaphore_mem>> -> memref<!tpu.dma_semaphore, #tpu.memory_space<semaphore_mem>>
    tpu.enqueue_indirect_dma source(%dma_start3A_55 : memref<20479x64xf32, #tpu.memory_space<hbm>>) target(%dma_start3A_47 : memref<80x64xf32, #tpu.memory_space<vmem>>) offsets(%dma_start3A_50 : memref<80xi32, #tpu.memory_space<vmem>>) semaphore(%dma_start3A_57 : memref<!tpu.dma_semaphore, #tpu.memory_space<semaphore_mem>>)
    %dma_start3A_58 = arith.constant 3 : i32
    %dma_start3A_59 = arith.constant 3 : i32
    %dma_start3A_60 = arith.constant 3 : i32
    %dma_start3A_61 = arith.constant 0 : i32
    %dma_start3A_62 = arith.constant 0 : i32
    %dma_start3A_63 = tpu.memref_slice %arg12[%dma_start3A_59, %dma_start3A_61, %dma_start3A_62] : memref<5x80x64xf32, #tpu.memory_space<vmem>> -> memref<1x80x64xf32, #tpu.memory_space<vmem>>
    %dma_start3A_64 = tpu.memref_squeeze %dma_start3A_63 : memref<1x80x64xf32, #tpu.memory_space<vmem>> -> memref<80x64xf32, #tpu.memory_space<vmem>>
    %dma_start3A_65 = arith.constant 0 : i32
    %dma_start3A_66 = tpu.memref_slice %arg10[%dma_start3A_58, %dma_start3A_65] : memref<250x80xi32, #tpu.memory_space<vmem>> -> memref<1x80xi32, #tpu.memory_space<vmem>>
    %dma_start3A_67 = tpu.memref_squeeze %dma_start3A_66 : memref<1x80xi32, #tpu.memory_space<vmem>> -> memref<80xi32, #tpu.memory_space<vmem>>
    %dma_start3A_68 = arith.constant 0 : i32
    %dma_start3A_69 = tpu.memref_slice %arg2[%arg0, %dma_start3A_68] : memref<20480x64xf32, #tpu.memory_space<hbm>> -> memref<20479x64xf32, #tpu.memory_space<hbm>>
    %dma_start3A_70 = arith.constant 0 : i32
    %dma_start3A_71 = arith.constant 0 : i32
    %dma_start3A_72 = tpu.memref_slice %dma_start3A_69[%dma_start3A_70, %dma_start3A_71] : memref<20479x64xf32, #tpu.memory_space<hbm>> -> memref<20479x64xf32, #tpu.memory_space<hbm>>
    %dma_start3A_73 = tpu.memref_slice %arg16[%dma_start3A_60] : memref<5x!tpu.dma_semaphore, #tpu.memory_space<semaphore_mem>> -> memref<1x!tpu.dma_semaphore, #tpu.memory_space<semaphore_mem>>
    %dma_start3A_74 = tpu.memref_squeeze %dma_start3A_73 : memref<1x!tpu.dma_semaphore, #tpu.memory_space<semaphore_mem>> -> memref<!tpu.dma_semaphore, #tpu.memory_space<semaphore_mem>>
    tpu.enqueue_indirect_dma source(%dma_start3A_72 : memref<20479x64xf32, #tpu.memory_space<hbm>>) target(%dma_start3A_64 : memref<80x64xf32, #tpu.memory_space<vmem>>) offsets(%dma_start3A_67 : memref<80xi32, #tpu.memory_space<vmem>>) semaphore(%dma_start3A_74 : memref<!tpu.dma_semaphore, #tpu.memory_space<semaphore_mem>>)
    %dma_start3A_75 = arith.constant 4 : i32
    %dma_start3A_76 = arith.constant 4 : i32
    %dma_start3A_77 = arith.constant 4 : i32
    %dma_start3A_78 = arith.constant 0 : i32
    %dma_start3A_79 = arith.constant 0 : i32
    %dma_start3A_80 = tpu.memref_slice %arg12[%dma_start3A_76, %dma_start3A_78, %dma_start3A_79] : memref<5x80x64xf32, #tpu.memory_space<vmem>> -> memref<1x80x64xf32, #tpu.memory_space<vmem>>
    %dma_start3A_81 = tpu.memref_squeeze %dma_start3A_80 : memref<1x80x64xf32, #tpu.memory_space<vmem>> -> memref<80x64xf32, #tpu.memory_space<vmem>>
    %dma_start3A_82 = arith.constant 0 : i32
    %dma_start3A_83 = tpu.memref_slice %arg10[%dma_start3A_75, %dma_start3A_82] : memref<250x80xi32, #tpu.memory_space<vmem>> -> memref<1x80xi32, #tpu.memory_space<vmem>>
    %dma_start3A_84 = tpu.memref_squeeze %dma_start3A_83 : memref<1x80xi32, #tpu.memory_space<vmem>> -> memref<80xi32, #tpu.memory_space<vmem>>
    %dma_start3A_85 = arith.constant 0 : i32
    %dma_start3A_86 = tpu.memref_slice %arg2[%arg0, %dma_start3A_85] : memref<20480x64xf32, #tpu.memory_space<hbm>> -> memref<20479x64xf32, #tpu.memory_space<hbm>>
    %dma_start3A_87 = arith.constant 0 : i32
    %dma_start3A_88 = arith.constant 0 : i32
    %dma_start3A_89 = tpu.memref_slice %dma_start3A_86[%dma_start3A_87, %dma_start3A_88] : memref<20479x64xf32, #tpu.memory_space<hbm>> -> memref<20479x64xf32, #tpu.memory_space<hbm>>
    %dma_start3A_90 = tpu.memref_slice %arg16[%dma_start3A_77] : memref<5x!tpu.dma_semaphore, #tpu.memory_space<semaphore_mem>> -> memref<1x!tpu.dma_semaphore, #tpu.memory_space<semaphore_mem>>
    %dma_start3A_91 = tpu.memref_squeeze %dma_start3A_90 : memref<1x!tpu.dma_semaphore, #tpu.memory_space<semaphore_mem>> -> memref<!tpu.dma_semaphore, #tpu.memory_space<semaphore_mem>>
    tpu.enqueue_indirect_dma source(%dma_start3A_89 : memref<20479x64xf32, #tpu.memory_space<hbm>>) target(%dma_start3A_81 : memref<80x64xf32, #tpu.memory_space<vmem>>) offsets(%dma_start3A_84 : memref<80xi32, #tpu.memory_space<vmem>>) semaphore(%dma_start3A_91 : memref<!tpu.dma_semaphore, #tpu.memory_space<semaphore_mem>>)
    %scan3A = arith.constant 0 : i32
    %scan3A_92 = arith.constant 50 : i32
    %scan3A_93 = arith.addi %scan3A, %scan3A_92 : i32
    %scan3A_94 = arith.constant 1 : i32
    scf.for %scan3A_105 = %scan3A to %scan3A_93 step %scan3A_94  : i32 {
      %mul3A_106 = arith.constant 1 : i32
      %mul3A_107 = arith.muli %scan3A_105, %mul3A_106 : i32
      %add3A_108 = arith.constant 0 : i32
      %add3A_109 = arith.addi %add3A_108, %mul3A_107 : i32
      %mul3A_110 = arith.constant 5 : i32
      %mul3A_111 = arith.muli %add3A_109, %mul3A_110 : i32
      %add3A_112 = arith.constant 0 : i32
      %add3A_113 = arith.addi %mul3A_111, %add3A_112 : i32
      %dma_wait3A = arith.constant 0 : i32
      %dma_wait3A_114 = arith.constant 0 : i32
      %dma_wait3A_115 = arith.constant 0 : i32
      %dma_wait3A_116 = arith.constant 0 : i32
      %dma_wait3A_117 = tpu.memref_slice %arg12[%dma_wait3A, %dma_wait3A_115, %dma_wait3A_116] : memref<5x80x64xf32, #tpu.memory_space<vmem>> -> memref<1x80x64xf32, #tpu.memory_space<vmem>>
      %dma_wait3A_118 = tpu.memref_squeeze %dma_wait3A_117 : memref<1x80x64xf32, #tpu.memory_space<vmem>> -> memref<80x64xf32, #tpu.memory_space<vmem>>
      %dma_wait3A_119 = arith.constant 0 : i32
      %dma_wait3A_120 = tpu.memref_slice %arg10[%add3A_113, %dma_wait3A_119] : memref<250x80xi32, #tpu.memory_space<vmem>> -> memref<1x80xi32, #tpu.memory_space<vmem>>
      %dma_wait3A_121 = tpu.memref_squeeze %dma_wait3A_120 : memref<1x80xi32, #tpu.memory_space<vmem>> -> memref<80xi32, #tpu.memory_space<vmem>>
      %dma_wait3A_122 = arith.constant 0 : i32
      %dma_wait3A_123 = tpu.memref_slice %arg2[%arg0, %dma_wait3A_122] : memref<20480x64xf32, #tpu.memory_space<hbm>> -> memref<20479x64xf32, #tpu.memory_space<hbm>>
      %dma_wait3A_124 = arith.constant 0 : i32
      %dma_wait3A_125 = arith.constant 0 : i32
      %dma_wait3A_126 = tpu.memref_slice %dma_wait3A_123[%dma_wait3A_124, %dma_wait3A_125] : memref<20479x64xf32, #tpu.memory_space<hbm>> -> memref<20479x64xf32, #tpu.memory_space<hbm>>
      %dma_wait3A_127 = tpu.memref_slice %arg16[%dma_wait3A_114] : memref<5x!tpu.dma_semaphore, #tpu.memory_space<semaphore_mem>> -> memref<1x!tpu.dma_semaphore, #tpu.memory_space<semaphore_mem>>
      %dma_wait3A_128 = tpu.memref_squeeze %dma_wait3A_127 : memref<1x!tpu.dma_semaphore, #tpu.memory_space<semaphore_mem>> -> memref<!tpu.dma_semaphore, #tpu.memory_space<semaphore_mem>>
      tpu.wait_indirect_dma semaphore(%dma_wait3A_128 : memref<!tpu.dma_semaphore, #tpu.memory_space<semaphore_mem>>) src(%dma_wait3A_126 : memref<20479x64xf32, #tpu.memory_space<hbm>>) dst(%dma_wait3A_118 : memref<80x64xf32, #tpu.memory_space<vmem>>)
      %dma_start3A_129 = arith.constant 0 : i32
      %dma_start3A_130 = arith.constant 0 : i32
      %dma_start3A_131 = arith.constant 0 : i32
      %dma_start3A_132 = arith.constant 0 : i32
      %dma_start3A_133 = tpu.memref_slice %arg12[%dma_start3A_129, %dma_start3A_131, %dma_start3A_132] : memref<5x80x64xf32, #tpu.memory_space<vmem>> -> memref<1x80x64xf32, #tpu.memory_space<vmem>>
      %dma_start3A_134 = tpu.memref_squeeze %dma_start3A_133 : memref<1x80x64xf32, #tpu.memory_space<vmem>> -> memref<80x64xf32, #tpu.memory_space<vmem>>
      %dma_start3A_135 = arith.constant 0 : i32
      %dma_start3A_136 = tpu.memref_slice %arg11[%add3A_113, %dma_start3A_135] : memref<250x80xi32, #tpu.memory_space<vmem>> -> memref<1x80xi32, #tpu.memory_space<vmem>>
      %dma_start3A_137 = tpu.memref_squeeze %dma_start3A_136 : memref<1x80xi32, #tpu.memory_space<vmem>> -> memref<80xi32, #tpu.memory_space<vmem>>
      %dma_start3A_138 = arith.constant 0 : i32
      %dma_start3A_139 = arith.constant 0 : i32
      %dma_start3A_140 = tpu.memref_slice %arg14[%dma_start3A_138, %dma_start3A_139] : memref<10240x64xf32, #tpu.memory_space<vmem_shared>> -> memref<10240x64xf32, #tpu.memory_space<vmem_shared>>
      %dma_start3A_141 = tpu.memref_slice %arg17[%dma_start3A_130] : memref<5x!tpu.dma_semaphore, #tpu.memory_space<semaphore_mem>> -> memref<1x!tpu.dma_semaphore, #tpu.memory_space<semaphore_mem>>
      %dma_start3A_142 = tpu.memref_squeeze %dma_start3A_141 : memref<1x!tpu.dma_semaphore, #tpu.memory_space<semaphore_mem>> -> memref<!tpu.dma_semaphore, #tpu.memory_space<semaphore_mem>>
      tpu.enqueue_indirect_dma source(%dma_start3A_134 : memref<80x64xf32, #tpu.memory_space<vmem>>) target(%dma_start3A_140 : memref<10240x64xf32, #tpu.memory_space<vmem_shared>>) offsets(%dma_start3A_137 : memref<80xi32, #tpu.memory_space<vmem>>) semaphore(%dma_start3A_142 : memref<!tpu.dma_semaphore, #tpu.memory_space<semaphore_mem>>) {add = true}
      %ge3A = arith.cmpi sge, %add3A_113, %mul3A_4 : i32
      %lt3A = arith.cmpi slt, %add3A_113, %add3A_7 : i32
      %and3A = arith.andi %ge3A, %lt3A : i1
      %convert_element_type3A = arith.extui %and3A : i1 to i32
      %cond3A = arith.constant 0 : i32
      %cond3A_143 = arith.cmpi ne, %convert_element_type3A, %cond3A : i32
      scf.if %cond3A_143 {
        %dma_start3A_409 = arith.constant 0 : i32
        %dma_start3A_410 = arith.constant 0 : i32
        %dma_start3A_411 = tpu.memref_slice %arg11[%add3A_113, %dma_start3A_410] : memref<250x80xi32, #tpu.memory_space<vmem>> -> memref<1x80xi32, #tpu.memory_space<vmem>>
        %dma_start3A_412 = tpu.memref_squeeze %dma_start3A_411 : memref<1x80xi32, #tpu.memory_space<vmem>> -> memref<80xi32, #tpu.memory_space<vmem>>
        %dma_start3A_413 = arith.constant 0 : i32
        %dma_start3A_414 = arith.constant 0 : i32
        %dma_start3A_415 = tpu.memref_slice %arg15[%dma_start3A_413, %dma_start3A_414] : memref<10240x16xf32, #tpu.memory_space<vmem_shared>> -> memref<10240x16xf32, #tpu.memory_space<vmem_shared>>
        %dma_start3A_416 = tpu.memref_slice %arg18[%dma_start3A_409] : memref<5x!tpu.dma_semaphore, #tpu.memory_space<semaphore_mem>> -> memref<1x!tpu.dma_semaphore, #tpu.memory_space<semaphore_mem>>
        %dma_start3A_417 = tpu.memref_squeeze %dma_start3A_416 : memref<1x!tpu.dma_semaphore, #tpu.memory_space<semaphore_mem>> -> memref<!tpu.dma_semaphore, #tpu.memory_space<semaphore_mem>>
        tpu.enqueue_indirect_dma source(%arg13 : memref<80x16xf32, #tpu.memory_space<vmem>>) target(%dma_start3A_415 : memref<10240x16xf32, #tpu.memory_space<vmem_shared>>) offsets(%dma_start3A_412 : memref<80xi32, #tpu.memory_space<vmem>>) semaphore(%dma_start3A_417 : memref<!tpu.dma_semaphore, #tpu.memory_space<semaphore_mem>>) {add = true}
        %dma_wait3A_418 = arith.constant 0 : i32
        %dma_wait3A_419 = arith.constant 0 : i32
        %dma_wait3A_420 = tpu.memref_slice %arg11[%add3A_113, %dma_wait3A_419] : memref<250x80xi32, #tpu.memory_space<vmem>> -> memref<1x80xi32, #tpu.memory_space<vmem>>
        %dma_wait3A_421 = tpu.memref_squeeze %dma_wait3A_420 : memref<1x80xi32, #tpu.memory_space<vmem>> -> memref<80xi32, #tpu.memory_space<vmem>>
        %dma_wait3A_422 = arith.constant 0 : i32
        %dma_wait3A_423 = arith.constant 0 : i32
        %dma_wait3A_424 = tpu.memref_slice %arg15[%dma_wait3A_422, %dma_wait3A_423] : memref<10240x16xf32, #tpu.memory_space<vmem_shared>> -> memref<10240x16xf32, #tpu.memory_space<vmem_shared>>
        %dma_wait3A_425 = tpu.memref_slice %arg18[%dma_wait3A_418] : memref<5x!tpu.dma_semaphore, #tpu.memory_space<semaphore_mem>> -> memref<1x!tpu.dma_semaphore, #tpu.memory_space<semaphore_mem>>
        %dma_wait3A_426 = tpu.memref_squeeze %dma_wait3A_425 : memref<1x!tpu.dma_semaphore, #tpu.memory_space<semaphore_mem>> -> memref<!tpu.dma_semaphore, #tpu.memory_space<semaphore_mem>>
        tpu.wait_indirect_dma semaphore(%dma_wait3A_426 : memref<!tpu.dma_semaphore, #tpu.memory_space<semaphore_mem>>) src(%arg13 : memref<80x16xf32, #tpu.memory_space<vmem>>) dst(%dma_wait3A_424 : memref<10240x16xf32, #tpu.memory_space<vmem_shared>>)
      } else {
      }
      %dma_wait3A_144 = arith.constant 0 : i32
      %dma_wait3A_145 = arith.constant 0 : i32
      %dma_wait3A_146 = arith.constant 0 : i32
      %dma_wait3A_147 = arith.constant 0 : i32
      %dma_wait3A_148 = tpu.memref_slice %arg12[%dma_wait3A_144, %dma_wait3A_146, %dma_wait3A_147] : memref<5x80x64xf32, #tpu.memory_space<vmem>> -> memref<1x80x64xf32, #tpu.memory_space<vmem>>
      %dma_wait3A_149 = tpu.memref_squeeze %dma_wait3A_148 : memref<1x80x64xf32, #tpu.memory_space<vmem>> -> memref<80x64xf32, #tpu.memory_space<vmem>>
      %dma_wait3A_150 = arith.constant 0 : i32
      %dma_wait3A_151 = tpu.memref_slice %arg11[%add3A_113, %dma_wait3A_150] : memref<250x80xi32, #tpu.memory_space<vmem>> -> memref<1x80xi32, #tpu.memory_space<vmem>>
      %dma_wait3A_152 = tpu.memref_squeeze %dma_wait3A_151 : memref<1x80xi32, #tpu.memory_space<vmem>> -> memref<80xi32, #tpu.memory_space<vmem>>
      %dma_wait3A_153 = arith.constant 0 : i32
      %dma_wait3A_154 = arith.constant 0 : i32
      %dma_wait3A_155 = tpu.memref_slice %arg14[%dma_wait3A_153, %dma_wait3A_154] : memref<10240x64xf32, #tpu.memory_space<vmem_shared>> -> memref<10240x64xf32, #tpu.memory_space<vmem_shared>>
      %dma_wait3A_156 = tpu.memref_slice %arg17[%dma_wait3A_145] : memref<5x!tpu.dma_semaphore, #tpu.memory_space<semaphore_mem>> -> memref<1x!tpu.dma_semaphore, #tpu.memory_space<semaphore_mem>>
      %dma_wait3A_157 = tpu.memref_squeeze %dma_wait3A_156 : memref<1x!tpu.dma_semaphore, #tpu.memory_space<semaphore_mem>> -> memref<!tpu.dma_semaphore, #tpu.memory_space<semaphore_mem>>
      tpu.wait_indirect_dma semaphore(%dma_wait3A_157 : memref<!tpu.dma_semaphore, #tpu.memory_space<semaphore_mem>>) src(%dma_wait3A_149 : memref<80x64xf32, #tpu.memory_space<vmem>>) dst(%dma_wait3A_155 : memref<10240x64xf32, #tpu.memory_space<vmem_shared>>)
      %add3A_158 = arith.constant 5 : i32
      %add3A_159 = arith.addi %add3A_113, %add3A_158 : i32
      %lt3A_160 = arith.constant 250 : i32
      %lt3A_161 = arith.cmpi slt, %add3A_159, %lt3A_160 : i32
      %convert_element_type3A_162 = arith.extui %lt3A_161 : i1 to i32
      %cond3A_163 = arith.constant 0 : i32
      %cond3A_164 = arith.cmpi ne, %convert_element_type3A_162, %cond3A_163 : i32
      scf.if %cond3A_164 {
        %add3A_409 = arith.constant 5 : i32
        %add3A_410 = arith.addi %add3A_113, %add3A_409 : i32
        %dma_start3A_411 = arith.constant 0 : i32
        %dma_start3A_412 = arith.constant 0 : i32
        %dma_start3A_413 = arith.constant 0 : i32
        %dma_start3A_414 = arith.constant 0 : i32
        %dma_start3A_415 = tpu.memref_slice %arg12[%dma_start3A_411, %dma_start3A_413, %dma_start3A_414] : memref<5x80x64xf32, #tpu.memory_space<vmem>> -> memref<1x80x64xf32, #tpu.memory_space<vmem>>
        %dma_start3A_416 = tpu.memref_squeeze %dma_start3A_415 : memref<1x80x64xf32, #tpu.memory_space<vmem>> -> memref<80x64xf32, #tpu.memory_space<vmem>>
        %dma_start3A_417 = arith.constant 0 : i32
        %dma_start3A_418 = tpu.memref_slice %arg10[%add3A_410, %dma_start3A_417] : memref<250x80xi32, #tpu.memory_space<vmem>> -> memref<1x80xi32, #tpu.memory_space<vmem>>
        %dma_start3A_419 = tpu.memref_squeeze %dma_start3A_418 : memref<1x80xi32, #tpu.memory_space<vmem>> -> memref<80xi32, #tpu.memory_space<vmem>>
        %dma_start3A_420 = arith.constant 0 : i32
        %dma_start3A_421 = tpu.memref_slice %arg2[%arg0, %dma_start3A_420] : memref<20480x64xf32, #tpu.memory_space<hbm>> -> memref<20479x64xf32, #tpu.memory_space<hbm>>
        %dma_start3A_422 = arith.constant 0 : i32
        %dma_start3A_423 = arith.constant 0 : i32
        %dma_start3A_424 = tpu.memref_slice %dma_start3A_421[%dma_start3A_422, %dma_start3A_423] : memref<20479x64xf32, #tpu.memory_space<hbm>> -> memref<20479x64xf32, #tpu.memory_space<hbm>>
        %dma_start3A_425 = tpu.memref_slice %arg16[%dma_start3A_412] : memref<5x!tpu.dma_semaphore, #tpu.memory_space<semaphore_mem>> -> memref<1x!tpu.dma_semaphore, #tpu.memory_space<semaphore_mem>>
        %dma_start3A_426 = tpu.memref_squeeze %dma_start3A_425 : memref<1x!tpu.dma_semaphore, #tpu.memory_space<semaphore_mem>> -> memref<!tpu.dma_semaphore, #tpu.memory_space<semaphore_mem>>
        tpu.enqueue_indirect_dma source(%dma_start3A_424 : memref<20479x64xf32, #tpu.memory_space<hbm>>) target(%dma_start3A_416 : memref<80x64xf32, #tpu.memory_space<vmem>>) offsets(%dma_start3A_419 : memref<80xi32, #tpu.memory_space<vmem>>) semaphore(%dma_start3A_426 : memref<!tpu.dma_semaphore, #tpu.memory_space<semaphore_mem>>)
      } else {
      }
      %mul3A_165 = arith.constant 5 : i32
      %mul3A_166 = arith.muli %add3A_109, %mul3A_165 : i32
      %add3A_167 = arith.constant 1 : i32
      %add3A_168 = arith.addi %mul3A_166, %add3A_167 : i32
      %dma_wait3A_169 = arith.constant 1 : i32
      %dma_wait3A_170 = arith.constant 1 : i32
      %dma_wait3A_171 = arith.constant 0 : i32
      %dma_wait3A_172 = arith.constant 0 : i32
      %dma_wait3A_173 = tpu.memref_slice %arg12[%dma_wait3A_169, %dma_wait3A_171, %dma_wait3A_172] : memref<5x80x64xf32, #tpu.memory_space<vmem>> -> memref<1x80x64xf32, #tpu.memory_space<vmem>>
      %dma_wait3A_174 = tpu.memref_squeeze %dma_wait3A_173 : memref<1x80x64xf32, #tpu.memory_space<vmem>> -> memref<80x64xf32, #tpu.memory_space<vmem>>
      %dma_wait3A_175 = arith.constant 0 : i32
      %dma_wait3A_176 = tpu.memref_slice %arg10[%add3A_168, %dma_wait3A_175] : memref<250x80xi32, #tpu.memory_space<vmem>> -> memref<1x80xi32, #tpu.memory_space<vmem>>
      %dma_wait3A_177 = tpu.memref_squeeze %dma_wait3A_176 : memref<1x80xi32, #tpu.memory_space<vmem>> -> memref<80xi32, #tpu.memory_space<vmem>>
      %dma_wait3A_178 = arith.constant 0 : i32
      %dma_wait3A_179 = tpu.memref_slice %arg2[%arg0, %dma_wait3A_178] : memref<20480x64xf32, #tpu.memory_space<hbm>> -> memref<20479x64xf32, #tpu.memory_space<hbm>>
      %dma_wait3A_180 = arith.constant 0 : i32
      %dma_wait3A_181 = arith.constant 0 : i32
      %dma_wait3A_182 = tpu.memref_slice %dma_wait3A_179[%dma_wait3A_180, %dma_wait3A_181] : memref<20479x64xf32, #tpu.memory_space<hbm>> -> memref<20479x64xf32, #tpu.memory_space<hbm>>
      %dma_wait3A_183 = tpu.memref_slice %arg16[%dma_wait3A_170] : memref<5x!tpu.dma_semaphore, #tpu.memory_space<semaphore_mem>> -> memref<1x!tpu.dma_semaphore, #tpu.memory_space<semaphore_mem>>
      %dma_wait3A_184 = tpu.memref_squeeze %dma_wait3A_183 : memref<1x!tpu.dma_semaphore, #tpu.memory_space<semaphore_mem>> -> memref<!tpu.dma_semaphore, #tpu.memory_space<semaphore_mem>>
      tpu.wait_indirect_dma semaphore(%dma_wait3A_184 : memref<!tpu.dma_semaphore, #tpu.memory_space<semaphore_mem>>) src(%dma_wait3A_182 : memref<20479x64xf32, #tpu.memory_space<hbm>>) dst(%dma_wait3A_174 : memref<80x64xf32, #tpu.memory_space<vmem>>)
      %dma_start3A_185 = arith.constant 1 : i32
      %dma_start3A_186 = arith.constant 1 : i32
      %dma_start3A_187 = arith.constant 0 : i32
      %dma_start3A_188 = arith.constant 0 : i32
      %dma_start3A_189 = tpu.memref_slice %arg12[%dma_start3A_185, %dma_start3A_187, %dma_start3A_188] : memref<5x80x64xf32, #tpu.memory_space<vmem>> -> memref<1x80x64xf32, #tpu.memory_space<vmem>>
      %dma_start3A_190 = tpu.memref_squeeze %dma_start3A_189 : memref<1x80x64xf32, #tpu.memory_space<vmem>> -> memref<80x64xf32, #tpu.memory_space<vmem>>
      %dma_start3A_191 = arith.constant 0 : i32
      %dma_start3A_192 = tpu.memref_slice %arg11[%add3A_168, %dma_start3A_191] : memref<250x80xi32, #tpu.memory_space<vmem>> -> memref<1x80xi32, #tpu.memory_space<vmem>>
      %dma_start3A_193 = tpu.memref_squeeze %dma_start3A_192 : memref<1x80xi32, #tpu.memory_space<vmem>> -> memref<80xi32, #tpu.memory_space<vmem>>
      %dma_start3A_194 = arith.constant 0 : i32
      %dma_start3A_195 = arith.constant 0 : i32
      %dma_start3A_196 = tpu.memref_slice %arg14[%dma_start3A_194, %dma_start3A_195] : memref<10240x64xf32, #tpu.memory_space<vmem_shared>> -> memref<10240x64xf32, #tpu.memory_space<vmem_shared>>
      %dma_start3A_197 = tpu.memref_slice %arg17[%dma_start3A_186] : memref<5x!tpu.dma_semaphore, #tpu.memory_space<semaphore_mem>> -> memref<1x!tpu.dma_semaphore, #tpu.memory_space<semaphore_mem>>
      %dma_start3A_198 = tpu.memref_squeeze %dma_start3A_197 : memref<1x!tpu.dma_semaphore, #tpu.memory_space<semaphore_mem>> -> memref<!tpu.dma_semaphore, #tpu.memory_space<semaphore_mem>>
      tpu.enqueue_indirect_dma source(%dma_start3A_190 : memref<80x64xf32, #tpu.memory_space<vmem>>) target(%dma_start3A_196 : memref<10240x64xf32, #tpu.memory_space<vmem_shared>>) offsets(%dma_start3A_193 : memref<80xi32, #tpu.memory_space<vmem>>) semaphore(%dma_start3A_198 : memref<!tpu.dma_semaphore, #tpu.memory_space<semaphore_mem>>) {add = true}
      %ge3A_199 = arith.cmpi sge, %add3A_168, %mul3A_4 : i32
      %lt3A_200 = arith.cmpi slt, %add3A_168, %add3A_7 : i32
      %and3A_201 = arith.andi %ge3A_199, %lt3A_200 : i1
      %convert_element_type3A_202 = arith.extui %and3A_201 : i1 to i32
      %cond3A_203 = arith.constant 0 : i32
      %cond3A_204 = arith.cmpi ne, %convert_element_type3A_202, %cond3A_203 : i32
      scf.if %cond3A_204 {
        %dma_start3A_409 = arith.constant 1 : i32
        %dma_start3A_410 = arith.constant 0 : i32
        %dma_start3A_411 = tpu.memref_slice %arg11[%add3A_168, %dma_start3A_410] : memref<250x80xi32, #tpu.memory_space<vmem>> -> memref<1x80xi32, #tpu.memory_space<vmem>>
        %dma_start3A_412 = tpu.memref_squeeze %dma_start3A_411 : memref<1x80xi32, #tpu.memory_space<vmem>> -> memref<80xi32, #tpu.memory_space<vmem>>
        %dma_start3A_413 = arith.constant 0 : i32
        %dma_start3A_414 = arith.constant 0 : i32
        %dma_start3A_415 = tpu.memref_slice %arg15[%dma_start3A_413, %dma_start3A_414] : memref<10240x16xf32, #tpu.memory_space<vmem_shared>> -> memref<10240x16xf32, #tpu.memory_space<vmem_shared>>
        %dma_start3A_416 = tpu.memref_slice %arg18[%dma_start3A_409] : memref<5x!tpu.dma_semaphore, #tpu.memory_space<semaphore_mem>> -> memref<1x!tpu.dma_semaphore, #tpu.memory_space<semaphore_mem>>
        %dma_start3A_417 = tpu.memref_squeeze %dma_start3A_416 : memref<1x!tpu.dma_semaphore, #tpu.memory_space<semaphore_mem>> -> memref<!tpu.dma_semaphore, #tpu.memory_space<semaphore_mem>>
        tpu.enqueue_indirect_dma source(%arg13 : memref<80x16xf32, #tpu.memory_space<vmem>>) target(%dma_start3A_415 : memref<10240x16xf32, #tpu.memory_space<vmem_shared>>) offsets(%dma_start3A_412 : memref<80xi32, #tpu.memory_space<vmem>>) semaphore(%dma_start3A_417 : memref<!tpu.dma_semaphore, #tpu.memory_space<semaphore_mem>>) {add = true}
        %dma_wait3A_418 = arith.constant 1 : i32
        %dma_wait3A_419 = arith.constant 0 : i32
        %dma_wait3A_420 = tpu.memref_slice %arg11[%add3A_168, %dma_wait3A_419] : memref<250x80xi32, #tpu.memory_space<vmem>> -> memref<1x80xi32, #tpu.memory_space<vmem>>
        %dma_wait3A_421 = tpu.memref_squeeze %dma_wait3A_420 : memref<1x80xi32, #tpu.memory_space<vmem>> -> memref<80xi32, #tpu.memory_space<vmem>>
        %dma_wait3A_422 = arith.constant 0 : i32
        %dma_wait3A_423 = arith.constant 0 : i32
        %dma_wait3A_424 = tpu.memref_slice %arg15[%dma_wait3A_422, %dma_wait3A_423] : memref<10240x16xf32, #tpu.memory_space<vmem_shared>> -> memref<10240x16xf32, #tpu.memory_space<vmem_shared>>
        %dma_wait3A_425 = tpu.memref_slice %arg18[%dma_wait3A_418] : memref<5x!tpu.dma_semaphore, #tpu.memory_space<semaphore_mem>> -> memref<1x!tpu.dma_semaphore, #tpu.memory_space<semaphore_mem>>
        %dma_wait3A_426 = tpu.memref_squeeze %dma_wait3A_425 : memref<1x!tpu.dma_semaphore, #tpu.memory_space<semaphore_mem>> -> memref<!tpu.dma_semaphore, #tpu.memory_space<semaphore_mem>>
        tpu.wait_indirect_dma semaphore(%dma_wait3A_426 : memref<!tpu.dma_semaphore, #tpu.memory_space<semaphore_mem>>) src(%arg13 : memref<80x16xf32, #tpu.memory_space<vmem>>) dst(%dma_wait3A_424 : memref<10240x16xf32, #tpu.memory_space<vmem_shared>>)
      } else {
      }
      %dma_wait3A_205 = arith.constant 1 : i32
      %dma_wait3A_206 = arith.constant 1 : i32
      %dma_wait3A_207 = arith.constant 0 : i32
      %dma_wait3A_208 = arith.constant 0 : i32
      %dma_wait3A_209 = tpu.memref_slice %arg12[%dma_wait3A_205, %dma_wait3A_207, %dma_wait3A_208] : memref<5x80x64xf32, #tpu.memory_space<vmem>> -> memref<1x80x64xf32, #tpu.memory_space<vmem>>
      %dma_wait3A_210 = tpu.memref_squeeze %dma_wait3A_209 : memref<1x80x64xf32, #tpu.memory_space<vmem>> -> memref<80x64xf32, #tpu.memory_space<vmem>>
      %dma_wait3A_211 = arith.constant 0 : i32
      %dma_wait3A_212 = tpu.memref_slice %arg11[%add3A_168, %dma_wait3A_211] : memref<250x80xi32, #tpu.memory_space<vmem>> -> memref<1x80xi32, #tpu.memory_space<vmem>>
      %dma_wait3A_213 = tpu.memref_squeeze %dma_wait3A_212 : memref<1x80xi32, #tpu.memory_space<vmem>> -> memref<80xi32, #tpu.memory_space<vmem>>
      %dma_wait3A_214 = arith.constant 0 : i32
      %dma_wait3A_215 = arith.constant 0 : i32
      %dma_wait3A_216 = tpu.memref_slice %arg14[%dma_wait3A_214, %dma_wait3A_215] : memref<10240x64xf32, #tpu.memory_space<vmem_shared>> -> memref<10240x64xf32, #tpu.memory_space<vmem_shared>>
      %dma_wait3A_217 = tpu.memref_slice %arg17[%dma_wait3A_206] : memref<5x!tpu.dma_semaphore, #tpu.memory_space<semaphore_mem>> -> memref<1x!tpu.dma_semaphore, #tpu.memory_space<semaphore_mem>>
      %dma_wait3A_218 = tpu.memref_squeeze %dma_wait3A_217 : memref<1x!tpu.dma_semaphore, #tpu.memory_space<semaphore_mem>> -> memref<!tpu.dma_semaphore, #tpu.memory_space<semaphore_mem>>
      tpu.wait_indirect_dma semaphore(%dma_wait3A_218 : memref<!tpu.dma_semaphore, #tpu.memory_space<semaphore_mem>>) src(%dma_wait3A_210 : memref<80x64xf32, #tpu.memory_space<vmem>>) dst(%dma_wait3A_216 : memref<10240x64xf32, #tpu.memory_space<vmem_shared>>)
      %add3A_219 = arith.constant 5 : i32
      %add3A_220 = arith.addi %add3A_168, %add3A_219 : i32
      %lt3A_221 = arith.constant 250 : i32
      %lt3A_222 = arith.cmpi slt, %add3A_220, %lt3A_221 : i32
      %convert_element_type3A_223 = arith.extui %lt3A_222 : i1 to i32
      %cond3A_224 = arith.constant 0 : i32
      %cond3A_225 = arith.cmpi ne, %convert_element_type3A_223, %cond3A_224 : i32
      scf.if %cond3A_225 {
        %add3A_409 = arith.constant 5 : i32
        %add3A_410 = arith.addi %add3A_168, %add3A_409 : i32
        %dma_start3A_411 = arith.constant 1 : i32
        %dma_start3A_412 = arith.constant 1 : i32
        %dma_start3A_413 = arith.constant 0 : i32
        %dma_start3A_414 = arith.constant 0 : i32
        %dma_start3A_415 = tpu.memref_slice %arg12[%dma_start3A_411, %dma_start3A_413, %dma_start3A_414] : memref<5x80x64xf32, #tpu.memory_space<vmem>> -> memref<1x80x64xf32, #tpu.memory_space<vmem>>
        %dma_start3A_416 = tpu.memref_squeeze %dma_start3A_415 : memref<1x80x64xf32, #tpu.memory_space<vmem>> -> memref<80x64xf32, #tpu.memory_space<vmem>>
        %dma_start3A_417 = arith.constant 0 : i32
        %dma_start3A_418 = tpu.memref_slice %arg10[%add3A_410, %dma_start3A_417] : memref<250x80xi32, #tpu.memory_space<vmem>> -> memref<1x80xi32, #tpu.memory_space<vmem>>
        %dma_start3A_419 = tpu.memref_squeeze %dma_start3A_418 : memref<1x80xi32, #tpu.memory_space<vmem>> -> memref<80xi32, #tpu.memory_space<vmem>>
        %dma_start3A_420 = arith.constant 0 : i32
        %dma_start3A_421 = tpu.memref_slice %arg2[%arg0, %dma_start3A_420] : memref<20480x64xf32, #tpu.memory_space<hbm>> -> memref<20479x64xf32, #tpu.memory_space<hbm>>
        %dma_start3A_422 = arith.constant 0 : i32
        %dma_start3A_423 = arith.constant 0 : i32
        %dma_start3A_424 = tpu.memref_slice %dma_start3A_421[%dma_start3A_422, %dma_start3A_423] : memref<20479x64xf32, #tpu.memory_space<hbm>> -> memref<20479x64xf32, #tpu.memory_space<hbm>>
        %dma_start3A_425 = tpu.memref_slice %arg16[%dma_start3A_412] : memref<5x!tpu.dma_semaphore, #tpu.memory_space<semaphore_mem>> -> memref<1x!tpu.dma_semaphore, #tpu.memory_space<semaphore_mem>>
        %dma_start3A_426 = tpu.memref_squeeze %dma_start3A_425 : memref<1x!tpu.dma_semaphore, #tpu.memory_space<semaphore_mem>> -> memref<!tpu.dma_semaphore, #tpu.memory_space<semaphore_mem>>
        tpu.enqueue_indirect_dma source(%dma_start3A_424 : memref<20479x64xf32, #tpu.memory_space<hbm>>) target(%dma_start3A_416 : memref<80x64xf32, #tpu.memory_space<vmem>>) offsets(%dma_start3A_419 : memref<80xi32, #tpu.memory_space<vmem>>) semaphore(%dma_start3A_426 : memref<!tpu.dma_semaphore, #tpu.memory_space<semaphore_mem>>)
      } else {
      }
      %mul3A_226 = arith.constant 5 : i32
      %mul3A_227 = arith.muli %add3A_109, %mul3A_226 : i32
      %add3A_228 = arith.constant 2 : i32
      %add3A_229 = arith.addi %mul3A_227, %add3A_228 : i32
      %dma_wait3A_230 = arith.constant 2 : i32
      %dma_wait3A_231 = arith.constant 2 : i32
      %dma_wait3A_232 = arith.constant 0 : i32
      %dma_wait3A_233 = arith.constant 0 : i32
      %dma_wait3A_234 = tpu.memref_slice %arg12[%dma_wait3A_230, %dma_wait3A_232, %dma_wait3A_233] : memref<5x80x64xf32, #tpu.memory_space<vmem>> -> memref<1x80x64xf32, #tpu.memory_space<vmem>>
      %dma_wait3A_235 = tpu.memref_squeeze %dma_wait3A_234 : memref<1x80x64xf32, #tpu.memory_space<vmem>> -> memref<80x64xf32, #tpu.memory_space<vmem>>
      %dma_wait3A_236 = arith.constant 0 : i32
      %dma_wait3A_237 = tpu.memref_slice %arg10[%add3A_229, %dma_wait3A_236] : memref<250x80xi32, #tpu.memory_space<vmem>> -> memref<1x80xi32, #tpu.memory_space<vmem>>
      %dma_wait3A_238 = tpu.memref_squeeze %dma_wait3A_237 : memref<1x80xi32, #tpu.memory_space<vmem>> -> memref<80xi32, #tpu.memory_space<vmem>>
      %dma_wait3A_239 = arith.constant 0 : i32
      %dma_wait3A_240 = tpu.memref_slice %arg2[%arg0, %dma_wait3A_239] : memref<20480x64xf32, #tpu.memory_space<hbm>> -> memref<20479x64xf32, #tpu.memory_space<hbm>>
      %dma_wait3A_241 = arith.constant 0 : i32
      %dma_wait3A_242 = arith.constant 0 : i32
      %dma_wait3A_243 = tpu.memref_slice %dma_wait3A_240[%dma_wait3A_241, %dma_wait3A_242] : memref<20479x64xf32, #tpu.memory_space<hbm>> -> memref<20479x64xf32, #tpu.memory_space<hbm>>
      %dma_wait3A_244 = tpu.memref_slice %arg16[%dma_wait3A_231] : memref<5x!tpu.dma_semaphore, #tpu.memory_space<semaphore_mem>> -> memref<1x!tpu.dma_semaphore, #tpu.memory_space<semaphore_mem>>
      %dma_wait3A_245 = tpu.memref_squeeze %dma_wait3A_244 : memref<1x!tpu.dma_semaphore, #tpu.memory_space<semaphore_mem>> -> memref<!tpu.dma_semaphore, #tpu.memory_space<semaphore_mem>>
      tpu.wait_indirect_dma semaphore(%dma_wait3A_245 : memref<!tpu.dma_semaphore, #tpu.memory_space<semaphore_mem>>) src(%dma_wait3A_243 : memref<20479x64xf32, #tpu.memory_space<hbm>>) dst(%dma_wait3A_235 : memref<80x64xf32, #tpu.memory_space<vmem>>)
      %dma_start3A_246 = arith.constant 2 : i32
      %dma_start3A_247 = arith.constant 2 : i32
      %dma_start3A_248 = arith.constant 0 : i32
      %dma_start3A_249 = arith.constant 0 : i32
      %dma_start3A_250 = tpu.memref_slice %arg12[%dma_start3A_246, %dma_start3A_248, %dma_start3A_249] : memref<5x80x64xf32, #tpu.memory_space<vmem>> -> memref<1x80x64xf32, #tpu.memory_space<vmem>>
      %dma_start3A_251 = tpu.memref_squeeze %dma_start3A_250 : memref<1x80x64xf32, #tpu.memory_space<vmem>> -> memref<80x64xf32, #tpu.memory_space<vmem>>
      %dma_start3A_252 = arith.constant 0 : i32
      %dma_start3A_253 = tpu.memref_slice %arg11[%add3A_229, %dma_start3A_252] : memref<250x80xi32, #tpu.memory_space<vmem>> -> memref<1x80xi32, #tpu.memory_space<vmem>>
      %dma_start3A_254 = tpu.memref_squeeze %dma_start3A_253 : memref<1x80xi32, #tpu.memory_space<vmem>> -> memref<80xi32, #tpu.memory_space<vmem>>
      %dma_start3A_255 = arith.constant 0 : i32
      %dma_start3A_256 = arith.constant 0 : i32
      %dma_start3A_257 = tpu.memref_slice %arg14[%dma_start3A_255, %dma_start3A_256] : memref<10240x64xf32, #tpu.memory_space<vmem_shared>> -> memref<10240x64xf32, #tpu.memory_space<vmem_shared>>
      %dma_start3A_258 = tpu.memref_slice %arg17[%dma_start3A_247] : memref<5x!tpu.dma_semaphore, #tpu.memory_space<semaphore_mem>> -> memref<1x!tpu.dma_semaphore, #tpu.memory_space<semaphore_mem>>
      %dma_start3A_259 = tpu.memref_squeeze %dma_start3A_258 : memref<1x!tpu.dma_semaphore, #tpu.memory_space<semaphore_mem>> -> memref<!tpu.dma_semaphore, #tpu.memory_space<semaphore_mem>>
      tpu.enqueue_indirect_dma source(%dma_start3A_251 : memref<80x64xf32, #tpu.memory_space<vmem>>) target(%dma_start3A_257 : memref<10240x64xf32, #tpu.memory_space<vmem_shared>>) offsets(%dma_start3A_254 : memref<80xi32, #tpu.memory_space<vmem>>) semaphore(%dma_start3A_259 : memref<!tpu.dma_semaphore, #tpu.memory_space<semaphore_mem>>) {add = true}
      %ge3A_260 = arith.cmpi sge, %add3A_229, %mul3A_4 : i32
      %lt3A_261 = arith.cmpi slt, %add3A_229, %add3A_7 : i32
      %and3A_262 = arith.andi %ge3A_260, %lt3A_261 : i1
      %convert_element_type3A_263 = arith.extui %and3A_262 : i1 to i32
      %cond3A_264 = arith.constant 0 : i32
      %cond3A_265 = arith.cmpi ne, %convert_element_type3A_263, %cond3A_264 : i32
      scf.if %cond3A_265 {
        %dma_start3A_409 = arith.constant 2 : i32
        %dma_start3A_410 = arith.constant 0 : i32
        %dma_start3A_411 = tpu.memref_slice %arg11[%add3A_229, %dma_start3A_410] : memref<250x80xi32, #tpu.memory_space<vmem>> -> memref<1x80xi32, #tpu.memory_space<vmem>>
        %dma_start3A_412 = tpu.memref_squeeze %dma_start3A_411 : memref<1x80xi32, #tpu.memory_space<vmem>> -> memref<80xi32, #tpu.memory_space<vmem>>
        %dma_start3A_413 = arith.constant 0 : i32
        %dma_start3A_414 = arith.constant 0 : i32
        %dma_start3A_415 = tpu.memref_slice %arg15[%dma_start3A_413, %dma_start3A_414] : memref<10240x16xf32, #tpu.memory_space<vmem_shared>> -> memref<10240x16xf32, #tpu.memory_space<vmem_shared>>
        %dma_start3A_416 = tpu.memref_slice %arg18[%dma_start3A_409] : memref<5x!tpu.dma_semaphore, #tpu.memory_space<semaphore_mem>> -> memref<1x!tpu.dma_semaphore, #tpu.memory_space<semaphore_mem>>
        %dma_start3A_417 = tpu.memref_squeeze %dma_start3A_416 : memref<1x!tpu.dma_semaphore, #tpu.memory_space<semaphore_mem>> -> memref<!tpu.dma_semaphore, #tpu.memory_space<semaphore_mem>>
        tpu.enqueue_indirect_dma source(%arg13 : memref<80x16xf32, #tpu.memory_space<vmem>>) target(%dma_start3A_415 : memref<10240x16xf32, #tpu.memory_space<vmem_shared>>) offsets(%dma_start3A_412 : memref<80xi32, #tpu.memory_space<vmem>>) semaphore(%dma_start3A_417 : memref<!tpu.dma_semaphore, #tpu.memory_space<semaphore_mem>>) {add = true}
        %dma_wait3A_418 = arith.constant 2 : i32
        %dma_wait3A_419 = arith.constant 0 : i32
        %dma_wait3A_420 = tpu.memref_slice %arg11[%add3A_229, %dma_wait3A_419] : memref<250x80xi32, #tpu.memory_space<vmem>> -> memref<1x80xi32, #tpu.memory_space<vmem>>
        %dma_wait3A_421 = tpu.memref_squeeze %dma_wait3A_420 : memref<1x80xi32, #tpu.memory_space<vmem>> -> memref<80xi32, #tpu.memory_space<vmem>>
        %dma_wait3A_422 = arith.constant 0 : i32
        %dma_wait3A_423 = arith.constant 0 : i32
        %dma_wait3A_424 = tpu.memref_slice %arg15[%dma_wait3A_422, %dma_wait3A_423] : memref<10240x16xf32, #tpu.memory_space<vmem_shared>> -> memref<10240x16xf32, #tpu.memory_space<vmem_shared>>
        %dma_wait3A_425 = tpu.memref_slice %arg18[%dma_wait3A_418] : memref<5x!tpu.dma_semaphore, #tpu.memory_space<semaphore_mem>> -> memref<1x!tpu.dma_semaphore, #tpu.memory_space<semaphore_mem>>
        %dma_wait3A_426 = tpu.memref_squeeze %dma_wait3A_425 : memref<1x!tpu.dma_semaphore, #tpu.memory_space<semaphore_mem>> -> memref<!tpu.dma_semaphore, #tpu.memory_space<semaphore_mem>>
        tpu.wait_indirect_dma semaphore(%dma_wait3A_426 : memref<!tpu.dma_semaphore, #tpu.memory_space<semaphore_mem>>) src(%arg13 : memref<80x16xf32, #tpu.memory_space<vmem>>) dst(%dma_wait3A_424 : memref<10240x16xf32, #tpu.memory_space<vmem_shared>>)
      } else {
      }
      %dma_wait3A_266 = arith.constant 2 : i32
      %dma_wait3A_267 = arith.constant 2 : i32
      %dma_wait3A_268 = arith.constant 0 : i32
      %dma_wait3A_269 = arith.constant 0 : i32
      %dma_wait3A_270 = tpu.memref_slice %arg12[%dma_wait3A_266, %dma_wait3A_268, %dma_wait3A_269] : memref<5x80x64xf32, #tpu.memory_space<vmem>> -> memref<1x80x64xf32, #tpu.memory_space<vmem>>
      %dma_wait3A_271 = tpu.memref_squeeze %dma_wait3A_270 : memref<1x80x64xf32, #tpu.memory_space<vmem>> -> memref<80x64xf32, #tpu.memory_space<vmem>>
      %dma_wait3A_272 = arith.constant 0 : i32
      %dma_wait3A_273 = tpu.memref_slice %arg11[%add3A_229, %dma_wait3A_272] : memref<250x80xi32, #tpu.memory_space<vmem>> -> memref<1x80xi32, #tpu.memory_space<vmem>>
      %dma_wait3A_274 = tpu.memref_squeeze %dma_wait3A_273 : memref<1x80xi32, #tpu.memory_space<vmem>> -> memref<80xi32, #tpu.memory_space<vmem>>
      %dma_wait3A_275 = arith.constant 0 : i32
      %dma_wait3A_276 = arith.constant 0 : i32
      %dma_wait3A_277 = tpu.memref_slice %arg14[%dma_wait3A_275, %dma_wait3A_276] : memref<10240x64xf32, #tpu.memory_space<vmem_shared>> -> memref<10240x64xf32, #tpu.memory_space<vmem_shared>>
      %dma_wait3A_278 = tpu.memref_slice %arg17[%dma_wait3A_267] : memref<5x!tpu.dma_semaphore, #tpu.memory_space<semaphore_mem>> -> memref<1x!tpu.dma_semaphore, #tpu.memory_space<semaphore_mem>>
      %dma_wait3A_279 = tpu.memref_squeeze %dma_wait3A_278 : memref<1x!tpu.dma_semaphore, #tpu.memory_space<semaphore_mem>> -> memref<!tpu.dma_semaphore, #tpu.memory_space<semaphore_mem>>
      tpu.wait_indirect_dma semaphore(%dma_wait3A_279 : memref<!tpu.dma_semaphore, #tpu.memory_space<semaphore_mem>>) src(%dma_wait3A_271 : memref<80x64xf32, #tpu.memory_space<vmem>>) dst(%dma_wait3A_277 : memref<10240x64xf32, #tpu.memory_space<vmem_shared>>)
      %add3A_280 = arith.constant 5 : i32
      %add3A_281 = arith.addi %add3A_229, %add3A_280 : i32
      %lt3A_282 = arith.constant 250 : i32
      %lt3A_283 = arith.cmpi slt, %add3A_281, %lt3A_282 : i32
      %convert_element_type3A_284 = arith.extui %lt3A_283 : i1 to i32
      %cond3A_285 = arith.constant 0 : i32
      %cond3A_286 = arith.cmpi ne, %convert_element_type3A_284, %cond3A_285 : i32
      scf.if %cond3A_286 {
        %add3A_409 = arith.constant 5 : i32
        %add3A_410 = arith.addi %add3A_229, %add3A_409 : i32
        %dma_start3A_411 = arith.constant 2 : i32
        %dma_start3A_412 = arith.constant 2 : i32
        %dma_start3A_413 = arith.constant 0 : i32
        %dma_start3A_414 = arith.constant 0 : i32
        %dma_start3A_415 = tpu.memref_slice %arg12[%dma_start3A_411, %dma_start3A_413, %dma_start3A_414] : memref<5x80x64xf32, #tpu.memory_space<vmem>> -> memref<1x80x64xf32, #tpu.memory_space<vmem>>
        %dma_start3A_416 = tpu.memref_squeeze %dma_start3A_415 : memref<1x80x64xf32, #tpu.memory_space<vmem>> -> memref<80x64xf32, #tpu.memory_space<vmem>>
        %dma_start3A_417 = arith.constant 0 : i32
        %dma_start3A_418 = tpu.memref_slice %arg10[%add3A_410, %dma_start3A_417] : memref<250x80xi32, #tpu.memory_space<vmem>> -> memref<1x80xi32, #tpu.memory_space<vmem>>
        %dma_start3A_419 = tpu.memref_squeeze %dma_start3A_418 : memref<1x80xi32, #tpu.memory_space<vmem>> -> memref<80xi32, #tpu.memory_space<vmem>>
        %dma_start3A_420 = arith.constant 0 : i32
        %dma_start3A_421 = tpu.memref_slice %arg2[%arg0, %dma_start3A_420] : memref<20480x64xf32, #tpu.memory_space<hbm>> -> memref<20479x64xf32, #tpu.memory_space<hbm>>
        %dma_start3A_422 = arith.constant 0 : i32
        %dma_start3A_423 = arith.constant 0 : i32
        %dma_start3A_424 = tpu.memref_slice %dma_start3A_421[%dma_start3A_422, %dma_start3A_423] : memref<20479x64xf32, #tpu.memory_space<hbm>> -> memref<20479x64xf32, #tpu.memory_space<hbm>>
        %dma_start3A_425 = tpu.memref_slice %arg16[%dma_start3A_412] : memref<5x!tpu.dma_semaphore, #tpu.memory_space<semaphore_mem>> -> memref<1x!tpu.dma_semaphore, #tpu.memory_space<semaphore_mem>>
        %dma_start3A_426 = tpu.memref_squeeze %dma_start3A_425 : memref<1x!tpu.dma_semaphore, #tpu.memory_space<semaphore_mem>> -> memref<!tpu.dma_semaphore, #tpu.memory_space<semaphore_mem>>
        tpu.enqueue_indirect_dma source(%dma_start3A_424 : memref<20479x64xf32, #tpu.memory_space<hbm>>) target(%dma_start3A_416 : memref<80x64xf32, #tpu.memory_space<vmem>>) offsets(%dma_start3A_419 : memref<80xi32, #tpu.memory_space<vmem>>) semaphore(%dma_start3A_426 : memref<!tpu.dma_semaphore, #tpu.memory_space<semaphore_mem>>)
      } else {
      }
      %mul3A_287 = arith.constant 5 : i32
      %mul3A_288 = arith.muli %add3A_109, %mul3A_287 : i32
      %add3A_289 = arith.constant 3 : i32
      %add3A_290 = arith.addi %mul3A_288, %add3A_289 : i32
      %dma_wait3A_291 = arith.constant 3 : i32
      %dma_wait3A_292 = arith.constant 3 : i32
      %dma_wait3A_293 = arith.constant 0 : i32
      %dma_wait3A_294 = arith.constant 0 : i32
      %dma_wait3A_295 = tpu.memref_slice %arg12[%dma_wait3A_291, %dma_wait3A_293, %dma_wait3A_294] : memref<5x80x64xf32, #tpu.memory_space<vmem>> -> memref<1x80x64xf32, #tpu.memory_space<vmem>>
      %dma_wait3A_296 = tpu.memref_squeeze %dma_wait3A_295 : memref<1x80x64xf32, #tpu.memory_space<vmem>> -> memref<80x64xf32, #tpu.memory_space<vmem>>
      %dma_wait3A_297 = arith.constant 0 : i32
      %dma_wait3A_298 = tpu.memref_slice %arg10[%add3A_290, %dma_wait3A_297] : memref<250x80xi32, #tpu.memory_space<vmem>> -> memref<1x80xi32, #tpu.memory_space<vmem>>
      %dma_wait3A_299 = tpu.memref_squeeze %dma_wait3A_298 : memref<1x80xi32, #tpu.memory_space<vmem>> -> memref<80xi32, #tpu.memory_space<vmem>>
      %dma_wait3A_300 = arith.constant 0 : i32
      %dma_wait3A_301 = tpu.memref_slice %arg2[%arg0, %dma_wait3A_300] : memref<20480x64xf32, #tpu.memory_space<hbm>> -> memref<20479x64xf32, #tpu.memory_space<hbm>>
      %dma_wait3A_302 = arith.constant 0 : i32
      %dma_wait3A_303 = arith.constant 0 : i32
      %dma_wait3A_304 = tpu.memref_slice %dma_wait3A_301[%dma_wait3A_302, %dma_wait3A_303] : memref<20479x64xf32, #tpu.memory_space<hbm>> -> memref<20479x64xf32, #tpu.memory_space<hbm>>
      %dma_wait3A_305 = tpu.memref_slice %arg16[%dma_wait3A_292] : memref<5x!tpu.dma_semaphore, #tpu.memory_space<semaphore_mem>> -> memref<1x!tpu.dma_semaphore, #tpu.memory_space<semaphore_mem>>
      %dma_wait3A_306 = tpu.memref_squeeze %dma_wait3A_305 : memref<1x!tpu.dma_semaphore, #tpu.memory_space<semaphore_mem>> -> memref<!tpu.dma_semaphore, #tpu.memory_space<semaphore_mem>>
      tpu.wait_indirect_dma semaphore(%dma_wait3A_306 : memref<!tpu.dma_semaphore, #tpu.memory_space<semaphore_mem>>) src(%dma_wait3A_304 : memref<20479x64xf32, #tpu.memory_space<hbm>>) dst(%dma_wait3A_296 : memref<80x64xf32, #tpu.memory_space<vmem>>)
      %dma_start3A_307 = arith.constant 3 : i32
      %dma_start3A_308 = arith.constant 3 : i32
      %dma_start3A_309 = arith.constant 0 : i32
      %dma_start3A_310 = arith.constant 0 : i32
      %dma_start3A_311 = tpu.memref_slice %arg12[%dma_start3A_307, %dma_start3A_309, %dma_start3A_310] : memref<5x80x64xf32, #tpu.memory_space<vmem>> -> memref<1x80x64xf32, #tpu.memory_space<vmem>>
      %dma_start3A_312 = tpu.memref_squeeze %dma_start3A_311 : memref<1x80x64xf32, #tpu.memory_space<vmem>> -> memref<80x64xf32, #tpu.memory_space<vmem>>
      %dma_start3A_313 = arith.constant 0 : i32
      %dma_start3A_314 = tpu.memref_slice %arg11[%add3A_290, %dma_start3A_313] : memref<250x80xi32, #tpu.memory_space<vmem>> -> memref<1x80xi32, #tpu.memory_space<vmem>>
      %dma_start3A_315 = tpu.memref_squeeze %dma_start3A_314 : memref<1x80xi32, #tpu.memory_space<vmem>> -> memref<80xi32, #tpu.memory_space<vmem>>
      %dma_start3A_316 = arith.constant 0 : i32
      %dma_start3A_317 = arith.constant 0 : i32
      %dma_start3A_318 = tpu.memref_slice %arg14[%dma_start3A_316, %dma_start3A_317] : memref<10240x64xf32, #tpu.memory_space<vmem_shared>> -> memref<10240x64xf32, #tpu.memory_space<vmem_shared>>
      %dma_start3A_319 = tpu.memref_slice %arg17[%dma_start3A_308] : memref<5x!tpu.dma_semaphore, #tpu.memory_space<semaphore_mem>> -> memref<1x!tpu.dma_semaphore, #tpu.memory_space<semaphore_mem>>
      %dma_start3A_320 = tpu.memref_squeeze %dma_start3A_319 : memref<1x!tpu.dma_semaphore, #tpu.memory_space<semaphore_mem>> -> memref<!tpu.dma_semaphore, #tpu.memory_space<semaphore_mem>>
      tpu.enqueue_indirect_dma source(%dma_start3A_312 : memref<80x64xf32, #tpu.memory_space<vmem>>) target(%dma_start3A_318 : memref<10240x64xf32, #tpu.memory_space<vmem_shared>>) offsets(%dma_start3A_315 : memref<80xi32, #tpu.memory_space<vmem>>) semaphore(%dma_start3A_320 : memref<!tpu.dma_semaphore, #tpu.memory_space<semaphore_mem>>) {add = true}
      %ge3A_321 = arith.cmpi sge, %add3A_290, %mul3A_4 : i32
      %lt3A_322 = arith.cmpi slt, %add3A_290, %add3A_7 : i32
      %and3A_323 = arith.andi %ge3A_321, %lt3A_322 : i1
      %convert_element_type3A_324 = arith.extui %and3A_323 : i1 to i32
      %cond3A_325 = arith.constant 0 : i32
      %cond3A_326 = arith.cmpi ne, %convert_element_type3A_324, %cond3A_325 : i32
      scf.if %cond3A_326 {
        %dma_start3A_409 = arith.constant 3 : i32
        %dma_start3A_410 = arith.constant 0 : i32
        %dma_start3A_411 = tpu.memref_slice %arg11[%add3A_290, %dma_start3A_410] : memref<250x80xi32, #tpu.memory_space<vmem>> -> memref<1x80xi32, #tpu.memory_space<vmem>>
        %dma_start3A_412 = tpu.memref_squeeze %dma_start3A_411 : memref<1x80xi32, #tpu.memory_space<vmem>> -> memref<80xi32, #tpu.memory_space<vmem>>
        %dma_start3A_413 = arith.constant 0 : i32
        %dma_start3A_414 = arith.constant 0 : i32
        %dma_start3A_415 = tpu.memref_slice %arg15[%dma_start3A_413, %dma_start3A_414] : memref<10240x16xf32, #tpu.memory_space<vmem_shared>> -> memref<10240x16xf32, #tpu.memory_space<vmem_shared>>
        %dma_start3A_416 = tpu.memref_slice %arg18[%dma_start3A_409] : memref<5x!tpu.dma_semaphore, #tpu.memory_space<semaphore_mem>> -> memref<1x!tpu.dma_semaphore, #tpu.memory_space<semaphore_mem>>
        %dma_start3A_417 = tpu.memref_squeeze %dma_start3A_416 : memref<1x!tpu.dma_semaphore, #tpu.memory_space<semaphore_mem>> -> memref<!tpu.dma_semaphore, #tpu.memory_space<semaphore_mem>>
        tpu.enqueue_indirect_dma source(%arg13 : memref<80x16xf32, #tpu.memory_space<vmem>>) target(%dma_start3A_415 : memref<10240x16xf32, #tpu.memory_space<vmem_shared>>) offsets(%dma_start3A_412 : memref<80xi32, #tpu.memory_space<vmem>>) semaphore(%dma_start3A_417 : memref<!tpu.dma_semaphore, #tpu.memory_space<semaphore_mem>>) {add = true}
        %dma_wait3A_418 = arith.constant 3 : i32
        %dma_wait3A_419 = arith.constant 0 : i32
        %dma_wait3A_420 = tpu.memref_slice %arg11[%add3A_290, %dma_wait3A_419] : memref<250x80xi32, #tpu.memory_space<vmem>> -> memref<1x80xi32, #tpu.memory_space<vmem>>
        %dma_wait3A_421 = tpu.memref_squeeze %dma_wait3A_420 : memref<1x80xi32, #tpu.memory_space<vmem>> -> memref<80xi32, #tpu.memory_space<vmem>>
        %dma_wait3A_422 = arith.constant 0 : i32
        %dma_wait3A_423 = arith.constant 0 : i32
        %dma_wait3A_424 = tpu.memref_slice %arg15[%dma_wait3A_422, %dma_wait3A_423] : memref<10240x16xf32, #tpu.memory_space<vmem_shared>> -> memref<10240x16xf32, #tpu.memory_space<vmem_shared>>
        %dma_wait3A_425 = tpu.memref_slice %arg18[%dma_wait3A_418] : memref<5x!tpu.dma_semaphore, #tpu.memory_space<semaphore_mem>> -> memref<1x!tpu.dma_semaphore, #tpu.memory_space<semaphore_mem>>
        %dma_wait3A_426 = tpu.memref_squeeze %dma_wait3A_425 : memref<1x!tpu.dma_semaphore, #tpu.memory_space<semaphore_mem>> -> memref<!tpu.dma_semaphore, #tpu.memory_space<semaphore_mem>>
        tpu.wait_indirect_dma semaphore(%dma_wait3A_426 : memref<!tpu.dma_semaphore, #tpu.memory_space<semaphore_mem>>) src(%arg13 : memref<80x16xf32, #tpu.memory_space<vmem>>) dst(%dma_wait3A_424 : memref<10240x16xf32, #tpu.memory_space<vmem_shared>>)
      } else {
      }
      %dma_wait3A_327 = arith.constant 3 : i32
      %dma_wait3A_328 = arith.constant 3 : i32
      %dma_wait3A_329 = arith.constant 0 : i32
      %dma_wait3A_330 = arith.constant 0 : i32
      %dma_wait3A_331 = tpu.memref_slice %arg12[%dma_wait3A_327, %dma_wait3A_329, %dma_wait3A_330] : memref<5x80x64xf32, #tpu.memory_space<vmem>> -> memref<1x80x64xf32, #tpu.memory_space<vmem>>
      %dma_wait3A_332 = tpu.memref_squeeze %dma_wait3A_331 : memref<1x80x64xf32, #tpu.memory_space<vmem>> -> memref<80x64xf32, #tpu.memory_space<vmem>>
      %dma_wait3A_333 = arith.constant 0 : i32
      %dma_wait3A_334 = tpu.memref_slice %arg11[%add3A_290, %dma_wait3A_333] : memref<250x80xi32, #tpu.memory_space<vmem>> -> memref<1x80xi32, #tpu.memory_space<vmem>>
      %dma_wait3A_335 = tpu.memref_squeeze %dma_wait3A_334 : memref<1x80xi32, #tpu.memory_space<vmem>> -> memref<80xi32, #tpu.memory_space<vmem>>
      %dma_wait3A_336 = arith.constant 0 : i32
      %dma_wait3A_337 = arith.constant 0 : i32
      %dma_wait3A_338 = tpu.memref_slice %arg14[%dma_wait3A_336, %dma_wait3A_337] : memref<10240x64xf32, #tpu.memory_space<vmem_shared>> -> memref<10240x64xf32, #tpu.memory_space<vmem_shared>>
      %dma_wait3A_339 = tpu.memref_slice %arg17[%dma_wait3A_328] : memref<5x!tpu.dma_semaphore, #tpu.memory_space<semaphore_mem>> -> memref<1x!tpu.dma_semaphore, #tpu.memory_space<semaphore_mem>>
      %dma_wait3A_340 = tpu.memref_squeeze %dma_wait3A_339 : memref<1x!tpu.dma_semaphore, #tpu.memory_space<semaphore_mem>> -> memref<!tpu.dma_semaphore, #tpu.memory_space<semaphore_mem>>
      tpu.wait_indirect_dma semaphore(%dma_wait3A_340 : memref<!tpu.dma_semaphore, #tpu.memory_space<semaphore_mem>>) src(%dma_wait3A_332 : memref<80x64xf32, #tpu.memory_space<vmem>>) dst(%dma_wait3A_338 : memref<10240x64xf32, #tpu.memory_space<vmem_shared>>)
      %add3A_341 = arith.constant 5 : i32
      %add3A_342 = arith.addi %add3A_290, %add3A_341 : i32
      %lt3A_343 = arith.constant 250 : i32
      %lt3A_344 = arith.cmpi slt, %add3A_342, %lt3A_343 : i32
      %convert_element_type3A_345 = arith.extui %lt3A_344 : i1 to i32
      %cond3A_346 = arith.constant 0 : i32
      %cond3A_347 = arith.cmpi ne, %convert_element_type3A_345, %cond3A_346 : i32
      scf.if %cond3A_347 {
        %add3A_409 = arith.constant 5 : i32
        %add3A_410 = arith.addi %add3A_290, %add3A_409 : i32
        %dma_start3A_411 = arith.constant 3 : i32
        %dma_start3A_412 = arith.constant 3 : i32
        %dma_start3A_413 = arith.constant 0 : i32
        %dma_start3A_414 = arith.constant 0 : i32
        %dma_start3A_415 = tpu.memref_slice %arg12[%dma_start3A_411, %dma_start3A_413, %dma_start3A_414] : memref<5x80x64xf32, #tpu.memory_space<vmem>> -> memref<1x80x64xf32, #tpu.memory_space<vmem>>
        %dma_start3A_416 = tpu.memref_squeeze %dma_start3A_415 : memref<1x80x64xf32, #tpu.memory_space<vmem>> -> memref<80x64xf32, #tpu.memory_space<vmem>>
        %dma_start3A_417 = arith.constant 0 : i32
        %dma_start3A_418 = tpu.memref_slice %arg10[%add3A_410, %dma_start3A_417] : memref<250x80xi32, #tpu.memory_space<vmem>> -> memref<1x80xi32, #tpu.memory_space<vmem>>
        %dma_start3A_419 = tpu.memref_squeeze %dma_start3A_418 : memref<1x80xi32, #tpu.memory_space<vmem>> -> memref<80xi32, #tpu.memory_space<vmem>>
        %dma_start3A_420 = arith.constant 0 : i32
        %dma_start3A_421 = tpu.memref_slice %arg2[%arg0, %dma_start3A_420] : memref<20480x64xf32, #tpu.memory_space<hbm>> -> memref<20479x64xf32, #tpu.memory_space<hbm>>
        %dma_start3A_422 = arith.constant 0 : i32
        %dma_start3A_423 = arith.constant 0 : i32
        %dma_start3A_424 = tpu.memref_slice %dma_start3A_421[%dma_start3A_422, %dma_start3A_423] : memref<20479x64xf32, #tpu.memory_space<hbm>> -> memref<20479x64xf32, #tpu.memory_space<hbm>>
        %dma_start3A_425 = tpu.memref_slice %arg16[%dma_start3A_412] : memref<5x!tpu.dma_semaphore, #tpu.memory_space<semaphore_mem>> -> memref<1x!tpu.dma_semaphore, #tpu.memory_space<semaphore_mem>>
        %dma_start3A_426 = tpu.memref_squeeze %dma_start3A_425 : memref<1x!tpu.dma_semaphore, #tpu.memory_space<semaphore_mem>> -> memref<!tpu.dma_semaphore, #tpu.memory_space<semaphore_mem>>
        tpu.enqueue_indirect_dma source(%dma_start3A_424 : memref<20479x64xf32, #tpu.memory_space<hbm>>) target(%dma_start3A_416 : memref<80x64xf32, #tpu.memory_space<vmem>>) offsets(%dma_start3A_419 : memref<80xi32, #tpu.memory_space<vmem>>) semaphore(%dma_start3A_426 : memref<!tpu.dma_semaphore, #tpu.memory_space<semaphore_mem>>)
      } else {
      }
      %mul3A_348 = arith.constant 5 : i32
      %mul3A_349 = arith.muli %add3A_109, %mul3A_348 : i32
      %add3A_350 = arith.constant 4 : i32
      %add3A_351 = arith.addi %mul3A_349, %add3A_350 : i32
      %dma_wait3A_352 = arith.constant 4 : i32
      %dma_wait3A_353 = arith.constant 4 : i32
      %dma_wait3A_354 = arith.constant 0 : i32
      %dma_wait3A_355 = arith.constant 0 : i32
      %dma_wait3A_356 = tpu.memref_slice %arg12[%dma_wait3A_352, %dma_wait3A_354, %dma_wait3A_355] : memref<5x80x64xf32, #tpu.memory_space<vmem>> -> memref<1x80x64xf32, #tpu.memory_space<vmem>>
      %dma_wait3A_357 = tpu.memref_squeeze %dma_wait3A_356 : memref<1x80x64xf32, #tpu.memory_space<vmem>> -> memref<80x64xf32, #tpu.memory_space<vmem>>
      %dma_wait3A_358 = arith.constant 0 : i32
      %dma_wait3A_359 = tpu.memref_slice %arg10[%add3A_351, %dma_wait3A_358] : memref<250x80xi32, #tpu.memory_space<vmem>> -> memref<1x80xi32, #tpu.memory_space<vmem>>
      %dma_wait3A_360 = tpu.memref_squeeze %dma_wait3A_359 : memref<1x80xi32, #tpu.memory_space<vmem>> -> memref<80xi32, #tpu.memory_space<vmem>>
      %dma_wait3A_361 = arith.constant 0 : i32
      %dma_wait3A_362 = tpu.memref_slice %arg2[%arg0, %dma_wait3A_361] : memref<20480x64xf32, #tpu.memory_space<hbm>> -> memref<20479x64xf32, #tpu.memory_space<hbm>>
      %dma_wait3A_363 = arith.constant 0 : i32
      %dma_wait3A_364 = arith.constant 0 : i32
      %dma_wait3A_365 = tpu.memref_slice %dma_wait3A_362[%dma_wait3A_363, %dma_wait3A_364] : memref<20479x64xf32, #tpu.memory_space<hbm>> -> memref<20479x64xf32, #tpu.memory_space<hbm>>
      %dma_wait3A_366 = tpu.memref_slice %arg16[%dma_wait3A_353] : memref<5x!tpu.dma_semaphore, #tpu.memory_space<semaphore_mem>> -> memref<1x!tpu.dma_semaphore, #tpu.memory_space<semaphore_mem>>
      %dma_wait3A_367 = tpu.memref_squeeze %dma_wait3A_366 : memref<1x!tpu.dma_semaphore, #tpu.memory_space<semaphore_mem>> -> memref<!tpu.dma_semaphore, #tpu.memory_space<semaphore_mem>>
      tpu.wait_indirect_dma semaphore(%dma_wait3A_367 : memref<!tpu.dma_semaphore, #tpu.memory_space<semaphore_mem>>) src(%dma_wait3A_365 : memref<20479x64xf32, #tpu.memory_space<hbm>>) dst(%dma_wait3A_357 : memref<80x64xf32, #tpu.memory_space<vmem>>)
      %dma_start3A_368 = arith.constant 4 : i32
      %dma_start3A_369 = arith.constant 4 : i32
      %dma_start3A_370 = arith.constant 0 : i32
      %dma_start3A_371 = arith.constant 0 : i32
      %dma_start3A_372 = tpu.memref_slice %arg12[%dma_start3A_368, %dma_start3A_370, %dma_start3A_371] : memref<5x80x64xf32, #tpu.memory_space<vmem>> -> memref<1x80x64xf32, #tpu.memory_space<vmem>>
      %dma_start3A_373 = tpu.memref_squeeze %dma_start3A_372 : memref<1x80x64xf32, #tpu.memory_space<vmem>> -> memref<80x64xf32, #tpu.memory_space<vmem>>
      %dma_start3A_374 = arith.constant 0 : i32
      %dma_start3A_375 = tpu.memref_slice %arg11[%add3A_351, %dma_start3A_374] : memref<250x80xi32, #tpu.memory_space<vmem>> -> memref<1x80xi32, #tpu.memory_space<vmem>>
      %dma_start3A_376 = tpu.memref_squeeze %dma_start3A_375 : memref<1x80xi32, #tpu.memory_space<vmem>> -> memref<80xi32, #tpu.memory_space<vmem>>
      %dma_start3A_377 = arith.constant 0 : i32
      %dma_start3A_378 = arith.constant 0 : i32
      %dma_start3A_379 = tpu.memref_slice %arg14[%dma_start3A_377, %dma_start3A_378] : memref<10240x64xf32, #tpu.memory_space<vmem_shared>> -> memref<10240x64xf32, #tpu.memory_space<vmem_shared>>
      %dma_start3A_380 = tpu.memref_slice %arg17[%dma_start3A_369] : memref<5x!tpu.dma_semaphore, #tpu.memory_space<semaphore_mem>> -> memref<1x!tpu.dma_semaphore, #tpu.memory_space<semaphore_mem>>
      %dma_start3A_381 = tpu.memref_squeeze %dma_start3A_380 : memref<1x!tpu.dma_semaphore, #tpu.memory_space<semaphore_mem>> -> memref<!tpu.dma_semaphore, #tpu.memory_space<semaphore_mem>>
      tpu.enqueue_indirect_dma source(%dma_start3A_373 : memref<80x64xf32, #tpu.memory_space<vmem>>) target(%dma_start3A_379 : memref<10240x64xf32, #tpu.memory_space<vmem_shared>>) offsets(%dma_start3A_376 : memref<80xi32, #tpu.memory_space<vmem>>) semaphore(%dma_start3A_381 : memref<!tpu.dma_semaphore, #tpu.memory_space<semaphore_mem>>) {add = true}
      %ge3A_382 = arith.cmpi sge, %add3A_351, %mul3A_4 : i32
      %lt3A_383 = arith.cmpi slt, %add3A_351, %add3A_7 : i32
      %and3A_384 = arith.andi %ge3A_382, %lt3A_383 : i1
      %convert_element_type3A_385 = arith.extui %and3A_384 : i1 to i32
      %cond3A_386 = arith.constant 0 : i32
      %cond3A_387 = arith.cmpi ne, %convert_element_type3A_385, %cond3A_386 : i32
      scf.if %cond3A_387 {
        %dma_start3A_409 = arith.constant 4 : i32
        %dma_start3A_410 = arith.constant 0 : i32
        %dma_start3A_411 = tpu.memref_slice %arg11[%add3A_351, %dma_start3A_410] : memref<250x80xi32, #tpu.memory_space<vmem>> -> memref<1x80xi32, #tpu.memory_space<vmem>>
        %dma_start3A_412 = tpu.memref_squeeze %dma_start3A_411 : memref<1x80xi32, #tpu.memory_space<vmem>> -> memref<80xi32, #tpu.memory_space<vmem>>
        %dma_start3A_413 = arith.constant 0 : i32
        %dma_start3A_414 = arith.constant 0 : i32
        %dma_start3A_415 = tpu.memref_slice %arg15[%dma_start3A_413, %dma_start3A_414] : memref<10240x16xf32, #tpu.memory_space<vmem_shared>> -> memref<10240x16xf32, #tpu.memory_space<vmem_shared>>
        %dma_start3A_416 = tpu.memref_slice %arg18[%dma_start3A_409] : memref<5x!tpu.dma_semaphore, #tpu.memory_space<semaphore_mem>> -> memref<1x!tpu.dma_semaphore, #tpu.memory_space<semaphore_mem>>
        %dma_start3A_417 = tpu.memref_squeeze %dma_start3A_416 : memref<1x!tpu.dma_semaphore, #tpu.memory_space<semaphore_mem>> -> memref<!tpu.dma_semaphore, #tpu.memory_space<semaphore_mem>>
        tpu.enqueue_indirect_dma source(%arg13 : memref<80x16xf32, #tpu.memory_space<vmem>>) target(%dma_start3A_415 : memref<10240x16xf32, #tpu.memory_space<vmem_shared>>) offsets(%dma_start3A_412 : memref<80xi32, #tpu.memory_space<vmem>>) semaphore(%dma_start3A_417 : memref<!tpu.dma_semaphore, #tpu.memory_space<semaphore_mem>>) {add = true}
        %dma_wait3A_418 = arith.constant 4 : i32
        %dma_wait3A_419 = arith.constant 0 : i32
        %dma_wait3A_420 = tpu.memref_slice %arg11[%add3A_351, %dma_wait3A_419] : memref<250x80xi32, #tpu.memory_space<vmem>> -> memref<1x80xi32, #tpu.memory_space<vmem>>
        %dma_wait3A_421 = tpu.memref_squeeze %dma_wait3A_420 : memref<1x80xi32, #tpu.memory_space<vmem>> -> memref<80xi32, #tpu.memory_space<vmem>>
        %dma_wait3A_422 = arith.constant 0 : i32
        %dma_wait3A_423 = arith.constant 0 : i32
        %dma_wait3A_424 = tpu.memref_slice %arg15[%dma_wait3A_422, %dma_wait3A_423] : memref<10240x16xf32, #tpu.memory_space<vmem_shared>> -> memref<10240x16xf32, #tpu.memory_space<vmem_shared>>
        %dma_wait3A_425 = tpu.memref_slice %arg18[%dma_wait3A_418] : memref<5x!tpu.dma_semaphore, #tpu.memory_space<semaphore_mem>> -> memref<1x!tpu.dma_semaphore, #tpu.memory_space<semaphore_mem>>
        %dma_wait3A_426 = tpu.memref_squeeze %dma_wait3A_425 : memref<1x!tpu.dma_semaphore, #tpu.memory_space<semaphore_mem>> -> memref<!tpu.dma_semaphore, #tpu.memory_space<semaphore_mem>>
        tpu.wait_indirect_dma semaphore(%dma_wait3A_426 : memref<!tpu.dma_semaphore, #tpu.memory_space<semaphore_mem>>) src(%arg13 : memref<80x16xf32, #tpu.memory_space<vmem>>) dst(%dma_wait3A_424 : memref<10240x16xf32, #tpu.memory_space<vmem_shared>>)
      } else {
      }
      %dma_wait3A_388 = arith.constant 4 : i32
      %dma_wait3A_389 = arith.constant 4 : i32
      %dma_wait3A_390 = arith.constant 0 : i32
      %dma_wait3A_391 = arith.constant 0 : i32
      %dma_wait3A_392 = tpu.memref_slice %arg12[%dma_wait3A_388, %dma_wait3A_390, %dma_wait3A_391] : memref<5x80x64xf32, #tpu.memory_space<vmem>> -> memref<1x80x64xf32, #tpu.memory_space<vmem>>
      %dma_wait3A_393 = tpu.memref_squeeze %dma_wait3A_392 : memref<1x80x64xf32, #tpu.memory_space<vmem>> -> memref<80x64xf32, #tpu.memory_space<vmem>>
      %dma_wait3A_394 = arith.constant 0 : i32
      %dma_wait3A_395 = tpu.memref_slice %arg11[%add3A_351, %dma_wait3A_394] : memref<250x80xi32, #tpu.memory_space<vmem>> -> memref<1x80xi32, #tpu.memory_space<vmem>>
      %dma_wait3A_396 = tpu.memref_squeeze %dma_wait3A_395 : memref<1x80xi32, #tpu.memory_space<vmem>> -> memref<80xi32, #tpu.memory_space<vmem>>
      %dma_wait3A_397 = arith.constant 0 : i32
      %dma_wait3A_398 = arith.constant 0 : i32
      %dma_wait3A_399 = tpu.memref_slice %arg14[%dma_wait3A_397, %dma_wait3A_398] : memref<10240x64xf32, #tpu.memory_space<vmem_shared>> -> memref<10240x64xf32, #tpu.memory_space<vmem_shared>>
      %dma_wait3A_400 = tpu.memref_slice %arg17[%dma_wait3A_389] : memref<5x!tpu.dma_semaphore, #tpu.memory_space<semaphore_mem>> -> memref<1x!tpu.dma_semaphore, #tpu.memory_space<semaphore_mem>>
      %dma_wait3A_401 = tpu.memref_squeeze %dma_wait3A_400 : memref<1x!tpu.dma_semaphore, #tpu.memory_space<semaphore_mem>> -> memref<!tpu.dma_semaphore, #tpu.memory_space<semaphore_mem>>
      tpu.wait_indirect_dma semaphore(%dma_wait3A_401 : memref<!tpu.dma_semaphore, #tpu.memory_space<semaphore_mem>>) src(%dma_wait3A_393 : memref<80x64xf32, #tpu.memory_space<vmem>>) dst(%dma_wait3A_399 : memref<10240x64xf32, #tpu.memory_space<vmem_shared>>)
      %add3A_402 = arith.constant 5 : i32
      %add3A_403 = arith.addi %add3A_351, %add3A_402 : i32
      %lt3A_404 = arith.constant 250 : i32
      %lt3A_405 = arith.cmpi slt, %add3A_403, %lt3A_404 : i32
      %convert_element_type3A_406 = arith.extui %lt3A_405 : i1 to i32
      %cond3A_407 = arith.constant 0 : i32
      %cond3A_408 = arith.cmpi ne, %convert_element_type3A_406, %cond3A_407 : i32
      scf.if %cond3A_408 {
        %add3A_409 = arith.constant 5 : i32
        %add3A_410 = arith.addi %add3A_351, %add3A_409 : i32
        %dma_start3A_411 = arith.constant 4 : i32
        %dma_start3A_412 = arith.constant 4 : i32
        %dma_start3A_413 = arith.constant 0 : i32
        %dma_start3A_414 = arith.constant 0 : i32
        %dma_start3A_415 = tpu.memref_slice %arg12[%dma_start3A_411, %dma_start3A_413, %dma_start3A_414] : memref<5x80x64xf32, #tpu.memory_space<vmem>> -> memref<1x80x64xf32, #tpu.memory_space<vmem>>
        %dma_start3A_416 = tpu.memref_squeeze %dma_start3A_415 : memref<1x80x64xf32, #tpu.memory_space<vmem>> -> memref<80x64xf32, #tpu.memory_space<vmem>>
        %dma_start3A_417 = arith.constant 0 : i32
        %dma_start3A_418 = tpu.memref_slice %arg10[%add3A_410, %dma_start3A_417] : memref<250x80xi32, #tpu.memory_space<vmem>> -> memref<1x80xi32, #tpu.memory_space<vmem>>
        %dma_start3A_419 = tpu.memref_squeeze %dma_start3A_418 : memref<1x80xi32, #tpu.memory_space<vmem>> -> memref<80xi32, #tpu.memory_space<vmem>>
        %dma_start3A_420 = arith.constant 0 : i32
        %dma_start3A_421 = tpu.memref_slice %arg2[%arg0, %dma_start3A_420] : memref<20480x64xf32, #tpu.memory_space<hbm>> -> memref<20479x64xf32, #tpu.memory_space<hbm>>
        %dma_start3A_422 = arith.constant 0 : i32
        %dma_start3A_423 = arith.constant 0 : i32
        %dma_start3A_424 = tpu.memref_slice %dma_start3A_421[%dma_start3A_422, %dma_start3A_423] : memref<20479x64xf32, #tpu.memory_space<hbm>> -> memref<20479x64xf32, #tpu.memory_space<hbm>>
        %dma_start3A_425 = tpu.memref_slice %arg16[%dma_start3A_412] : memref<5x!tpu.dma_semaphore, #tpu.memory_space<semaphore_mem>> -> memref<1x!tpu.dma_semaphore, #tpu.memory_space<semaphore_mem>>
        %dma_start3A_426 = tpu.memref_squeeze %dma_start3A_425 : memref<1x!tpu.dma_semaphore, #tpu.memory_space<semaphore_mem>> -> memref<!tpu.dma_semaphore, #tpu.memory_space<semaphore_mem>>
        tpu.enqueue_indirect_dma source(%dma_start3A_424 : memref<20479x64xf32, #tpu.memory_space<hbm>>) target(%dma_start3A_416 : memref<80x64xf32, #tpu.memory_space<vmem>>) offsets(%dma_start3A_419 : memref<80xi32, #tpu.memory_space<vmem>>) semaphore(%dma_start3A_426 : memref<!tpu.dma_semaphore, #tpu.memory_space<semaphore_mem>>)
      } else {
      }
    }
    %scan3A_95 = arith.constant 50 : i32
    %barrier3A_96 = arith.constant 0 : index
    tpu.barrier barrier_id(%barrier3A_96)
    %mul3A_97 = arith.constant 640 : i32
    %mul3A_98 = arith.muli %arg1, %mul3A_97 : i32
    %mul3A_99 = arith.constant 640 : i32
    %mul3A_100 = arith.muli %arg1, %mul3A_99 : i32
    "tpu.region"() ({
      %run_scoped3A = tpu.sem_alloc : memref<!tpu.dma_semaphore, #tpu.memory_space<semaphore_mem>>
      %dma_start3A_105 = arith.constant 0 : i32
      %dma_start3A_106 = tpu.memref_slice %arg8[%arg0, %mul3A_100, %dma_start3A_105] : memref<2x10240x128xf32, #tpu.memory_space<hbm>> -> memref<1x640x64xf32, #tpu.memory_space<hbm>>
      %dma_start3A_107 = tpu.memref_squeeze %dma_start3A_106 : memref<1x640x64xf32, #tpu.memory_space<hbm>> -> memref<640x64xf32, #tpu.memory_space<hbm>>
      %dma_start3A_108 = arith.constant 0 : i32
      %dma_start3A_109 = tpu.memref_slice %arg14[%mul3A_98, %dma_start3A_108] : memref<10240x64xf32, #tpu.memory_space<vmem_shared>> -> memref<640x64xf32, #tpu.memory_space<vmem_shared>>
      tpu.enqueue_dma source(%dma_start3A_109 : memref<640x64xf32, #tpu.memory_space<vmem_shared>>) target(%dma_start3A_107 : memref<640x64xf32, #tpu.memory_space<hbm>>) target_semaphore(%run_scoped3A : memref<!tpu.dma_semaphore, #tpu.memory_space<semaphore_mem>>)
      %dma_wait3A = arith.constant 0 : i32
      %dma_wait3A_110 = tpu.memref_slice %arg8[%arg0, %mul3A_100, %dma_wait3A] : memref<2x10240x128xf32, #tpu.memory_space<hbm>> -> memref<1x640x64xf32, #tpu.memory_space<hbm>>
      %dma_wait3A_111 = tpu.memref_squeeze %dma_wait3A_110 : memref<1x640x64xf32, #tpu.memory_space<hbm>> -> memref<640x64xf32, #tpu.memory_space<hbm>>
      %dma_wait3A_112 = arith.constant 0 : i32
      %dma_wait3A_113 = tpu.memref_slice %arg14[%mul3A_98, %dma_wait3A_112] : memref<10240x64xf32, #tpu.memory_space<vmem_shared>> -> memref<640x64xf32, #tpu.memory_space<vmem_shared>>
      tpu.wait_dma2 semaphore(%run_scoped3A : memref<!tpu.dma_semaphore, #tpu.memory_space<semaphore_mem>>) src(%dma_wait3A_113 : memref<640x64xf32, #tpu.memory_space<vmem_shared>>) dst(%dma_wait3A_111 : memref<640x64xf32, #tpu.memory_space<hbm>>)
      tpu.yield
    }) : () -> ()
    %mul3A_101 = arith.constant 640 : i32
    %mul3A_102 = arith.muli %arg1, %mul3A_101 : i32
    %mul3A_103 = arith.constant 640 : i32
    %mul3A_104 = arith.muli %arg1, %mul3A_103 : i32
    "tpu.region"() ({
      %run_scoped3A = tpu.sem_alloc : memref<!tpu.dma_semaphore, #tpu.memory_space<semaphore_mem>>
      %dma_start3A_105 = arith.constant 0 : i32
      %dma_start3A_106 = tpu.memref_slice %arg9[%arg0, %mul3A_104, %dma_start3A_105] : memref<2x10240x128xf32, #tpu.memory_space<hbm>> -> memref<1x640x16xf32, #tpu.memory_space<hbm>>
      %dma_start3A_107 = tpu.memref_squeeze %dma_start3A_106 : memref<1x640x16xf32, #tpu.memory_space<hbm>> -> memref<640x16xf32, #tpu.memory_space<hbm>>
      %dma_start3A_108 = arith.constant 0 : i32
      %dma_start3A_109 = tpu.memref_slice %arg15[%mul3A_102, %dma_start3A_108] : memref<10240x16xf32, #tpu.memory_space<vmem_shared>> -> memref<640x16xf32, #tpu.memory_space<vmem_shared>>
      tpu.enqueue_dma source(%dma_start3A_109 : memref<640x16xf32, #tpu.memory_space<vmem_shared>>) target(%dma_start3A_107 : memref<640x16xf32, #tpu.memory_space<hbm>>) target_semaphore(%run_scoped3A : memref<!tpu.dma_semaphore, #tpu.memory_space<semaphore_mem>>)
      %dma_wait3A = arith.constant 0 : i32
      %dma_wait3A_110 = tpu.memref_slice %arg9[%arg0, %mul3A_104, %dma_wait3A] : memref<2x10240x128xf32, #tpu.memory_space<hbm>> -> memref<1x640x16xf32, #tpu.memory_space<hbm>>
      %dma_wait3A_111 = tpu.memref_squeeze %dma_wait3A_110 : memref<1x640x16xf32, #tpu.memory_space<hbm>> -> memref<640x16xf32, #tpu.memory_space<hbm>>
      %dma_wait3A_112 = arith.constant 0 : i32
      %dma_wait3A_113 = tpu.memref_slice %arg15[%mul3A_102, %dma_wait3A_112] : memref<10240x16xf32, #tpu.memory_space<vmem_shared>> -> memref<640x16xf32, #tpu.memory_space<vmem_shared>>
      tpu.wait_dma2 semaphore(%run_scoped3A : memref<!tpu.dma_semaphore, #tpu.memory_space<semaphore_mem>>) src(%dma_wait3A_113 : memref<640x16xf32, #tpu.memory_space<vmem_shared>>) dst(%dma_wait3A_111 : memref<640x16xf32, #tpu.memory_space<hbm>>)
      tpu.yield
    }) : () -> ()
    return
  }
}

module attributes {stable_mosaic.version = 14 : i64} {
  func.func @_tc_pre_body(%arg0: i32, %arg1: memref<1280x128xf32, #tpu.memory_space<vmem>>, %arg2: memref<128x128xf32, #tpu.memory_space<vmem>>, %arg3: memref<128x128xf32, #tpu.memory_space<vmem>>, %arg4: memref<1x128xf32, #tpu.memory_space<vmem>>, %arg5: memref<1280x128xf32, #tpu.memory_space<vmem>>, %arg6: memref<1280x128xf32, #tpu.memory_space<vmem>>) attributes {dimension_semantics = [#tpu.dimension_semantics<arbitrary>], iteration_bounds = array<i64: 8>, scalar_prefetch = 0 : i64, scratch_operands = 0 : i64, tpu.core_type = #tpu.core_type<tc>, window_params = [{transform_indices = @transform_0, window_bounds = array<i64: 1280, 128>}, {pipeline_mode = #tpu.pipeline_mode<synchronous>, transform_indices = @transform_1, window_bounds = array<i64: 128, 128>}, {pipeline_mode = #tpu.pipeline_mode<synchronous>, transform_indices = @transform_2, window_bounds = array<i64: 128, 128>}, {pipeline_mode = #tpu.pipeline_mode<synchronous>, transform_indices = @transform_3, window_bounds = array<i64: 1, 128>}, {transform_indices = @transform_4, window_bounds = array<i64: 1280, 128>}, {transform_indices = @transform_5, window_bounds = array<i64: 1280, 128>}]} {
    %get3A = arith.constant 0 : index
    %get3A_0 = arith.constant 0 : index
    %get3A_1 = vector.load %arg1[%get3A, %get3A_0] : memref<1280x128xf32, #tpu.memory_space<vmem>>, vector<1280x128xf32>
    %get3A_2 = arith.constant 0 : index
    %get3A_3 = arith.constant 0 : index
    %get3A_4 = vector.load %arg2[%get3A_2, %get3A_3] : memref<128x128xf32, #tpu.memory_space<vmem>>, vector<128x128xf32>
    %dot_general3A = arith.constant dense<0.000000e+00> : vector<1280x128xf32>
    %dot_general3A_5 = tpu.matmul %get3A_1, %get3A_4, %dot_general3A {dimension_numbers = #tpu.dot_dimension_numbers<[1], [0], [0], [1], [0, 0, 1, 1], [], []>, transpose_lhs_hint = false} : vector<1280x128xf32>, vector<128x128xf32>, vector<1280x128xf32> -> vector<1280x128xf32>
    %swap3A = arith.constant 0 : index
    %swap3A_6 = arith.constant 0 : index
    %swap3A_7 = vector.load %arg5[%swap3A, %swap3A_6] : memref<1280x128xf32, #tpu.memory_space<vmem>>, vector<1280x128xf32>
    tpu.vector_store %arg5[%swap3A, %swap3A_6], %dot_general3A_5 {strides = array<i32>} : memref<1280x128xf32, #tpu.memory_space<vmem>>, vector<1280x128xf32>,
    %get3A_8 = arith.constant 0 : index
    %get3A_9 = arith.constant 0 : index
    %get3A_10 = vector.load %arg3[%get3A_8, %get3A_9] : memref<128x128xf32, #tpu.memory_space<vmem>>, vector<128x128xf32>
    %dot_general3A_11 = arith.constant dense<0.000000e+00> : vector<1280x128xf32>
    %dot_general3A_12 = tpu.matmul %get3A_1, %get3A_10, %dot_general3A_11 {dimension_numbers = #tpu.dot_dimension_numbers<[1], [0], [0], [1], [0, 0, 1, 1], [], []>, transpose_lhs_hint = false} : vector<1280x128xf32>, vector<128x128xf32>, vector<1280x128xf32> -> vector<1280x128xf32>
    %get3A_13 = arith.constant 0 : index
    %get3A_14 = arith.constant 0 : index
    %get3A_15 = vector.load %arg4[%get3A_13, %get3A_14] : memref<1x128xf32, #tpu.memory_space<vmem>>, vector<1x128xf32>
    %add3A = vector.broadcast %get3A_15 : vector<1x128xf32> to vector<1280x128xf32>
    %add3A_16 = arith.addf %dot_general3A_12, %add3A : vector<1280x128xf32>
    %swap3A_17 = arith.constant 0 : index
    %swap3A_18 = arith.constant 0 : index
    %swap3A_19 = vector.load %arg6[%swap3A_17, %swap3A_18] : memref<1280x128xf32, #tpu.memory_space<vmem>>, vector<1280x128xf32>
    tpu.vector_store %arg6[%swap3A_17, %swap3A_18], %add3A_16 {strides = array<i32>} : memref<1280x128xf32, #tpu.memory_space<vmem>>, vector<1280x128xf32>,
    return
  }
  func.func @transform_0(%arg0: i32) -> (i32, i32) {
    %c0_i32 = arith.constant 0 : i32
    %c0_i32_0 = arith.constant 0 : i32
    return %arg0, %c0_i32 : i32, i32
  }
  func.func @transform_1(%arg0: i32) -> (i32, i32) {
    %c0_i32 = arith.constant 0 : i32
    %c0_i32_0 = arith.constant 0 : i32
    %c0_i32_1 = arith.constant 0 : i32
    return %c0_i32, %c0_i32_0 : i32, i32
  }
  func.func @transform_2(%arg0: i32) -> (i32, i32) {
    %c0_i32 = arith.constant 0 : i32
    %c0_i32_0 = arith.constant 0 : i32
    %c0_i32_1 = arith.constant 0 : i32
    return %c0_i32, %c0_i32_0 : i32, i32
  }
  func.func @transform_3(%arg0: i32) -> (i32, i32) {
    %c0_i32 = arith.constant 0 : i32
    %c0_i32_0 = arith.constant 0 : i32
    %c0_i32_1 = arith.constant 0 : i32
    return %c0_i32, %c0_i32_0 : i32, i32
  }
  func.func @transform_4(%arg0: i32) -> (i32, i32) {
    %c0_i32 = arith.constant 0 : i32
    %c0_i32_0 = arith.constant 0 : i32
    return %arg0, %c0_i32 : i32, i32
  }
  func.func @transform_5(%arg0: i32) -> (i32, i32) {
    %c0_i32 = arith.constant 0 : i32
    %c0_i32_0 = arith.constant 0 : i32
    return %arg0, %c0_i32 : i32, i32
  }
}

module attributes {stable_mosaic.version = 14 : i64} {
  func.func @_tc_mid_body(%arg0: i32, %arg1: memref<1280x128xf32, #tpu.memory_space<vmem>>, %arg2: memref<2x1280x128xf32, #tpu.memory_space<vmem>>, %arg3: memref<2x1280x128xf32, #tpu.memory_space<vmem>>, %arg4: memref<128x128xf32, #tpu.memory_space<vmem>>, %arg5: memref<128x128xf32, #tpu.memory_space<vmem>>, %arg6: memref<1x128xf32, #tpu.memory_space<vmem>>, %arg7: memref<1280x128xf32, #tpu.memory_space<vmem>>, %arg8: memref<1280x128xf32, #tpu.memory_space<vmem>>) attributes {dimension_semantics = [#tpu.dimension_semantics<arbitrary>], iteration_bounds = array<i64: 8>, scalar_prefetch = 0 : i64, scratch_operands = 0 : i64, tpu.core_type = #tpu.core_type<tc>, window_params = [{transform_indices = @transform_0, window_bounds = array<i64: 1280, 128>}, {transform_indices = @transform_1, window_bounds = array<i64: 2, 1280, 128>}, {transform_indices = @transform_2, window_bounds = array<i64: 2, 1280, 128>}, {pipeline_mode = #tpu.pipeline_mode<synchronous>, transform_indices = @transform_3, window_bounds = array<i64: 128, 128>}, {pipeline_mode = #tpu.pipeline_mode<synchronous>, transform_indices = @transform_4, window_bounds = array<i64: 128, 128>}, {pipeline_mode = #tpu.pipeline_mode<synchronous>, transform_indices = @transform_5, window_bounds = array<i64: 1, 128>}, {transform_indices = @transform_6, window_bounds = array<i64: 1280, 128>}, {transform_indices = @transform_7, window_bounds = array<i64: 1280, 128>}]} {
    %get3A = arith.constant 0 : index
    %get3A_0 = arith.constant 0 : index
    %get3A_1 = arith.constant 0 : index
    %get3A_2 = vector.load %arg3[%get3A, %get3A_0, %get3A_1] : memref<2x1280x128xf32, #tpu.memory_space<vmem>>, vector<1x1280x1xf32>
    %get3A_3 = vector.shape_cast %get3A_2 : vector<1x1280x1xf32> to vector<1280x1xf32>
    %get3A_4 = arith.constant 1 : index
    %get3A_5 = arith.constant 0 : index
    %get3A_6 = arith.constant 0 : index
    %get3A_7 = vector.load %arg3[%get3A_4, %get3A_5, %get3A_6] : memref<2x1280x128xf32, #tpu.memory_space<vmem>>, vector<1x1280x1xf32>
    %get3A_8 = vector.shape_cast %get3A_7 : vector<1x1280x1xf32> to vector<1280x1xf32>
    %add3A = arith.addf %get3A_3, %get3A_8 : vector<1280x1xf32>
    %max3A = arith.constant 1.000000e+00 : f32
    %max3A_9 = vector.broadcast %max3A : f32 to vector<1280x1xf32>
    %max3A_10 = arith.maximumf %add3A, %max3A_9 : vector<1280x1xf32>
    %div3A = arith.constant 1.000000e+00 : f32
    %div3A_11 = vector.broadcast %div3A : f32 to vector<1280x1xf32>
    %div3A_12 = arith.divf %div3A_11, %max3A_10 : vector<1280x1xf32>
    %get3A_13 = arith.constant 0 : index
    %get3A_14 = arith.constant 0 : index
    %get3A_15 = arith.constant 0 : index
    %get3A_16 = vector.load %arg2[%get3A_13, %get3A_14, %get3A_15] : memref<2x1280x128xf32, #tpu.memory_space<vmem>>, vector<1x1280x64xf32>
    %get3A_17 = vector.shape_cast %get3A_16 : vector<1x1280x64xf32> to vector<1280x64xf32>
    %get3A_18 = arith.constant 1 : index
    %get3A_19 = arith.constant 0 : index
    %get3A_20 = arith.constant 0 : index
    %get3A_21 = vector.load %arg2[%get3A_18, %get3A_19, %get3A_20] : memref<2x1280x128xf32, #tpu.memory_space<vmem>>, vector<1x1280x64xf32>
    %get3A_22 = vector.shape_cast %get3A_21 : vector<1x1280x64xf32> to vector<1280x64xf32>
    %concatenate3A = tpu.concatenate %get3A_17, %get3A_22 in 1 : vector<1280x64xf32>, vector<1280x64xf32> -> vector<1280x128xf32>
    %mul3A = vector.broadcast %div3A_12 : vector<1280x1xf32> to vector<1280x128xf32>
    %mul3A_23 = arith.mulf %concatenate3A, %mul3A : vector<1280x128xf32>
    %get3A_24 = arith.constant 0 : index
    %get3A_25 = arith.constant 0 : index
    %get3A_26 = vector.load %arg1[%get3A_24, %get3A_25] : memref<1280x128xf32, #tpu.memory_space<vmem>>, vector<1280x128xf32>
    %add3A_27 = arith.addf %get3A_26, %mul3A_23 : vector<1280x128xf32>
    %max3A_28 = arith.constant 0.000000e+00 : f32
    %max3A_29 = vector.broadcast %max3A_28 : f32 to vector<1280x128xf32>
    %max3A_30 = arith.maximumf %add3A_27, %max3A_29 : vector<1280x128xf32>
    %get3A_31 = arith.constant 0 : index
    %get3A_32 = arith.constant 0 : index
    %get3A_33 = vector.load %arg4[%get3A_31, %get3A_32] : memref<128x128xf32, #tpu.memory_space<vmem>>, vector<128x128xf32>
    %dot_general3A = arith.constant dense<0.000000e+00> : vector<1280x128xf32>
    %dot_general3A_34 = tpu.matmul %max3A_30, %get3A_33, %dot_general3A {dimension_numbers = #tpu.dot_dimension_numbers<[1], [0], [0], [1], [0, 0, 1, 1], [], []>, transpose_lhs_hint = false} : vector<1280x128xf32>, vector<128x128xf32>, vector<1280x128xf32> -> vector<1280x128xf32>
    %swap3A = arith.constant 0 : index
    %swap3A_35 = arith.constant 0 : index
    %swap3A_36 = vector.load %arg7[%swap3A, %swap3A_35] : memref<1280x128xf32, #tpu.memory_space<vmem>>, vector<1280x128xf32>
    tpu.vector_store %arg7[%swap3A, %swap3A_35], %dot_general3A_34 {strides = array<i32>} : memref<1280x128xf32, #tpu.memory_space<vmem>>, vector<1280x128xf32>,
    %get3A_37 = arith.constant 0 : index
    %get3A_38 = arith.constant 0 : index
    %get3A_39 = vector.load %arg5[%get3A_37, %get3A_38] : memref<128x128xf32, #tpu.memory_space<vmem>>, vector<128x128xf32>
    %dot_general3A_40 = arith.constant dense<0.000000e+00> : vector<1280x128xf32>
    %dot_general3A_41 = tpu.matmul %max3A_30, %get3A_39, %dot_general3A_40 {dimension_numbers = #tpu.dot_dimension_numbers<[1], [0], [0], [1], [0, 0, 1, 1], [], []>, transpose_lhs_hint = false} : vector<1280x128xf32>, vector<128x128xf32>, vector<1280x128xf32> -> vector<1280x128xf32>
    %get3A_42 = arith.constant 0 : index
    %get3A_43 = arith.constant 0 : index
    %get3A_44 = vector.load %arg6[%get3A_42, %get3A_43] : memref<1x128xf32, #tpu.memory_space<vmem>>, vector<1x128xf32>
    %add3A_45 = vector.broadcast %get3A_44 : vector<1x128xf32> to vector<1280x128xf32>
    %add3A_46 = arith.addf %dot_general3A_41, %add3A_45 : vector<1280x128xf32>
    %swap3A_47 = arith.constant 0 : index
    %swap3A_48 = arith.constant 0 : index
    %swap3A_49 = vector.load %arg8[%swap3A_47, %swap3A_48] : memref<1280x128xf32, #tpu.memory_space<vmem>>, vector<1280x128xf32>
    tpu.vector_store %arg8[%swap3A_47, %swap3A_48], %add3A_46 {strides = array<i32>} : memref<1280x128xf32, #tpu.memory_space<vmem>>, vector<1280x128xf32>,
    return
  }
  func.func @transform_0(%arg0: i32) -> (i32, i32) {
    %c0_i32 = arith.constant 0 : i32
    %c0_i32_0 = arith.constant 0 : i32
    return %arg0, %c0_i32 : i32, i32
  }
  func.func @transform_1(%arg0: i32) -> (i32, i32, i32) {
    %c0_i32 = arith.constant 0 : i32
    %c0_i32_0 = arith.constant 0 : i32
    %c0_i32_1 = arith.constant 0 : i32
    return %c0_i32, %arg0, %c0_i32_0 : i32, i32, i32
  }
  func.func @transform_2(%arg0: i32) -> (i32, i32, i32) {
    %c0_i32 = arith.constant 0 : i32
    %c0_i32_0 = arith.constant 0 : i32
    %c0_i32_1 = arith.constant 0 : i32
    return %c0_i32, %arg0, %c0_i32_0 : i32, i32, i32
  }
  func.func @transform_3(%arg0: i32) -> (i32, i32) {
    %c0_i32 = arith.constant 0 : i32
    %c0_i32_0 = arith.constant 0 : i32
    %c0_i32_1 = arith.constant 0 : i32
    return %c0_i32, %c0_i32_0 : i32, i32
  }
  func.func @transform_4(%arg0: i32) -> (i32, i32) {
    %c0_i32 = arith.constant 0 : i32
    %c0_i32_0 = arith.constant 0 : i32
    %c0_i32_1 = arith.constant 0 : i32
    return %c0_i32, %c0_i32_0 : i32, i32
  }
  func.func @transform_5(%arg0: i32) -> (i32, i32) {
    %c0_i32 = arith.constant 0 : i32
    %c0_i32_0 = arith.constant 0 : i32
    %c0_i32_1 = arith.constant 0 : i32
    return %c0_i32, %c0_i32_0 : i32, i32
  }
  func.func @transform_6(%arg0: i32) -> (i32, i32) {
    %c0_i32 = arith.constant 0 : i32
    %c0_i32_0 = arith.constant 0 : i32
    return %arg0, %c0_i32 : i32, i32
  }
  func.func @transform_7(%arg0: i32) -> (i32, i32) {
    %c0_i32 = arith.constant 0 : i32
    %c0_i32_0 = arith.constant 0 : i32
    return %arg0, %c0_i32 : i32, i32
  }
}

module attributes {stable_mosaic.version = 14 : i64} {
  func.func @_tc_mid_body(%arg0: i32, %arg1: memref<1280x128xf32, #tpu.memory_space<vmem>>, %arg2: memref<2x1280x128xf32, #tpu.memory_space<vmem>>, %arg3: memref<2x1280x128xf32, #tpu.memory_space<vmem>>, %arg4: memref<128x16xf32, #tpu.memory_space<vmem>>, %arg5: memref<128x16xf32, #tpu.memory_space<vmem>>, %arg6: memref<1x16xf32, #tpu.memory_space<vmem>>, %arg7: memref<1280x16xf32, #tpu.memory_space<vmem>>, %arg8: memref<1280x16xf32, #tpu.memory_space<vmem>>) attributes {dimension_semantics = [#tpu.dimension_semantics<arbitrary>], iteration_bounds = array<i64: 8>, scalar_prefetch = 0 : i64, scratch_operands = 0 : i64, tpu.core_type = #tpu.core_type<tc>, window_params = [{transform_indices = @transform_0, window_bounds = array<i64: 1280, 128>}, {transform_indices = @transform_1, window_bounds = array<i64: 2, 1280, 128>}, {transform_indices = @transform_2, window_bounds = array<i64: 2, 1280, 128>}, {pipeline_mode = #tpu.pipeline_mode<synchronous>, transform_indices = @transform_3, window_bounds = array<i64: 128, 16>}, {pipeline_mode = #tpu.pipeline_mode<synchronous>, transform_indices = @transform_4, window_bounds = array<i64: 128, 16>}, {pipeline_mode = #tpu.pipeline_mode<synchronous>, transform_indices = @transform_5, window_bounds = array<i64: 1, 16>}, {transform_indices = @transform_6, window_bounds = array<i64: 1280, 16>}, {transform_indices = @transform_7, window_bounds = array<i64: 1280, 16>}]} {
    %get3A = arith.constant 0 : index
    %get3A_0 = arith.constant 0 : index
    %get3A_1 = arith.constant 0 : index
    %get3A_2 = vector.load %arg3[%get3A, %get3A_0, %get3A_1] : memref<2x1280x128xf32, #tpu.memory_space<vmem>>, vector<1x1280x1xf32>
    %get3A_3 = vector.shape_cast %get3A_2 : vector<1x1280x1xf32> to vector<1280x1xf32>
    %get3A_4 = arith.constant 1 : index
    %get3A_5 = arith.constant 0 : index
    %get3A_6 = arith.constant 0 : index
    %get3A_7 = vector.load %arg3[%get3A_4, %get3A_5, %get3A_6] : memref<2x1280x128xf32, #tpu.memory_space<vmem>>, vector<1x1280x1xf32>
    %get3A_8 = vector.shape_cast %get3A_7 : vector<1x1280x1xf32> to vector<1280x1xf32>
    %add3A = arith.addf %get3A_3, %get3A_8 : vector<1280x1xf32>
    %max3A = arith.constant 1.000000e+00 : f32
    %max3A_9 = vector.broadcast %max3A : f32 to vector<1280x1xf32>
    %max3A_10 = arith.maximumf %add3A, %max3A_9 : vector<1280x1xf32>
    %div3A = arith.constant 1.000000e+00 : f32
    %div3A_11 = vector.broadcast %div3A : f32 to vector<1280x1xf32>
    %div3A_12 = arith.divf %div3A_11, %max3A_10 : vector<1280x1xf32>
    %get3A_13 = arith.constant 0 : index
    %get3A_14 = arith.constant 0 : index
    %get3A_15 = arith.constant 0 : index
    %get3A_16 = vector.load %arg2[%get3A_13, %get3A_14, %get3A_15] : memref<2x1280x128xf32, #tpu.memory_space<vmem>>, vector<1x1280x64xf32>
    %get3A_17 = vector.shape_cast %get3A_16 : vector<1x1280x64xf32> to vector<1280x64xf32>
    %get3A_18 = arith.constant 1 : index
    %get3A_19 = arith.constant 0 : index
    %get3A_20 = arith.constant 0 : index
    %get3A_21 = vector.load %arg2[%get3A_18, %get3A_19, %get3A_20] : memref<2x1280x128xf32, #tpu.memory_space<vmem>>, vector<1x1280x64xf32>
    %get3A_22 = vector.shape_cast %get3A_21 : vector<1x1280x64xf32> to vector<1280x64xf32>
    %concatenate3A = tpu.concatenate %get3A_17, %get3A_22 in 1 : vector<1280x64xf32>, vector<1280x64xf32> -> vector<1280x128xf32>
    %mul3A = vector.broadcast %div3A_12 : vector<1280x1xf32> to vector<1280x128xf32>
    %mul3A_23 = arith.mulf %concatenate3A, %mul3A : vector<1280x128xf32>
    %get3A_24 = arith.constant 0 : index
    %get3A_25 = arith.constant 0 : index
    %get3A_26 = vector.load %arg1[%get3A_24, %get3A_25] : memref<1280x128xf32, #tpu.memory_space<vmem>>, vector<1280x128xf32>
    %add3A_27 = arith.addf %get3A_26, %mul3A_23 : vector<1280x128xf32>
    %max3A_28 = arith.constant 0.000000e+00 : f32
    %max3A_29 = vector.broadcast %max3A_28 : f32 to vector<1280x128xf32>
    %max3A_30 = arith.maximumf %add3A_27, %max3A_29 : vector<1280x128xf32>
    %get3A_31 = arith.constant 0 : index
    %get3A_32 = arith.constant 0 : index
    %get3A_33 = vector.load %arg4[%get3A_31, %get3A_32] : memref<128x16xf32, #tpu.memory_space<vmem>>, vector<128x16xf32>
    %dot_general3A = arith.constant dense<0.000000e+00> : vector<1280x16xf32>
    %dot_general3A_34 = tpu.matmul %max3A_30, %get3A_33, %dot_general3A {dimension_numbers = #tpu.dot_dimension_numbers<[1], [0], [0], [1], [0, 0, 1, 1], [], []>, transpose_lhs_hint = false} : vector<1280x128xf32>, vector<128x16xf32>, vector<1280x16xf32> -> vector<1280x16xf32>
    %swap3A = arith.constant 0 : index
    %swap3A_35 = arith.constant 0 : index
    %swap3A_36 = vector.load %arg7[%swap3A, %swap3A_35] : memref<1280x16xf32, #tpu.memory_space<vmem>>, vector<1280x16xf32>
    tpu.vector_store %arg7[%swap3A, %swap3A_35], %dot_general3A_34 {strides = array<i32>} : memref<1280x16xf32, #tpu.memory_space<vmem>>, vector<1280x16xf32>,
    %get3A_37 = arith.constant 0 : index
    %get3A_38 = arith.constant 0 : index
    %get3A_39 = vector.load %arg5[%get3A_37, %get3A_38] : memref<128x16xf32, #tpu.memory_space<vmem>>, vector<128x16xf32>
    %dot_general3A_40 = arith.constant dense<0.000000e+00> : vector<1280x16xf32>
    %dot_general3A_41 = tpu.matmul %max3A_30, %get3A_39, %dot_general3A_40 {dimension_numbers = #tpu.dot_dimension_numbers<[1], [0], [0], [1], [0, 0, 1, 1], [], []>, transpose_lhs_hint = false} : vector<1280x128xf32>, vector<128x16xf32>, vector<1280x16xf32> -> vector<1280x16xf32>
    %get3A_42 = arith.constant 0 : index
    %get3A_43 = arith.constant 0 : index
    %get3A_44 = vector.load %arg6[%get3A_42, %get3A_43] : memref<1x16xf32, #tpu.memory_space<vmem>>, vector<1x16xf32>
    %add3A_45 = vector.broadcast %get3A_44 : vector<1x16xf32> to vector<1280x16xf32>
    %add3A_46 = arith.addf %dot_general3A_41, %add3A_45 : vector<1280x16xf32>
    %swap3A_47 = arith.constant 0 : index
    %swap3A_48 = arith.constant 0 : index
    %swap3A_49 = vector.load %arg8[%swap3A_47, %swap3A_48] : memref<1280x16xf32, #tpu.memory_space<vmem>>, vector<1280x16xf32>
    tpu.vector_store %arg8[%swap3A_47, %swap3A_48], %add3A_46 {strides = array<i32>} : memref<1280x16xf32, #tpu.memory_space<vmem>>, vector<1280x16xf32>,
    return
  }
  func.func @transform_0(%arg0: i32) -> (i32, i32) {
    %c0_i32 = arith.constant 0 : i32
    %c0_i32_0 = arith.constant 0 : i32
    return %arg0, %c0_i32 : i32, i32
  }
  func.func @transform_1(%arg0: i32) -> (i32, i32, i32) {
    %c0_i32 = arith.constant 0 : i32
    %c0_i32_0 = arith.constant 0 : i32
    %c0_i32_1 = arith.constant 0 : i32
    return %c0_i32, %arg0, %c0_i32_0 : i32, i32, i32
  }
  func.func @transform_2(%arg0: i32) -> (i32, i32, i32) {
    %c0_i32 = arith.constant 0 : i32
    %c0_i32_0 = arith.constant 0 : i32
    %c0_i32_1 = arith.constant 0 : i32
    return %c0_i32, %arg0, %c0_i32_0 : i32, i32, i32
  }
  func.func @transform_3(%arg0: i32) -> (i32, i32) {
    %c0_i32 = arith.constant 0 : i32
    %c0_i32_0 = arith.constant 0 : i32
    %c0_i32_1 = arith.constant 0 : i32
    return %c0_i32, %c0_i32_0 : i32, i32
  }
  func.func @transform_4(%arg0: i32) -> (i32, i32) {
    %c0_i32 = arith.constant 0 : i32
    %c0_i32_0 = arith.constant 0 : i32
    %c0_i32_1 = arith.constant 0 : i32
    return %c0_i32, %c0_i32_0 : i32, i32
  }
  func.func @transform_5(%arg0: i32) -> (i32, i32) {
    %c0_i32 = arith.constant 0 : i32
    %c0_i32_0 = arith.constant 0 : i32
    %c0_i32_1 = arith.constant 0 : i32
    return %c0_i32, %c0_i32_0 : i32, i32
  }
  func.func @transform_6(%arg0: i32) -> (i32, i32) {
    %c0_i32 = arith.constant 0 : i32
    %c0_i32_0 = arith.constant 0 : i32
    return %arg0, %c0_i32 : i32, i32
  }
  func.func @transform_7(%arg0: i32) -> (i32, i32) {
    %c0_i32 = arith.constant 0 : i32
    %c0_i32_0 = arith.constant 0 : i32
    return %arg0, %c0_i32 : i32, i32
  }
}

module attributes {stable_mosaic.version = 14 : i64} {
  func.func @_tc_fin_body(%arg0: i32, %arg1: memref<1280x16xf32, #tpu.memory_space<vmem>>, %arg2: memref<2x1280x128xf32, #tpu.memory_space<vmem>>, %arg3: memref<2x1280x128xf32, #tpu.memory_space<vmem>>, %arg4: memref<1x1x1280xi32, #tpu.memory_space<vmem>>, %arg5: memref<64x32xf32, #tpu.memory_space<vmem>>, %arg6: memref<64x32xf32, #tpu.memory_space<vmem>>) attributes {dimension_semantics = [#tpu.dimension_semantics<arbitrary>], iteration_bounds = array<i64: 8>, scalar_prefetch = 0 : i64, scratch_operands = 1 : i64, tpu.core_type = #tpu.core_type<tc>, window_params = [{transform_indices = @transform_0, window_bounds = array<i64: 1280, 16>}, {transform_indices = @transform_1, window_bounds = array<i64: 2, 1280, 128>}, {transform_indices = @transform_2, window_bounds = array<i64: 2, 1280, 128>}, {transform_indices = @transform_3, window_bounds = array<i64: 1, 1, 1280>}, {pipeline_mode = #tpu.pipeline_mode<synchronous>, transform_indices = @transform_4, window_bounds = array<i64: 64, 32>}]} {
    %get3A = arith.constant 0 : index
    %get3A_0 = arith.constant 0 : index
    %get3A_1 = arith.constant 0 : index
    %get3A_2 = vector.load %arg3[%get3A, %get3A_0, %get3A_1] : memref<2x1280x128xf32, #tpu.memory_space<vmem>>, vector<1x1280x1xf32>
    %get3A_3 = vector.shape_cast %get3A_2 : vector<1x1280x1xf32> to vector<1280x1xf32>
    %get3A_4 = arith.constant 1 : index
    %get3A_5 = arith.constant 0 : index
    %get3A_6 = arith.constant 0 : index
    %get3A_7 = vector.load %arg3[%get3A_4, %get3A_5, %get3A_6] : memref<2x1280x128xf32, #tpu.memory_space<vmem>>, vector<1x1280x1xf32>
    %get3A_8 = vector.shape_cast %get3A_7 : vector<1x1280x1xf32> to vector<1280x1xf32>
    %add3A = arith.addf %get3A_3, %get3A_8 : vector<1280x1xf32>
    %max3A = arith.constant 1.000000e+00 : f32
    %max3A_9 = vector.broadcast %max3A : f32 to vector<1280x1xf32>
    %max3A_10 = arith.maximumf %add3A, %max3A_9 : vector<1280x1xf32>
    %div3A = arith.constant 1.000000e+00 : f32
    %div3A_11 = vector.broadcast %div3A : f32 to vector<1280x1xf32>
    %div3A_12 = arith.divf %div3A_11, %max3A_10 : vector<1280x1xf32>
    %get3A_13 = arith.constant 0 : index
    %get3A_14 = arith.constant 0 : index
    %get3A_15 = vector.load %arg1[%get3A_13, %get3A_14] : memref<1280x16xf32, #tpu.memory_space<vmem>>, vector<1280x16xf32>
    %get3A_16 = arith.constant 0 : index
    %get3A_17 = arith.constant 0 : index
    %get3A_18 = arith.constant 0 : index
    %get3A_19 = vector.load %arg2[%get3A_16, %get3A_17, %get3A_18] : memref<2x1280x128xf32, #tpu.memory_space<vmem>>, vector<1x1280x16xf32>
    %get3A_20 = vector.shape_cast %get3A_19 : vector<1x1280x16xf32> to vector<1280x16xf32>
    %get3A_21 = arith.constant 1 : index
    %get3A_22 = arith.constant 0 : index
    %get3A_23 = arith.constant 0 : index
    %get3A_24 = vector.load %arg2[%get3A_21, %get3A_22, %get3A_23] : memref<2x1280x128xf32, #tpu.memory_space<vmem>>, vector<1x1280x16xf32>
    %get3A_25 = vector.shape_cast %get3A_24 : vector<1x1280x16xf32> to vector<1280x16xf32>
    %add3A_26 = arith.addf %get3A_20, %get3A_25 : vector<1280x16xf32>
    %mul3A = vector.broadcast %div3A_12 : vector<1280x1xf32> to vector<1280x16xf32>
    %mul3A_27 = arith.mulf %add3A_26, %mul3A : vector<1280x16xf32>
    %add3A_28 = arith.addf %get3A_15, %mul3A_27 : vector<1280x16xf32>
    %get3A_29 = arith.constant 0 : index
    %get3A_30 = arith.constant 0 : index
    %get3A_31 = arith.constant 0 : index
    %get3A_32 = vector.load %arg4[%get3A_29, %get3A_30, %get3A_31] : memref<1x1x1280xi32, #tpu.memory_space<vmem>>, vector<1x1x1280xi32>
    %reshape3A = vector.shape_cast %get3A_32 : vector<1x1x1280xi32> to vector<1280x1xi32>
    %iota3A = tpu.iota {dimensions = array<i32: 1>} : vector<1280x64xi32>
    %eq3A = vector.broadcast %reshape3A : vector<1280x1xi32> to vector<1280x64xi32>
    %eq3A_33 = arith.cmpi eq, %eq3A, %iota3A : vector<1280x64xi32>
    %convert_element_type3A = arith.extui %eq3A_33 : vector<1280x64xi1> to vector<1280x64xi32>
    %convert_element_type3A_34 = arith.sitofp %convert_element_type3A : vector<1280x64xi32> to vector<1280x64xf32>
    %broadcast_in_dim3A = arith.constant 1.000000e+00 : f32
    %broadcast_in_dim3A_35 = vector.broadcast %broadcast_in_dim3A : f32 to vector<1280x16xf32>
    %concatenate3A = tpu.concatenate %add3A_28, %broadcast_in_dim3A_35 in 1 : vector<1280x16xf32>, vector<1280x16xf32> -> vector<1280x32xf32>
    %dot_general3A = arith.constant dense<0.000000e+00> : vector<64x32xf32>
    %dot_general3A_36 = tpu.matmul %convert_element_type3A_34, %concatenate3A, %dot_general3A {dimension_numbers = #tpu.dot_dimension_numbers<[0], [0], [1], [1], [0, 1, 1, 1], [], []>, transpose_lhs_hint = false} : vector<1280x64xf32>, vector<1280x32xf32>, vector<64x32xf32> -> vector<64x32xf32>
    %eq3A_37 = arith.constant 0 : i32
    %eq3A_38 = arith.cmpi eq, %arg0, %eq3A_37 : i32
    %convert_element_type3A_39 = arith.extui %eq3A_38 : i1 to i32
    %cond3A = arith.constant 0 : i32
    %cond3A_40 = arith.cmpi ne, %convert_element_type3A_39, %cond3A : i32
    scf.if %cond3A_40 {
      %swap3A = arith.constant 0 : index
      %swap3A_50 = arith.constant 0 : index
      %swap3A_51 = vector.load %arg6[%swap3A, %swap3A_50] : memref<64x32xf32, #tpu.memory_space<vmem>>, vector<64x32xf32>
      tpu.vector_store %arg6[%swap3A, %swap3A_50], %dot_general3A_36 {strides = array<i32>} : memref<64x32xf32, #tpu.memory_space<vmem>>, vector<64x32xf32>,
    } else {
    }
    %gt3A = arith.constant 0 : i32
    %gt3A_41 = arith.cmpi sgt, %arg0, %gt3A : i32
    %convert_element_type3A_42 = arith.extui %gt3A_41 : i1 to i32
    %cond3A_43 = arith.constant 0 : i32
    %cond3A_44 = arith.cmpi ne, %convert_element_type3A_42, %cond3A_43 : i32
    scf.if %cond3A_44 {
      %get3A_50 = arith.constant 0 : index
      %get3A_51 = arith.constant 0 : index
      %get3A_52 = vector.load %arg6[%get3A_50, %get3A_51] : memref<64x32xf32, #tpu.memory_space<vmem>>, vector<64x32xf32>
      %add3A_53 = arith.addf %get3A_52, %dot_general3A_36 : vector<64x32xf32>
      %swap3A = arith.constant 0 : index
      %swap3A_54 = arith.constant 0 : index
      %swap3A_55 = vector.load %arg6[%swap3A, %swap3A_54] : memref<64x32xf32, #tpu.memory_space<vmem>>, vector<64x32xf32>
      tpu.vector_store %arg6[%swap3A, %swap3A_54], %add3A_53 {strides = array<i32>} : memref<64x32xf32, #tpu.memory_space<vmem>>, vector<64x32xf32>,
    } else {
    }
    %eq3A_45 = arith.constant 7 : i32
    %eq3A_46 = arith.cmpi eq, %arg0, %eq3A_45 : i32
    %convert_element_type3A_47 = arith.extui %eq3A_46 : i1 to i32
    %cond3A_48 = arith.constant 0 : i32
    %cond3A_49 = arith.cmpi ne, %convert_element_type3A_47, %cond3A_48 : i32
    scf.if %cond3A_49 {
      %get3A_50 = arith.constant 0 : index
      %get3A_51 = arith.constant 0 : index
      %get3A_52 = vector.load %arg6[%get3A_50, %get3A_51] : memref<64x32xf32, #tpu.memory_space<vmem>>, vector<64x32xf32>
      %slice3A = vector.extract_strided_slice %get3A_52 {offsets = [0, 16], sizes = [64, 1], strides = [1, 1]} : vector<64x32xf32> to vector<64x1xf32>
      %max3A_53 = arith.constant 1.000000e+00 : f32
      %max3A_54 = vector.broadcast %max3A_53 : f32 to vector<64x1xf32>
      %max3A_55 = arith.maximumf %slice3A, %max3A_54 : vector<64x1xf32>
      %div3A_56 = vector.broadcast %max3A_55 : vector<64x1xf32> to vector<64x32xf32>
      %div3A_57 = arith.divf %get3A_52, %div3A_56 : vector<64x32xf32>
      %swap3A = arith.constant 0 : index
      %swap3A_58 = arith.constant 0 : index
      %swap3A_59 = vector.load %arg5[%swap3A, %swap3A_58] : memref<64x32xf32, #tpu.memory_space<vmem>>, vector<64x32xf32>
      tpu.vector_store %arg5[%swap3A, %swap3A_58], %div3A_57 {strides = array<i32>} : memref<64x32xf32, #tpu.memory_space<vmem>>, vector<64x32xf32>,
    } else {
    }
    return
  }
  func.func @transform_0(%arg0: i32) -> (i32, i32) {
    %c0_i32 = arith.constant 0 : i32
    %c0_i32_0 = arith.constant 0 : i32
    return %arg0, %c0_i32 : i32, i32
  }
  func.func @transform_1(%arg0: i32) -> (i32, i32, i32) {
    %c0_i32 = arith.constant 0 : i32
    %c0_i32_0 = arith.constant 0 : i32
    %c0_i32_1 = arith.constant 0 : i32
    return %c0_i32, %arg0, %c0_i32_0 : i32, i32, i32
  }
  func.func @transform_2(%arg0: i32) -> (i32, i32, i32) {
    %c0_i32 = arith.constant 0 : i32
    %c0_i32_0 = arith.constant 0 : i32
    %c0_i32_1 = arith.constant 0 : i32
    return %c0_i32, %arg0, %c0_i32_0 : i32, i32, i32
  }
  func.func @transform_3(%arg0: i32) -> (i32, i32, i32) {
    %c0_i32 = arith.constant 0 : i32
    %c0_i32_0 = arith.constant 0 : i32
    %c0_i32_1 = arith.constant 0 : i32
    return %arg0, %c0_i32, %c0_i32_0 : i32, i32, i32
  }
  func.func @transform_4(%arg0: i32) -> (i32, i32) {
    %c0_i32 = arith.constant 0 : i32
    %c0_i32_0 = arith.constant 0 : i32
    %c0_i32_1 = arith.constant 0 : i32
    return %c0_i32, %c0_i32_0 : i32, i32
  }
}

</mosaic_0001>

<sc_bundles>
// kernel: kernel.12.cloned.1.call-start
scs
__scs_entry_jumppad:
0x0: {  	(pc) =	sbr.rel $0x88, $3  }
0x1: {  	(tag) =	ssettag $0x0;
	lr =	simm.s32 $0x1  }
0x2: {  	[smem:$0x3F95] =	sst lr;
	_ =	strace $0xD0000000  }
0x3: {  	_ = 	snop  }
0x4: {  	_ = 	snop  }
0x5: {  	_ = 	snop  }
0x6: {  	_ = 	snop  }
0x7: {  	_ = 	snop  }
__scs_overlays_trampoline_lowered:
0x8: {  	[smem:$0x3FA4] =	sst s0  }
0x9: {  	[smem:$0x3FA5] =	sst s1  }
0xa: {  	[smem:$0x3FA6] =	sst s2  }
0xb: {  	[smem:$0x3FA7] =	sst s3  }
0xc: {  	[smem:$0x3FA8] =	sst s4  }
0xd: {  	[smem:$0x3FA9] =	sst s5  }
0xe: {  	[smem:$0x3FAA] =	sst s6  }
0xf: {  	[smem:$0x3FAB] =	sst s7  }
0x10: {  	[smem:$0x3FAC] =	sst s8  }
0x11: {  	[smem:$0x3FAD] =	sst s9;
	s0 =	simm.s32 @!p0 $0x0  }
0x12: {  	s1 =	sld [smem:$0x3F93];
	s0 =	simm.s32 @p0 $0x1  }
0x13: {  	[smem:$0x3FAE] =	sst s0;
	s0 =	simm.s32 @!p1 $0x0  }
0x14: {  	s2 =	sld [smem:$0x3F92];
	s0 =	simm.s32 @p1 $0x1  }
0x15: {  	[smem:$0x3FAF] =	sst s0;
	s0 =	simm.s32 @!p2 $0x0  }
0x16: {  	s3 =	sld [smem:$0x3FDB];
	s0 =	simm.s32 @p2 $0x1  }
0x17: {  	s4 =	simm.s32 $0x1BF5;
	[smem:$0x3FB1] =	sst s0  }
0x18: {  	s0 =	sld [smem:$0x3F94];
	_ =	swait.ge [sflag:s4], $0x0  }
0x19: {  	s7 =	sld [smem:$0x3F95]  }
0x1a: {  	s8 =	sadd.s32 $0xFFFFE003, lr  }
0x1b: {  	s9 =	sadd.s32 $0xFFFFFEF7, lr;
	s5 =	simm.s32 $0xFFFFFFFF;
	p2 =	slt.u32 s8, $0xFFFFF086  }
0x1c: {  	p1 =	slt.u32 s9, $0xF7A;
	s5 =	simm.s32 @!p2 $0x0  }
0x1d: {  	s5 =	simm.s32 @p1 $0x1;
	p0 =	seq.s32 s7, s2  }
0x1e: {  	s7 =	smul.u32 @!p0 $0xF7A, s2;
	p2 =	seq.s32 @!p0 s5, $0x0  }
0x1f: {  	s9 =	smul.u32 $0xF7A, s1;
	s8 =	simm.s32 @!p0 $0x1BF5;
	p2 =	por !p2, p0  }
0x20: {  	[sflag:s8] =	ssyncset.s32 @!p0 $0xFFFFF086;
	s6 =	sadd.s32 @!p0 s3, s7;
	s7 =	simm.s32 @!p0 $0x108  }
0x21: {  	s3 =	sadd.s32 s3, s9;
	s6 =	sadd.s32 @!p0 $0x88, s6;
	s7 =	simm.s32 @p2 $0x1082  }
0x22: {  	[simem:s7], [sflag:s8] =	dma.local @!p0 [hbm:s6], $0xF7A  }
0x23: {  	s9 =	sor.u32 $0xD0000000, s2;
	s6 =	simm.s32 $0x108;
	_ =	swait.ge @!p0 [sflag:s8], $0x0  }
0x24: {  	s3 =	sadd.s32 $0x88, s3;
	s6 =	simm.s32 @!p1 $0x1082;
	[sflag:s4] =	ssyncset.s32 $0xFFFFF086  }
0x25: {  	[simem:s6], [sflag:s4] =	dma.local [hbm:s3], $0xF7A  }
0x26: {  	[smem:$0x3F95] =	sst s1;
	(tag) =	ssettag s2;
	_ =	strace s9  }
0x27: {  	s1 =	sld [smem:$0x3FA5]  }
0x28: {  	s2 =	sld [smem:$0x3FA6]  }
0x29: {  	s4 =	sld [smem:$0x3FA8]  }
0x2a: {  	p0 =	seq.s32 s5, $0x0;
	s5 =	sld [smem:$0x3FA9]  }
0x2b: {  	s6 =	sld [smem:$0x3FAA]  }
0x2c: {  	s7 =	sld [smem:$0x3FAB]  }
0x2d: {  	s3 =	simm.s32 $0x108;
	s8 =	sld [smem:$0x3FAC]  }
0x2e: {  	s3 =	simm.s32 @!p0 $0x1082;
	s9 =	sld [smem:$0x3FAD]  }
0x2f: {  	lr =	sadd.s32 s0, s3;
	s0 =	sld [smem:$0x3FA4]  }
0x30: {  	s3 =	sld [smem:$0x3FA7]  }
0x31: {  	[smem:$0x3FB0] =	sst s10  }
0x32: {  	s10 =	sld [smem:$0x3FAE];
	_ =	sdelay $0x3  }
0x33: {  	p0 =	seq.s32 s10, $0x1;
	s10 =	sld [smem:$0x3FB0];
	_ =	sdelay $0x3  }
0x34: {  	[smem:$0x3FB0] =	sst s10  }
0x35: {  	s10 =	sld [smem:$0x3FAF];
	_ =	sdelay $0x3  }
0x36: {  	p1 =	seq.s32 s10, $0x1;
	s10 =	sld [smem:$0x3FB0];
	_ =	sdelay $0x3  }
0x37: {  	[smem:$0x3FB0] =	sst s10  }
0x38: {  	s10 =	sld [smem:$0x3FB1]  }
0x39: {  	_ = 	snop;
	(pc) =	sbr.ind lr, $3  }
0x3a: {  	_ = 	snop  }
0x3b: {  	_ = 	snop  }
0x3c: {  	p2 =	seq.s32 s10, $0x1;
	s10 =	sld [smem:$0x3FB0]  }
0x3d: {  	_ =	shalt  }
0x3e: {  	_ =	shalt  }
0x3f: {  	_ =	shalt  }
0x40: {  	_ =	shalt  }
0x41: {  	_ =	shalt  }
0x42: {  	_ =	shalt  }
0x43: {  	_ =	shalt  }
0x44: {  	_ =	shalt  }
0x45: {  	_ =	shalt  }
0x46: {  	_ =	shalt  }
0x47: {  	_ =	shalt  }
0x48: {  	_ =	shalt  }
0x49: {  	_ =	shalt  }
0x4a: {  	_ =	shalt  }
0x4b: {  	_ =	shalt  }
0x4c: {  	_ =	shalt  }
0x4d: {  	_ =	shalt  }
0x4e: {  	_ =	shalt  }
0x4f: {  	_ =	shalt  }
0x50: {  	_ =	shalt  }
0x51: {  	_ =	shalt  }
0x52: {  	_ =	shalt  }
0x53: {  	_ =	shalt  }
0x54: {  	_ =	shalt  }
0x55: {  	_ =	shalt  }
0x56: {  	_ =	shalt  }
0x57: {  	_ =	shalt  }
0x58: {  	_ =	shalt  }
0x59: {  	_ =	shalt  }
0x5a: {  	_ =	shalt  }
0x5b: {  	_ =	shalt  }
0x5c: {  	_ =	shalt  }
0x5d: {  	_ =	shalt  }
0x5e: {  	_ =	shalt  }
0x5f: {  	_ =	shalt  }
0x60: {  	_ =	shalt  }
0x61: {  	_ =	shalt  }
0x62: {  	_ =	shalt  }
0x63: {  	_ =	shalt  }
0x64: {  	_ =	shalt  }
0x65: {  	_ =	shalt  }
0x66: {  	_ =	shalt  }
0x67: {  	_ =	shalt  }
0x68: {  	_ =	shalt  }
0x69: {  	_ =	shalt  }
0x6a: {  	_ =	shalt  }
0x6b: {  	_ =	shalt  }
0x6c: {  	_ =	shalt  }
0x6d: {  	_ =	shalt  }
0x6e: {  	_ =	shalt  }
0x6f: {  	_ =	shalt  }
0x70: {  	_ =	shalt  }
0x71: {  	_ =	shalt  }
0x72: {  	_ =	shalt  }
0x73: {  	_ =	shalt  }
0x74: {  	_ =	shalt  }
0x75: {  	_ =	shalt  }
0x76: {  	_ =	shalt  }
0x77: {  	_ =	shalt  }
0x78: {  	_ =	shalt  }
0x79: {  	_ =	shalt  }
0x7a: {  	_ =	shalt  }
0x7b: {  	_ =	shalt  }
0x7c: {  	_ =	shalt  }
0x7d: {  	_ =	shalt  }
0x7e: {  	_ =	shalt  }
0x7f: {  	_ =	shalt  }
0x80: {  	_ =	shalt  }
0x81: {  	_ =	shalt  }
0x82: {  	_ =	shalt  }
0x83: {  	_ =	shalt  }
0x84: {  	_ =	shalt  }
0x85: {  	_ =	shalt  }
0x86: {  	_ =	shalt  }
0x87: {  	_ =	shalt  }
.Lfunc_end0:
.L_simem_size_0:
called_computation.1_lowered:
.L_overlay_start_0:
0x88: {  	s2 =	sld [smem:$0x3FD9]  }
0x89: {  	s3 =	sld [smem:$0x3FFE];
	_ =	sdelay $0x1  }
0x8a: {  	s1 =	srdreg.scid  }
0x8b: {  	s0 =	sand.u32 $0x1, s1  }
0x8c: {  	s16 =	sshll.u32 s0, $0xA;
	s2 =	sadd.s32 s3, s2  }
0x8d: {  	s2 =	sadd.s32 s2, s16  }
0x8e: {  	[smem:$0x3FBC] =	sst s2  }
0x8f: {  	_ = 	snop  }
0x90: {  	(tm) =	ssettm $0x1  }
0x91: {  	s17 =	sld [smem:$0x3FFB];
	_ =	sdelay $0x3  }
0x92: {  	_ =	strace s17  }
0x93: {  	s2 =	sld [smem:$0x3FFC];
	_ =	sdelay $0x3  }
0x94: {  	_ =	strace s2  }
0x95: {  	s2 =	sld [smem:$0x3FFD];
	_ =	sdelay $0x3  }
0x96: {  	_ =	strace s2  }
0x97: {  	_ =	strace $0x8FFFFFFF  }
0x98: {  	s18 =	sld [smem:$0x3FDB];
	_ =	sdelay $0x1  }
0x99: {  	s19 =	simm.s32 $_scs_section_size  }
0x9a: {  	s4 =	simm.s32 $_size__tile_overlayer_lowered;
	s5 =	simm.s32 $_tile_overlayer_lowered  }
0x9b: {  	s22 =	simm.s32 $0x1BFF;
	s21 =	sshll.u32 s5, $0x1;
	s2 =	sadd.s32 s19, s18  }
0x9c: {  	s6 =	simm.s32 $0x0;
	s20 =	sshll.u32 s4, $0x1;
	s4 =	sadd.s32 s21, s2  }
0x9d: {  	[timem:s6], [sflag:s22] =	dma.local [hbm:s4], s20  }
0x9e: {  	_ =	swait.ge [sflag:s22], s20  }
0x9f: {  	s3 =	ssub.s32 $0x0, s20;
	[sflag:s22] =	ssyncset.done $0x0  }
0xa0: {  	[sflag:s22] =	ssyncadd.s32 s3;
	_ =	sdelay $0x1  }
0xa1: {  	s23 =	simm.s32 $0x1B8B  }
0xa2: {  	_ =	swait.ge [sflag:s23], $0x1  }
0xa3: {  	[sflag:s23] =	ssyncset.done $0x0  }
0xa4: {  	s25 =	simm.s32 $0x1B8E;
	s24 =	sld [smem:$0x3FFE];
	[sflag:s23] =	ssyncadd.s32 $0xFFFFFFFF  }
0xa5: {  	s26 =	simm.s32 $execute0_lowered;
	[smem:$0x3FD2] =	sst s25  }
0xa6: {  	s4 =	sshll.u32 s26, $0x1;
	_ =	strace $0x80000049;
	[dreg:$0x1] =	wrdreg $0xFFFFFFFF  }
0xa7: {  	s28 =	simm.s32 $_size_execute0_lowered;
	s2 =	sadd.s32 s2, s4;
	[dreg:$0x0] =	wrdreg $0x0  }
0xa8: {  	s4 =	sshll.u32 s28, $0x1;
	[dreg:$0x2] =	wrdreg s2  }
0xa9: {  	[dreg:$0x3] =	wrdreg s4  }
0xaa: {  	[dreg:$0x4] =	wrdreg $0xC0  }
0xab: {  	_ =	task [dreg:s6], $0x5FFFF  }
0xac: {  	[dreg:$0x1] =	wrdreg $0xFFFFFFFF  }
0xad: {  	[dreg:$0x0] =	wrdreg $0x60  }
0xae: {  	[dreg:$0x2] =	wrdreg s24  }
0xaf: {  	[dreg:$0x3] =	wrdreg $0x100400  }
0xb0: {  	[dreg:$0x4] =	wrdreg $0x9  }
0xb1: {  	_ =	task.clear_ibuf [dreg:s6], $0x5FFFF;
	_ =	strace $0x90000049  }
0xb2: {  	s29 =	simm.s32 $0x9;
	_ =	strace $0x8000004B  }
0xb3: {  	_ =	swait.ge [sflag:s29], $0x1  }
0xb4: {  	[sflag:s29] =	ssyncadd.s32 $0xFFFFFFFF  }
0xb5: {  	_ =	strace $0x9000004B  }
0xb6: {  	_ =	sfence  }
0xb7: {  	s30 =	sld [smem:$0x0];
	_ =	sdelay $0x2  }
0xb8: {  	s31 =	sshll.u32 s1, $0xD;
	s1 =	sshrl.u32 s1, $0x2  }
0xb9: {  	s3 =	sand.u32 $0x4000, s31;
	s1 =	sadd.s32 s1, s30  }
0xba: {  	s0 =	sor.u32 s3, s0;
	s1 =	sshll.u32 s1, $0x11  }
0xbb: {  	s0 =	sor.u32 s1, s0  }
0xbc: {  	s0 =	sadd.s32 $0x8F2B, s0  }
0xbd: {  	[sflag:s0] =	ssyncadd.remote.s32 $0x1  }
0xbe: {  	_ =	sfence.sel $0xFFFF  }
0xbf: {  	[dreg:$0x0] =	wrdreg $0xFFFFFFFF;
	(pc) =	sbr.abs _section_cstart, $3  }
0xc0: {  	[dreg:$0x1] =	wrdreg $0xFFFFFFFF  }
0xc1: {  	_ =	task.clear_ibuf [dreg:s6], $0x2FFFF;
	_ =	strace $0x9FFFFFFF  }
0xc2: {  	(tm) =	ssettm $0x7FFFFFFF  }
0xc3: {  	_ =	shalt  }
tec
execute0_lowered:
.L_overlay_start_1:
0x0: {  	(tag) =	ssettag $0x1  }
0x1: {  	s0 =	rddreg [dreg:$0x0];
	s1 =	srdreg.scid  }
0x2: {  	s10 =	stileid.u32;
	s2 =	rddreg [dreg:$0x1];
	s3 =	simm.s32 $0x0  }
0x3: {  	s14 =	simm.s32 $0x50;
	s15 =	simm.s32 $0x9C40;
	s16 =	simm.s32 $0xB040  }
0x4: {  	s18 =	simm.s32 $0xC440;
	s20 =	simm.s32 $0xD840;
	s22 =	simm.s32 $0xEC40  }
0x5: {  	s28 =	simm.s32 $0x3;
	s29 =	simm.s32 $0x8;
	s30 =	simm.s32 $0x4  }
0x6: {  	s31 =	simm.s32 $0x9;
	s19 =	simm.s32 $0x0;
	s4 =	smul.u32 $0x9C4, s10  }
0x7: {  	s1 =	sand.u32 $0x1, s1;
	[smem:$0x7FF] =	sst s3;
	s6 =	smul.u32 $0x14000, s10  }
0x8: {  	s24 =	smul.u32 $0x28000, s10;
	s26 =	sshll.u32 s10, $0x6;
	s10 =	simm.s32 $0xB  }
0x9: {  	s5 =	smul.u32 $0x140000, s1;
	_ =	strace $0x8000004A;
	s7 =	sshll.u32 s1, $0x3  }
0xa: {  	s1 =	ssub.s32 $0x2, s1;
	s12 =	sor.u32 $0x1C0B, s26;
	s26 =	simm.s32 $0x7  }
0xb: {  	s7 =	sadd.s32 s7, s0;
	s8 =	sadd.s32 s4, s0;
	s4 =	sadd.s32 $0x48C00, s0  }
0xc: {  	s25 =	sshrl.u32 s1, $0x1;
	s9 =	sshrl.u32 s24, $0x2;
	s24 =	simm.s32 $0x6  }
0xd: {  	s23 =	sadd.s32 s6, s5;
	s1 =	ssub.s32 s1, s25;
	s6 =	sadd.s32 $0x3200, s8  }
0xe: {  	s11 =	sadd.s32 s9, s2;
	s7 =	sadd.s32 $0x20C00, s7;
	s25 =	simm.s32 $0x2  }
0xf: {  	s5 =	sshrl.u32 s23, $0x3;
	s9 =	smax.u32 s1, $0x1;
	s13 =	sshrl.u32 s11, $0x3  }
0x10: {  	s23 =	simm.s32 $0x1;
	s1 =	simm.s32 $0x5;
	s0 =	sadd.s32 s5, s0  }
0x11: {  	s5 =	sadd.s32 $0x16E00, s8;
	s8 =	sadd.s32 $0x4A600, s0;
	s0 =	simm.s32 $0xA  }
.LBB2_1:
0x12: {  	[tilespmem:s3], [sflag:$0xB] =	stream.linear.gather [hbm4b:s5+s3], $0x4E20, $0x38;
	[tilespmem:$0x1A040] =	vst v63  }
0x13: {  	_ =	swait.ge [sflag:s10], $0x4E20  }
0x14: {  	[sflag:s10] =	ssyncset.done $0x0  }
0x15: {  	s11 =	simm.s32 $0x4E20;
	[sflag:s10] =	ssyncadd.s32 $0xFFFFB1E0  }
0x16: {  	[tilespmem:s11], [sflag:$0xB] =	stream.linear.gather [hbm4b:s6+s3], $0x4E20, $0x38;
	[tilespmem:$0x1A040] =	vst v63  }
0x17: {  	_ =	swait.ge [sflag:s10], $0x4E20  }
0x18: {  	[sflag:s10] =	ssyncset.done $0x0  }
0x19: {  	[sflag:s10] =	ssyncadd.s32 $0xFFFFB1E0  }
0x1a: {  	[spmem:s13], [sflag:s12] =	dma.local [hbm:s4], $0x1400  }
0x1b: {  	_ =	swait.ge [sflag:s10], $0x1400  }
0x1c: {  	[sflag:s10] =	ssyncset.done $0x0  }
0x1d: {  	[sflag:s10] =	ssyncadd.s32 $0xFFFFEC00  }
0x1e: {  	[bflag:$0x0] =	sbarrier.arrive $0xFFFF  }
0x1f: {  	[tilespmem:s15], [sflag:$0x1] =	stream.indirect.gather [hbm4b:s7+s14], $0x40, s3, s14, $0xb8;
	[tilespmem:$0x1A040] =	vst v63  }
0x20: {  	_ = 	snop  }
0x21: {  	[tilespmem:s16], [sflag:$0x2] =	stream.indirect.gather [hbm4b:s7+s14], $0x40, s14, s14, $0xb8;
	[tilespmem:$0x1A040] =	vst v63  }
0x22: {  	s17 =	simm.s32 $0xA0  }
0x23: {  	[tilespmem:s18], [sflag:$0x3] =	stream.indirect.gather [hbm4b:s7+s14], $0x40, s17, s14, $0xb8;
	[tilespmem:$0x1A040] =	vst v63  }
0x24: {  	s21 =	simm.s32 $0xF0  }
0x25: {  	[tilespmem:s20], [sflag:$0x4] =	stream.indirect.gather [hbm4b:s7+s14], $0x40, s21, s14, $0xb8;
	[tilespmem:$0x1A040] =	vst v63  }
0x26: {  	s17 =	simm.s32 $0x140  }
0x27: {  	[tilespmem:s22], [sflag:$0x5] =	stream.indirect.gather [hbm4b:s7+s14], $0x40, s17, s14, $0xb8;
	[tilespmem:$0x1A040] =	vst v63  }
0x28: {  	_ =	swait.ge [sflag:s23], $0x1400  }
0x29: {  	[sflag:s23] =	ssyncset.done $0x0  }
0x2a: {  	s21 =	simm.s32 $0x4E20;
	[sflag:s23] =	ssyncadd.s32 $0xFFFFEC00  }
0x2b: {  	[spmem:s2] =	stream.indirect.scatter.add.f32 [tilespmem:s15], [sflag:$0x6], $0x40, s21, s14, $0xb8;
	[tilespmem:$0x1A040] =	vst v63  }
0x2c: {  	_ =	swait.ge [sflag:s24], $0x1400  }
0x2d: {  	[sflag:s24] =	ssyncset.done $0x0  }
0x2e: {  	s17 =	simm.s32 $0x190;
	[sflag:s24] =	ssyncadd.s32 $0xFFFFEC00  }
0x2f: {  	[tilespmem:s15], [sflag:$0x1] =	stream.indirect.gather [hbm4b:s7+s14], $0x40, s17, s14, $0xb8;
	[tilespmem:$0x1A040] =	vst v63  }
0x30: {  	_ =	swait.ge [sflag:s25], $0x1400  }
0x31: {  	[sflag:s25] =	ssyncset.done $0x0  }
0x32: {  	s21 =	simm.s32 $0x4E70;
	[sflag:s25] =	ssyncadd.s32 $0xFFFFEC00  }
0x33: {  	[spmem:s2] =	stream.indirect.scatter.add.f32 [tilespmem:s16], [sflag:$0x7], $0x40, s21, s14, $0xb8;
	[tilespmem:$0x1A040] =	vst v63  }
0x34: {  	_ =	swait.ge [sflag:s26], $0x1400  }
0x35: {  	[sflag:s26] =	ssyncset.done $0x0  }
0x36: {  	s17 =	simm.s32 $0x1E0;
	[sflag:s26] =	ssyncadd.s32 $0xFFFFEC00  }
0x37: {  	[tilespmem:s16], [sflag:$0x2] =	stream.indirect.gather [hbm4b:s7+s14], $0x40, s17, s14, $0xb8;
	[tilespmem:$0x1A040] =	vst v63  }
0x38: {  	_ =	swait.ge [sflag:s28], $0x1400  }
0x39: {  	[sflag:s28] =	ssyncset.done $0x0  }
0x3a: {  	s21 =	simm.s32 $0x4EC0;
	[sflag:s28] =	ssyncadd.s32 $0xFFFFEC00  }
0x3b: {  	[spmem:s2] =	stream.indirect.scatter.add.f32 [tilespmem:s18], [sflag:$0x8], $0x40, s21, s14, $0xb8;
	[tilespmem:$0x1A040] =	vst v63  }
0x3c: {  	_ =	swait.ge [sflag:s29], $0x1400  }
0x3d: {  	[sflag:s29] =	ssyncset.done $0x0  }
0x3e: {  	s17 =	simm.s32 $0x230;
	[sflag:s29] =	ssyncadd.s32 $0xFFFFEC00  }
0x3f: {  	[tilespmem:s18], [sflag:$0x3] =	stream.indirect.gather [hbm4b:s7+s14], $0x40, s17, s14, $0xb8;
	[tilespmem:$0x1A040] =	vst v63  }
0x40: {  	_ =	swait.ge [sflag:s30], $0x1400  }
0x41: {  	[sflag:s30] =	ssyncset.done $0x0  }
0x42: {  	s21 =	simm.s32 $0x4F10;
	[sflag:s30] =	ssyncadd.s32 $0xFFFFEC00  }
0x43: {  	[spmem:s2] =	stream.indirect.scatter.add.f32 [tilespmem:s20], [sflag:$0x9], $0x40, s21, s14, $0xb8;
	[tilespmem:$0x1A040] =	vst v63  }
0x44: {  	_ =	swait.ge [sflag:s31], $0x1400  }
0x45: {  	[sflag:s31] =	ssyncset.done $0x0  }
0x46: {  	s17 =	simm.s32 $0x280;
	[sflag:s31] =	ssyncadd.s32 $0xFFFFEC00  }
0x47: {  	[tilespmem:s20], [sflag:$0x4] =	stream.indirect.gather [hbm4b:s7+s14], $0x40, s17, s14, $0xb8;
	[tilespmem:$0x1A040] =	vst v63  }
0x48: {  	_ =	swait.ge [sflag:s1], $0x1400  }
0x49: {  	[sflag:s1] =	ssyncset.done $0x0  }
0x4a: {  	s21 =	simm.s32 $0x4F60;
	[sflag:s1] =	ssyncadd.s32 $0xFFFFEC00  }
0x4b: {  	[spmem:s2] =	stream.indirect.scatter.add.f32 [tilespmem:s22], [sflag:$0xA], $0x40, s21, s14, $0xb8;
	[tilespmem:$0x1A040] =	vst v63  }
0x4c: {  	_ =	swait.ge [sflag:s0], $0x1400  }
0x4d: {  	[sflag:s0] =	ssyncset.done $0x0  }
0x4e: {  	s11 =	simm.s32 $0x2D0;
	s21 =	simm.s32 $0x640;
	[sflag:s0] =	ssyncadd.s32 $0xFFFFEC00  }
.LBB2_2:
0x4f: {  	[tilespmem:s22], [sflag:$0x5] =	stream.indirect.gather [hbm4b:s7+s14], $0x40, s11, s14, $0xb8;
	[tilespmem:$0x1A040] =	vst v63  }
0x50: {  	s11 =	smov.u32 s21  }
0x51: {  	p0 =	sne.s32 s21, $0x12C00;
	s21 =	sadd.s32 $0x640, s21;
	_ =	swait.ge [sflag:s23], $0x1400  }
0x52: {  	s11 =	sshra.s32 s11, $0x2;
	[sflag:s23] =	ssyncset.done $0x0  }
0x53: {  	s17 =	sadd.s32 $0x4E20, s11;
	[sflag:s23] =	ssyncadd.s32 $0xFFFFEC00  }
0x54: {  	[spmem:s2] =	stream.indirect.scatter.add.f32 [tilespmem:s15], [sflag:$0x6], $0x40, s17, s14, $0xb8;
	[tilespmem:$0x1A040] =	vst v63  }
0x55: {  	_ =	swait.ge [sflag:s24], $0x1400  }
0x56: {  	[sflag:s24] =	ssyncset.done $0x0  }
0x57: {  	s17 =	sadd.s32 $0x190, s11;
	[sflag:s24] =	ssyncadd.s32 $0xFFFFEC00  }
0x58: {  	[tilespmem:s15], [sflag:$0x1] =	stream.indirect.gather [hbm4b:s7+s14], $0x40, s17, s14, $0xb8;
	[tilespmem:$0x1A040] =	vst v63  }
0x59: {  	_ =	swait.ge [sflag:s25], $0x1400  }
0x5a: {  	[sflag:s25] =	ssyncset.done $0x0  }
0x5b: {  	s17 =	sadd.s32 $0x4E70, s11;
	[sflag:s25] =	ssyncadd.s32 $0xFFFFEC00  }
0x5c: {  	[spmem:s2] =	stream.indirect.scatter.add.f32 [tilespmem:s16], [sflag:$0x7], $0x40, s17, s14, $0xb8;
	[tilespmem:$0x1A040] =	vst v63  }
0x5d: {  	_ =	swait.ge [sflag:s26], $0x1400  }
0x5e: {  	[sflag:s26] =	ssyncset.done $0x0  }
0x5f: {  	s17 =	sadd.s32 $0x1E0, s11;
	[sflag:s26] =	ssyncadd.s32 $0xFFFFEC00  }
0x60: {  	[tilespmem:s16], [sflag:$0x2] =	stream.indirect.gather [hbm4b:s7+s14], $0x40, s17, s14, $0xb8;
	[tilespmem:$0x1A040] =	vst v63  }
0x61: {  	_ =	swait.ge [sflag:s28], $0x1400  }
0x62: {  	[sflag:s28] =	ssyncset.done $0x0  }
0x63: {  	s17 =	sadd.s32 $0x4EC0, s11;
	[sflag:s28] =	ssyncadd.s32 $0xFFFFEC00  }
0x64: {  	[spmem:s2] =	stream.indirect.scatter.add.f32 [tilespmem:s18], [sflag:$0x8], $0x40, s17, s14, $0xb8;
	[tilespmem:$0x1A040] =	vst v63  }
0x65: {  	_ =	swait.ge [sflag:s29], $0x1400  }
0x66: {  	[sflag:s29] =	ssyncset.done $0x0  }
0x67: {  	s17 =	sadd.s32 $0x230, s11;
	[sflag:s29] =	ssyncadd.s32 $0xFFFFEC00  }
0x68: {  	[tilespmem:s18], [sflag:$0x3] =	stream.indirect.gather [hbm4b:s7+s14], $0x40, s17, s14, $0xb8;
	[tilespmem:$0x1A040] =	vst v63  }
0x69: {  	_ =	swait.ge [sflag:s30], $0x1400  }
0x6a: {  	[sflag:s30] =	ssyncset.done $0x0  }
0x6b: {  	s17 =	sadd.s32 $0x4F10, s11;
	[sflag:s30] =	ssyncadd.s32 $0xFFFFEC00  }
0x6c: {  	[spmem:s2] =	stream.indirect.scatter.add.f32 [tilespmem:s20], [sflag:$0x9], $0x40, s17, s14, $0xb8;
	[tilespmem:$0x1A040] =	vst v63  }
0x6d: {  	_ =	swait.ge [sflag:s31], $0x1400  }
0x6e: {  	[sflag:s31] =	ssyncset.done $0x0  }
0x6f: {  	s17 =	sadd.s32 $0x280, s11;
	[sflag:s31] =	ssyncadd.s32 $0xFFFFEC00  }
0x70: {  	[tilespmem:s20], [sflag:$0x4] =	stream.indirect.gather [hbm4b:s7+s14], $0x40, s17, s14, $0xb8;
	[tilespmem:$0x1A040] =	vst v63  }
0x71: {  	_ =	swait.ge [sflag:s1], $0x1400  }
0x72: {  	[sflag:s1] =	ssyncset.done $0x0  }
.Ltmp0:
0x73: {  	s17 =	sadd.s32 $0x4F60, s11;
	[sflag:s1] =	ssyncadd.s32 $0xFFFFEC00;
	(pc) =	sbr.rel @p0 .LBB2_2-.Ltmp0, $4  }
0x74: {  	[spmem:s2] =	stream.indirect.scatter.add.f32 [tilespmem:s22], [sflag:$0xA], $0x40, s17, s14, $0xb8;
	[tilespmem:$0x1A040] =	vst v63  }
0x75: {  	_ =	swait.ge [sflag:s0], $0x1400  }
0x76: {  	[sflag:s0] =	ssyncset.done $0x0  }
0x77: {  	s11 =	sadd.s32 $0x2D0, s11;
	[sflag:s0] =	ssyncadd.s32 $0xFFFFEC00  }
0x78: {  	[tilespmem:s22], [sflag:$0x5] =	stream.indirect.gather [hbm4b:s7+s14], $0x40, s11, s14, $0xb8;
	[tilespmem:$0x1A040] =	vst v63  }
0x79: {  	_ =	swait.ge [sflag:s23], $0x1400  }
0x7a: {  	[sflag:s23] =	ssyncset.done $0x0  }
0x7b: {  	s17 =	simm.s32 $0x9AB0;
	[sflag:s23] =	ssyncadd.s32 $0xFFFFEC00  }
0x7c: {  	[spmem:s2] =	stream.indirect.scatter.add.f32 [tilespmem:s15], [sflag:$0x6], $0x40, s17, s14, $0xb8;
	[tilespmem:$0x1A040] =	vst v63  }
0x7d: {  	_ =	swait.ge [sflag:s24], $0x1400  }
0x7e: {  	[sflag:s24] =	ssyncset.done $0x0  }
0x7f: {  	[sflag:s24] =	ssyncadd.s32 $0xFFFFEC00  }
0x80: {  	_ =	swait.ge [sflag:s25], $0x1400  }
0x81: {  	[sflag:s25] =	ssyncset.done $0x0  }
0x82: {  	s21 =	simm.s32 $0x9B00;
	[sflag:s25] =	ssyncadd.s32 $0xFFFFEC00  }
0x83: {  	[spmem:s2] =	stream.indirect.scatter.add.f32 [tilespmem:s16], [sflag:$0x7], $0x40, s21, s14, $0xb8;
	[tilespmem:$0x1A040] =	vst v63  }
0x84: {  	_ =	swait.ge [sflag:s26], $0x1400  }
0x85: {  	[sflag:s26] =	ssyncset.done $0x0  }
0x86: {  	[sflag:s26] =	ssyncadd.s32 $0xFFFFEC00  }
0x87: {  	_ =	swait.ge [sflag:s28], $0x1400  }
0x88: {  	[sflag:s28] =	ssyncset.done $0x0  }
0x89: {  	s17 =	simm.s32 $0x9B50;
	[sflag:s28] =	ssyncadd.s32 $0xFFFFEC00  }
0x8a: {  	[spmem:s2] =	stream.indirect.scatter.add.f32 [tilespmem:s18], [sflag:$0x8], $0x40, s17, s14, $0xb8;
	[tilespmem:$0x1A040] =	vst v63  }
0x8b: {  	_ =	swait.ge [sflag:s29], $0x1400  }
0x8c: {  	[sflag:s29] =	ssyncset.done $0x0  }
0x8d: {  	[sflag:s29] =	ssyncadd.s32 $0xFFFFEC00  }
0x8e: {  	_ =	swait.ge [sflag:s30], $0x1400  }
0x8f: {  	[sflag:s30] =	ssyncset.done $0x0  }
0x90: {  	s21 =	simm.s32 $0x9BA0;
	[sflag:s30] =	ssyncadd.s32 $0xFFFFEC00  }
0x91: {  	[spmem:s2] =	stream.indirect.scatter.add.f32 [tilespmem:s20], [sflag:$0x9], $0x40, s21, s14, $0xb8;
	[tilespmem:$0x1A040] =	vst v63  }
0x92: {  	_ =	swait.ge [sflag:s31], $0x1400  }
0x93: {  	[sflag:s31] =	ssyncset.done $0x0  }
0x94: {  	[sflag:s31] =	ssyncadd.s32 $0xFFFFEC00  }
0x95: {  	_ =	swait.ge [sflag:s1], $0x1400  }
0x96: {  	[sflag:s1] =	ssyncset.done $0x0  }
0x97: {  	s17 =	simm.s32 $0x9BF0;
	[sflag:s1] =	ssyncadd.s32 $0xFFFFEC00  }
0x98: {  	[spmem:s2] =	stream.indirect.scatter.add.f32 [tilespmem:s22], [sflag:$0xA], $0x40, s17, s14, $0xb8;
	[tilespmem:$0x1A040] =	vst v63  }
0x99: {  	_ =	swait.ge [sflag:s0], $0x1400  }
0x9a: {  	s19 =	sadd.s32 $0x1, s19;
	[sflag:s0] =	ssyncset.done $0x0  }
0x9b: {  	p0 =	sne.s32 s19, s9;
	[sflag:s0] =	ssyncadd.s32 $0xFFFFEC00  }
.Ltmp1:
0x9c: {  	s21 =	simm.s32 $0x10;
	[bflag:$0x0] =	sbarrier.arrive $0xFFFF;
	(pc) =	sbr.rel @p0 .LBB2_1-.Ltmp1, $4  }
0x9d: {  	[hbm:s8@s21], [sflag:s12] =	dma.strided [spmem:s13@s29], $0x1400, s23, $0x8   }
0x9e: {  	_ =	swait.ge [sflag:s10], $0x1400  }
0x9f: {  	[sflag:s10] =	ssyncset.done $0x0  }
0xa0: {  	[sflag:s10] =	ssyncadd.s32 $0xFFFFEC00  }
0xa1: {  	_ =	sfence.sel $0x180000  }
0xa2: {  	[bflag:$0x0] =	sbarrier.arrive $0xFFFF  }
0xa3: {  	_ =	strace $0x9000004A  }
0xa4: {  	s0 =	stileid.u32;
	[bflag:$0x2] =	sbarrier.arrive $0xFFFF  }
0xa5: {  	p0 =	sne.s32 s0, $0x0;
	s0 =	rddreg [dreg:$0x2]  }
0xa6: {  	s0 =	sadd.s32 @!p0 $0x100000, s0  }
0xa7: {  	[sflag:s0] =	ssyncadd.tile.s32 @!p0 $0x1;
	_ =	shalt  }
.Lfunc_end2:
_tile_overlayer_lowered:
.L_overlay_start_2:
0xa8: {  	(tag) =	ssettag $0x2  }
0xa9: {  	s0 =	rddreg [dreg:$0x0];
	s2 =	stileid.u32  }
0xaa: {  	s1 =	rddreg [dreg:$0x1];
	p0 =	sne.s32 s2, $0x0  }
0xab: {  	s3 =	rddreg [dreg:$0x2];
	[bflag:$0x3] =	sbarrier.arrive $0xFFFF;
	s2 =	simm.s32 @!p0 $0x1C0B  }
0xac: {  	[timem:s3], [sflag:s2] =	dma.local @!p0 [hbm:s0], s1  }
0xad: {  	s0 =	simm.s32 @!p0 $0xB  }
0xae: {  	_ =	swait.ge @!p0 [sflag:s0], s1  }
0xaf: {  	s1 =	ssub.s32 @!p0 $0x0, s1;
	[sflag:s0] =	ssyncset.done @!p0 $0x0  }
0xb0: {  	[sflag:s0] =	ssyncadd.s32 @!p0 s1  }
0xb1: {  	[bflag:$0x3] =	sbarrier.arrive $0xFFFF  }
0xb2: {  	_ =	shalt  }

// kernel: kernel.15.cloned.1.call-start
scs
__scs_entry_jumppad:
0x0: {  	(pc) =	sbr.rel $0x88, $3  }
0x1: {  	(tag) =	ssettag $0x0;
	lr =	simm.s32 $0x1  }
0x2: {  	[smem:$0x3F95] =	sst lr;
	_ =	strace $0xD0000000  }
0x3: {  	_ = 	snop  }
0x4: {  	_ = 	snop  }
0x5: {  	_ = 	snop  }
0x6: {  	_ = 	snop  }
0x7: {  	_ = 	snop  }
__scs_overlays_trampoline_lowered:
0x8: {  	[smem:$0x3FA4] =	sst s0  }
0x9: {  	[smem:$0x3FA5] =	sst s1  }
0xa: {  	[smem:$0x3FA6] =	sst s2  }
0xb: {  	[smem:$0x3FA7] =	sst s3  }
0xc: {  	[smem:$0x3FA8] =	sst s4  }
0xd: {  	[smem:$0x3FA9] =	sst s5  }
0xe: {  	[smem:$0x3FAA] =	sst s6  }
0xf: {  	[smem:$0x3FAB] =	sst s7  }
0x10: {  	[smem:$0x3FAC] =	sst s8  }
0x11: {  	[smem:$0x3FAD] =	sst s9;
	s0 =	simm.s32 @!p0 $0x0  }
0x12: {  	s1 =	sld [smem:$0x3F93];
	s0 =	simm.s32 @p0 $0x1  }
0x13: {  	[smem:$0x3FAE] =	sst s0;
	s0 =	simm.s32 @!p1 $0x0  }
0x14: {  	s2 =	sld [smem:$0x3F92];
	s0 =	simm.s32 @p1 $0x1  }
0x15: {  	[smem:$0x3FAF] =	sst s0;
	s0 =	simm.s32 @!p2 $0x0  }
0x16: {  	s3 =	sld [smem:$0x3FDB];
	s0 =	simm.s32 @p2 $0x1  }
0x17: {  	s4 =	simm.s32 $0x1BF5;
	[smem:$0x3FB1] =	sst s0  }
0x18: {  	s0 =	sld [smem:$0x3F94];
	_ =	swait.ge [sflag:s4], $0x0  }
0x19: {  	s7 =	sld [smem:$0x3F95]  }
0x1a: {  	s8 =	sadd.s32 $0xFFFFE003, lr  }
0x1b: {  	s9 =	sadd.s32 $0xFFFFFEF7, lr;
	s5 =	simm.s32 $0xFFFFFFFF;
	p2 =	slt.u32 s8, $0xFFFFF086  }
0x1c: {  	p1 =	slt.u32 s9, $0xF7A;
	s5 =	simm.s32 @!p2 $0x0  }
0x1d: {  	s5 =	simm.s32 @p1 $0x1;
	p0 =	seq.s32 s7, s2  }
0x1e: {  	s7 =	smul.u32 @!p0 $0xF7A, s2;
	p2 =	seq.s32 @!p0 s5, $0x0  }
0x1f: {  	s9 =	smul.u32 $0xF7A, s1;
	s8 =	simm.s32 @!p0 $0x1BF5;
	p2 =	por !p2, p0  }
0x20: {  	[sflag:s8] =	ssyncset.s32 @!p0 $0xFFFFF086;
	s6 =	sadd.s32 @!p0 s3, s7;
	s7 =	simm.s32 @!p0 $0x108  }
0x21: {  	s3 =	sadd.s32 s3, s9;
	s6 =	sadd.s32 @!p0 $0x88, s6;
	s7 =	simm.s32 @p2 $0x1082  }
0x22: {  	[simem:s7], [sflag:s8] =	dma.local @!p0 [hbm:s6], $0xF7A  }
0x23: {  	s9 =	sor.u32 $0xD0000000, s2;
	s6 =	simm.s32 $0x108;
	_ =	swait.ge @!p0 [sflag:s8], $0x0  }
0x24: {  	s3 =	sadd.s32 $0x88, s3;
	s6 =	simm.s32 @!p1 $0x1082;
	[sflag:s4] =	ssyncset.s32 $0xFFFFF086  }
0x25: {  	[simem:s6], [sflag:s4] =	dma.local [hbm:s3], $0xF7A  }
0x26: {  	[smem:$0x3F95] =	sst s1;
	(tag) =	ssettag s2;
	_ =	strace s9  }
0x27: {  	s1 =	sld [smem:$0x3FA5]  }
0x28: {  	s2 =	sld [smem:$0x3FA6]  }
0x29: {  	s4 =	sld [smem:$0x3FA8]  }
0x2a: {  	p0 =	seq.s32 s5, $0x0;
	s5 =	sld [smem:$0x3FA9]  }
0x2b: {  	s6 =	sld [smem:$0x3FAA]  }
0x2c: {  	s7 =	sld [smem:$0x3FAB]  }
0x2d: {  	s3 =	simm.s32 $0x108;
	s8 =	sld [smem:$0x3FAC]  }
0x2e: {  	s3 =	simm.s32 @!p0 $0x1082;
	s9 =	sld [smem:$0x3FAD]  }
0x2f: {  	lr =	sadd.s32 s0, s3;
	s0 =	sld [smem:$0x3FA4]  }
0x30: {  	s3 =	sld [smem:$0x3FA7]  }
0x31: {  	[smem:$0x3FB0] =	sst s10  }
0x32: {  	s10 =	sld [smem:$0x3FAE];
	_ =	sdelay $0x3  }
0x33: {  	p0 =	seq.s32 s10, $0x1;
	s10 =	sld [smem:$0x3FB0];
	_ =	sdelay $0x3  }
0x34: {  	[smem:$0x3FB0] =	sst s10  }
0x35: {  	s10 =	sld [smem:$0x3FAF];
	_ =	sdelay $0x3  }
0x36: {  	p1 =	seq.s32 s10, $0x1;
	s10 =	sld [smem:$0x3FB0];
	_ =	sdelay $0x3  }
0x37: {  	[smem:$0x3FB0] =	sst s10  }
0x38: {  	s10 =	sld [smem:$0x3FB1]  }
0x39: {  	_ = 	snop;
	(pc) =	sbr.ind lr, $3  }
0x3a: {  	_ = 	snop  }
0x3b: {  	_ = 	snop  }
0x3c: {  	p2 =	seq.s32 s10, $0x1;
	s10 =	sld [smem:$0x3FB0]  }
0x3d: {  	_ =	shalt  }
0x3e: {  	_ =	shalt  }
0x3f: {  	_ =	shalt  }
0x40: {  	_ =	shalt  }
0x41: {  	_ =	shalt  }
0x42: {  	_ =	shalt  }
0x43: {  	_ =	shalt  }
0x44: {  	_ =	shalt  }
0x45: {  	_ =	shalt  }
0x46: {  	_ =	shalt  }
0x47: {  	_ =	shalt  }
0x48: {  	_ =	shalt  }
0x49: {  	_ =	shalt  }
0x4a: {  	_ =	shalt  }
0x4b: {  	_ =	shalt  }
0x4c: {  	_ =	shalt  }
0x4d: {  	_ =	shalt  }
0x4e: {  	_ =	shalt  }
0x4f: {  	_ =	shalt  }
0x50: {  	_ =	shalt  }
0x51: {  	_ =	shalt  }
0x52: {  	_ =	shalt  }
0x53: {  	_ =	shalt  }
0x54: {  	_ =	shalt  }
0x55: {  	_ =	shalt  }
0x56: {  	_ =	shalt  }
0x57: {  	_ =	shalt  }
0x58: {  	_ =	shalt  }
0x59: {  	_ =	shalt  }
0x5a: {  	_ =	shalt  }
0x5b: {  	_ =	shalt  }
0x5c: {  	_ =	shalt  }
0x5d: {  	_ =	shalt  }
0x5e: {  	_ =	shalt  }
0x5f: {  	_ =	shalt  }
0x60: {  	_ =	shalt  }
0x61: {  	_ =	shalt  }
0x62: {  	_ =	shalt  }
0x63: {  	_ =	shalt  }
0x64: {  	_ =	shalt  }
0x65: {  	_ =	shalt  }
0x66: {  	_ =	shalt  }
0x67: {  	_ =	shalt  }
0x68: {  	_ =	shalt  }
0x69: {  	_ =	shalt  }
0x6a: {  	_ =	shalt  }
0x6b: {  	_ =	shalt  }
0x6c: {  	_ =	shalt  }
0x6d: {  	_ =	shalt  }
0x6e: {  	_ =	shalt  }
0x6f: {  	_ =	shalt  }
0x70: {  	_ =	shalt  }
0x71: {  	_ =	shalt  }
0x72: {  	_ =	shalt  }
0x73: {  	_ =	shalt  }
0x74: {  	_ =	shalt  }
0x75: {  	_ =	shalt  }
0x76: {  	_ =	shalt  }
0x77: {  	_ =	shalt  }
0x78: {  	_ =	shalt  }
0x79: {  	_ =	shalt  }
0x7a: {  	_ =	shalt  }
0x7b: {  	_ =	shalt  }
0x7c: {  	_ =	shalt  }
0x7d: {  	_ =	shalt  }
0x7e: {  	_ =	shalt  }
0x7f: {  	_ =	shalt  }
0x80: {  	_ =	shalt  }
0x81: {  	_ =	shalt  }
0x82: {  	_ =	shalt  }
0x83: {  	_ =	shalt  }
0x84: {  	_ =	shalt  }
0x85: {  	_ =	shalt  }
0x86: {  	_ =	shalt  }
0x87: {  	_ =	shalt  }
.Lfunc_end0:
.L_simem_size_0:
called_computation.2_lowered:
.L_overlay_start_0:
0x88: {  	s2 =	sld [smem:$0x3FD9]  }
0x89: {  	s3 =	sld [smem:$0x3FFE];
	_ =	sdelay $0x1  }
0x8a: {  	s1 =	srdreg.scid  }
0x8b: {  	s0 =	sand.u32 $0x1, s1  }
0x8c: {  	s16 =	sshll.u32 s0, $0xA;
	s2 =	sadd.s32 s3, s2  }
0x8d: {  	s2 =	sadd.s32 s2, s16  }
0x8e: {  	[smem:$0x3FBC] =	sst s2  }
0x8f: {  	_ = 	snop  }
0x90: {  	(tm) =	ssettm $0x1  }
0x91: {  	s17 =	sld [smem:$0x3FFB];
	_ =	sdelay $0x3  }
0x92: {  	_ =	strace s17  }
0x93: {  	s2 =	sld [smem:$0x3FFC];
	_ =	sdelay $0x3  }
0x94: {  	_ =	strace s2  }
0x95: {  	s2 =	sld [smem:$0x3FFD];
	_ =	sdelay $0x3  }
0x96: {  	_ =	strace s2  }
0x97: {  	_ =	strace $0x8FFFFFFF  }
0x98: {  	s18 =	sld [smem:$0x3FDB];
	_ =	sdelay $0x1  }
0x99: {  	s19 =	simm.s32 $_scs_section_size  }
0x9a: {  	s4 =	simm.s32 $_size__tile_overlayer_lowered;
	s5 =	simm.s32 $_tile_overlayer_lowered  }
0x9b: {  	s22 =	simm.s32 $0x1BFF;
	s21 =	sshll.u32 s5, $0x1;
	s2 =	sadd.s32 s19, s18  }
0x9c: {  	s6 =	simm.s32 $0x0;
	s20 =	sshll.u32 s4, $0x1;
	s4 =	sadd.s32 s21, s2  }
0x9d: {  	[timem:s6], [sflag:s22] =	dma.local [hbm:s4], s20  }
0x9e: {  	_ =	swait.ge [sflag:s22], s20  }
0x9f: {  	s3 =	ssub.s32 $0x0, s20;
	[sflag:s22] =	ssyncset.done $0x0  }
0xa0: {  	[sflag:s22] =	ssyncadd.s32 s3;
	_ =	sdelay $0x1  }
0xa1: {  	s23 =	simm.s32 $0x1B8B  }
0xa2: {  	_ =	swait.ge [sflag:s23], $0x1  }
0xa3: {  	[sflag:s23] =	ssyncset.done $0x0  }
0xa4: {  	s25 =	simm.s32 $0x1B8E;
	s24 =	sld [smem:$0x3FFE];
	[sflag:s23] =	ssyncadd.s32 $0xFFFFFFFF  }
0xa5: {  	s26 =	simm.s32 $execute0_lowered;
	[smem:$0x3FD2] =	sst s25  }
0xa6: {  	s4 =	sshll.u32 s26, $0x1;
	_ =	strace $0x8000004C;
	[dreg:$0x1] =	wrdreg $0xFFFFFFFF  }
0xa7: {  	s28 =	simm.s32 $_size_execute0_lowered;
	s2 =	sadd.s32 s2, s4;
	[dreg:$0x0] =	wrdreg $0x0  }
0xa8: {  	s4 =	sshll.u32 s28, $0x1;
	[dreg:$0x2] =	wrdreg s2  }
0xa9: {  	[dreg:$0x3] =	wrdreg s4  }
0xaa: {  	[dreg:$0x4] =	wrdreg $0xC0  }
0xab: {  	_ =	task [dreg:s6], $0x5FFFF  }
0xac: {  	[dreg:$0x1] =	wrdreg $0xFFFFFFFF  }
0xad: {  	[dreg:$0x0] =	wrdreg $0x60  }
0xae: {  	[dreg:$0x2] =	wrdreg s24  }
0xaf: {  	[dreg:$0x3] =	wrdreg $0x67200  }
0xb0: {  	[dreg:$0x4] =	wrdreg $0x9  }
0xb1: {  	_ =	task.clear_ibuf [dreg:s6], $0x5FFFF;
	_ =	strace $0x9000004C  }
0xb2: {  	s29 =	simm.s32 $0x9;
	_ =	strace $0x8000004E  }
0xb3: {  	_ =	swait.ge [sflag:s29], $0x1  }
0xb4: {  	[sflag:s29] =	ssyncadd.s32 $0xFFFFFFFF  }
0xb5: {  	_ =	strace $0x9000004E  }
0xb6: {  	_ =	sfence  }
0xb7: {  	s30 =	sld [smem:$0x0];
	_ =	sdelay $0x2  }
0xb8: {  	s31 =	sshll.u32 s1, $0xD;
	s1 =	sshrl.u32 s1, $0x2  }
0xb9: {  	s3 =	sand.u32 $0x4000, s31;
	s1 =	sadd.s32 s1, s30  }
0xba: {  	s0 =	sor.u32 s3, s0;
	s1 =	sshll.u32 s1, $0x11  }
0xbb: {  	s0 =	sor.u32 s1, s0  }
0xbc: {  	s0 =	sadd.s32 $0x8F2B, s0  }
0xbd: {  	[sflag:s0] =	ssyncadd.remote.s32 $0x1  }
0xbe: {  	_ =	sfence.sel $0xFFFF  }
0xbf: {  	[dreg:$0x0] =	wrdreg $0xFFFFFFFF;
	(pc) =	sbr.abs _section_cstart, $3  }
0xc0: {  	[dreg:$0x1] =	wrdreg $0xFFFFFFFF  }
0xc1: {  	_ =	task.clear_ibuf [dreg:s6], $0x2FFFF;
	_ =	strace $0x9FFFFFFF  }
0xc2: {  	(tm) =	ssettm $0x7FFFFFFF  }
0xc3: {  	_ =	shalt  }
tec
execute0_lowered:
.L_overlay_start_1:
0x0: {  	(tag) =	ssettag $0x1  }
0x1: {  	s0 =	srdreg.scid  }
0x2: {  	s10 =	stileid.u32;
	s1 =	rddreg [dreg:$0x0]  }
0x3: {  	s2 =	rddreg [dreg:$0x1];
	s3 =	simm.s32 $0x0;
	s14 =	simm.s32 $0x50  }
0x4: {  	s15 =	simm.s32 $0x4E20;
	s16 =	simm.s32 $0x5320;
	s18 =	simm.s32 $0x5820  }
0x5: {  	s20 =	simm.s32 $0x5D20;
	s28 =	simm.s32 $0x3;
	s4 =	smul.u32 $0x4E20, s10  }
0x6: {  	s29 =	simm.s32 $0x8;
	s30 =	simm.s32 $0x4;
	s7 =	smul.u32 $0x14000, s10  }
0x7: {  	s31 =	simm.s32 $0x9;
	s0 =	sand.u32 $0x1, s0;
	s24 =	smul.u32 $0xA000, s10  }
0x8: {  	s19 =	simm.s32 $0x0;
	[smem:$0x7FF] =	sst s3;
	s5 =	smul.u32 $0x2710, s0  }
0x9: {  	s26 =	sshll.u32 s10, $0x6;
	s10 =	simm.s32 $0xB;
	s22 =	smul.u32 $0x140000, s0  }
0xa: {  	_ =	strace $0x8000004D;
	s0 =	ssub.s32 $0x2, s0;
	s12 =	sor.u32 $0x1C0B, s26  }
0xb: {  	s26 =	simm.s32 $0x7;
	s9 =	sshrl.u32 s0, $0x1;
	s25 =	sshrl.u32 s24, $0x2  }
0xc: {  	s24 =	simm.s32 $0x6;
	s4 =	sadd.s32 s5, s4;
	s23 =	sadd.s32 s7, s22  }
0xd: {  	s5 =	sadd.s32 $0x4A000, s1;
	s0 =	ssub.s32 s0, s9;
	s11 =	sadd.s32 s25, s2  }
0xe: {  	s22 =	simm.s32 $0x6220;
	s25 =	simm.s32 $0x2;
	s6 =	sshrl.u32 s4, $0x3  }
0xf: {  	s4 =	sadd.s32 $0x16E00, s1;
	s9 =	smax.u32 s0, $0x1;
	s13 =	sshrl.u32 s11, $0x3  }
0x10: {  	s0 =	simm.s32 $0xA;
	s8 =	sadd.s32 s6, s1;
	s6 =	sshrl.u32 s23, $0x3  }
0x11: {  	s23 =	simm.s32 $0x1;
	s1 =	sadd.s32 s6, s1;
	s6 =	sadd.s32 $0xD000, s8  }
0x12: {  	s7 =	sadd.s32 $0x3200, s8;
	s8 =	sadd.s32 $0x4A600, s1;
	s1 =	simm.s32 $0x5  }
.LBB2_1:
0x13: {  	[tilespmem:s3], [sflag:$0xB] =	stream.linear.gather [hbm4b:s6+s3], $0x2710, $0x38;
	[tilespmem:$0x8F20] =	vst v63  }
0x14: {  	_ =	swait.ge [sflag:s10], $0x2710  }
0x15: {  	[sflag:s10] =	ssyncset.done $0x0  }
0x16: {  	s11 =	simm.s32 $0x2710;
	[sflag:s10] =	ssyncadd.s32 $0xFFFFD8F0  }
0x17: {  	[tilespmem:s11], [sflag:$0xB] =	stream.linear.gather [hbm4b:s7+s3], $0x2710, $0x38;
	[tilespmem:$0x8F20] =	vst v63  }
0x18: {  	_ =	swait.ge [sflag:s10], $0x2710  }
0x19: {  	[sflag:s10] =	ssyncset.done $0x0  }
0x1a: {  	[sflag:s10] =	ssyncadd.s32 $0xFFFFD8F0  }
0x1b: {  	[spmem:s13], [sflag:s12] =	dma.local [hbm:s5], $0x500  }
0x1c: {  	_ =	swait.ge [sflag:s10], $0x500  }
0x1d: {  	[sflag:s10] =	ssyncset.done $0x0  }
0x1e: {  	[sflag:s10] =	ssyncadd.s32 $0xFFFFFB00  }
0x1f: {  	[bflag:$0x0] =	sbarrier.arrive $0xFFFF  }
0x20: {  	[tilespmem:s15], [sflag:$0x1] =	stream.indirect.gather [hbm4b:s4+s14], $0x10, s3, s14, $0xb8;
	[tilespmem:$0x8F20] =	vst v63  }
0x21: {  	_ = 	snop  }
0x22: {  	[tilespmem:s16], [sflag:$0x2] =	stream.indirect.gather [hbm4b:s4+s14], $0x10, s14, s14, $0xb8;
	[tilespmem:$0x8F20] =	vst v63  }
0x23: {  	s17 =	simm.s32 $0xA0  }
0x24: {  	[tilespmem:s18], [sflag:$0x3] =	stream.indirect.gather [hbm4b:s4+s14], $0x10, s17, s14, $0xb8;
	[tilespmem:$0x8F20] =	vst v63  }
0x25: {  	s21 =	simm.s32 $0xF0  }
0x26: {  	[tilespmem:s20], [sflag:$0x4] =	stream.indirect.gather [hbm4b:s4+s14], $0x10, s21, s14, $0xb8;
	[tilespmem:$0x8F20] =	vst v63  }
0x27: {  	s17 =	simm.s32 $0x140  }
0x28: {  	[tilespmem:s22], [sflag:$0x5] =	stream.indirect.gather [hbm4b:s4+s14], $0x10, s17, s14, $0xb8;
	[tilespmem:$0x8F20] =	vst v63  }
0x29: {  	_ =	swait.ge [sflag:s23], $0x500  }
0x2a: {  	[sflag:s23] =	ssyncset.done $0x0  }
0x2b: {  	s21 =	simm.s32 $0x2710;
	[sflag:s23] =	ssyncadd.s32 $0xFFFFFB00  }
0x2c: {  	[spmem:s2] =	stream.indirect.scatter.add.f32 [tilespmem:s15], [sflag:$0x6], $0x10, s21, s14, $0xb8;
	[tilespmem:$0x8F20] =	vst v63  }
0x2d: {  	_ =	swait.ge [sflag:s24], $0x500  }
0x2e: {  	[sflag:s24] =	ssyncset.done $0x0  }
0x2f: {  	s17 =	simm.s32 $0x190;
	[sflag:s24] =	ssyncadd.s32 $0xFFFFFB00  }
0x30: {  	[tilespmem:s15], [sflag:$0x1] =	stream.indirect.gather [hbm4b:s4+s14], $0x10, s17, s14, $0xb8;
	[tilespmem:$0x8F20] =	vst v63  }
0x31: {  	_ =	swait.ge [sflag:s25], $0x500  }
0x32: {  	[sflag:s25] =	ssyncset.done $0x0  }
0x33: {  	s21 =	simm.s32 $0x2760;
	[sflag:s25] =	ssyncadd.s32 $0xFFFFFB00  }
0x34: {  	[spmem:s2] =	stream.indirect.scatter.add.f32 [tilespmem:s16], [sflag:$0x7], $0x10, s21, s14, $0xb8;
	[tilespmem:$0x8F20] =	vst v63  }
0x35: {  	_ =	swait.ge [sflag:s26], $0x500  }
0x36: {  	[sflag:s26] =	ssyncset.done $0x0  }
0x37: {  	s17 =	simm.s32 $0x1E0;
	[sflag:s26] =	ssyncadd.s32 $0xFFFFFB00  }
0x38: {  	[tilespmem:s16], [sflag:$0x2] =	stream.indirect.gather [hbm4b:s4+s14], $0x10, s17, s14, $0xb8;
	[tilespmem:$0x8F20] =	vst v63  }
0x39: {  	_ =	swait.ge [sflag:s28], $0x500  }
0x3a: {  	[sflag:s28] =	ssyncset.done $0x0  }
0x3b: {  	s21 =	simm.s32 $0x27B0;
	[sflag:s28] =	ssyncadd.s32 $0xFFFFFB00  }
0x3c: {  	[spmem:s2] =	stream.indirect.scatter.add.f32 [tilespmem:s18], [sflag:$0x8], $0x10, s21, s14, $0xb8;
	[tilespmem:$0x8F20] =	vst v63  }
0x3d: {  	_ =	swait.ge [sflag:s29], $0x500  }
0x3e: {  	[sflag:s29] =	ssyncset.done $0x0  }
0x3f: {  	s17 =	simm.s32 $0x230;
	[sflag:s29] =	ssyncadd.s32 $0xFFFFFB00  }
0x40: {  	[tilespmem:s18], [sflag:$0x3] =	stream.indirect.gather [hbm4b:s4+s14], $0x10, s17, s14, $0xb8;
	[tilespmem:$0x8F20] =	vst v63  }
0x41: {  	_ =	swait.ge [sflag:s30], $0x500  }
0x42: {  	[sflag:s30] =	ssyncset.done $0x0  }
0x43: {  	s21 =	simm.s32 $0x2800;
	[sflag:s30] =	ssyncadd.s32 $0xFFFFFB00  }
0x44: {  	[spmem:s2] =	stream.indirect.scatter.add.f32 [tilespmem:s20], [sflag:$0x9], $0x10, s21, s14, $0xb8;
	[tilespmem:$0x8F20] =	vst v63  }
0x45: {  	_ =	swait.ge [sflag:s31], $0x500  }
0x46: {  	[sflag:s31] =	ssyncset.done $0x0  }
0x47: {  	s17 =	simm.s32 $0x280;
	[sflag:s31] =	ssyncadd.s32 $0xFFFFFB00  }
0x48: {  	[tilespmem:s20], [sflag:$0x4] =	stream.indirect.gather [hbm4b:s4+s14], $0x10, s17, s14, $0xb8;
	[tilespmem:$0x8F20] =	vst v63  }
0x49: {  	_ =	swait.ge [sflag:s1], $0x500  }
0x4a: {  	[sflag:s1] =	ssyncset.done $0x0  }
0x4b: {  	s21 =	simm.s32 $0x2850;
	[sflag:s1] =	ssyncadd.s32 $0xFFFFFB00  }
0x4c: {  	[spmem:s2] =	stream.indirect.scatter.add.f32 [tilespmem:s22], [sflag:$0xA], $0x10, s21, s14, $0xb8;
	[tilespmem:$0x8F20] =	vst v63  }
0x4d: {  	_ =	swait.ge [sflag:s0], $0x500  }
0x4e: {  	[sflag:s0] =	ssyncset.done $0x0  }
0x4f: {  	s11 =	simm.s32 $0x2D0;
	s21 =	simm.s32 $0x640;
	[sflag:s0] =	ssyncadd.s32 $0xFFFFFB00  }
.LBB2_2:
0x50: {  	[tilespmem:s22], [sflag:$0x5] =	stream.indirect.gather [hbm4b:s4+s14], $0x10, s11, s14, $0xb8;
	[tilespmem:$0x8F20] =	vst v63  }
0x51: {  	s11 =	smov.u32 s21  }
0x52: {  	p0 =	sne.s32 s21, $0x8FC0;
	s21 =	sadd.s32 $0x640, s21;
	_ =	swait.ge [sflag:s23], $0x500  }
0x53: {  	s11 =	sshra.s32 s11, $0x2;
	[sflag:s23] =	ssyncset.done $0x0  }
0x54: {  	s17 =	sadd.s32 $0x2710, s11;
	[sflag:s23] =	ssyncadd.s32 $0xFFFFFB00  }
0x55: {  	[spmem:s2] =	stream.indirect.scatter.add.f32 [tilespmem:s15], [sflag:$0x6], $0x10, s17, s14, $0xb8;
	[tilespmem:$0x8F20] =	vst v63  }
0x56: {  	_ =	swait.ge [sflag:s24], $0x500  }
0x57: {  	[sflag:s24] =	ssyncset.done $0x0  }
0x58: {  	s17 =	sadd.s32 $0x190, s11;
	[sflag:s24] =	ssyncadd.s32 $0xFFFFFB00  }
0x59: {  	[tilespmem:s15], [sflag:$0x1] =	stream.indirect.gather [hbm4b:s4+s14], $0x10, s17, s14, $0xb8;
	[tilespmem:$0x8F20] =	vst v63  }
0x5a: {  	_ =	swait.ge [sflag:s25], $0x500  }
0x5b: {  	[sflag:s25] =	ssyncset.done $0x0  }
0x5c: {  	s17 =	sadd.s32 $0x2760, s11;
	[sflag:s25] =	ssyncadd.s32 $0xFFFFFB00  }
0x5d: {  	[spmem:s2] =	stream.indirect.scatter.add.f32 [tilespmem:s16], [sflag:$0x7], $0x10, s17, s14, $0xb8;
	[tilespmem:$0x8F20] =	vst v63  }
0x5e: {  	_ =	swait.ge [sflag:s26], $0x500  }
0x5f: {  	[sflag:s26] =	ssyncset.done $0x0  }
0x60: {  	s17 =	sadd.s32 $0x1E0, s11;
	[sflag:s26] =	ssyncadd.s32 $0xFFFFFB00  }
0x61: {  	[tilespmem:s16], [sflag:$0x2] =	stream.indirect.gather [hbm4b:s4+s14], $0x10, s17, s14, $0xb8;
	[tilespmem:$0x8F20] =	vst v63  }
0x62: {  	_ =	swait.ge [sflag:s28], $0x500  }
0x63: {  	[sflag:s28] =	ssyncset.done $0x0  }
0x64: {  	s17 =	sadd.s32 $0x27B0, s11;
	[sflag:s28] =	ssyncadd.s32 $0xFFFFFB00  }
0x65: {  	[spmem:s2] =	stream.indirect.scatter.add.f32 [tilespmem:s18], [sflag:$0x8], $0x10, s17, s14, $0xb8;
	[tilespmem:$0x8F20] =	vst v63  }
0x66: {  	_ =	swait.ge [sflag:s29], $0x500  }
0x67: {  	[sflag:s29] =	ssyncset.done $0x0  }
0x68: {  	s17 =	sadd.s32 $0x230, s11;
	[sflag:s29] =	ssyncadd.s32 $0xFFFFFB00  }
0x69: {  	[tilespmem:s18], [sflag:$0x3] =	stream.indirect.gather [hbm4b:s4+s14], $0x10, s17, s14, $0xb8;
	[tilespmem:$0x8F20] =	vst v63  }
0x6a: {  	_ =	swait.ge [sflag:s30], $0x500  }
0x6b: {  	[sflag:s30] =	ssyncset.done $0x0  }
0x6c: {  	s17 =	sadd.s32 $0x2800, s11;
	[sflag:s30] =	ssyncadd.s32 $0xFFFFFB00  }
0x6d: {  	[spmem:s2] =	stream.indirect.scatter.add.f32 [tilespmem:s20], [sflag:$0x9], $0x10, s17, s14, $0xb8;
	[tilespmem:$0x8F20] =	vst v63  }
0x6e: {  	_ =	swait.ge [sflag:s31], $0x500  }
0x6f: {  	[sflag:s31] =	ssyncset.done $0x0  }
0x70: {  	s17 =	sadd.s32 $0x280, s11;
	[sflag:s31] =	ssyncadd.s32 $0xFFFFFB00  }
0x71: {  	[tilespmem:s20], [sflag:$0x4] =	stream.indirect.gather [hbm4b:s4+s14], $0x10, s17, s14, $0xb8;
	[tilespmem:$0x8F20] =	vst v63  }
0x72: {  	_ =	swait.ge [sflag:s1], $0x500  }
0x73: {  	[sflag:s1] =	ssyncset.done $0x0  }
.Ltmp0:
0x74: {  	s17 =	sadd.s32 $0x2850, s11;
	[sflag:s1] =	ssyncadd.s32 $0xFFFFFB00;
	(pc) =	sbr.rel @p0 .LBB2_2-.Ltmp0, $4  }
0x75: {  	[spmem:s2] =	stream.indirect.scatter.add.f32 [tilespmem:s22], [sflag:$0xA], $0x10, s17, s14, $0xb8;
	[tilespmem:$0x8F20] =	vst v63  }
0x76: {  	_ =	swait.ge [sflag:s0], $0x500  }
0x77: {  	[sflag:s0] =	ssyncset.done $0x0  }
0x78: {  	s11 =	sadd.s32 $0x2D0, s11;
	[sflag:s0] =	ssyncadd.s32 $0xFFFFFB00  }
0x79: {  	[tilespmem:s22], [sflag:$0x5] =	stream.indirect.gather [hbm4b:s4+s14], $0x10, s11, s14, $0xb8;
	[tilespmem:$0x8F20] =	vst v63  }
0x7a: {  	_ =	swait.ge [sflag:s23], $0x500  }
0x7b: {  	[sflag:s23] =	ssyncset.done $0x0  }
0x7c: {  	s17 =	simm.s32 $0x4C90;
	[sflag:s23] =	ssyncadd.s32 $0xFFFFFB00  }
0x7d: {  	[spmem:s2] =	stream.indirect.scatter.add.f32 [tilespmem:s15], [sflag:$0x6], $0x10, s17, s14, $0xb8;
	[tilespmem:$0x8F20] =	vst v63  }
0x7e: {  	_ =	swait.ge [sflag:s24], $0x500  }
0x7f: {  	[sflag:s24] =	ssyncset.done $0x0  }
0x80: {  	[sflag:s24] =	ssyncadd.s32 $0xFFFFFB00  }
0x81: {  	_ =	swait.ge [sflag:s25], $0x500  }
0x82: {  	[sflag:s25] =	ssyncset.done $0x0  }
0x83: {  	s21 =	simm.s32 $0x4CE0;
	[sflag:s25] =	ssyncadd.s32 $0xFFFFFB00  }
0x84: {  	[spmem:s2] =	stream.indirect.scatter.add.f32 [tilespmem:s16], [sflag:$0x7], $0x10, s21, s14, $0xb8;
	[tilespmem:$0x8F20] =	vst v63  }
0x85: {  	_ =	swait.ge [sflag:s26], $0x500  }
0x86: {  	[sflag:s26] =	ssyncset.done $0x0  }
0x87: {  	[sflag:s26] =	ssyncadd.s32 $0xFFFFFB00  }
0x88: {  	_ =	swait.ge [sflag:s28], $0x500  }
0x89: {  	[sflag:s28] =	ssyncset.done $0x0  }
0x8a: {  	s17 =	simm.s32 $0x4D30;
	[sflag:s28] =	ssyncadd.s32 $0xFFFFFB00  }
0x8b: {  	[spmem:s2] =	stream.indirect.scatter.add.f32 [tilespmem:s18], [sflag:$0x8], $0x10, s17, s14, $0xb8;
	[tilespmem:$0x8F20] =	vst v63  }
0x8c: {  	_ =	swait.ge [sflag:s29], $0x500  }
0x8d: {  	[sflag:s29] =	ssyncset.done $0x0  }
0x8e: {  	[sflag:s29] =	ssyncadd.s32 $0xFFFFFB00  }
0x8f: {  	_ =	swait.ge [sflag:s30], $0x500  }
0x90: {  	[sflag:s30] =	ssyncset.done $0x0  }
0x91: {  	s21 =	simm.s32 $0x4D80;
	[sflag:s30] =	ssyncadd.s32 $0xFFFFFB00  }
0x92: {  	[spmem:s2] =	stream.indirect.scatter.add.f32 [tilespmem:s20], [sflag:$0x9], $0x10, s21, s14, $0xb8;
	[tilespmem:$0x8F20] =	vst v63  }
0x93: {  	_ =	swait.ge [sflag:s31], $0x500  }
0x94: {  	[sflag:s31] =	ssyncset.done $0x0  }
0x95: {  	[sflag:s31] =	ssyncadd.s32 $0xFFFFFB00  }
0x96: {  	_ =	swait.ge [sflag:s1], $0x500  }
0x97: {  	[sflag:s1] =	ssyncset.done $0x0  }
0x98: {  	s17 =	simm.s32 $0x4DD0;
	[sflag:s1] =	ssyncadd.s32 $0xFFFFFB00  }
0x99: {  	[spmem:s2] =	stream.indirect.scatter.add.f32 [tilespmem:s22], [sflag:$0xA], $0x10, s17, s14, $0xb8;
	[tilespmem:$0x8F20] =	vst v63  }
0x9a: {  	_ =	swait.ge [sflag:s0], $0x500  }
0x9b: {  	s19 =	sadd.s32 $0x1, s19;
	[sflag:s0] =	ssyncset.done $0x0  }
0x9c: {  	p0 =	sne.s32 s19, s9;
	[sflag:s0] =	ssyncadd.s32 $0xFFFFFB00  }
.Ltmp1:
0x9d: {  	s21 =	simm.s32 $0x10;
	[bflag:$0x0] =	sbarrier.arrive $0xFFFF;
	(pc) =	sbr.rel @p0 .LBB2_1-.Ltmp1, $4  }
0x9e: {  	[hbm:s8@s21], [sflag:s12] =	dma.strided [spmem:s13@s25], $0x500, s23, $0x2   }
0x9f: {  	_ =	swait.ge [sflag:s10], $0x500  }
0xa0: {  	[sflag:s10] =	ssyncset.done $0x0  }
0xa1: {  	[sflag:s10] =	ssyncadd.s32 $0xFFFFFB00  }
0xa2: {  	_ =	sfence.sel $0x180000  }
0xa3: {  	[bflag:$0x0] =	sbarrier.arrive $0xFFFF  }
0xa4: {  	_ =	strace $0x9000004D  }
0xa5: {  	s0 =	stileid.u32;
	[bflag:$0x2] =	sbarrier.arrive $0xFFFF  }
0xa6: {  	p0 =	sne.s32 s0, $0x0;
	s0 =	rddreg [dreg:$0x2]  }
0xa7: {  	s0 =	sadd.s32 @!p0 $0x100000, s0  }
0xa8: {  	[sflag:s0] =	ssyncadd.tile.s32 @!p0 $0x1;
	_ =	shalt  }
.Lfunc_end2:
_tile_overlayer_lowered:
.L_overlay_start_2:
0xa9: {  	(tag) =	ssettag $0x2  }
0xaa: {  	s0 =	rddreg [dreg:$0x0];
	s2 =	stileid.u32  }
0xab: {  	s1 =	rddreg [dreg:$0x1];
	p0 =	sne.s32 s2, $0x0  }
0xac: {  	s3 =	rddreg [dreg:$0x2];
	[bflag:$0x3] =	sbarrier.arrive $0xFFFF;
	s2 =	simm.s32 @!p0 $0x1C0B  }
0xad: {  	[timem:s3], [sflag:s2] =	dma.local @!p0 [hbm:s0], s1  }
0xae: {  	s0 =	simm.s32 @!p0 $0xB  }
0xaf: {  	_ =	swait.ge @!p0 [sflag:s0], s1  }
0xb0: {  	s1 =	ssub.s32 @!p0 $0x0, s1;
	[sflag:s0] =	ssyncset.done @!p0 $0x0  }
0xb1: {  	[sflag:s0] =	ssyncadd.s32 @!p0 s1  }
0xb2: {  	[bflag:$0x3] =	sbarrier.arrive $0xFFFF  }
0xb3: {  	_ =	shalt  }

// kernel: kernel.9.cloned.1.call-start
scs
__scs_entry_jumppad:
0x0: {  	(pc) =	sbr.rel $0x88, $3  }
0x1: {  	(tag) =	ssettag $0x0;
	lr =	simm.s32 $0x1  }
0x2: {  	[smem:$0x3F95] =	sst lr;
	_ =	strace $0xD0000000  }
0x3: {  	_ = 	snop  }
0x4: {  	_ = 	snop  }
0x5: {  	_ = 	snop  }
0x6: {  	_ = 	snop  }
0x7: {  	_ = 	snop  }
__scs_overlays_trampoline_lowered:
0x8: {  	[smem:$0x3FA4] =	sst s0  }
0x9: {  	[smem:$0x3FA5] =	sst s1  }
0xa: {  	[smem:$0x3FA6] =	sst s2  }
0xb: {  	[smem:$0x3FA7] =	sst s3  }
0xc: {  	[smem:$0x3FA8] =	sst s4  }
0xd: {  	[smem:$0x3FA9] =	sst s5  }
0xe: {  	[smem:$0x3FAA] =	sst s6  }
0xf: {  	[smem:$0x3FAB] =	sst s7  }
0x10: {  	[smem:$0x3FAC] =	sst s8  }
0x11: {  	[smem:$0x3FAD] =	sst s9;
	s0 =	simm.s32 @!p0 $0x0  }
0x12: {  	s1 =	sld [smem:$0x3F93];
	s0 =	simm.s32 @p0 $0x1  }
0x13: {  	[smem:$0x3FAE] =	sst s0;
	s0 =	simm.s32 @!p1 $0x0  }
0x14: {  	s2 =	sld [smem:$0x3F92];
	s0 =	simm.s32 @p1 $0x1  }
0x15: {  	[smem:$0x3FAF] =	sst s0;
	s0 =	simm.s32 @!p2 $0x0  }
0x16: {  	s3 =	sld [smem:$0x3FDB];
	s0 =	simm.s32 @p2 $0x1  }
0x17: {  	s4 =	simm.s32 $0x1BF5;
	[smem:$0x3FB1] =	sst s0  }
0x18: {  	s0 =	sld [smem:$0x3F94];
	_ =	swait.ge [sflag:s4], $0x0  }
0x19: {  	s7 =	sld [smem:$0x3F95]  }
0x1a: {  	s8 =	sadd.s32 $0xFFFFE003, lr  }
0x1b: {  	s9 =	sadd.s32 $0xFFFFFEF7, lr;
	s5 =	simm.s32 $0xFFFFFFFF;
	p2 =	slt.u32 s8, $0xFFFFF086  }
0x1c: {  	p1 =	slt.u32 s9, $0xF7A;
	s5 =	simm.s32 @!p2 $0x0  }
0x1d: {  	s5 =	simm.s32 @p1 $0x1;
	p0 =	seq.s32 s7, s2  }
0x1e: {  	s7 =	smul.u32 @!p0 $0xF7A, s2;
	p2 =	seq.s32 @!p0 s5, $0x0  }
0x1f: {  	s9 =	smul.u32 $0xF7A, s1;
	s8 =	simm.s32 @!p0 $0x1BF5;
	p2 =	por !p2, p0  }
0x20: {  	[sflag:s8] =	ssyncset.s32 @!p0 $0xFFFFF086;
	s6 =	sadd.s32 @!p0 s3, s7;
	s7 =	simm.s32 @!p0 $0x108  }
0x21: {  	s3 =	sadd.s32 s3, s9;
	s6 =	sadd.s32 @!p0 $0x88, s6;
	s7 =	simm.s32 @p2 $0x1082  }
0x22: {  	[simem:s7], [sflag:s8] =	dma.local @!p0 [hbm:s6], $0xF7A  }
0x23: {  	s9 =	sor.u32 $0xD0000000, s2;
	s6 =	simm.s32 $0x108;
	_ =	swait.ge @!p0 [sflag:s8], $0x0  }
0x24: {  	s3 =	sadd.s32 $0x88, s3;
	s6 =	simm.s32 @!p1 $0x1082;
	[sflag:s4] =	ssyncset.s32 $0xFFFFF086  }
0x25: {  	[simem:s6], [sflag:s4] =	dma.local [hbm:s3], $0xF7A  }
0x26: {  	[smem:$0x3F95] =	sst s1;
	(tag) =	ssettag s2;
	_ =	strace s9  }
0x27: {  	s1 =	sld [smem:$0x3FA5]  }
0x28: {  	s2 =	sld [smem:$0x3FA6]  }
0x29: {  	s4 =	sld [smem:$0x3FA8]  }
0x2a: {  	p0 =	seq.s32 s5, $0x0;
	s5 =	sld [smem:$0x3FA9]  }
0x2b: {  	s6 =	sld [smem:$0x3FAA]  }
0x2c: {  	s7 =	sld [smem:$0x3FAB]  }
0x2d: {  	s3 =	simm.s32 $0x108;
	s8 =	sld [smem:$0x3FAC]  }
0x2e: {  	s3 =	simm.s32 @!p0 $0x1082;
	s9 =	sld [smem:$0x3FAD]  }
0x2f: {  	lr =	sadd.s32 s0, s3;
	s0 =	sld [smem:$0x3FA4]  }
0x30: {  	s3 =	sld [smem:$0x3FA7]  }
0x31: {  	[smem:$0x3FB0] =	sst s10  }
0x32: {  	s10 =	sld [smem:$0x3FAE];
	_ =	sdelay $0x3  }
0x33: {  	p0 =	seq.s32 s10, $0x1;
	s10 =	sld [smem:$0x3FB0];
	_ =	sdelay $0x3  }
0x34: {  	[smem:$0x3FB0] =	sst s10  }
0x35: {  	s10 =	sld [smem:$0x3FAF];
	_ =	sdelay $0x3  }
0x36: {  	p1 =	seq.s32 s10, $0x1;
	s10 =	sld [smem:$0x3FB0];
	_ =	sdelay $0x3  }
0x37: {  	[smem:$0x3FB0] =	sst s10  }
0x38: {  	s10 =	sld [smem:$0x3FB1]  }
0x39: {  	_ = 	snop;
	(pc) =	sbr.ind lr, $3  }
0x3a: {  	_ = 	snop  }
0x3b: {  	_ = 	snop  }
0x3c: {  	p2 =	seq.s32 s10, $0x1;
	s10 =	sld [smem:$0x3FB0]  }
0x3d: {  	_ =	shalt  }
0x3e: {  	_ =	shalt  }
0x3f: {  	_ =	shalt  }
0x40: {  	_ =	shalt  }
0x41: {  	_ =	shalt  }
0x42: {  	_ =	shalt  }
0x43: {  	_ =	shalt  }
0x44: {  	_ =	shalt  }
0x45: {  	_ =	shalt  }
0x46: {  	_ =	shalt  }
0x47: {  	_ =	shalt  }
0x48: {  	_ =	shalt  }
0x49: {  	_ =	shalt  }
0x4a: {  	_ =	shalt  }
0x4b: {  	_ =	shalt  }
0x4c: {  	_ =	shalt  }
0x4d: {  	_ =	shalt  }
0x4e: {  	_ =	shalt  }
0x4f: {  	_ =	shalt  }
0x50: {  	_ =	shalt  }
0x51: {  	_ =	shalt  }
0x52: {  	_ =	shalt  }
0x53: {  	_ =	shalt  }
0x54: {  	_ =	shalt  }
0x55: {  	_ =	shalt  }
0x56: {  	_ =	shalt  }
0x57: {  	_ =	shalt  }
0x58: {  	_ =	shalt  }
0x59: {  	_ =	shalt  }
0x5a: {  	_ =	shalt  }
0x5b: {  	_ =	shalt  }
0x5c: {  	_ =	shalt  }
0x5d: {  	_ =	shalt  }
0x5e: {  	_ =	shalt  }
0x5f: {  	_ =	shalt  }
0x60: {  	_ =	shalt  }
0x61: {  	_ =	shalt  }
0x62: {  	_ =	shalt  }
0x63: {  	_ =	shalt  }
0x64: {  	_ =	shalt  }
0x65: {  	_ =	shalt  }
0x66: {  	_ =	shalt  }
0x67: {  	_ =	shalt  }
0x68: {  	_ =	shalt  }
0x69: {  	_ =	shalt  }
0x6a: {  	_ =	shalt  }
0x6b: {  	_ =	shalt  }
0x6c: {  	_ =	shalt  }
0x6d: {  	_ =	shalt  }
0x6e: {  	_ =	shalt  }
0x6f: {  	_ =	shalt  }
0x70: {  	_ =	shalt  }
0x71: {  	_ =	shalt  }
0x72: {  	_ =	shalt  }
0x73: {  	_ =	shalt  }
0x74: {  	_ =	shalt  }
0x75: {  	_ =	shalt  }
0x76: {  	_ =	shalt  }
0x77: {  	_ =	shalt  }
0x78: {  	_ =	shalt  }
0x79: {  	_ =	shalt  }
0x7a: {  	_ =	shalt  }
0x7b: {  	_ =	shalt  }
0x7c: {  	_ =	shalt  }
0x7d: {  	_ =	shalt  }
0x7e: {  	_ =	shalt  }
0x7f: {  	_ =	shalt  }
0x80: {  	_ =	shalt  }
0x81: {  	_ =	shalt  }
0x82: {  	_ =	shalt  }
0x83: {  	_ =	shalt  }
0x84: {  	_ =	shalt  }
0x85: {  	_ =	shalt  }
0x86: {  	_ =	shalt  }
0x87: {  	_ =	shalt  }
.Lfunc_end0:
.L_simem_size_0:
called_computation_lowered:
.L_overlay_start_0:
0x88: {  	s2 =	sld [smem:$0x3FD9]  }
0x89: {  	s3 =	sld [smem:$0x3FFE];
	_ =	sdelay $0x1  }
0x8a: {  	s1 =	srdreg.scid  }
0x8b: {  	s0 =	sand.u32 $0x1, s1  }
0x8c: {  	s17 =	sshll.u32 s0, $0xA;
	s2 =	sadd.s32 s3, s2  }
0x8d: {  	s2 =	sadd.s32 s2, s17  }
0x8e: {  	[smem:$0x3FBC] =	sst s2  }
0x8f: {  	_ = 	snop  }
0x90: {  	s2 =	sld [smem:$0x3FD0];
	(tm) =	ssettm $0x1  }
0x91: {  	s18 =	sld [smem:$0x3FFB];
	_ =	sdelay $0x3  }
0x92: {  	_ =	strace s18  }
0x93: {  	s3 =	sld [smem:$0x3FFC];
	_ =	sdelay $0x3  }
0x94: {  	_ =	strace s3  }
0x95: {  	s3 =	sld [smem:$0x3FFD];
	_ =	sdelay $0x3  }
0x96: {  	_ =	strace s3  }
0x97: {  	_ =	strace $0x8FFFFFFF  }
0x98: {  	s19 =	sld [smem:$0x3FDB];
	_ =	sdelay $0x1  }
0x99: {  	s4 =	simm.s32 $_scs_section_size  }
0x9a: {  	s5 =	simm.s32 $_size__tile_overlayer_lowered;
	s6 =	simm.s32 $_tile_overlayer_lowered  }
0x9b: {  	s22 =	simm.s32 $0x1BFF;
	s21 =	sshll.u32 s6, $0x1;
	s3 =	sadd.s32 s4, s19  }
0x9c: {  	s7 =	simm.s32 $0x0;
	s20 =	sshll.u32 s5, $0x1;
	s5 =	sadd.s32 s21, s3  }
0x9d: {  	[timem:s7], [sflag:s22] =	dma.local [hbm:s5], s20  }
0x9e: {  	_ =	swait.ge [sflag:s22], s20  }
0x9f: {  	s4 =	ssub.s32 $0x0, s20;
	[sflag:s22] =	ssyncset.done $0x0  }
0xa0: {  	[sflag:s22] =	ssyncadd.s32 s4;
	_ =	sdelay $0x1  }
0xa1: {  	s23 =	simm.s32 $0x1B8B  }
0xa2: {  	_ =	swait.ge [sflag:s23], $0x1  }
0xa3: {  	[sflag:s23] =	ssyncset.done $0x0  }
0xa4: {  	s25 =	simm.s32 $0x1B8E;
	s24 =	sld [smem:$0x3FFE];
	[sflag:s23] =	ssyncadd.s32 $0xFFFFFFFF  }
0xa5: {  	s26 =	simm.s32 $execute0_lowered;
	[smem:$0x3FD2] =	sst s25  }
0xa6: {  	s5 =	sshll.u32 s26, $0x1;
	_ =	strace $0x80000046;
	[dreg:$0x1] =	wrdreg $0xFFFFFFFF  }
0xa7: {  	s28 =	simm.s32 $_size_execute0_lowered;
	s3 =	sadd.s32 s3, s5;
	[dreg:$0x0] =	wrdreg $0x0  }
0xa8: {  	s5 =	sshll.u32 s28, $0x1;
	[dreg:$0x2] =	wrdreg s3  }
0xa9: {  	[dreg:$0x3] =	wrdreg s5  }
0xaa: {  	[dreg:$0x4] =	wrdreg $0xC0  }
0xab: {  	_ =	task [dreg:s7], $0x5FFFF  }
0xac: {  	[dreg:$0x1] =	wrdreg $0xFFFFFFFF  }
0xad: {  	[dreg:$0x0] =	wrdreg $0x60  }
0xae: {  	[dreg:$0x2] =	wrdreg s24  }
0xaf: {  	[dreg:$0x3] =	wrdreg s2  }
0xb0: {  	[dreg:$0x4] =	wrdreg $0x105400  }
0xb1: {  	[dreg:$0x5] =	wrdreg $0x1A5400  }
0xb2: {  	[dreg:$0x6] =	wrdreg $0x9  }
0xb3: {  	_ =	task.clear_ibuf [dreg:s7], $0x7FFFF;
	_ =	strace $0x90000046  }
0xb4: {  	s29 =	simm.s32 $0x9;
	_ =	strace $0x80000048  }
0xb5: {  	_ =	swait.ge [sflag:s29], $0x1  }
0xb6: {  	[sflag:s29] =	ssyncadd.s32 $0xFFFFFFFF  }
0xb7: {  	_ =	strace $0x90000048  }
0xb8: {  	_ =	sfence  }
0xb9: {  	s30 =	sld [smem:$0x0];
	_ =	sdelay $0x2  }
0xba: {  	s31 =	sshll.u32 s1, $0xD;
	s1 =	sshrl.u32 s1, $0x2  }
0xbb: {  	s3 =	sand.u32 $0x4000, s31;
	s1 =	sadd.s32 s1, s30  }
0xbc: {  	s0 =	sor.u32 s3, s0;
	s1 =	sshll.u32 s1, $0x11  }
0xbd: {  	s0 =	sor.u32 s1, s0  }
0xbe: {  	s0 =	sadd.s32 $0x8F2B, s0  }
0xbf: {  	[sflag:s0] =	ssyncadd.remote.s32 $0x1  }
0xc0: {  	_ =	sfence.sel $0xFFFF  }
0xc1: {  	[dreg:$0x0] =	wrdreg $0xFFFFFFFF;
	(pc) =	sbr.abs _section_cstart, $3  }
0xc2: {  	[dreg:$0x1] =	wrdreg $0xFFFFFFFF  }
0xc3: {  	_ =	task.clear_ibuf [dreg:s7], $0x2FFFF;
	_ =	strace $0x9FFFFFFF  }
0xc4: {  	(tm) =	ssettm $0x7FFFFFFF  }
0xc5: {  	_ =	shalt  }
tec
execute0_lowered:
.L_overlay_start_1:
0x0: {  	(tag) =	ssettag $0x1  }
0x1: {  	s0 =	rddreg [dreg:$0x0]  }
0x2: {  	s3 =	rddreg [dreg:$0x2]  }
0x3: {  	s4 =	rddreg [dreg:$0x3];
	s1 =	srdreg.scid  }
0x4: {  	s10 =	stileid.u32;
	s5 =	simm.s32 $0x0;
	s29 =	simm.s32 $0xD840  }
0x5: {  	s31 =	simm.s32 $0xEC40;
	s28 =	simm.s32 $0x4;
	s2 =	smul.u32 $0x9C4, s10  }
0x6: {  	s30 =	simm.s32 $0x9;
	s1 =	sand.u32 $0x1, s1;
	s7 =	smul.u32 $0x14000, s10  }
0x7: {  	[smem:$0x7FF] =	sst s5;
	s8 =	sadd.s32 $0x48C00, s0;
	s9 =	smul.u32 $0x28000, s10  }
0x8: {  	s14 =	sadd.s32 $0x4A000, s0;
	s18 =	smul.u32 $0xA000, s10;
	s26 =	sshll.u32 s10, $0x6  }
0x9: {  	s13 =	smul.u32 $0x140000, s1;
	_ =	strace $0x80000047;
	[dreg:$0x5] =	wrdreg s8  }
0xa: {  	s6 =	sshll.u32 s1, $0x3;
	[dreg:$0x6] =	wrdreg s14;
	s15 =	ssub.s32 $0x2, s1  }
0xb: {  	s14 =	sor.u32 $0x1C10, s26;
	s26 =	simm.s32 $0xC440;
	s8 =	simm.s32 $0x0  }
0xc: {  	s6 =	sadd.s32 s6, s0;
	s2 =	sadd.s32 s2, s0;
	s16 =	sshrl.u32 s15, $0x1  }
0xd: {  	s20 =	sshrl.u32 s9, $0x2;
	s9 =	smul.u32 $0x7D, s1;
	s23 =	sshrl.u32 s18, $0x2  }
0xe: {  	s1 =	simm.s32 $0x2;
	[dreg:$0xc] =	wrdreg s14;
	s5 =	sadd.s32 s7, s13  }
0xf: {  	s17 =	ssub.s32 s15, s16;
	s19 =	sadd.s32 $0x16E00, s2;
	s21 =	sadd.s32 $0x3200, s2  }
0x10: {  	s22 =	sadd.s32 s20, s3;
	s2 =	sadd.s32 s23, s4;
	s12 =	sadd.s32 $0x20C00, s6  }
0x11: {  	s16 =	simm.s32 $0x10;
	s23 =	simm.s32 $0x9C40;
	s6 =	simm.s32 $0x5  }
0x12: {  	s7 =	simm.s32 $0xA;
	s5 =	sshrl.u32 s5, $0x3;
	[dreg:$0x7] =	wrdreg s19  }
0x13: {  	[dreg:$0x8] =	wrdreg s21;
	s11 =	sadd.s32 $0x7D, s9;
	s25 =	smax.u32 s17, $0x1  }
0x14: {  	s15 =	sshrl.u32 s22, $0x3;
	s18 =	sshrl.u32 s2, $0x3;
	s22 =	simm.s32 $0x50  }
.Ltmp0:
0x15: {  	s2 =	simm.s32 $0x6;
	[dreg:$0xb] =	wrdreg s25;
	(pc) =	sbr.rel .LBB2_1-.Ltmp0, $4  }
0x16: {  	s17 =	simm.s32 $0x7;
	s0 =	sadd.s32 s5, s0;
	[dreg:$0xd] =	wrdreg s15  }
0x17: {  	s21 =	simm.s32 $0x3;
	[dreg:$0xe] =	wrdreg s18;
	s24 =	sadd.s32 $0x4A600, s0  }
0x18: {  	s25 =	simm.s32 $0x8;
	s0 =	sadd.s32 $0x9A600, s0;
	[dreg:$0x9] =	wrdreg s24  }
0x19: {  	[dreg:$0xa] =	wrdreg s0;
	s24 =	simm.s32 $0xB040;
	s0 =	simm.s32 $0x1  }
.LBB2_4:
0x1a: {  	[bflag:$0x0] =	sbarrier.arrive $0xFFFF  }
0x1b: {  	s5 =	rddreg [dreg:$0x9]  }
0x1c: {  	s14 =	rddreg [dreg:$0xc]  }
0x1d: {  	s15 =	rddreg [dreg:$0xd]  }
0x1e: {  	[hbm:s5@s16], [sflag:s14] =	dma.strided [spmem:s15@s25], $0x1400, s0, $0x8   }
0x1f: {  	_ =	swait.ge [sflag:s16], $0x1400  }
0x20: {  	[sflag:s16] =	ssyncset.done $0x0;
	s19 =	rddreg [dreg:$0xa]  }
0x21: {  	s18 =	rddreg [dreg:$0xe];
	[sflag:s16] =	ssyncadd.s32 $0xFFFFEC00  }
0x22: {  	[hbm:s19@s16], [sflag:s14] =	dma.strided [spmem:s18@s1], $0x500, s0, $0x2   }
0x23: {  	_ =	swait.ge [sflag:s16], $0x500  }
0x24: {  	s8 =	sadd.s32 $0x1, s8;
	s20 =	rddreg [dreg:$0xb]  }
0x25: {  	p0 =	sne.s32 s8, s20  }
.Ltmp1:
0x26: {  	_ = 	snop;
	(pc) =	sbr.rel @!p0 .LBB2_5-.Ltmp1, $3  }
0x27: {  	_ =	sdelay $0x1  }
0x28: {  	[sflag:s16] =	ssyncset.done $0x0  }
0x29: {  	[sflag:s16] =	ssyncadd.s32 $0xFFFFFB00  }
.LBB2_1:
0x2a: {  	s10 =	simm.s32 $0x0;
	s5 =	rddreg [dreg:$0x7]  }
0x2b: {  	[tilespmem:s10], [sflag:$0x10] =	stream.linear.gather [hbm4b:s5+s10], $0x4E20, $0x38;
	[tilespmem:$0x1CD40] =	vst v63  }
0x2c: {  	_ =	swait.ge [sflag:s16], $0x4E20  }
0x2d: {  	[sflag:s16] =	ssyncset.done $0x0  }
0x2e: {  	s13 =	simm.s32 $0x4E20;
	s19 =	rddreg [dreg:$0x8];
	[sflag:s16] =	ssyncadd.s32 $0xFFFFB1E0  }
0x2f: {  	[tilespmem:s13], [sflag:$0x10] =	stream.linear.gather [hbm4b:s19+s10], $0x4E20, $0x38;
	[tilespmem:$0x1CD40] =	vst v63  }
0x30: {  	_ =	swait.ge [sflag:s16], $0x4E20  }
0x31: {  	[sflag:s16] =	ssyncset.done $0x0  }
0x32: {  	s20 =	rddreg [dreg:$0x5];
	[sflag:s16] =	ssyncadd.s32 $0xFFFFB1E0  }
0x33: {  	[spmem:s15], [sflag:s14] =	dma.local [hbm:s20], $0x1400  }
0x34: {  	_ =	swait.ge [sflag:s16], $0x1400  }
0x35: {  	[sflag:s16] =	ssyncset.done $0x0  }
0x36: {  	s13 =	rddreg [dreg:$0x6];
	[sflag:s16] =	ssyncadd.s32 $0xFFFFEC00  }
0x37: {  	[spmem:s18], [sflag:s14] =	dma.local [hbm:s13], $0x500  }
0x38: {  	_ =	swait.ge [sflag:s16], $0x500  }
0x39: {  	[sflag:s16] =	ssyncset.done $0x0  }
0x3a: {  	[sflag:s16] =	ssyncadd.s32 $0xFFFFFB00  }
0x3b: {  	s15 =	simm.s32 $0x10040;
	s14 =	rddreg [dreg:$0x1]  }
0x3c: {  	[tilespmem:s15], [sflag:$0x10] =	stream.linear.gather [hbm4b:s14+s10], $0x500, $0x38;
	[tilespmem:$0x1CD40] =	vst v63  }
0x3d: {  	_ =	swait.ge [sflag:s16], $0x500  }
0x3e: {  	[sflag:s16] =	ssyncset.done $0x0  }
0x3f: {  	[sflag:s16] =	ssyncadd.s32 $0xFFFFFB00  }
0x40: {  	[bflag:$0x0] =	sbarrier.arrive $0xFFFF  }
0x41: {  	[tilespmem:s23], [sflag:$0x1] =	stream.indirect.gather [hbm4b:s12+s22], $0x40, s10, s22, $0xb8;
	[tilespmem:$0x1CD40] =	vst v63  }
0x42: {  	_ = 	snop  }
0x43: {  	[tilespmem:s24], [sflag:$0x2] =	stream.indirect.gather [hbm4b:s12+s22], $0x40, s22, s22, $0xb8;
	[tilespmem:$0x1CD40] =	vst v63  }
0x44: {  	s18 =	simm.s32 $0xA0  }
0x45: {  	[tilespmem:s26], [sflag:$0x3] =	stream.indirect.gather [hbm4b:s12+s22], $0x40, s18, s22, $0xb8;
	[tilespmem:$0x1CD40] =	vst v63  }
0x46: {  	s19 =	simm.s32 $0xF0  }
0x47: {  	[tilespmem:s29], [sflag:$0x4] =	stream.indirect.gather [hbm4b:s12+s22], $0x40, s19, s22, $0xb8;
	[tilespmem:$0x1CD40] =	vst v63  }
0x48: {  	s20 =	simm.s32 $0x140;
	s13 =	simm.s32 $0x0;
	s10 =	simm.s32 $0x4  }
0x49: {  	[tilespmem:s31], [sflag:$0x5] =	stream.indirect.gather [hbm4b:s12+s22], $0x40, s20, s22, $0xb8;
	[tilespmem:$0x1CD40] =	vst v63  }
.LBB2_2:
0x4a: {  	_ =	swait.ge [sflag:s0], $0x1400;
	s5 =	sadd.s32 $0xFFFFFFFC, s10  }
0x4b: {  	s14 =	sshra.s32 s13, $0x2;
	[sflag:s0] =	ssyncset.done $0x0;
	p0 =	slt.u32 s5, s9  }
0x4c: {  	s15 =	sadd.s32 $0x4E20, s14;
	[sflag:s0] =	ssyncadd.s32 $0xFFFFEC00;
	p1 =	sge.u32 @!p0 s5, s11  }
0x4d: {  	[spmem:s3] =	stream.indirect.scatter.add.f32 [tilespmem:s23], [sflag:$0x6], $0x40, s15, s22, $0xb8;
	[tilespmem:$0x1CD40] =	vst v63  }
0x4e: {  	p0 =	por p1, p0  }
0x4f: {  	s5 =	simm.s32 @!p0 $0x50;
	s19 =	simm.s32 @!p0 $0x10040  }
0x50: {  	[spmem:s4] =	stream.indirect.scatter.add.f32 @!p0 [tilespmem:s19], [sflag:$0xB], $0x10, s15, s5, $0xb8;
	[tilespmem:$0x1CD40] =	vst v63  }
0x51: {  	s5 =	simm.s32 @!p0 $0xB  }
0x52: {  	_ =	swait.ge @!p0 [sflag:s5], $0x500  }
0x53: {  	[sflag:s5] =	ssyncset.done @!p0 $0x0  }
0x54: {  	[sflag:s5] =	ssyncadd.s32 @!p0 $0xFFFFFB00  }
0x55: {  	p0 =	seq.s32 s13, $0x13240;
	_ =	swait.ge [sflag:s2], $0x1400  }
0x56: {  	s15 =	sshra.s32 @!p0 s13, $0x2;
	s5 =	simm.s32 @!p0 $0x50;
	[sflag:s2] =	ssyncset.done $0x0  }
0x57: {  	s20 =	simm.s32 @!p0 $0x9C40;
	s19 =	sadd.s32 @!p0 $0x190, s15;
	[sflag:s2] =	ssyncadd.s32 $0xFFFFEC00  }
0x58: {  	[tilespmem:s20], [sflag:$0x1] =	stream.indirect.gather @!p0 [hbm4b:s12+s5], $0x40, s19, s5, $0xb8;
	[tilespmem:$0x1CD40] =	vst v63  }
0x59: {  	s19 =	sadd.s32 $0xFFFFFFFD, s10  }
0x5a: {  	_ =	swait.ge [sflag:s1], $0x1400;
	p1 =	slt.u32 s19, s9  }
0x5b: {  	[sflag:s1] =	ssyncset.done $0x0;
	p2 =	sge.u32 @!p1 s19, s11  }
0x5c: {  	s20 =	sadd.s32 $0x4E70, s14;
	[sflag:s1] =	ssyncadd.s32 $0xFFFFEC00;
	p1 =	por p2, p1  }
0x5d: {  	[spmem:s3] =	stream.indirect.scatter.add.f32 [tilespmem:s24], [sflag:$0x7], $0x40, s20, s22, $0xb8;
	[tilespmem:$0x1CD40] =	vst v63  }
0x5e: {  	s19 =	simm.s32 @!p1 $0x50;
	s18 =	simm.s32 @!p1 $0x10040  }
0x5f: {  	[spmem:s4] =	stream.indirect.scatter.add.f32 @!p1 [tilespmem:s18], [sflag:$0xC], $0x10, s20, s19, $0xb8;
	[tilespmem:$0x1CD40] =	vst v63  }
0x60: {  	s18 =	simm.s32 @!p1 $0xC  }
0x61: {  	_ =	swait.ge @!p1 [sflag:s18], $0x500  }
0x62: {  	[sflag:s18] =	ssyncset.done @!p1 $0x0  }
0x63: {  	[sflag:s18] =	ssyncadd.s32 @!p1 $0xFFFFFB00  }
0x64: {  	_ =	swait.ge [sflag:s17], $0x1400  }
0x65: {  	[sflag:s17] =	ssyncset.done $0x0  }
0x66: {  	s19 =	simm.s32 @!p0 $0xB040;
	s18 =	sadd.s32 @!p0 $0x1E0, s15;
	[sflag:s17] =	ssyncadd.s32 $0xFFFFEC00  }
0x67: {  	[tilespmem:s19], [sflag:$0x2] =	stream.indirect.gather @!p0 [hbm4b:s12+s5], $0x40, s18, s5, $0xb8;
	[tilespmem:$0x1CD40] =	vst v63  }
0x68: {  	s18 =	sadd.s32 $0xFFFFFFFE, s10  }
0x69: {  	_ =	swait.ge [sflag:s21], $0x1400;
	p1 =	slt.u32 s18, s9  }
0x6a: {  	[sflag:s21] =	ssyncset.done $0x0;
	p2 =	sge.u32 @!p1 s18, s11  }
0x6b: {  	s19 =	sadd.s32 $0x4EC0, s14;
	[sflag:s21] =	ssyncadd.s32 $0xFFFFEC00;
	p1 =	por p2, p1  }
0x6c: {  	[spmem:s3] =	stream.indirect.scatter.add.f32 [tilespmem:s26], [sflag:$0x8], $0x40, s19, s22, $0xb8;
	[tilespmem:$0x1CD40] =	vst v63  }
0x6d: {  	s18 =	simm.s32 @!p1 $0x50;
	s20 =	simm.s32 @!p1 $0x10040  }
0x6e: {  	[spmem:s4] =	stream.indirect.scatter.add.f32 @!p1 [tilespmem:s20], [sflag:$0xD], $0x10, s19, s18, $0xb8;
	[tilespmem:$0x1CD40] =	vst v63  }
0x6f: {  	s18 =	simm.s32 @!p1 $0xD  }
0x70: {  	_ =	swait.ge @!p1 [sflag:s18], $0x500  }
0x71: {  	[sflag:s18] =	ssyncset.done @!p1 $0x0  }
0x72: {  	[sflag:s18] =	ssyncadd.s32 @!p1 $0xFFFFFB00  }
0x73: {  	_ =	swait.ge [sflag:s25], $0x1400  }
0x74: {  	[sflag:s25] =	ssyncset.done $0x0  }
0x75: {  	s19 =	simm.s32 @!p0 $0xC440;
	s18 =	sadd.s32 @!p0 $0x230, s15;
	[sflag:s25] =	ssyncadd.s32 $0xFFFFEC00  }
0x76: {  	[tilespmem:s19], [sflag:$0x3] =	stream.indirect.gather @!p0 [hbm4b:s12+s5], $0x40, s18, s5, $0xb8;
	[tilespmem:$0x1CD40] =	vst v63  }
0x77: {  	s18 =	sadd.s32 $0xFFFFFFFF, s10  }
0x78: {  	_ =	swait.ge [sflag:s28], $0x1400;
	p1 =	slt.u32 s18, s9  }
0x79: {  	[sflag:s28] =	ssyncset.done $0x0;
	p2 =	sge.u32 @!p1 s18, s11  }
0x7a: {  	s19 =	sadd.s32 $0x4F10, s14;
	[sflag:s28] =	ssyncadd.s32 $0xFFFFEC00;
	p1 =	por p2, p1  }
0x7b: {  	[spmem:s3] =	stream.indirect.scatter.add.f32 [tilespmem:s29], [sflag:$0x9], $0x40, s19, s22, $0xb8;
	[tilespmem:$0x1CD40] =	vst v63  }
0x7c: {  	s18 =	simm.s32 @!p1 $0x50;
	s20 =	simm.s32 @!p1 $0x10040  }
0x7d: {  	[spmem:s4] =	stream.indirect.scatter.add.f32 @!p1 [tilespmem:s20], [sflag:$0xE], $0x10, s19, s18, $0xb8;
	[tilespmem:$0x1CD40] =	vst v63  }
0x7e: {  	s18 =	simm.s32 @!p1 $0xE  }
0x7f: {  	_ =	swait.ge @!p1 [sflag:s18], $0x500  }
0x80: {  	[sflag:s18] =	ssyncset.done @!p1 $0x0  }
0x81: {  	[sflag:s18] =	ssyncadd.s32 @!p1 $0xFFFFFB00  }
0x82: {  	_ =	swait.ge [sflag:s30], $0x1400  }
0x83: {  	[sflag:s30] =	ssyncset.done $0x0  }
0x84: {  	s15 =	sadd.s32 @!p0 $0x280, s15;
	s18 =	simm.s32 @!p0 $0xD840;
	[sflag:s30] =	ssyncadd.s32 $0xFFFFEC00  }
0x85: {  	[tilespmem:s18], [sflag:$0x4] =	stream.indirect.gather @!p0 [hbm4b:s12+s5], $0x40, s15, s5, $0xb8;
	[tilespmem:$0x1CD40] =	vst v63  }
0x86: {  	p1 =	slt.u32 s10, s9;
	_ =	swait.ge [sflag:s6], $0x1400  }
0x87: {  	p2 =	sge.u32 @!p1 s10, s11;
	[sflag:s6] =	ssyncset.done $0x0  }
0x88: {  	p1 =	por p2, p1;
	s5 =	sadd.s32 $0x4F60, s14;
	[sflag:s6] =	ssyncadd.s32 $0xFFFFEC00  }
0x89: {  	[spmem:s3] =	stream.indirect.scatter.add.f32 [tilespmem:s31], [sflag:$0xA], $0x40, s5, s22, $0xb8;
	[tilespmem:$0x1CD40] =	vst v63  }
0x8a: {  	s15 =	simm.s32 @!p1 $0x50;
	s18 =	simm.s32 @!p1 $0x10040  }
0x8b: {  	[spmem:s4] =	stream.indirect.scatter.add.f32 @!p1 [tilespmem:s18], [sflag:$0xF], $0x10, s5, s15, $0xb8;
	[tilespmem:$0x1CD40] =	vst v63  }
0x8c: {  	s5 =	simm.s32 @!p1 $0xF  }
0x8d: {  	_ =	swait.ge @!p1 [sflag:s5], $0x500  }
.Ltmp2:
0x8e: {  	[sflag:s5] =	ssyncset.done @!p1 $0x0;
	(pc) =	sbr.rel @p0 .LBB2_4-.Ltmp2, $4  }
0x8f: {  	[sflag:s5] =	ssyncadd.s32 @!p1 $0xFFFFFB00  }
0x90: {  	_ =	swait.ge [sflag:s7], $0x1400  }
0x91: {  	[sflag:s7] =	ssyncset.done $0x0  }
0x92: {  	[sflag:s7] =	ssyncadd.s32 $0xFFFFEC00  }
.Ltmp3:
0x93: {  	(pc) =	sbr.rel .LBB2_2-.Ltmp3, $3  }
0x94: {  	_ =	sdelay $0x1  }
0x95: {  	s5 =	sadd.s32 $0x2D0, s14;
	s13 =	sadd.s32 $0x640, s13;
	s10 =	sadd.s32 $0x5, s10  }
0x96: {  	[tilespmem:s31], [sflag:$0x5] =	stream.indirect.gather [hbm4b:s12+s22], $0x40, s5, s22, $0xb8;
	[tilespmem:$0x1CD40] =	vst v63  }
.LBB2_5:
0x97: {  	_ =	sfence.sel $0x180000  }
0x98: {  	[bflag:$0x0] =	sbarrier.arrive $0xFFFF  }
0x99: {  	_ =	strace $0x90000047  }
0x9a: {  	s0 =	stileid.u32;
	[bflag:$0x2] =	sbarrier.arrive $0xFFFF  }
0x9b: {  	p0 =	sne.s32 s0, $0x0;
	s0 =	rddreg [dreg:$0x4]  }
0x9c: {  	s0 =	sadd.s32 @!p0 $0x100000, s0  }
0x9d: {  	[sflag:s0] =	ssyncadd.tile.s32 @!p0 $0x1;
	_ =	shalt  }
.Lfunc_end2:
_tile_overlayer_lowered:
.L_overlay_start_2:
0x9e: {  	(tag) =	ssettag $0x2  }
0x9f: {  	s0 =	rddreg [dreg:$0x0];
	s2 =	stileid.u32  }
0xa0: {  	s1 =	rddreg [dreg:$0x1];
	p0 =	sne.s32 s2, $0x0  }
0xa1: {  	s3 =	rddreg [dreg:$0x2];
	[bflag:$0x3] =	sbarrier.arrive $0xFFFF;
	s2 =	simm.s32 @!p0 $0x1C10  }
0xa2: {  	[timem:s3], [sflag:s2] =	dma.local @!p0 [hbm:s0], s1  }
0xa3: {  	s0 =	simm.s32 @!p0 $0x10  }
0xa4: {  	_ =	swait.ge @!p0 [sflag:s0], s1  }
0xa5: {  	s1 =	ssub.s32 @!p0 $0x0, s1;
	[sflag:s0] =	ssyncset.done @!p0 $0x0  }
0xa6: {  	[sflag:s0] =	ssyncadd.s32 @!p0 s1  }
0xa7: {  	[bflag:$0x3] =	sbarrier.arrive $0xFFFF  }
0xa8: {  	_ =	shalt  }

</sc_bundles>
